<compile_context>
chip_gen: v7x
topology: tpu7x:2x2x1
jax: 0.10.2.dev20260603
libtpu: 0.0.44.dev20260713+nightly
codegen_flags: <defaults>
</compile_context>

<pallas_src>
import jax
import jax.numpy as jnp
from jax import lax
from jax.experimental import pallas as pl
from jax.experimental.pallas import tpu as pltpu
from jax.experimental.pallas import tpu_sc as plsc

N = 10000
E = 320000
F_IN = 128
HID = 16
HEADS = 8

NC = 2
NS = 16
NW = NC * NS
EPW = E // NW
CH1 = 40
NCH1 = EPW // CH1
CH2 = 80
NCH2 = EPW // CH2
NPAD = 10240
RPT = NPAD // NS

ACC1_W = 136
ACC2_W = 32

def _mesh():
  return plsc.VectorSubcoreMesh(core_axis_name="c", subcore_axis_name="s",
                                num_cores=NC, num_subcores=NS)



def _tc1_body(x_ref, w1_ref, p_ref, as_ref, ad_ref, hb_ref, es_ref, ed_ref):
  h = jnp.dot(x_ref[...], w1_ref[...], preferred_element_type=jnp.float32,
                precision=lax.Precision.HIGHEST)
  hp = jnp.dot(h, p_ref[...], preferred_element_type=jnp.float32)
  hb_ref[...] = hp.astype(jnp.bfloat16)
  es_ref[...] = jnp.dot(h, as_ref[...], preferred_element_type=jnp.float32,
                precision=lax.Precision.HIGHEST)
  ed_ref[...] = jnp.dot(h, ad_ref[...], preferred_element_type=jnp.float32,
                precision=lax.Precision.HIGHEST)


def _tc2_body(pp_ref, r_ref, b1_ref, w2_ref, a2s_ref, a2d_ref,
              hs2_ref, ed2_ref):
  p = pp_ref[0] + pp_ref[1]
  den8 = p[:, 0:8]
  numer = p[:, 8:136]
  denrep = jnp.dot(den8, r_ref[...], preferred_element_type=jnp.float32,
                precision=lax.Precision.HIGHEST)
  out1 = jnp.where(denrep > 0, numer / jnp.maximum(denrep, 1e-30), 0.0)
  out1 = out1 + b1_ref[...]
  act = jnp.where(out1 > 0, out1, jnp.exp(out1) - 1.0)
  h2 = jnp.dot(act, w2_ref[...], preferred_element_type=jnp.float32,
                precision=lax.Precision.HIGHEST)
  es2 = jnp.dot(h2, a2s_ref[...], preferred_element_type=jnp.float32,
                precision=lax.Precision.HIGHEST)
  hs2_ref[...] = jnp.concatenate([h2, es2], axis=1)
  ed2_ref[...] = jnp.dot(h2, a2d_ref[...], preferred_element_type=jnp.float32,
                precision=lax.Precision.HIGHEST)


def _tc3_body(pp_ref, b2_ref, wl_ref, bl_ref, out_ref):
  p = pp_ref[0] + pp_ref[1]
  den = p[:, 16:32]
  out2 = jnp.where(den > 0, p[:, 0:16] / jnp.maximum(den, 1e-30), 0.0)
  out2 = out2 + b2_ref[...]
  act = jnp.where(out2 > 0, out2, jnp.exp(out2) - 1.0)
  out_ref[...] = jnp.dot(act, wl_ref[...],
                         preferred_element_type=jnp.float32,
                precision=lax.Precision.HIGHEST) + bl_ref[...]


_BR = 2000
_GRID = N // _BR


def _rowspec(w):
  return pl.BlockSpec((_BR, w), lambda i: (i, 0))


def _fullspec(shape):
  nd = len(shape)
  return pl.BlockSpec(shape, lambda i: (0,) * nd)



def _make_sc_body(ch, nchunk, acc_w, sides, edge_fn, unroll):
  nt = len(sides)
  zoffs = list(range(0, acc_w - 15, 16))
  if zoffs[-1] != acc_w - 16:
    zoffs.append(acc_w - 16)

  def body(*args):
    t_hbm = args[0:nt]
    src_hbm, dst_hbm, out_hbm = args[nt:nt + 3]
    scratch = args[nt + 3:]
    src_all, dst_all = scratch[0], scratch[1]
    set0 = scratch[2:2 + nt + 1]
    set1 = scratch[2 + nt + 1:2 + 2 * (nt + 1)]
    msg, acc = scratch[-2], scratch[-1]

    s = lax.axis_index("s")
    c = lax.axis_index("c")
    gwid = s * NC + c

    pltpu.sync_copy(src_hbm.at[gwid], src_all)
    pltpu.sync_copy(dst_hbm.at[gwid], dst_all)

    def zrow(r, carry):
      for off in zoffs:
        msg[r, pl.ds(off, 16)] = jnp.zeros((16,), jnp.float32)
      return carry
    lax.fori_loop(0, ch, zrow, 0)
    for j in range(RPT // ch):
      pltpu.sync_copy(msg, acc.at[pl.ds(s * RPT + j * ch, ch)])
    plsc.subcore_barrier()

    def copies(k, bufset):
      idx = {"s": src_all, "d": dst_all}
      return [(t_hbm[t].at[idx[sides[t]].at[k]], bufset[t]) for t in range(nt)]

    def issue(k, bufset):
      gs = bufset[nt]
      for src_ref, dst_ref in copies(k, bufset):
        pltpu.async_copy(src_ref, dst_ref, gs)

    def work(k, bufset):
      gs = bufset[nt]
      for src_ref, dst_ref in copies(k, bufset):
        pltpu.make_async_copy(src_ref, dst_ref, gs).wait()

      @plsc.parallel_loop(0, ch, unroll=unroll)
      def _edge_loop(e):
        edge_fn(e, bufset, msg)

      pltpu.sync_copy(msg, acc.at[dst_all.at[k]], add=True)

    issue(0, set0)

    def pair(j, carry):
      issue(2 * j + 1, set1)
      work(2 * j, set0)
      issue(2 * j + 2, set0)
      work(2 * j + 1, set1)
      return carry
    lax.fori_loop(0, (nchunk - 1) // 2, pair, 0)
    if nchunk % 2:
      work(nchunk - 1, set0)
    else:
      issue(nchunk - 1, set1)
      work(nchunk - 2, set0)
      work(nchunk - 1, set1)

    plsc.subcore_barrier()
    pltpu.sync_copy(acc.at[pl.ds(s * RPT, RPT)],
                    out_hbm.at[c, pl.ds(s * RPT, RPT)])

  return body


def _edge1(e, bufset, mg):
  er, dr, hr = bufset[0], bufset[1], bufset[2]
  sv = er[e, :] + dr[e, :]
  ev = jnp.where(sv >= 0, sv, 0.2 * sv)
  exv = jnp.exp(ev)
  mg[e, pl.ds(0, 16)] = exv
  for g in range(HEADS // 2):
    w = hr[e, pl.ds(g * 32, 32)]
    ha, hb = plsc.unpack(w, format=plsc.PackFormat.INTERLEAVED)
    ba = jnp.full((16,), 2 * g, jnp.int32)
    bb = jnp.full((16,), 2 * g + 1, jnp.int32)
    exa = exv.at[ba].get(mode="promise_in_bounds")
    exb = exv.at[bb].get(mode="promise_in_bounds")
    mg[e, pl.ds(8 + (2 * g) * HID, 16)] = ha * exa
    mg[e, pl.ds(8 + (2 * g + 1) * HID, 16)] = hb * exb


def _edge2(e, bufset, mg):
  hs, dr = bufset[0], bufset[1]
  sv = hs[e, pl.ds(16, 16)] + dr[e, :]
  ev = jnp.where(sv >= 0, sv, 0.2 * sv)
  exv = jnp.exp(ev)
  mg[e, pl.ds(0, 16)] = exv * hs[e, pl.ds(0, 16)]
  mg[e, pl.ds(16, 16)] = exv


_sc1_body = _make_sc_body(CH1, NCH1, ACC1_W, "sds", _edge1, 4)
_sc2_body = _make_sc_body(CH2, NCH2, ACC2_W, "sd", _edge2, 8)


def _sc_scratch(ch, nchunk, acc_w, table_shapes):
  buf = [pltpu.VMEM((ch, w), dt) for w, dt in table_shapes]
  buf.append(pltpu.SemaphoreType.DMA)
  return [
      pltpu.VMEM((nchunk, ch), jnp.int32),
      pltpu.VMEM((nchunk, ch), jnp.int32),
  ] + buf + buf + [
      pltpu.VMEM((ch, acc_w), jnp.float32),
      pltpu.VMEM_SHARED((NPAD, acc_w), jnp.float32),
  ]



@jax.jit
def kernel(x, edge_index, W1, a_s1, a_d1, b1, W2, a_s2, a_d2, b2, Wl, bl):
  src32 = edge_index[0].astype(jnp.int32)
  dst32 = edge_index[1].astype(jnp.int32)
  src1 = src32.reshape(NW, NCH1, CH1)
  dst1 = dst32.reshape(NW, NCH1, CH1)
  src2 = src32.reshape(NW, NCH2, CH2)
  dst2 = dst32.reshape(NW, NCH2, CH2)

  f32 = jnp.float32
  karr = jnp.arange(F_IN, dtype=jnp.int32)
  head_of = karr // HID
  chan_of = karr % HID
  onehot = (head_of[:, None] == jnp.arange(HEADS)[None, :]).astype(f32)
  As8 = onehot * a_s1.reshape(F_IN)[:, None]
  Ad8 = onehot * a_d1.reshape(F_IN)[:, None]
  zpad = jnp.zeros((F_IN, 8), f32)
  As16 = jnp.concatenate([As8, zpad], axis=1)
  Ad16 = jnp.concatenate([Ad8, zpad], axis=1)
  pos = (head_of // 2) * 32 + 2 * chan_of + (head_of % 2)
  P = (pos[:, None] == karr[None, :]).astype(f32)
  R = jnp.repeat(jnp.eye(HEADS, dtype=f32), HID, axis=1)
  A2s = jnp.tile(a_s2.reshape(HID, 1), (1, 16))
  A2d = jnp.tile(a_d2.reshape(HID, 1), (1, 16))

  hb_t, es_t, ed_t = pl.pallas_call(
      _tc1_body,
      grid=(_GRID,),
      in_specs=[_rowspec(F_IN), _fullspec((F_IN, F_IN)),
                _fullspec((F_IN, F_IN)),
                _fullspec((F_IN, 16)), _fullspec((F_IN, 16))],
      out_specs=[_rowspec(F_IN), _rowspec(16), _rowspec(16)],
      out_shape=[jax.ShapeDtypeStruct((N, F_IN), jnp.bfloat16),
                 jax.ShapeDtypeStruct((N, 16), f32),
                 jax.ShapeDtypeStruct((N, 16), f32)],
  )(x, W1, P, As16, Ad16)

  sc1 = pl.kernel(
      _sc1_body,
      out_type=jax.ShapeDtypeStruct((NC, NPAD, ACC1_W), f32),
      mesh=_mesh(),
      scratch_types=_sc_scratch(
          CH1, NCH1, ACC1_W,
          [(16, f32), (16, f32), (F_IN, jnp.bfloat16)]),
      compiler_params=pltpu.CompilerParams(use_tc_tiling_on_sc=False, needs_layout_passes=False),
  )
  acc1 = sc1(es_t, ed_t, hb_t, src1, dst1)

  hs2_t, ed2_t = pl.pallas_call(
      _tc2_body,
      grid=(_GRID,),
      in_specs=[pl.BlockSpec((2, _BR, ACC1_W), lambda i: (0, i, 0)),
                _fullspec((HEADS, F_IN)), _fullspec((1, F_IN)),
                _fullspec((F_IN, HID)), _fullspec((HID, 16)),
                _fullspec((HID, 16))],
      out_specs=[_rowspec(32), _rowspec(16)],
      out_shape=[jax.ShapeDtypeStruct((N, 32), f32),
                 jax.ShapeDtypeStruct((N, 16), f32)],
  )(acc1, R, b1.reshape(1, F_IN), W2, A2s, A2d)

  sc2 = pl.kernel(
      _sc2_body,
      out_type=jax.ShapeDtypeStruct((NC, NPAD, ACC2_W), f32),
      mesh=_mesh(),
      scratch_types=_sc_scratch(CH2, NCH2, ACC2_W, [(32, f32), (16, f32)]),
      compiler_params=pltpu.CompilerParams(use_tc_tiling_on_sc=False, needs_layout_passes=False),
  )
  acc2 = sc2(hs2_t, ed2_t, src2, dst2)

  out = pl.pallas_call(
      _tc3_body,
      grid=(_GRID,),
      in_specs=[pl.BlockSpec((2, _BR, ACC2_W), lambda i: (0, i, 0)),
                _fullspec((1, HID)),
                _fullspec((HID, 8)), _fullspec((1, 8))],
      out_specs=_rowspec(8),
      out_shape=jax.ShapeDtypeStruct((N, 8), f32),
  )(acc2, b2.reshape(1, HID), Wl, bl.reshape(1, 8))
  return out

# --- scband reference (transcript-rebuilt; emitter-appended) ---
"""Pipeline reference for scband-gat-558345748542 (READ-ONLY COPY).

The authoritative reference and input builder live on the scoring server;
editing this copy changes nothing except your own understanding.
"""

import jax, jax.numpy as jnp
import numpy as np

N = 10000
E = 320000
F_IN = 128
HID = 16
HEADS = 8
NUM_CLASSES = 8


def setup_inputs(seed: int = 0) -> dict:
    key = jax.random.key(seed)
    ks = jax.random.split(key, 16)
    x = jax.random.normal(ks[0], (N, F_IN), dtype=jnp.float32)
    edge_index = jax.random.randint(ks[1], (2, E), 0, N, dtype=jnp.int64)
    # conv1: in=128 -> heads=8, out=16 (concat -> 128)
    W1 = jax.random.normal(ks[2], (F_IN, HEADS * HID), dtype=jnp.float32) * (1.0 / np.sqrt(F_IN))
    a_s1 = jax.random.normal(ks[3], (HEADS, HID), dtype=jnp.float32) * 0.1
    a_d1 = jax.random.normal(ks[4], (HEADS, HID), dtype=jnp.float32) * 0.1
    b1 = jnp.zeros((HEADS * HID,), dtype=jnp.float32)
    # conv2: in=128 -> heads=1, out=16
    W2 = jax.random.normal(ks[5], (HEADS * HID, HID), dtype=jnp.float32) * (1.0 / np.sqrt(HEADS * HID))
    a_s2 = jax.random.normal(ks[6], (1, HID), dtype=jnp.float32) * 0.1
    a_d2 = jax.random.normal(ks[7], (1, HID), dtype=jnp.float32) * 0.1
    b2 = jnp.zeros((HID,), dtype=jnp.float32)
    # final linear: 16 -> 8
    Wl = jax.random.normal(ks[8], (HID, NUM_CLASSES), dtype=jnp.float32) * (1.0 / np.sqrt(HID))
    bl = jnp.zeros((NUM_CLASSES,), dtype=jnp.float32)
    return {"x": x, "edge_index": edge_index, "W1": W1, "a_s1": a_s1, "a_d1": a_d1, "b1": b1,
            "W2": W2, "a_s2": a_s2, "a_d2": a_d2, "b2": b2, "Wl": Wl, "bl": bl}


def gat_layer(x, src, dst, W, a_s, a_d, b, heads, out_ch):
    n = x.shape[0]
    h = (x @ W).reshape(n, heads, out_ch)
    es = (h * a_s[None, :, :]).sum(-1)  # [N, H]
    ed = (h * a_d[None, :, :]).sum(-1)  # [N, H]
    e = jax.nn.leaky_relu(es[src] + ed[dst], negative_slope=0.2)  # [E, H]
    m = jax.ops.segment_max(e, dst, num_segments=n)
    m = jnp.where(jnp.isfinite(m), m, 0.0)
    m = jax.lax.stop_gradient(m)
    ex = jnp.exp(e - m[dst])
    denom = jax.ops.segment_sum(ex, dst, num_segments=n)
    alpha = ex / (denom[dst] + 1e-16)  # [E, H]
    out = jax.ops.segment_sum(alpha[:, :, None] * h[src], dst, num_segments=n)  # [N, H, C]
    return out.reshape(n, heads * out_ch) + b[None, :]


def reference(x, edge_index, W1, a_s1, a_d1, b1, W2, a_s2, a_d2, b2, Wl, bl):
    src = edge_index[0]
    dst = edge_index[1]
    h = gat_layer(x, src, dst, W1, a_s1, a_d1, b1, HEADS, HID)
    h = jax.nn.elu(h)
    # dropout p=0.1 is identity in eval mode
    h = gat_layer(h, src, dst, W2, a_s2, a_d2, b2, 1, HID)
    h = jax.nn.elu(h)
    return h @ Wl + bl[None, :]

if __name__ == "__main__":
    import jax
    _d = setup_inputs()
    print(jax.jit(kernel)(*tuple(_d.values())))

</pallas_src>

<mosaic_0001>
#map = affine_map<(d0, d1) -> (0, 0)>
#map1 = affine_map<(d0, d1) -> (0, 0, 0)>
module attributes {stable_mosaic.version = 14 : i64} {
  func.func @body(%arg0: i32, %arg1: i32, %arg2: memref<10000x32xf32, #tpu.memory_space<hbm>>, %arg3: memref<10000x16xf32, #tpu.memory_space<hbm>>, %arg4: memref<32x125x80xi32, #tpu.memory_space<hbm>>, %arg5: memref<32x125x80xi32, #tpu.memory_space<hbm>>, %arg6: memref<2x10240x32xf32, #tpu.memory_space<hbm>>, %arg7: memref<125x80xi32, #tpu.memory_space<vmem>>, %arg8: memref<125x80xi32, #tpu.memory_space<vmem>>, %arg9: memref<80x32xf32, #tpu.memory_space<vmem>>, %arg10: memref<80x16xf32, #tpu.memory_space<vmem>>, %arg11: memref<!tpu.dma_semaphore, #tpu.memory_space<semaphore_mem>>, %arg12: memref<80x32xf32, #tpu.memory_space<vmem>>, %arg13: memref<80x16xf32, #tpu.memory_space<vmem>>, %arg14: memref<!tpu.dma_semaphore, #tpu.memory_space<semaphore_mem>>, %arg15: memref<80x32xf32, #tpu.memory_space<vmem>>, %arg16: memref<10240x32xf32, #tpu.memory_space<vmem_shared>>) attributes {dimension_semantics = [#tpu.dimension_semantics<core_parallel>, #tpu.dimension_semantics<subcore_parallel>], iteration_bounds = array<i64: 2, 16>, scalar_prefetch = 0 : i64, scratch_operands = 10 : i64, tpu.core_type = #tpu.core_type<sc_vector_subcore>, window_params = [{transform_indices = #map}, {transform_indices = #map}, {transform_indices = #map1}, {transform_indices = #map1}, {transform_indices = #map1}]} {
    %mul3A = arith.constant 2 : i32
    %mul3A_0 = arith.muli %arg1, %mul3A : i32
    %add3A = arith.addi %mul3A_0, %arg0 : i32
    "tpu.region"() ({
      %run_scoped3A_77 = tpu.sem_alloc : memref<!tpu.dma_semaphore, #tpu.memory_space<semaphore_mem>>
      %dma_start3A_78 = arith.constant 0 : i32
      %dma_start3A_79 = arith.constant 0 : i32
      %dma_start3A_80 = tpu.memref_slice %arg4[%add3A, %dma_start3A_78, %dma_start3A_79] : memref<32x125x80xi32, #tpu.memory_space<hbm>> -> memref<1x125x80xi32, #tpu.memory_space<hbm>>
      %dma_start3A_81 = tpu.memref_squeeze %dma_start3A_80 : memref<1x125x80xi32, #tpu.memory_space<hbm>> -> memref<125x80xi32, #tpu.memory_space<hbm>>
      %dma_start3A_82 = arith.constant 0 : i32
      %dma_start3A_83 = arith.constant 0 : i32
      %dma_start3A_84 = tpu.memref_slice %arg4[%add3A, %dma_start3A_82, %dma_start3A_83] : memref<32x125x80xi32, #tpu.memory_space<hbm>> -> memref<1x125x80xi32, #tpu.memory_space<hbm>>
      %dma_start3A_85 = tpu.memref_squeeze %dma_start3A_84 : memref<1x125x80xi32, #tpu.memory_space<hbm>> -> memref<125x80xi32, #tpu.memory_space<hbm>>
      tpu.enqueue_dma source(%dma_start3A_85 : memref<125x80xi32, #tpu.memory_space<hbm>>) target(%arg7 : memref<125x80xi32, #tpu.memory_space<vmem>>) target_semaphore(%run_scoped3A_77 : memref<!tpu.dma_semaphore, #tpu.memory_space<semaphore_mem>>)
      %dma_wait3A_86 = arith.constant 0 : i32
      %dma_wait3A_87 = arith.constant 0 : i32
      %dma_wait3A_88 = tpu.memref_slice %arg4[%add3A, %dma_wait3A_86, %dma_wait3A_87] : memref<32x125x80xi32, #tpu.memory_space<hbm>> -> memref<1x125x80xi32, #tpu.memory_space<hbm>>
      %dma_wait3A_89 = tpu.memref_squeeze %dma_wait3A_88 : memref<1x125x80xi32, #tpu.memory_space<hbm>> -> memref<125x80xi32, #tpu.memory_space<hbm>>
      %dma_wait3A_90 = arith.constant 0 : i32
      %dma_wait3A_91 = arith.constant 0 : i32
      %dma_wait3A_92 = tpu.memref_slice %arg4[%add3A, %dma_wait3A_90, %dma_wait3A_91] : memref<32x125x80xi32, #tpu.memory_space<hbm>> -> memref<1x125x80xi32, #tpu.memory_space<hbm>>
      %dma_wait3A_93 = tpu.memref_squeeze %dma_wait3A_92 : memref<1x125x80xi32, #tpu.memory_space<hbm>> -> memref<125x80xi32, #tpu.memory_space<hbm>>
      tpu.wait_dma2 semaphore(%run_scoped3A_77 : memref<!tpu.dma_semaphore, #tpu.memory_space<semaphore_mem>>) src(%dma_wait3A_93 : memref<125x80xi32, #tpu.memory_space<hbm>>) dst(%arg7 : memref<125x80xi32, #tpu.memory_space<vmem>>)
      tpu.yield
    }) : () -> ()
    "tpu.region"() ({
      %run_scoped3A_77 = tpu.sem_alloc : memref<!tpu.dma_semaphore, #tpu.memory_space<semaphore_mem>>
      %dma_start3A_78 = arith.constant 0 : i32
      %dma_start3A_79 = arith.constant 0 : i32
      %dma_start3A_80 = tpu.memref_slice %arg5[%add3A, %dma_start3A_78, %dma_start3A_79] : memref<32x125x80xi32, #tpu.memory_space<hbm>> -> memref<1x125x80xi32, #tpu.memory_space<hbm>>
      %dma_start3A_81 = tpu.memref_squeeze %dma_start3A_80 : memref<1x125x80xi32, #tpu.memory_space<hbm>> -> memref<125x80xi32, #tpu.memory_space<hbm>>
      %dma_start3A_82 = arith.constant 0 : i32
      %dma_start3A_83 = arith.constant 0 : i32
      %dma_start3A_84 = tpu.memref_slice %arg5[%add3A, %dma_start3A_82, %dma_start3A_83] : memref<32x125x80xi32, #tpu.memory_space<hbm>> -> memref<1x125x80xi32, #tpu.memory_space<hbm>>
      %dma_start3A_85 = tpu.memref_squeeze %dma_start3A_84 : memref<1x125x80xi32, #tpu.memory_space<hbm>> -> memref<125x80xi32, #tpu.memory_space<hbm>>
      tpu.enqueue_dma source(%dma_start3A_85 : memref<125x80xi32, #tpu.memory_space<hbm>>) target(%arg8 : memref<125x80xi32, #tpu.memory_space<vmem>>) target_semaphore(%run_scoped3A_77 : memref<!tpu.dma_semaphore, #tpu.memory_space<semaphore_mem>>)
      %dma_wait3A_86 = arith.constant 0 : i32
      %dma_wait3A_87 = arith.constant 0 : i32
      %dma_wait3A_88 = tpu.memref_slice %arg5[%add3A, %dma_wait3A_86, %dma_wait3A_87] : memref<32x125x80xi32, #tpu.memory_space<hbm>> -> memref<1x125x80xi32, #tpu.memory_space<hbm>>
      %dma_wait3A_89 = tpu.memref_squeeze %dma_wait3A_88 : memref<1x125x80xi32, #tpu.memory_space<hbm>> -> memref<125x80xi32, #tpu.memory_space<hbm>>
      %dma_wait3A_90 = arith.constant 0 : i32
      %dma_wait3A_91 = arith.constant 0 : i32
      %dma_wait3A_92 = tpu.memref_slice %arg5[%add3A, %dma_wait3A_90, %dma_wait3A_91] : memref<32x125x80xi32, #tpu.memory_space<hbm>> -> memref<1x125x80xi32, #tpu.memory_space<hbm>>
      %dma_wait3A_93 = tpu.memref_squeeze %dma_wait3A_92 : memref<1x125x80xi32, #tpu.memory_space<hbm>> -> memref<125x80xi32, #tpu.memory_space<hbm>>
      tpu.wait_dma2 semaphore(%run_scoped3A_77 : memref<!tpu.dma_semaphore, #tpu.memory_space<semaphore_mem>>) src(%dma_wait3A_93 : memref<125x80xi32, #tpu.memory_space<hbm>>) dst(%arg8 : memref<125x80xi32, #tpu.memory_space<vmem>>)
      tpu.yield
    }) : () -> ()
    %scan3A = arith.constant 0 : i32
    %scan3A_1 = arith.constant 0 : i32
    %scan3A_2 = arith.constant 80 : i32
    %scan3A_3 = arith.addi %scan3A_1, %scan3A_2 : i32
    %scan3A_4 = arith.constant 1 : i32
    scf.for %scan3A_77 = %scan3A_1 to %scan3A_3 step %scan3A_4  : i32 {
      %broadcast_in_dim3A = arith.constant 0.000000e+00 : f32
      %broadcast_in_dim3A_78 = vector.broadcast %broadcast_in_dim3A : f32 to vector<16xf32>
      %swap3A = arith.index_cast %scan3A_77 : i32 to index
      %swap3A_79 = arith.constant 0 : index
      %swap3A_80 = tpu.vector_load %arg15[%swap3A, %swap3A_79] {strides = array<i32>} : memref<80x32xf32, #tpu.memory_space<vmem>>, vector<16xf32>,
      tpu.vector_store %arg15[%swap3A, %swap3A_79], %broadcast_in_dim3A_78 {strides = array<i32>} : memref<80x32xf32, #tpu.memory_space<vmem>>, vector<16xf32>,
      %broadcast_in_dim3A_81 = arith.constant 0.000000e+00 : f32
      %broadcast_in_dim3A_82 = vector.broadcast %broadcast_in_dim3A_81 : f32 to vector<16xf32>
      %swap3A_83 = arith.index_cast %scan3A_77 : i32 to index
      %swap3A_84 = arith.constant 16 : index
      %swap3A_85 = tpu.vector_load %arg15[%swap3A_83, %swap3A_84] {strides = array<i32>} : memref<80x32xf32, #tpu.memory_space<vmem>>, vector<16xf32>,
      tpu.vector_store %arg15[%swap3A_83, %swap3A_84], %broadcast_in_dim3A_82 {strides = array<i32>} : memref<80x32xf32, #tpu.memory_space<vmem>>, vector<16xf32>,
    }
    %scan3A_5 = arith.constant 80 : i32
    %mul3A_6 = arith.constant 640 : i32
    %mul3A_7 = arith.muli %arg1, %mul3A_6 : i32
    %add3A_8 = arith.constant 0 : i32
    %add3A_9 = arith.addi %mul3A_7, %add3A_8 : i32
    "tpu.region"() ({
      %run_scoped3A_77 = tpu.sem_alloc : memref<!tpu.dma_semaphore, #tpu.memory_space<semaphore_mem>>
      %dma_start3A_78 = arith.constant 0 : i32
      %dma_start3A_79 = tpu.memref_slice %arg16[%add3A_9, %dma_start3A_78] : memref<10240x32xf32, #tpu.memory_space<vmem_shared>> -> memref<80x32xf32, #tpu.memory_space<vmem_shared>>
      %dma_start3A_80 = arith.constant 0 : i32
      %dma_start3A_81 = tpu.memref_slice %arg16[%add3A_9, %dma_start3A_80] : memref<10240x32xf32, #tpu.memory_space<vmem_shared>> -> memref<80x32xf32, #tpu.memory_space<vmem_shared>>
      tpu.enqueue_dma source(%arg15 : memref<80x32xf32, #tpu.memory_space<vmem>>) target(%dma_start3A_81 : memref<80x32xf32, #tpu.memory_space<vmem_shared>>) target_semaphore(%run_scoped3A_77 : memref<!tpu.dma_semaphore, #tpu.memory_space<semaphore_mem>>)
      %dma_wait3A_82 = arith.constant 0 : i32
      %dma_wait3A_83 = tpu.memref_slice %arg16[%add3A_9, %dma_wait3A_82] : memref<10240x32xf32, #tpu.memory_space<vmem_shared>> -> memref<80x32xf32, #tpu.memory_space<vmem_shared>>
      %dma_wait3A_84 = arith.constant 0 : i32
      %dma_wait3A_85 = tpu.memref_slice %arg16[%add3A_9, %dma_wait3A_84] : memref<10240x32xf32, #tpu.memory_space<vmem_shared>> -> memref<80x32xf32, #tpu.memory_space<vmem_shared>>
      tpu.wait_dma2 semaphore(%run_scoped3A_77 : memref<!tpu.dma_semaphore, #tpu.memory_space<semaphore_mem>>) src(%arg15 : memref<80x32xf32, #tpu.memory_space<vmem>>) dst(%dma_wait3A_85 : memref<80x32xf32, #tpu.memory_space<vmem_shared>>)
      tpu.yield
    }) : () -> ()
    %mul3A_10 = arith.constant 640 : i32
    %mul3A_11 = arith.muli %arg1, %mul3A_10 : i32
    %add3A_12 = arith.constant 80 : i32
    %add3A_13 = arith.addi %mul3A_11, %add3A_12 : i32
    "tpu.region"() ({
      %run_scoped3A_77 = tpu.sem_alloc : memref<!tpu.dma_semaphore, #tpu.memory_space<semaphore_mem>>
      %dma_start3A_78 = arith.constant 0 : i32
      %dma_start3A_79 = tpu.memref_slice %arg16[%add3A_13, %dma_start3A_78] : memref<10240x32xf32, #tpu.memory_space<vmem_shared>> -> memref<80x32xf32, #tpu.memory_space<vmem_shared>>
      %dma_start3A_80 = arith.constant 0 : i32
      %dma_start3A_81 = tpu.memref_slice %arg16[%add3A_13, %dma_start3A_80] : memref<10240x32xf32, #tpu.memory_space<vmem_shared>> -> memref<80x32xf32, #tpu.memory_space<vmem_shared>>
      tpu.enqueue_dma source(%arg15 : memref<80x32xf32, #tpu.memory_space<vmem>>) target(%dma_start3A_81 : memref<80x32xf32, #tpu.memory_space<vmem_shared>>) target_semaphore(%run_scoped3A_77 : memref<!tpu.dma_semaphore, #tpu.memory_space<semaphore_mem>>)
      %dma_wait3A_82 = arith.constant 0 : i32
      %dma_wait3A_83 = tpu.memref_slice %arg16[%add3A_13, %dma_wait3A_82] : memref<10240x32xf32, #tpu.memory_space<vmem_shared>> -> memref<80x32xf32, #tpu.memory_space<vmem_shared>>
      %dma_wait3A_84 = arith.constant 0 : i32
      %dma_wait3A_85 = tpu.memref_slice %arg16[%add3A_13, %dma_wait3A_84] : memref<10240x32xf32, #tpu.memory_space<vmem_shared>> -> memref<80x32xf32, #tpu.memory_space<vmem_shared>>
      tpu.wait_dma2 semaphore(%run_scoped3A_77 : memref<!tpu.dma_semaphore, #tpu.memory_space<semaphore_mem>>) src(%arg15 : memref<80x32xf32, #tpu.memory_space<vmem>>) dst(%dma_wait3A_85 : memref<80x32xf32, #tpu.memory_space<vmem_shared>>)
      tpu.yield
    }) : () -> ()
    %mul3A_14 = arith.constant 640 : i32
    %mul3A_15 = arith.muli %arg1, %mul3A_14 : i32
    %add3A_16 = arith.constant 160 : i32
    %add3A_17 = arith.addi %mul3A_15, %add3A_16 : i32
    "tpu.region"() ({
      %run_scoped3A_77 = tpu.sem_alloc : memref<!tpu.dma_semaphore, #tpu.memory_space<semaphore_mem>>
      %dma_start3A_78 = arith.constant 0 : i32
      %dma_start3A_79 = tpu.memref_slice %arg16[%add3A_17, %dma_start3A_78] : memref<10240x32xf32, #tpu.memory_space<vmem_shared>> -> memref<80x32xf32, #tpu.memory_space<vmem_shared>>
      %dma_start3A_80 = arith.constant 0 : i32
      %dma_start3A_81 = tpu.memref_slice %arg16[%add3A_17, %dma_start3A_80] : memref<10240x32xf32, #tpu.memory_space<vmem_shared>> -> memref<80x32xf32, #tpu.memory_space<vmem_shared>>
      tpu.enqueue_dma source(%arg15 : memref<80x32xf32, #tpu.memory_space<vmem>>) target(%dma_start3A_81 : memref<80x32xf32, #tpu.memory_space<vmem_shared>>) target_semaphore(%run_scoped3A_77 : memref<!tpu.dma_semaphore, #tpu.memory_space<semaphore_mem>>)
      %dma_wait3A_82 = arith.constant 0 : i32
      %dma_wait3A_83 = tpu.memref_slice %arg16[%add3A_17, %dma_wait3A_82] : memref<10240x32xf32, #tpu.memory_space<vmem_shared>> -> memref<80x32xf32, #tpu.memory_space<vmem_shared>>
      %dma_wait3A_84 = arith.constant 0 : i32
      %dma_wait3A_85 = tpu.memref_slice %arg16[%add3A_17, %dma_wait3A_84] : memref<10240x32xf32, #tpu.memory_space<vmem_shared>> -> memref<80x32xf32, #tpu.memory_space<vmem_shared>>
      tpu.wait_dma2 semaphore(%run_scoped3A_77 : memref<!tpu.dma_semaphore, #tpu.memory_space<semaphore_mem>>) src(%arg15 : memref<80x32xf32, #tpu.memory_space<vmem>>) dst(%dma_wait3A_85 : memref<80x32xf32, #tpu.memory_space<vmem_shared>>)
      tpu.yield
    }) : () -> ()
    %mul3A_18 = arith.constant 640 : i32
    %mul3A_19 = arith.muli %arg1, %mul3A_18 : i32
    %add3A_20 = arith.constant 240 : i32
    %add3A_21 = arith.addi %mul3A_19, %add3A_20 : i32
    "tpu.region"() ({
      %run_scoped3A_77 = tpu.sem_alloc : memref<!tpu.dma_semaphore, #tpu.memory_space<semaphore_mem>>
      %dma_start3A_78 = arith.constant 0 : i32
      %dma_start3A_79 = tpu.memref_slice %arg16[%add3A_21, %dma_start3A_78] : memref<10240x32xf32, #tpu.memory_space<vmem_shared>> -> memref<80x32xf32, #tpu.memory_space<vmem_shared>>
      %dma_start3A_80 = arith.constant 0 : i32
      %dma_start3A_81 = tpu.memref_slice %arg16[%add3A_21, %dma_start3A_80] : memref<10240x32xf32, #tpu.memory_space<vmem_shared>> -> memref<80x32xf32, #tpu.memory_space<vmem_shared>>
      tpu.enqueue_dma source(%arg15 : memref<80x32xf32, #tpu.memory_space<vmem>>) target(%dma_start3A_81 : memref<80x32xf32, #tpu.memory_space<vmem_shared>>) target_semaphore(%run_scoped3A_77 : memref<!tpu.dma_semaphore, #tpu.memory_space<semaphore_mem>>)
      %dma_wait3A_82 = arith.constant 0 : i32
      %dma_wait3A_83 = tpu.memref_slice %arg16[%add3A_21, %dma_wait3A_82] : memref<10240x32xf32, #tpu.memory_space<vmem_shared>> -> memref<80x32xf32, #tpu.memory_space<vmem_shared>>
      %dma_wait3A_84 = arith.constant 0 : i32
      %dma_wait3A_85 = tpu.memref_slice %arg16[%add3A_21, %dma_wait3A_84] : memref<10240x32xf32, #tpu.memory_space<vmem_shared>> -> memref<80x32xf32, #tpu.memory_space<vmem_shared>>
      tpu.wait_dma2 semaphore(%run_scoped3A_77 : memref<!tpu.dma_semaphore, #tpu.memory_space<semaphore_mem>>) src(%arg15 : memref<80x32xf32, #tpu.memory_space<vmem>>) dst(%dma_wait3A_85 : memref<80x32xf32, #tpu.memory_space<vmem_shared>>)
      tpu.yield
    }) : () -> ()
    %mul3A_22 = arith.constant 640 : i32
    %mul3A_23 = arith.muli %arg1, %mul3A_22 : i32
    %add3A_24 = arith.constant 320 : i32
    %add3A_25 = arith.addi %mul3A_23, %add3A_24 : i32
    "tpu.region"() ({
      %run_scoped3A_77 = tpu.sem_alloc : memref<!tpu.dma_semaphore, #tpu.memory_space<semaphore_mem>>
      %dma_start3A_78 = arith.constant 0 : i32
      %dma_start3A_79 = tpu.memref_slice %arg16[%add3A_25, %dma_start3A_78] : memref<10240x32xf32, #tpu.memory_space<vmem_shared>> -> memref<80x32xf32, #tpu.memory_space<vmem_shared>>
      %dma_start3A_80 = arith.constant 0 : i32
      %dma_start3A_81 = tpu.memref_slice %arg16[%add3A_25, %dma_start3A_80] : memref<10240x32xf32, #tpu.memory_space<vmem_shared>> -> memref<80x32xf32, #tpu.memory_space<vmem_shared>>
      tpu.enqueue_dma source(%arg15 : memref<80x32xf32, #tpu.memory_space<vmem>>) target(%dma_start3A_81 : memref<80x32xf32, #tpu.memory_space<vmem_shared>>) target_semaphore(%run_scoped3A_77 : memref<!tpu.dma_semaphore, #tpu.memory_space<semaphore_mem>>)
      %dma_wait3A_82 = arith.constant 0 : i32
      %dma_wait3A_83 = tpu.memref_slice %arg16[%add3A_25, %dma_wait3A_82] : memref<10240x32xf32, #tpu.memory_space<vmem_shared>> -> memref<80x32xf32, #tpu.memory_space<vmem_shared>>
      %dma_wait3A_84 = arith.constant 0 : i32
      %dma_wait3A_85 = tpu.memref_slice %arg16[%add3A_25, %dma_wait3A_84] : memref<10240x32xf32, #tpu.memory_space<vmem_shared>> -> memref<80x32xf32, #tpu.memory_space<vmem_shared>>
      tpu.wait_dma2 semaphore(%run_scoped3A_77 : memref<!tpu.dma_semaphore, #tpu.memory_space<semaphore_mem>>) src(%arg15 : memref<80x32xf32, #tpu.memory_space<vmem>>) dst(%dma_wait3A_85 : memref<80x32xf32, #tpu.memory_space<vmem_shared>>)
      tpu.yield
    }) : () -> ()
    %mul3A_26 = arith.constant 640 : i32
    %mul3A_27 = arith.muli %arg1, %mul3A_26 : i32
    %add3A_28 = arith.constant 400 : i32
    %add3A_29 = arith.addi %mul3A_27, %add3A_28 : i32
    "tpu.region"() ({
      %run_scoped3A_77 = tpu.sem_alloc : memref<!tpu.dma_semaphore, #tpu.memory_space<semaphore_mem>>
      %dma_start3A_78 = arith.constant 0 : i32
      %dma_start3A_79 = tpu.memref_slice %arg16[%add3A_29, %dma_start3A_78] : memref<10240x32xf32, #tpu.memory_space<vmem_shared>> -> memref<80x32xf32, #tpu.memory_space<vmem_shared>>
      %dma_start3A_80 = arith.constant 0 : i32
      %dma_start3A_81 = tpu.memref_slice %arg16[%add3A_29, %dma_start3A_80] : memref<10240x32xf32, #tpu.memory_space<vmem_shared>> -> memref<80x32xf32, #tpu.memory_space<vmem_shared>>
      tpu.enqueue_dma source(%arg15 : memref<80x32xf32, #tpu.memory_space<vmem>>) target(%dma_start3A_81 : memref<80x32xf32, #tpu.memory_space<vmem_shared>>) target_semaphore(%run_scoped3A_77 : memref<!tpu.dma_semaphore, #tpu.memory_space<semaphore_mem>>)
      %dma_wait3A_82 = arith.constant 0 : i32
      %dma_wait3A_83 = tpu.memref_slice %arg16[%add3A_29, %dma_wait3A_82] : memref<10240x32xf32, #tpu.memory_space<vmem_shared>> -> memref<80x32xf32, #tpu.memory_space<vmem_shared>>
      %dma_wait3A_84 = arith.constant 0 : i32
      %dma_wait3A_85 = tpu.memref_slice %arg16[%add3A_29, %dma_wait3A_84] : memref<10240x32xf32, #tpu.memory_space<vmem_shared>> -> memref<80x32xf32, #tpu.memory_space<vmem_shared>>
      tpu.wait_dma2 semaphore(%run_scoped3A_77 : memref<!tpu.dma_semaphore, #tpu.memory_space<semaphore_mem>>) src(%arg15 : memref<80x32xf32, #tpu.memory_space<vmem>>) dst(%dma_wait3A_85 : memref<80x32xf32, #tpu.memory_space<vmem_shared>>)
      tpu.yield
    }) : () -> ()
    %mul3A_30 = arith.constant 640 : i32
    %mul3A_31 = arith.muli %arg1, %mul3A_30 : i32
    %add3A_32 = arith.constant 480 : i32
    %add3A_33 = arith.addi %mul3A_31, %add3A_32 : i32
    "tpu.region"() ({
      %run_scoped3A_77 = tpu.sem_alloc : memref<!tpu.dma_semaphore, #tpu.memory_space<semaphore_mem>>
      %dma_start3A_78 = arith.constant 0 : i32
      %dma_start3A_79 = tpu.memref_slice %arg16[%add3A_33, %dma_start3A_78] : memref<10240x32xf32, #tpu.memory_space<vmem_shared>> -> memref<80x32xf32, #tpu.memory_space<vmem_shared>>
      %dma_start3A_80 = arith.constant 0 : i32
      %dma_start3A_81 = tpu.memref_slice %arg16[%add3A_33, %dma_start3A_80] : memref<10240x32xf32, #tpu.memory_space<vmem_shared>> -> memref<80x32xf32, #tpu.memory_space<vmem_shared>>
      tpu.enqueue_dma source(%arg15 : memref<80x32xf32, #tpu.memory_space<vmem>>) target(%dma_start3A_81 : memref<80x32xf32, #tpu.memory_space<vmem_shared>>) target_semaphore(%run_scoped3A_77 : memref<!tpu.dma_semaphore, #tpu.memory_space<semaphore_mem>>)
      %dma_wait3A_82 = arith.constant 0 : i32
      %dma_wait3A_83 = tpu.memref_slice %arg16[%add3A_33, %dma_wait3A_82] : memref<10240x32xf32, #tpu.memory_space<vmem_shared>> -> memref<80x32xf32, #tpu.memory_space<vmem_shared>>
      %dma_wait3A_84 = arith.constant 0 : i32
      %dma_wait3A_85 = tpu.memref_slice %arg16[%add3A_33, %dma_wait3A_84] : memref<10240x32xf32, #tpu.memory_space<vmem_shared>> -> memref<80x32xf32, #tpu.memory_space<vmem_shared>>
      tpu.wait_dma2 semaphore(%run_scoped3A_77 : memref<!tpu.dma_semaphore, #tpu.memory_space<semaphore_mem>>) src(%arg15 : memref<80x32xf32, #tpu.memory_space<vmem>>) dst(%dma_wait3A_85 : memref<80x32xf32, #tpu.memory_space<vmem_shared>>)
      tpu.yield
    }) : () -> ()
    %mul3A_34 = arith.constant 640 : i32
    %mul3A_35 = arith.muli %arg1, %mul3A_34 : i32
    %add3A_36 = arith.constant 560 : i32
    %add3A_37 = arith.addi %mul3A_35, %add3A_36 : i32
    "tpu.region"() ({
      %run_scoped3A_77 = tpu.sem_alloc : memref<!tpu.dma_semaphore, #tpu.memory_space<semaphore_mem>>
      %dma_start3A_78 = arith.constant 0 : i32
      %dma_start3A_79 = tpu.memref_slice %arg16[%add3A_37, %dma_start3A_78] : memref<10240x32xf32, #tpu.memory_space<vmem_shared>> -> memref<80x32xf32, #tpu.memory_space<vmem_shared>>
      %dma_start3A_80 = arith.constant 0 : i32
      %dma_start3A_81 = tpu.memref_slice %arg16[%add3A_37, %dma_start3A_80] : memref<10240x32xf32, #tpu.memory_space<vmem_shared>> -> memref<80x32xf32, #tpu.memory_space<vmem_shared>>
      tpu.enqueue_dma source(%arg15 : memref<80x32xf32, #tpu.memory_space<vmem>>) target(%dma_start3A_81 : memref<80x32xf32, #tpu.memory_space<vmem_shared>>) target_semaphore(%run_scoped3A_77 : memref<!tpu.dma_semaphore, #tpu.memory_space<semaphore_mem>>)
      %dma_wait3A_82 = arith.constant 0 : i32
      %dma_wait3A_83 = tpu.memref_slice %arg16[%add3A_37, %dma_wait3A_82] : memref<10240x32xf32, #tpu.memory_space<vmem_shared>> -> memref<80x32xf32, #tpu.memory_space<vmem_shared>>
      %dma_wait3A_84 = arith.constant 0 : i32
      %dma_wait3A_85 = tpu.memref_slice %arg16[%add3A_37, %dma_wait3A_84] : memref<10240x32xf32, #tpu.memory_space<vmem_shared>> -> memref<80x32xf32, #tpu.memory_space<vmem_shared>>
      tpu.wait_dma2 semaphore(%run_scoped3A_77 : memref<!tpu.dma_semaphore, #tpu.memory_space<semaphore_mem>>) src(%arg15 : memref<80x32xf32, #tpu.memory_space<vmem>>) dst(%dma_wait3A_85 : memref<80x32xf32, #tpu.memory_space<vmem_shared>>)
      tpu.yield
    }) : () -> ()
    %barrier3A = arith.constant 0 : index
    tpu.barrier barrier_id(%barrier3A)
    %dma_start3A = arith.constant 0 : i32
    %dma_start3A_38 = arith.constant 0 : i32
    %dma_start3A_39 = tpu.memref_slice %arg7[%dma_start3A, %dma_start3A_38] : memref<125x80xi32, #tpu.memory_space<vmem>> -> memref<1x80xi32, #tpu.memory_space<vmem>>
    %dma_start3A_40 = tpu.memref_squeeze %dma_start3A_39 : memref<1x80xi32, #tpu.memory_space<vmem>> -> memref<80xi32, #tpu.memory_space<vmem>>
    %dma_start3A_41 = arith.constant 0 : i32
    %dma_start3A_42 = arith.constant 0 : i32
    %dma_start3A_43 = tpu.memref_slice %arg2[%dma_start3A_41, %dma_start3A_42] : memref<10000x32xf32, #tpu.memory_space<hbm>> -> memref<10000x32xf32, #tpu.memory_space<hbm>>
    tpu.enqueue_indirect_dma source(%dma_start3A_43 : memref<10000x32xf32, #tpu.memory_space<hbm>>) target(%arg9 : memref<80x32xf32, #tpu.memory_space<vmem>>) offsets(%dma_start3A_40 : memref<80xi32, #tpu.memory_space<vmem>>) semaphore(%arg11 : memref<!tpu.dma_semaphore, #tpu.memory_space<semaphore_mem>>)
    %dma_start3A_44 = arith.constant 0 : i32
    %dma_start3A_45 = arith.constant 0 : i32
    %dma_start3A_46 = tpu.memref_slice %arg8[%dma_start3A_44, %dma_start3A_45] : memref<125x80xi32, #tpu.memory_space<vmem>> -> memref<1x80xi32, #tpu.memory_space<vmem>>
    %dma_start3A_47 = tpu.memref_squeeze %dma_start3A_46 : memref<1x80xi32, #tpu.memory_space<vmem>> -> memref<80xi32, #tpu.memory_space<vmem>>
    %dma_start3A_48 = arith.constant 0 : i32
    %dma_start3A_49 = arith.constant 0 : i32
    %dma_start3A_50 = tpu.memref_slice %arg3[%dma_start3A_48, %dma_start3A_49] : memref<10000x16xf32, #tpu.memory_space<hbm>> -> memref<10000x16xf32, #tpu.memory_space<hbm>>
    tpu.enqueue_indirect_dma source(%dma_start3A_50 : memref<10000x16xf32, #tpu.memory_space<hbm>>) target(%arg10 : memref<80x16xf32, #tpu.memory_space<vmem>>) offsets(%dma_start3A_47 : memref<80xi32, #tpu.memory_space<vmem>>) semaphore(%arg11 : memref<!tpu.dma_semaphore, #tpu.memory_space<semaphore_mem>>)
    %scan3A_51 = arith.constant 0 : i32
    %scan3A_52 = arith.constant 0 : i32
    %scan3A_53 = arith.constant 62 : i32
    %scan3A_54 = arith.addi %scan3A_52, %scan3A_53 : i32
    %scan3A_55 = arith.constant 1 : i32
    scf.for %scan3A_77 = %scan3A_52 to %scan3A_54 step %scan3A_55  : i32 {
      %mul3A_78 = arith.constant 2 : i32
      %mul3A_79 = arith.muli %mul3A_78, %scan3A_77 : i32
      %add3A_80 = arith.constant 1 : i32
      %add3A_81 = arith.addi %mul3A_79, %add3A_80 : i32
      %dma_start3A_82 = arith.constant 0 : i32
      %dma_start3A_83 = tpu.memref_slice %arg7[%add3A_81, %dma_start3A_82] : memref<125x80xi32, #tpu.memory_space<vmem>> -> memref<1x80xi32, #tpu.memory_space<vmem>>
      %dma_start3A_84 = tpu.memref_squeeze %dma_start3A_83 : memref<1x80xi32, #tpu.memory_space<vmem>> -> memref<80xi32, #tpu.memory_space<vmem>>
      %dma_start3A_85 = arith.constant 0 : i32
      %dma_start3A_86 = arith.constant 0 : i32
      %dma_start3A_87 = tpu.memref_slice %arg2[%dma_start3A_85, %dma_start3A_86] : memref<10000x32xf32, #tpu.memory_space<hbm>> -> memref<10000x32xf32, #tpu.memory_space<hbm>>
      tpu.enqueue_indirect_dma source(%dma_start3A_87 : memref<10000x32xf32, #tpu.memory_space<hbm>>) target(%arg12 : memref<80x32xf32, #tpu.memory_space<vmem>>) offsets(%dma_start3A_84 : memref<80xi32, #tpu.memory_space<vmem>>) semaphore(%arg14 : memref<!tpu.dma_semaphore, #tpu.memory_space<semaphore_mem>>)
      %dma_start3A_88 = arith.constant 0 : i32
      %dma_start3A_89 = tpu.memref_slice %arg8[%add3A_81, %dma_start3A_88] : memref<125x80xi32, #tpu.memory_space<vmem>> -> memref<1x80xi32, #tpu.memory_space<vmem>>
      %dma_start3A_90 = tpu.memref_squeeze %dma_start3A_89 : memref<1x80xi32, #tpu.memory_space<vmem>> -> memref<80xi32, #tpu.memory_space<vmem>>
      %dma_start3A_91 = arith.constant 0 : i32
      %dma_start3A_92 = arith.constant 0 : i32
      %dma_start3A_93 = tpu.memref_slice %arg3[%dma_start3A_91, %dma_start3A_92] : memref<10000x16xf32, #tpu.memory_space<hbm>> -> memref<10000x16xf32, #tpu.memory_space<hbm>>
      tpu.enqueue_indirect_dma source(%dma_start3A_93 : memref<10000x16xf32, #tpu.memory_space<hbm>>) target(%arg13 : memref<80x16xf32, #tpu.memory_space<vmem>>) offsets(%dma_start3A_90 : memref<80xi32, #tpu.memory_space<vmem>>) semaphore(%arg14 : memref<!tpu.dma_semaphore, #tpu.memory_space<semaphore_mem>>)
      %mul3A_94 = arith.constant 2 : i32
      %mul3A_95 = arith.muli %mul3A_94, %scan3A_77 : i32
      %dma_wait3A_96 = arith.constant 0 : i32
      %dma_wait3A_97 = tpu.memref_slice %arg7[%mul3A_95, %dma_wait3A_96] : memref<125x80xi32, #tpu.memory_space<vmem>> -> memref<1x80xi32, #tpu.memory_space<vmem>>
      %dma_wait3A_98 = tpu.memref_squeeze %dma_wait3A_97 : memref<1x80xi32, #tpu.memory_space<vmem>> -> memref<80xi32, #tpu.memory_space<vmem>>
      %dma_wait3A_99 = arith.constant 0 : i32
      %dma_wait3A_100 = arith.constant 0 : i32
      %dma_wait3A_101 = tpu.memref_slice %arg2[%dma_wait3A_99, %dma_wait3A_100] : memref<10000x32xf32, #tpu.memory_space<hbm>> -> memref<10000x32xf32, #tpu.memory_space<hbm>>
      tpu.wait_indirect_dma semaphore(%arg11 : memref<!tpu.dma_semaphore, #tpu.memory_space<semaphore_mem>>) src(%dma_wait3A_101 : memref<10000x32xf32, #tpu.memory_space<hbm>>) dst(%arg9 : memref<80x32xf32, #tpu.memory_space<vmem>>)
      %dma_wait3A_102 = arith.constant 0 : i32
      %dma_wait3A_103 = tpu.memref_slice %arg8[%mul3A_95, %dma_wait3A_102] : memref<125x80xi32, #tpu.memory_space<vmem>> -> memref<1x80xi32, #tpu.memory_space<vmem>>
      %dma_wait3A_104 = tpu.memref_squeeze %dma_wait3A_103 : memref<1x80xi32, #tpu.memory_space<vmem>> -> memref<80xi32, #tpu.memory_space<vmem>>
      %dma_wait3A_105 = arith.constant 0 : i32
      %dma_wait3A_106 = arith.constant 0 : i32
      %dma_wait3A_107 = tpu.memref_slice %arg3[%dma_wait3A_105, %dma_wait3A_106] : memref<10000x16xf32, #tpu.memory_space<hbm>> -> memref<10000x16xf32, #tpu.memory_space<hbm>>
      tpu.wait_indirect_dma semaphore(%arg11 : memref<!tpu.dma_semaphore, #tpu.memory_space<semaphore_mem>>) src(%dma_wait3A_107 : memref<10000x16xf32, #tpu.memory_space<hbm>>) dst(%arg10 : memref<80x16xf32, #tpu.memory_space<vmem>>)
      %parallel_loop3A_108 = arith.constant 0 : i32
      %parallel_loop3A_109 = arith.constant 80 : i32
      %parallel_loop3A_110 = arith.constant 1 : i32
      scf.for %parallel_loop3A_146 = %parallel_loop3A_108 to %parallel_loop3A_109 step %parallel_loop3A_110  : i32 {
        %parallel_loop3A_147 = arith.index_cast %parallel_loop3A_146 : i32 to index
        %parallel_loop3A_148 = arith.constant 16 : index
        %parallel_loop3A_149 = tpu.vector_load %arg9[%parallel_loop3A_147, %parallel_loop3A_148] {strides = array<i32>} : memref<80x32xf32, #tpu.memory_space<vmem>>, vector<16xf32>,
        %parallel_loop3A_150 = arith.index_cast %parallel_loop3A_146 : i32 to index
        %parallel_loop3A_151 = arith.constant 0 : index
        %parallel_loop3A_152 = tpu.vector_load %arg10[%parallel_loop3A_150, %parallel_loop3A_151] {strides = array<i32>} : memref<80x16xf32, #tpu.memory_space<vmem>>, vector<16xf32>,
        %parallel_loop3A_153 = arith.addf %parallel_loop3A_149, %parallel_loop3A_152 : vector<16xf32>
        %parallel_loop3A_154 = arith.constant 0.000000e+00 : f32
        %parallel_loop3A_155 = vector.broadcast %parallel_loop3A_154 : f32 to vector<16xf32>
        %parallel_loop3A_156 = arith.cmpf oge, %parallel_loop3A_153, %parallel_loop3A_155 : vector<16xf32>
        %parallel_loop3A_157 = arith.constant 2.000000e-01 : f32
        %parallel_loop3A_158 = vector.broadcast %parallel_loop3A_157 : f32 to vector<16xf32>
        %parallel_loop3A_159 = arith.mulf %parallel_loop3A_158, %parallel_loop3A_153 : vector<16xf32>
        %parallel_loop3A_160 = arith.select %parallel_loop3A_156, %parallel_loop3A_153, %parallel_loop3A_159 : vector<16xi1>, vector<16xf32>
        %parallel_loop3A_161 = math.exp %parallel_loop3A_160 : vector<16xf32>
        %parallel_loop3A_162 = arith.index_cast %parallel_loop3A_146 : i32 to index
        %parallel_loop3A_163 = arith.constant 0 : index
        %parallel_loop3A_164 = tpu.vector_load %arg9[%parallel_loop3A_162, %parallel_loop3A_163] {strides = array<i32>} : memref<80x32xf32, #tpu.memory_space<vmem>>, vector<16xf32>,
        %parallel_loop3A_165 = arith.mulf %parallel_loop3A_161, %parallel_loop3A_164 : vector<16xf32>
        %parallel_loop3A_166 = arith.index_cast %parallel_loop3A_146 : i32 to index
        %parallel_loop3A_167 = arith.constant 0 : index
        %parallel_loop3A_168 = tpu.vector_load %arg15[%parallel_loop3A_166, %parallel_loop3A_167] {strides = array<i32>} : memref<80x32xf32, #tpu.memory_space<vmem>>, vector<16xf32>,
        tpu.vector_store %arg15[%parallel_loop3A_166, %parallel_loop3A_167], %parallel_loop3A_165 {strides = array<i32>} : memref<80x32xf32, #tpu.memory_space<vmem>>, vector<16xf32>,
        %parallel_loop3A_169 = arith.index_cast %parallel_loop3A_146 : i32 to index
        %parallel_loop3A_170 = arith.constant 16 : index
        %parallel_loop3A_171 = tpu.vector_load %arg15[%parallel_loop3A_169, %parallel_loop3A_170] {strides = array<i32>} : memref<80x32xf32, #tpu.memory_space<vmem>>, vector<16xf32>,
        tpu.vector_store %arg15[%parallel_loop3A_169, %parallel_loop3A_170], %parallel_loop3A_161 {strides = array<i32>} : memref<80x32xf32, #tpu.memory_space<vmem>>, vector<16xf32>,
      } {sc.loop_unroll_factor = 8 : i64, sc.parallel_access}
      "tpu.region"() ({
        %run_scoped3A_146 = tpu.sem_alloc : memref<!tpu.dma_semaphore, #tpu.memory_space<semaphore_mem>>
        %dma_start3A_147 = arith.constant 0 : i32
        %dma_start3A_148 = tpu.memref_slice %arg8[%mul3A_95, %dma_start3A_147] : memref<125x80xi32, #tpu.memory_space<vmem>> -> memref<1x80xi32, #tpu.memory_space<vmem>>
        %dma_start3A_149 = tpu.memref_squeeze %dma_start3A_148 : memref<1x80xi32, #tpu.memory_space<vmem>> -> memref<80xi32, #tpu.memory_space<vmem>>
        %dma_start3A_150 = arith.constant 0 : i32
        %dma_start3A_151 = arith.constant 0 : i32
        %dma_start3A_152 = tpu.memref_slice %arg16[%dma_start3A_150, %dma_start3A_151] : memref<10240x32xf32, #tpu.memory_space<vmem_shared>> -> memref<10240x32xf32, #tpu.memory_space<vmem_shared>>
        tpu.enqueue_indirect_dma source(%arg15 : memref<80x32xf32, #tpu.memory_space<vmem>>) target(%dma_start3A_152 : memref<10240x32xf32, #tpu.memory_space<vmem_shared>>) offsets(%dma_start3A_149 : memref<80xi32, #tpu.memory_space<vmem>>) semaphore(%run_scoped3A_146 : memref<!tpu.dma_semaphore, #tpu.memory_space<semaphore_mem>>) {add = true}
        %dma_wait3A_153 = arith.constant 0 : i32
        %dma_wait3A_154 = tpu.memref_slice %arg8[%mul3A_95, %dma_wait3A_153] : memref<125x80xi32, #tpu.memory_space<vmem>> -> memref<1x80xi32, #tpu.memory_space<vmem>>
        %dma_wait3A_155 = tpu.memref_squeeze %dma_wait3A_154 : memref<1x80xi32, #tpu.memory_space<vmem>> -> memref<80xi32, #tpu.memory_space<vmem>>
        %dma_wait3A_156 = arith.constant 0 : i32
        %dma_wait3A_157 = arith.constant 0 : i32
        %dma_wait3A_158 = tpu.memref_slice %arg16[%dma_wait3A_156, %dma_wait3A_157] : memref<10240x32xf32, #tpu.memory_space<vmem_shared>> -> memref<10240x32xf32, #tpu.memory_space<vmem_shared>>
        tpu.wait_indirect_dma semaphore(%run_scoped3A_146 : memref<!tpu.dma_semaphore, #tpu.memory_space<semaphore_mem>>) src(%arg15 : memref<80x32xf32, #tpu.memory_space<vmem>>) dst(%dma_wait3A_158 : memref<10240x32xf32, #tpu.memory_space<vmem_shared>>)
        tpu.yield
      }) : () -> ()
      %mul3A_111 = arith.constant 2 : i32
      %mul3A_112 = arith.muli %mul3A_111, %scan3A_77 : i32
      %add3A_113 = arith.constant 2 : i32
      %add3A_114 = arith.addi %mul3A_112, %add3A_113 : i32
      %dma_start3A_115 = arith.constant 0 : i32
      %dma_start3A_116 = tpu.memref_slice %arg7[%add3A_114, %dma_start3A_115] : memref<125x80xi32, #tpu.memory_space<vmem>> -> memref<1x80xi32, #tpu.memory_space<vmem>>
      %dma_start3A_117 = tpu.memref_squeeze %dma_start3A_116 : memref<1x80xi32, #tpu.memory_space<vmem>> -> memref<80xi32, #tpu.memory_space<vmem>>
      %dma_start3A_118 = arith.constant 0 : i32
      %dma_start3A_119 = arith.constant 0 : i32
      %dma_start3A_120 = tpu.memref_slice %arg2[%dma_start3A_118, %dma_start3A_119] : memref<10000x32xf32, #tpu.memory_space<hbm>> -> memref<10000x32xf32, #tpu.memory_space<hbm>>
      tpu.enqueue_indirect_dma source(%dma_start3A_120 : memref<10000x32xf32, #tpu.memory_space<hbm>>) target(%arg9 : memref<80x32xf32, #tpu.memory_space<vmem>>) offsets(%dma_start3A_117 : memref<80xi32, #tpu.memory_space<vmem>>) semaphore(%arg11 : memref<!tpu.dma_semaphore, #tpu.memory_space<semaphore_mem>>)
      %dma_start3A_121 = arith.constant 0 : i32
      %dma_start3A_122 = tpu.memref_slice %arg8[%add3A_114, %dma_start3A_121] : memref<125x80xi32, #tpu.memory_space<vmem>> -> memref<1x80xi32, #tpu.memory_space<vmem>>
      %dma_start3A_123 = tpu.memref_squeeze %dma_start3A_122 : memref<1x80xi32, #tpu.memory_space<vmem>> -> memref<80xi32, #tpu.memory_space<vmem>>
      %dma_start3A_124 = arith.constant 0 : i32
      %dma_start3A_125 = arith.constant 0 : i32
      %dma_start3A_126 = tpu.memref_slice %arg3[%dma_start3A_124, %dma_start3A_125] : memref<10000x16xf32, #tpu.memory_space<hbm>> -> memref<10000x16xf32, #tpu.memory_space<hbm>>
      tpu.enqueue_indirect_dma source(%dma_start3A_126 : memref<10000x16xf32, #tpu.memory_space<hbm>>) target(%arg10 : memref<80x16xf32, #tpu.memory_space<vmem>>) offsets(%dma_start3A_123 : memref<80xi32, #tpu.memory_space<vmem>>) semaphore(%arg11 : memref<!tpu.dma_semaphore, #tpu.memory_space<semaphore_mem>>)
      %mul3A_127 = arith.constant 2 : i32
      %mul3A_128 = arith.muli %mul3A_127, %scan3A_77 : i32
      %add3A_129 = arith.constant 1 : i32
      %add3A_130 = arith.addi %mul3A_128, %add3A_129 : i32
      %dma_wait3A_131 = arith.constant 0 : i32
      %dma_wait3A_132 = tpu.memref_slice %arg7[%add3A_130, %dma_wait3A_131] : memref<125x80xi32, #tpu.memory_space<vmem>> -> memref<1x80xi32, #tpu.memory_space<vmem>>
      %dma_wait3A_133 = tpu.memref_squeeze %dma_wait3A_132 : memref<1x80xi32, #tpu.memory_space<vmem>> -> memref<80xi32, #tpu.memory_space<vmem>>
      %dma_wait3A_134 = arith.constant 0 : i32
      %dma_wait3A_135 = arith.constant 0 : i32
      %dma_wait3A_136 = tpu.memref_slice %arg2[%dma_wait3A_134, %dma_wait3A_135] : memref<10000x32xf32, #tpu.memory_space<hbm>> -> memref<10000x32xf32, #tpu.memory_space<hbm>>
      tpu.wait_indirect_dma semaphore(%arg14 : memref<!tpu.dma_semaphore, #tpu.memory_space<semaphore_mem>>) src(%dma_wait3A_136 : memref<10000x32xf32, #tpu.memory_space<hbm>>) dst(%arg12 : memref<80x32xf32, #tpu.memory_space<vmem>>)
      %dma_wait3A_137 = arith.constant 0 : i32
      %dma_wait3A_138 = tpu.memref_slice %arg8[%add3A_130, %dma_wait3A_137] : memref<125x80xi32, #tpu.memory_space<vmem>> -> memref<1x80xi32, #tpu.memory_space<vmem>>
      %dma_wait3A_139 = tpu.memref_squeeze %dma_wait3A_138 : memref<1x80xi32, #tpu.memory_space<vmem>> -> memref<80xi32, #tpu.memory_space<vmem>>
      %dma_wait3A_140 = arith.constant 0 : i32
      %dma_wait3A_141 = arith.constant 0 : i32
      %dma_wait3A_142 = tpu.memref_slice %arg3[%dma_wait3A_140, %dma_wait3A_141] : memref<10000x16xf32, #tpu.memory_space<hbm>> -> memref<10000x16xf32, #tpu.memory_space<hbm>>
      tpu.wait_indirect_dma semaphore(%arg14 : memref<!tpu.dma_semaphore, #tpu.memory_space<semaphore_mem>>) src(%dma_wait3A_142 : memref<10000x16xf32, #tpu.memory_space<hbm>>) dst(%arg13 : memref<80x16xf32, #tpu.memory_space<vmem>>)
      %parallel_loop3A_143 = arith.constant 0 : i32
      %parallel_loop3A_144 = arith.constant 80 : i32
      %parallel_loop3A_145 = arith.constant 1 : i32
      scf.for %parallel_loop3A_146 = %parallel_loop3A_143 to %parallel_loop3A_144 step %parallel_loop3A_145  : i32 {
        %parallel_loop3A_147 = arith.index_cast %parallel_loop3A_146 : i32 to index
        %parallel_loop3A_148 = arith.constant 16 : index
        %parallel_loop3A_149 = tpu.vector_load %arg12[%parallel_loop3A_147, %parallel_loop3A_148] {strides = array<i32>} : memref<80x32xf32, #tpu.memory_space<vmem>>, vector<16xf32>,
        %parallel_loop3A_150 = arith.index_cast %parallel_loop3A_146 : i32 to index
        %parallel_loop3A_151 = arith.constant 0 : index
        %parallel_loop3A_152 = tpu.vector_load %arg13[%parallel_loop3A_150, %parallel_loop3A_151] {strides = array<i32>} : memref<80x16xf32, #tpu.memory_space<vmem>>, vector<16xf32>,
        %parallel_loop3A_153 = arith.addf %parallel_loop3A_149, %parallel_loop3A_152 : vector<16xf32>
        %parallel_loop3A_154 = arith.constant 0.000000e+00 : f32
        %parallel_loop3A_155 = vector.broadcast %parallel_loop3A_154 : f32 to vector<16xf32>
        %parallel_loop3A_156 = arith.cmpf oge, %parallel_loop3A_153, %parallel_loop3A_155 : vector<16xf32>
        %parallel_loop3A_157 = arith.constant 2.000000e-01 : f32
        %parallel_loop3A_158 = vector.broadcast %parallel_loop3A_157 : f32 to vector<16xf32>
        %parallel_loop3A_159 = arith.mulf %parallel_loop3A_158, %parallel_loop3A_153 : vector<16xf32>
        %parallel_loop3A_160 = arith.select %parallel_loop3A_156, %parallel_loop3A_153, %parallel_loop3A_159 : vector<16xi1>, vector<16xf32>
        %parallel_loop3A_161 = math.exp %parallel_loop3A_160 : vector<16xf32>
        %parallel_loop3A_162 = arith.index_cast %parallel_loop3A_146 : i32 to index
        %parallel_loop3A_163 = arith.constant 0 : index
        %parallel_loop3A_164 = tpu.vector_load %arg12[%parallel_loop3A_162, %parallel_loop3A_163] {strides = array<i32>} : memref<80x32xf32, #tpu.memory_space<vmem>>, vector<16xf32>,
        %parallel_loop3A_165 = arith.mulf %parallel_loop3A_161, %parallel_loop3A_164 : vector<16xf32>
        %parallel_loop3A_166 = arith.index_cast %parallel_loop3A_146 : i32 to index
        %parallel_loop3A_167 = arith.constant 0 : index
        %parallel_loop3A_168 = tpu.vector_load %arg15[%parallel_loop3A_166, %parallel_loop3A_167] {strides = array<i32>} : memref<80x32xf32, #tpu.memory_space<vmem>>, vector<16xf32>,
        tpu.vector_store %arg15[%parallel_loop3A_166, %parallel_loop3A_167], %parallel_loop3A_165 {strides = array<i32>} : memref<80x32xf32, #tpu.memory_space<vmem>>, vector<16xf32>,
        %parallel_loop3A_169 = arith.index_cast %parallel_loop3A_146 : i32 to index
        %parallel_loop3A_170 = arith.constant 16 : index
        %parallel_loop3A_171 = tpu.vector_load %arg15[%parallel_loop3A_169, %parallel_loop3A_170] {strides = array<i32>} : memref<80x32xf32, #tpu.memory_space<vmem>>, vector<16xf32>,
        tpu.vector_store %arg15[%parallel_loop3A_169, %parallel_loop3A_170], %parallel_loop3A_161 {strides = array<i32>} : memref<80x32xf32, #tpu.memory_space<vmem>>, vector<16xf32>,
      } {sc.loop_unroll_factor = 8 : i64, sc.parallel_access}
      "tpu.region"() ({
        %run_scoped3A_146 = tpu.sem_alloc : memref<!tpu.dma_semaphore, #tpu.memory_space<semaphore_mem>>
        %dma_start3A_147 = arith.constant 0 : i32
        %dma_start3A_148 = tpu.memref_slice %arg8[%add3A_130, %dma_start3A_147] : memref<125x80xi32, #tpu.memory_space<vmem>> -> memref<1x80xi32, #tpu.memory_space<vmem>>
        %dma_start3A_149 = tpu.memref_squeeze %dma_start3A_148 : memref<1x80xi32, #tpu.memory_space<vmem>> -> memref<80xi32, #tpu.memory_space<vmem>>
        %dma_start3A_150 = arith.constant 0 : i32
        %dma_start3A_151 = arith.constant 0 : i32
        %dma_start3A_152 = tpu.memref_slice %arg16[%dma_start3A_150, %dma_start3A_151] : memref<10240x32xf32, #tpu.memory_space<vmem_shared>> -> memref<10240x32xf32, #tpu.memory_space<vmem_shared>>
        tpu.enqueue_indirect_dma source(%arg15 : memref<80x32xf32, #tpu.memory_space<vmem>>) target(%dma_start3A_152 : memref<10240x32xf32, #tpu.memory_space<vmem_shared>>) offsets(%dma_start3A_149 : memref<80xi32, #tpu.memory_space<vmem>>) semaphore(%run_scoped3A_146 : memref<!tpu.dma_semaphore, #tpu.memory_space<semaphore_mem>>) {add = true}
        %dma_wait3A_153 = arith.constant 0 : i32
        %dma_wait3A_154 = tpu.memref_slice %arg8[%add3A_130, %dma_wait3A_153] : memref<125x80xi32, #tpu.memory_space<vmem>> -> memref<1x80xi32, #tpu.memory_space<vmem>>
        %dma_wait3A_155 = tpu.memref_squeeze %dma_wait3A_154 : memref<1x80xi32, #tpu.memory_space<vmem>> -> memref<80xi32, #tpu.memory_space<vmem>>
        %dma_wait3A_156 = arith.constant 0 : i32
        %dma_wait3A_157 = arith.constant 0 : i32
        %dma_wait3A_158 = tpu.memref_slice %arg16[%dma_wait3A_156, %dma_wait3A_157] : memref<10240x32xf32, #tpu.memory_space<vmem_shared>> -> memref<10240x32xf32, #tpu.memory_space<vmem_shared>>
        tpu.wait_indirect_dma semaphore(%run_scoped3A_146 : memref<!tpu.dma_semaphore, #tpu.memory_space<semaphore_mem>>) src(%arg15 : memref<80x32xf32, #tpu.memory_space<vmem>>) dst(%dma_wait3A_158 : memref<10240x32xf32, #tpu.memory_space<vmem_shared>>)
        tpu.yield
      }) : () -> ()
    }
    %scan3A_56 = arith.constant 62 : i32
    %dma_wait3A = arith.constant 124 : i32
    %dma_wait3A_57 = arith.constant 0 : i32
    %dma_wait3A_58 = tpu.memref_slice %arg7[%dma_wait3A, %dma_wait3A_57] : memref<125x80xi32, #tpu.memory_space<vmem>> -> memref<1x80xi32, #tpu.memory_space<vmem>>
    %dma_wait3A_59 = tpu.memref_squeeze %dma_wait3A_58 : memref<1x80xi32, #tpu.memory_space<vmem>> -> memref<80xi32, #tpu.memory_space<vmem>>
    %dma_wait3A_60 = arith.constant 0 : i32
    %dma_wait3A_61 = arith.constant 0 : i32
    %dma_wait3A_62 = tpu.memref_slice %arg2[%dma_wait3A_60, %dma_wait3A_61] : memref<10000x32xf32, #tpu.memory_space<hbm>> -> memref<10000x32xf32, #tpu.memory_space<hbm>>
    tpu.wait_indirect_dma semaphore(%arg11 : memref<!tpu.dma_semaphore, #tpu.memory_space<semaphore_mem>>) src(%dma_wait3A_62 : memref<10000x32xf32, #tpu.memory_space<hbm>>) dst(%arg9 : memref<80x32xf32, #tpu.memory_space<vmem>>)
    %dma_wait3A_63 = arith.constant 124 : i32
    %dma_wait3A_64 = arith.constant 0 : i32
    %dma_wait3A_65 = tpu.memref_slice %arg8[%dma_wait3A_63, %dma_wait3A_64] : memref<125x80xi32, #tpu.memory_space<vmem>> -> memref<1x80xi32, #tpu.memory_space<vmem>>
    %dma_wait3A_66 = tpu.memref_squeeze %dma_wait3A_65 : memref<1x80xi32, #tpu.memory_space<vmem>> -> memref<80xi32, #tpu.memory_space<vmem>>
    %dma_wait3A_67 = arith.constant 0 : i32
    %dma_wait3A_68 = arith.constant 0 : i32
    %dma_wait3A_69 = tpu.memref_slice %arg3[%dma_wait3A_67, %dma_wait3A_68] : memref<10000x16xf32, #tpu.memory_space<hbm>> -> memref<10000x16xf32, #tpu.memory_space<hbm>>
    tpu.wait_indirect_dma semaphore(%arg11 : memref<!tpu.dma_semaphore, #tpu.memory_space<semaphore_mem>>) src(%dma_wait3A_69 : memref<10000x16xf32, #tpu.memory_space<hbm>>) dst(%arg10 : memref<80x16xf32, #tpu.memory_space<vmem>>)
    %parallel_loop3A = arith.constant 0 : i32
    %parallel_loop3A_70 = arith.constant 80 : i32
    %parallel_loop3A_71 = arith.constant 1 : i32
    scf.for %parallel_loop3A_77 = %parallel_loop3A to %parallel_loop3A_70 step %parallel_loop3A_71  : i32 {
      %parallel_loop3A_78 = arith.index_cast %parallel_loop3A_77 : i32 to index
      %parallel_loop3A_79 = arith.constant 16 : index
      %parallel_loop3A_80 = tpu.vector_load %arg9[%parallel_loop3A_78, %parallel_loop3A_79] {strides = array<i32>} : memref<80x32xf32, #tpu.memory_space<vmem>>, vector<16xf32>,
      %parallel_loop3A_81 = arith.index_cast %parallel_loop3A_77 : i32 to index
      %parallel_loop3A_82 = arith.constant 0 : index
      %parallel_loop3A_83 = tpu.vector_load %arg10[%parallel_loop3A_81, %parallel_loop3A_82] {strides = array<i32>} : memref<80x16xf32, #tpu.memory_space<vmem>>, vector<16xf32>,
      %parallel_loop3A_84 = arith.addf %parallel_loop3A_80, %parallel_loop3A_83 : vector<16xf32>
      %parallel_loop3A_85 = arith.constant 0.000000e+00 : f32
      %parallel_loop3A_86 = vector.broadcast %parallel_loop3A_85 : f32 to vector<16xf32>
      %parallel_loop3A_87 = arith.cmpf oge, %parallel_loop3A_84, %parallel_loop3A_86 : vector<16xf32>
      %parallel_loop3A_88 = arith.constant 2.000000e-01 : f32
      %parallel_loop3A_89 = vector.broadcast %parallel_loop3A_88 : f32 to vector<16xf32>
      %parallel_loop3A_90 = arith.mulf %parallel_loop3A_89, %parallel_loop3A_84 : vector<16xf32>
      %parallel_loop3A_91 = arith.select %parallel_loop3A_87, %parallel_loop3A_84, %parallel_loop3A_90 : vector<16xi1>, vector<16xf32>
      %parallel_loop3A_92 = math.exp %parallel_loop3A_91 : vector<16xf32>
      %parallel_loop3A_93 = arith.index_cast %parallel_loop3A_77 : i32 to index
      %parallel_loop3A_94 = arith.constant 0 : index
      %parallel_loop3A_95 = tpu.vector_load %arg9[%parallel_loop3A_93, %parallel_loop3A_94] {strides = array<i32>} : memref<80x32xf32, #tpu.memory_space<vmem>>, vector<16xf32>,
      %parallel_loop3A_96 = arith.mulf %parallel_loop3A_92, %parallel_loop3A_95 : vector<16xf32>
      %parallel_loop3A_97 = arith.index_cast %parallel_loop3A_77 : i32 to index
      %parallel_loop3A_98 = arith.constant 0 : index
      %parallel_loop3A_99 = tpu.vector_load %arg15[%parallel_loop3A_97, %parallel_loop3A_98] {strides = array<i32>} : memref<80x32xf32, #tpu.memory_space<vmem>>, vector<16xf32>,
      tpu.vector_store %arg15[%parallel_loop3A_97, %parallel_loop3A_98], %parallel_loop3A_96 {strides = array<i32>} : memref<80x32xf32, #tpu.memory_space<vmem>>, vector<16xf32>,
      %parallel_loop3A_100 = arith.index_cast %parallel_loop3A_77 : i32 to index
      %parallel_loop3A_101 = arith.constant 16 : index
      %parallel_loop3A_102 = tpu.vector_load %arg15[%parallel_loop3A_100, %parallel_loop3A_101] {strides = array<i32>} : memref<80x32xf32, #tpu.memory_space<vmem>>, vector<16xf32>,
      tpu.vector_store %arg15[%parallel_loop3A_100, %parallel_loop3A_101], %parallel_loop3A_92 {strides = array<i32>} : memref<80x32xf32, #tpu.memory_space<vmem>>, vector<16xf32>,
    } {sc.loop_unroll_factor = 8 : i64, sc.parallel_access}
    %run_scoped3A = arith.constant 124 : i32
    "tpu.region"() ({
      %run_scoped3A_77 = tpu.sem_alloc : memref<!tpu.dma_semaphore, #tpu.memory_space<semaphore_mem>>
      %dma_start3A_78 = arith.constant 0 : i32
      %dma_start3A_79 = tpu.memref_slice %arg8[%run_scoped3A, %dma_start3A_78] : memref<125x80xi32, #tpu.memory_space<vmem>> -> memref<1x80xi32, #tpu.memory_space<vmem>>
      %dma_start3A_80 = tpu.memref_squeeze %dma_start3A_79 : memref<1x80xi32, #tpu.memory_space<vmem>> -> memref<80xi32, #tpu.memory_space<vmem>>
      %dma_start3A_81 = arith.constant 0 : i32
      %dma_start3A_82 = arith.constant 0 : i32
      %dma_start3A_83 = tpu.memref_slice %arg16[%dma_start3A_81, %dma_start3A_82] : memref<10240x32xf32, #tpu.memory_space<vmem_shared>> -> memref<10240x32xf32, #tpu.memory_space<vmem_shared>>
      tpu.enqueue_indirect_dma source(%arg15 : memref<80x32xf32, #tpu.memory_space<vmem>>) target(%dma_start3A_83 : memref<10240x32xf32, #tpu.memory_space<vmem_shared>>) offsets(%dma_start3A_80 : memref<80xi32, #tpu.memory_space<vmem>>) semaphore(%run_scoped3A_77 : memref<!tpu.dma_semaphore, #tpu.memory_space<semaphore_mem>>) {add = true}
      %dma_wait3A_84 = arith.constant 0 : i32
      %dma_wait3A_85 = tpu.memref_slice %arg8[%run_scoped3A, %dma_wait3A_84] : memref<125x80xi32, #tpu.memory_space<vmem>> -> memref<1x80xi32, #tpu.memory_space<vmem>>
      %dma_wait3A_86 = tpu.memref_squeeze %dma_wait3A_85 : memref<1x80xi32, #tpu.memory_space<vmem>> -> memref<80xi32, #tpu.memory_space<vmem>>
      %dma_wait3A_87 = arith.constant 0 : i32
      %dma_wait3A_88 = arith.constant 0 : i32
      %dma_wait3A_89 = tpu.memref_slice %arg16[%dma_wait3A_87, %dma_wait3A_88] : memref<10240x32xf32, #tpu.memory_space<vmem_shared>> -> memref<10240x32xf32, #tpu.memory_space<vmem_shared>>
      tpu.wait_indirect_dma semaphore(%run_scoped3A_77 : memref<!tpu.dma_semaphore, #tpu.memory_space<semaphore_mem>>) src(%arg15 : memref<80x32xf32, #tpu.memory_space<vmem>>) dst(%dma_wait3A_89 : memref<10240x32xf32, #tpu.memory_space<vmem_shared>>)
      tpu.yield
    }) : () -> ()
    %barrier3A_72 = arith.constant 0 : index
    tpu.barrier barrier_id(%barrier3A_72)
    %mul3A_73 = arith.constant 640 : i32
    %mul3A_74 = arith.muli %arg1, %mul3A_73 : i32
    %mul3A_75 = arith.constant 640 : i32
    %mul3A_76 = arith.muli %arg1, %mul3A_75 : i32
    "tpu.region"() ({
      %run_scoped3A_77 = tpu.sem_alloc : memref<!tpu.dma_semaphore, #tpu.memory_space<semaphore_mem>>
      %dma_start3A_78 = arith.constant 0 : i32
      %dma_start3A_79 = tpu.memref_slice %arg6[%arg0, %mul3A_76, %dma_start3A_78] : memref<2x10240x32xf32, #tpu.memory_space<hbm>> -> memref<1x640x32xf32, #tpu.memory_space<hbm>>
      %dma_start3A_80 = tpu.memref_squeeze %dma_start3A_79 : memref<1x640x32xf32, #tpu.memory_space<hbm>> -> memref<640x32xf32, #tpu.memory_space<hbm>>
      %dma_start3A_81 = arith.constant 0 : i32
      %dma_start3A_82 = tpu.memref_slice %arg16[%mul3A_74, %dma_start3A_81] : memref<10240x32xf32, #tpu.memory_space<vmem_shared>> -> memref<640x32xf32, #tpu.memory_space<vmem_shared>>
      tpu.enqueue_dma source(%dma_start3A_82 : memref<640x32xf32, #tpu.memory_space<vmem_shared>>) target(%dma_start3A_80 : memref<640x32xf32, #tpu.memory_space<hbm>>) target_semaphore(%run_scoped3A_77 : memref<!tpu.dma_semaphore, #tpu.memory_space<semaphore_mem>>)
      %dma_wait3A_83 = arith.constant 0 : i32
      %dma_wait3A_84 = tpu.memref_slice %arg6[%arg0, %mul3A_76, %dma_wait3A_83] : memref<2x10240x32xf32, #tpu.memory_space<hbm>> -> memref<1x640x32xf32, #tpu.memory_space<hbm>>
      %dma_wait3A_85 = tpu.memref_squeeze %dma_wait3A_84 : memref<1x640x32xf32, #tpu.memory_space<hbm>> -> memref<640x32xf32, #tpu.memory_space<hbm>>
      %dma_wait3A_86 = arith.constant 0 : i32
      %dma_wait3A_87 = tpu.memref_slice %arg16[%mul3A_74, %dma_wait3A_86] : memref<10240x32xf32, #tpu.memory_space<vmem_shared>> -> memref<640x32xf32, #tpu.memory_space<vmem_shared>>
      tpu.wait_dma2 semaphore(%run_scoped3A_77 : memref<!tpu.dma_semaphore, #tpu.memory_space<semaphore_mem>>) src(%dma_wait3A_87 : memref<640x32xf32, #tpu.memory_space<vmem_shared>>) dst(%dma_wait3A_85 : memref<640x32xf32, #tpu.memory_space<hbm>>)
      tpu.yield
    }) : () -> ()
    return
  }
}

#map = affine_map<(d0, d1) -> (0, 0)>
#map1 = affine_map<(d0, d1) -> (0, 0, 0)>
module attributes {stable_mosaic.version = 14 : i64} {
  func.func @body(%arg0: i32, %arg1: i32, %arg2: memref<10000x16xf32, #tpu.memory_space<hbm>>, %arg3: memref<10000x16xf32, #tpu.memory_space<hbm>>, %arg4: memref<10000x128xbf16, #tpu.memory_space<hbm>>, %arg5: memref<32x250x40xi32, #tpu.memory_space<hbm>>, %arg6: memref<32x250x40xi32, #tpu.memory_space<hbm>>, %arg7: memref<2x10240x136xf32, #tpu.memory_space<hbm>>, %arg8: memref<250x40xi32, #tpu.memory_space<vmem>>, %arg9: memref<250x40xi32, #tpu.memory_space<vmem>>, %arg10: memref<40x16xf32, #tpu.memory_space<vmem>>, %arg11: memref<40x16xf32, #tpu.memory_space<vmem>>, %arg12: memref<40x128xbf16, #tpu.memory_space<vmem>>, %arg13: memref<!tpu.dma_semaphore, #tpu.memory_space<semaphore_mem>>, %arg14: memref<40x16xf32, #tpu.memory_space<vmem>>, %arg15: memref<40x16xf32, #tpu.memory_space<vmem>>, %arg16: memref<40x128xbf16, #tpu.memory_space<vmem>>, %arg17: memref<!tpu.dma_semaphore, #tpu.memory_space<semaphore_mem>>, %arg18: memref<40x136xf32, #tpu.memory_space<vmem>>, %arg19: memref<10240x136xf32, #tpu.memory_space<vmem_shared>>) attributes {dimension_semantics = [#tpu.dimension_semantics<core_parallel>, #tpu.dimension_semantics<subcore_parallel>], iteration_bounds = array<i64: 2, 16>, scalar_prefetch = 0 : i64, scratch_operands = 12 : i64, tpu.core_type = #tpu.core_type<sc_vector_subcore>, window_params = [{transform_indices = #map}, {transform_indices = #map}, {transform_indices = #map}, {transform_indices = #map1}, {transform_indices = #map1}, {transform_indices = #map1}]} {
    %mul3A = arith.constant 2 : i32
    %mul3A_0 = arith.muli %arg1, %mul3A : i32
    %add3A = arith.addi %mul3A_0, %arg0 : i32
    "tpu.region"() ({
      %run_scoped3A_169 = tpu.sem_alloc : memref<!tpu.dma_semaphore, #tpu.memory_space<semaphore_mem>>
      %dma_start3A_170 = arith.constant 0 : i32
      %dma_start3A_171 = arith.constant 0 : i32
      %dma_start3A_172 = tpu.memref_slice %arg5[%add3A, %dma_start3A_170, %dma_start3A_171] : memref<32x250x40xi32, #tpu.memory_space<hbm>> -> memref<1x250x40xi32, #tpu.memory_space<hbm>>
      %dma_start3A_173 = tpu.memref_squeeze %dma_start3A_172 : memref<1x250x40xi32, #tpu.memory_space<hbm>> -> memref<250x40xi32, #tpu.memory_space<hbm>>
      %dma_start3A_174 = arith.constant 0 : i32
      %dma_start3A_175 = arith.constant 0 : i32
      %dma_start3A_176 = tpu.memref_slice %arg5[%add3A, %dma_start3A_174, %dma_start3A_175] : memref<32x250x40xi32, #tpu.memory_space<hbm>> -> memref<1x250x40xi32, #tpu.memory_space<hbm>>
      %dma_start3A_177 = tpu.memref_squeeze %dma_start3A_176 : memref<1x250x40xi32, #tpu.memory_space<hbm>> -> memref<250x40xi32, #tpu.memory_space<hbm>>
      tpu.enqueue_dma source(%dma_start3A_177 : memref<250x40xi32, #tpu.memory_space<hbm>>) target(%arg8 : memref<250x40xi32, #tpu.memory_space<vmem>>) target_semaphore(%run_scoped3A_169 : memref<!tpu.dma_semaphore, #tpu.memory_space<semaphore_mem>>)
      %dma_wait3A_178 = arith.constant 0 : i32
      %dma_wait3A_179 = arith.constant 0 : i32
      %dma_wait3A_180 = tpu.memref_slice %arg5[%add3A, %dma_wait3A_178, %dma_wait3A_179] : memref<32x250x40xi32, #tpu.memory_space<hbm>> -> memref<1x250x40xi32, #tpu.memory_space<hbm>>
      %dma_wait3A_181 = tpu.memref_squeeze %dma_wait3A_180 : memref<1x250x40xi32, #tpu.memory_space<hbm>> -> memref<250x40xi32, #tpu.memory_space<hbm>>
      %dma_wait3A_182 = arith.constant 0 : i32
      %dma_wait3A_183 = arith.constant 0 : i32
      %dma_wait3A_184 = tpu.memref_slice %arg5[%add3A, %dma_wait3A_182, %dma_wait3A_183] : memref<32x250x40xi32, #tpu.memory_space<hbm>> -> memref<1x250x40xi32, #tpu.memory_space<hbm>>
      %dma_wait3A_185 = tpu.memref_squeeze %dma_wait3A_184 : memref<1x250x40xi32, #tpu.memory_space<hbm>> -> memref<250x40xi32, #tpu.memory_space<hbm>>
      tpu.wait_dma2 semaphore(%run_scoped3A_169 : memref<!tpu.dma_semaphore, #tpu.memory_space<semaphore_mem>>) src(%dma_wait3A_185 : memref<250x40xi32, #tpu.memory_space<hbm>>) dst(%arg8 : memref<250x40xi32, #tpu.memory_space<vmem>>)
      tpu.yield
    }) : () -> ()
    "tpu.region"() ({
      %run_scoped3A_169 = tpu.sem_alloc : memref<!tpu.dma_semaphore, #tpu.memory_space<semaphore_mem>>
      %dma_start3A_170 = arith.constant 0 : i32
      %dma_start3A_171 = arith.constant 0 : i32
      %dma_start3A_172 = tpu.memref_slice %arg6[%add3A, %dma_start3A_170, %dma_start3A_171] : memref<32x250x40xi32, #tpu.memory_space<hbm>> -> memref<1x250x40xi32, #tpu.memory_space<hbm>>
      %dma_start3A_173 = tpu.memref_squeeze %dma_start3A_172 : memref<1x250x40xi32, #tpu.memory_space<hbm>> -> memref<250x40xi32, #tpu.memory_space<hbm>>
      %dma_start3A_174 = arith.constant 0 : i32
      %dma_start3A_175 = arith.constant 0 : i32
      %dma_start3A_176 = tpu.memref_slice %arg6[%add3A, %dma_start3A_174, %dma_start3A_175] : memref<32x250x40xi32, #tpu.memory_space<hbm>> -> memref<1x250x40xi32, #tpu.memory_space<hbm>>
      %dma_start3A_177 = tpu.memref_squeeze %dma_start3A_176 : memref<1x250x40xi32, #tpu.memory_space<hbm>> -> memref<250x40xi32, #tpu.memory_space<hbm>>
      tpu.enqueue_dma source(%dma_start3A_177 : memref<250x40xi32, #tpu.memory_space<hbm>>) target(%arg9 : memref<250x40xi32, #tpu.memory_space<vmem>>) target_semaphore(%run_scoped3A_169 : memref<!tpu.dma_semaphore, #tpu.memory_space<semaphore_mem>>)
      %dma_wait3A_178 = arith.constant 0 : i32
      %dma_wait3A_179 = arith.constant 0 : i32
      %dma_wait3A_180 = tpu.memref_slice %arg6[%add3A, %dma_wait3A_178, %dma_wait3A_179] : memref<32x250x40xi32, #tpu.memory_space<hbm>> -> memref<1x250x40xi32, #tpu.memory_space<hbm>>
      %dma_wait3A_181 = tpu.memref_squeeze %dma_wait3A_180 : memref<1x250x40xi32, #tpu.memory_space<hbm>> -> memref<250x40xi32, #tpu.memory_space<hbm>>
      %dma_wait3A_182 = arith.constant 0 : i32
      %dma_wait3A_183 = arith.constant 0 : i32
      %dma_wait3A_184 = tpu.memref_slice %arg6[%add3A, %dma_wait3A_182, %dma_wait3A_183] : memref<32x250x40xi32, #tpu.memory_space<hbm>> -> memref<1x250x40xi32, #tpu.memory_space<hbm>>
      %dma_wait3A_185 = tpu.memref_squeeze %dma_wait3A_184 : memref<1x250x40xi32, #tpu.memory_space<hbm>> -> memref<250x40xi32, #tpu.memory_space<hbm>>
      tpu.wait_dma2 semaphore(%run_scoped3A_169 : memref<!tpu.dma_semaphore, #tpu.memory_space<semaphore_mem>>) src(%dma_wait3A_185 : memref<250x40xi32, #tpu.memory_space<hbm>>) dst(%arg9 : memref<250x40xi32, #tpu.memory_space<vmem>>)
      tpu.yield
    }) : () -> ()
    %scan3A = arith.constant 0 : i32
    %scan3A_1 = arith.constant 0 : i32
    %scan3A_2 = arith.constant 40 : i32
    %scan3A_3 = arith.addi %scan3A_1, %scan3A_2 : i32
    %scan3A_4 = arith.constant 1 : i32
    scf.for %scan3A_169 = %scan3A_1 to %scan3A_3 step %scan3A_4  : i32 {
      %broadcast_in_dim3A = arith.constant 0.000000e+00 : f32
      %broadcast_in_dim3A_170 = vector.broadcast %broadcast_in_dim3A : f32 to vector<16xf32>
      %swap3A = arith.index_cast %scan3A_169 : i32 to index
      %swap3A_171 = arith.constant 0 : index
      %swap3A_172 = tpu.vector_load %arg18[%swap3A, %swap3A_171] {strides = array<i32>} : memref<40x136xf32, #tpu.memory_space<vmem>>, vector<16xf32>,
      tpu.vector_store %arg18[%swap3A, %swap3A_171], %broadcast_in_dim3A_170 {strides = array<i32>} : memref<40x136xf32, #tpu.memory_space<vmem>>, vector<16xf32>,
      %broadcast_in_dim3A_173 = arith.constant 0.000000e+00 : f32
      %broadcast_in_dim3A_174 = vector.broadcast %broadcast_in_dim3A_173 : f32 to vector<16xf32>
      %swap3A_175 = arith.index_cast %scan3A_169 : i32 to index
      %swap3A_176 = arith.constant 16 : index
      %swap3A_177 = tpu.vector_load %arg18[%swap3A_175, %swap3A_176] {strides = array<i32>} : memref<40x136xf32, #tpu.memory_space<vmem>>, vector<16xf32>,
      tpu.vector_store %arg18[%swap3A_175, %swap3A_176], %broadcast_in_dim3A_174 {strides = array<i32>} : memref<40x136xf32, #tpu.memory_space<vmem>>, vector<16xf32>,
      %broadcast_in_dim3A_178 = arith.constant 0.000000e+00 : f32
      %broadcast_in_dim3A_179 = vector.broadcast %broadcast_in_dim3A_178 : f32 to vector<16xf32>
      %swap3A_180 = arith.index_cast %scan3A_169 : i32 to index
      %swap3A_181 = arith.constant 32 : index
      %swap3A_182 = tpu.vector_load %arg18[%swap3A_180, %swap3A_181] {strides = array<i32>} : memref<40x136xf32, #tpu.memory_space<vmem>>, vector<16xf32>,
      tpu.vector_store %arg18[%swap3A_180, %swap3A_181], %broadcast_in_dim3A_179 {strides = array<i32>} : memref<40x136xf32, #tpu.memory_space<vmem>>, vector<16xf32>,
      %broadcast_in_dim3A_183 = arith.constant 0.000000e+00 : f32
      %broadcast_in_dim3A_184 = vector.broadcast %broadcast_in_dim3A_183 : f32 to vector<16xf32>
      %swap3A_185 = arith.index_cast %scan3A_169 : i32 to index
      %swap3A_186 = arith.constant 48 : index
      %swap3A_187 = tpu.vector_load %arg18[%swap3A_185, %swap3A_186] {strides = array<i32>} : memref<40x136xf32, #tpu.memory_space<vmem>>, vector<16xf32>,
      tpu.vector_store %arg18[%swap3A_185, %swap3A_186], %broadcast_in_dim3A_184 {strides = array<i32>} : memref<40x136xf32, #tpu.memory_space<vmem>>, vector<16xf32>,
      %broadcast_in_dim3A_188 = arith.constant 0.000000e+00 : f32
      %broadcast_in_dim3A_189 = vector.broadcast %broadcast_in_dim3A_188 : f32 to vector<16xf32>
      %swap3A_190 = arith.index_cast %scan3A_169 : i32 to index
      %swap3A_191 = arith.constant 64 : index
      %swap3A_192 = tpu.vector_load %arg18[%swap3A_190, %swap3A_191] {strides = array<i32>} : memref<40x136xf32, #tpu.memory_space<vmem>>, vector<16xf32>,
      tpu.vector_store %arg18[%swap3A_190, %swap3A_191], %broadcast_in_dim3A_189 {strides = array<i32>} : memref<40x136xf32, #tpu.memory_space<vmem>>, vector<16xf32>,
      %broadcast_in_dim3A_193 = arith.constant 0.000000e+00 : f32
      %broadcast_in_dim3A_194 = vector.broadcast %broadcast_in_dim3A_193 : f32 to vector<16xf32>
      %swap3A_195 = arith.index_cast %scan3A_169 : i32 to index
      %swap3A_196 = arith.constant 80 : index
      %swap3A_197 = tpu.vector_load %arg18[%swap3A_195, %swap3A_196] {strides = array<i32>} : memref<40x136xf32, #tpu.memory_space<vmem>>, vector<16xf32>,
      tpu.vector_store %arg18[%swap3A_195, %swap3A_196], %broadcast_in_dim3A_194 {strides = array<i32>} : memref<40x136xf32, #tpu.memory_space<vmem>>, vector<16xf32>,
      %broadcast_in_dim3A_198 = arith.constant 0.000000e+00 : f32
      %broadcast_in_dim3A_199 = vector.broadcast %broadcast_in_dim3A_198 : f32 to vector<16xf32>
      %swap3A_200 = arith.index_cast %scan3A_169 : i32 to index
      %swap3A_201 = arith.constant 96 : index
      %swap3A_202 = tpu.vector_load %arg18[%swap3A_200, %swap3A_201] {strides = array<i32>} : memref<40x136xf32, #tpu.memory_space<vmem>>, vector<16xf32>,
      tpu.vector_store %arg18[%swap3A_200, %swap3A_201], %broadcast_in_dim3A_199 {strides = array<i32>} : memref<40x136xf32, #tpu.memory_space<vmem>>, vector<16xf32>,
      %broadcast_in_dim3A_203 = arith.constant 0.000000e+00 : f32
      %broadcast_in_dim3A_204 = vector.broadcast %broadcast_in_dim3A_203 : f32 to vector<16xf32>
      %swap3A_205 = arith.index_cast %scan3A_169 : i32 to index
      %swap3A_206 = arith.constant 112 : index
      %swap3A_207 = tpu.vector_load %arg18[%swap3A_205, %swap3A_206] {strides = array<i32>} : memref<40x136xf32, #tpu.memory_space<vmem>>, vector<16xf32>,
      tpu.vector_store %arg18[%swap3A_205, %swap3A_206], %broadcast_in_dim3A_204 {strides = array<i32>} : memref<40x136xf32, #tpu.memory_space<vmem>>, vector<16xf32>,
      %broadcast_in_dim3A_208 = arith.constant 0.000000e+00 : f32
      %broadcast_in_dim3A_209 = vector.broadcast %broadcast_in_dim3A_208 : f32 to vector<16xf32>
      %swap3A_210 = arith.index_cast %scan3A_169 : i32 to index
      %swap3A_211 = arith.constant 120 : index
      %swap3A_212 = tpu.vector_load %arg18[%swap3A_210, %swap3A_211] {strides = array<i32>} : memref<40x136xf32, #tpu.memory_space<vmem>>, vector<16xf32>,
      tpu.vector_store %arg18[%swap3A_210, %swap3A_211], %broadcast_in_dim3A_209 {strides = array<i32>} : memref<40x136xf32, #tpu.memory_space<vmem>>, vector<16xf32>,
    }
    %scan3A_5 = arith.constant 40 : i32
    %mul3A_6 = arith.constant 640 : i32
    %mul3A_7 = arith.muli %arg1, %mul3A_6 : i32
    %add3A_8 = arith.constant 0 : i32
    %add3A_9 = arith.addi %mul3A_7, %add3A_8 : i32
    "tpu.region"() ({
      %run_scoped3A_169 = tpu.sem_alloc : memref<!tpu.dma_semaphore, #tpu.memory_space<semaphore_mem>>
      %dma_start3A_170 = arith.constant 0 : i32
      %dma_start3A_171 = tpu.memref_slice %arg19[%add3A_9, %dma_start3A_170] : memref<10240x136xf32, #tpu.memory_space<vmem_shared>> -> memref<40x136xf32, #tpu.memory_space<vmem_shared>>
      %dma_start3A_172 = arith.constant 0 : i32
      %dma_start3A_173 = tpu.memref_slice %arg19[%add3A_9, %dma_start3A_172] : memref<10240x136xf32, #tpu.memory_space<vmem_shared>> -> memref<40x136xf32, #tpu.memory_space<vmem_shared>>
      tpu.enqueue_dma source(%arg18 : memref<40x136xf32, #tpu.memory_space<vmem>>) target(%dma_start3A_173 : memref<40x136xf32, #tpu.memory_space<vmem_shared>>) target_semaphore(%run_scoped3A_169 : memref<!tpu.dma_semaphore, #tpu.memory_space<semaphore_mem>>)
      %dma_wait3A_174 = arith.constant 0 : i32
      %dma_wait3A_175 = tpu.memref_slice %arg19[%add3A_9, %dma_wait3A_174] : memref<10240x136xf32, #tpu.memory_space<vmem_shared>> -> memref<40x136xf32, #tpu.memory_space<vmem_shared>>
      %dma_wait3A_176 = arith.constant 0 : i32
      %dma_wait3A_177 = tpu.memref_slice %arg19[%add3A_9, %dma_wait3A_176] : memref<10240x136xf32, #tpu.memory_space<vmem_shared>> -> memref<40x136xf32, #tpu.memory_space<vmem_shared>>
      tpu.wait_dma2 semaphore(%run_scoped3A_169 : memref<!tpu.dma_semaphore, #tpu.memory_space<semaphore_mem>>) src(%arg18 : memref<40x136xf32, #tpu.memory_space<vmem>>) dst(%dma_wait3A_177 : memref<40x136xf32, #tpu.memory_space<vmem_shared>>)
      tpu.yield
    }) : () -> ()
    %mul3A_10 = arith.constant 640 : i32
    %mul3A_11 = arith.muli %arg1, %mul3A_10 : i32
    %add3A_12 = arith.constant 40 : i32
    %add3A_13 = arith.addi %mul3A_11, %add3A_12 : i32
    "tpu.region"() ({
      %run_scoped3A_169 = tpu.sem_alloc : memref<!tpu.dma_semaphore, #tpu.memory_space<semaphore_mem>>
      %dma_start3A_170 = arith.constant 0 : i32
      %dma_start3A_171 = tpu.memref_slice %arg19[%add3A_13, %dma_start3A_170] : memref<10240x136xf32, #tpu.memory_space<vmem_shared>> -> memref<40x136xf32, #tpu.memory_space<vmem_shared>>
      %dma_start3A_172 = arith.constant 0 : i32
      %dma_start3A_173 = tpu.memref_slice %arg19[%add3A_13, %dma_start3A_172] : memref<10240x136xf32, #tpu.memory_space<vmem_shared>> -> memref<40x136xf32, #tpu.memory_space<vmem_shared>>
      tpu.enqueue_dma source(%arg18 : memref<40x136xf32, #tpu.memory_space<vmem>>) target(%dma_start3A_173 : memref<40x136xf32, #tpu.memory_space<vmem_shared>>) target_semaphore(%run_scoped3A_169 : memref<!tpu.dma_semaphore, #tpu.memory_space<semaphore_mem>>)
      %dma_wait3A_174 = arith.constant 0 : i32
      %dma_wait3A_175 = tpu.memref_slice %arg19[%add3A_13, %dma_wait3A_174] : memref<10240x136xf32, #tpu.memory_space<vmem_shared>> -> memref<40x136xf32, #tpu.memory_space<vmem_shared>>
      %dma_wait3A_176 = arith.constant 0 : i32
      %dma_wait3A_177 = tpu.memref_slice %arg19[%add3A_13, %dma_wait3A_176] : memref<10240x136xf32, #tpu.memory_space<vmem_shared>> -> memref<40x136xf32, #tpu.memory_space<vmem_shared>>
      tpu.wait_dma2 semaphore(%run_scoped3A_169 : memref<!tpu.dma_semaphore, #tpu.memory_space<semaphore_mem>>) src(%arg18 : memref<40x136xf32, #tpu.memory_space<vmem>>) dst(%dma_wait3A_177 : memref<40x136xf32, #tpu.memory_space<vmem_shared>>)
      tpu.yield
    }) : () -> ()
    %mul3A_14 = arith.constant 640 : i32
    %mul3A_15 = arith.muli %arg1, %mul3A_14 : i32
    %add3A_16 = arith.constant 80 : i32
    %add3A_17 = arith.addi %mul3A_15, %add3A_16 : i32
    "tpu.region"() ({
      %run_scoped3A_169 = tpu.sem_alloc : memref<!tpu.dma_semaphore, #tpu.memory_space<semaphore_mem>>
      %dma_start3A_170 = arith.constant 0 : i32
      %dma_start3A_171 = tpu.memref_slice %arg19[%add3A_17, %dma_start3A_170] : memref<10240x136xf32, #tpu.memory_space<vmem_shared>> -> memref<40x136xf32, #tpu.memory_space<vmem_shared>>
      %dma_start3A_172 = arith.constant 0 : i32
      %dma_start3A_173 = tpu.memref_slice %arg19[%add3A_17, %dma_start3A_172] : memref<10240x136xf32, #tpu.memory_space<vmem_shared>> -> memref<40x136xf32, #tpu.memory_space<vmem_shared>>
      tpu.enqueue_dma source(%arg18 : memref<40x136xf32, #tpu.memory_space<vmem>>) target(%dma_start3A_173 : memref<40x136xf32, #tpu.memory_space<vmem_shared>>) target_semaphore(%run_scoped3A_169 : memref<!tpu.dma_semaphore, #tpu.memory_space<semaphore_mem>>)
      %dma_wait3A_174 = arith.constant 0 : i32
      %dma_wait3A_175 = tpu.memref_slice %arg19[%add3A_17, %dma_wait3A_174] : memref<10240x136xf32, #tpu.memory_space<vmem_shared>> -> memref<40x136xf32, #tpu.memory_space<vmem_shared>>
      %dma_wait3A_176 = arith.constant 0 : i32
      %dma_wait3A_177 = tpu.memref_slice %arg19[%add3A_17, %dma_wait3A_176] : memref<10240x136xf32, #tpu.memory_space<vmem_shared>> -> memref<40x136xf32, #tpu.memory_space<vmem_shared>>
      tpu.wait_dma2 semaphore(%run_scoped3A_169 : memref<!tpu.dma_semaphore, #tpu.memory_space<semaphore_mem>>) src(%arg18 : memref<40x136xf32, #tpu.memory_space<vmem>>) dst(%dma_wait3A_177 : memref<40x136xf32, #tpu.memory_space<vmem_shared>>)
      tpu.yield
    }) : () -> ()
    %mul3A_18 = arith.constant 640 : i32
    %mul3A_19 = arith.muli %arg1, %mul3A_18 : i32
    %add3A_20 = arith.constant 120 : i32
    %add3A_21 = arith.addi %mul3A_19, %add3A_20 : i32
    "tpu.region"() ({
      %run_scoped3A_169 = tpu.sem_alloc : memref<!tpu.dma_semaphore, #tpu.memory_space<semaphore_mem>>
      %dma_start3A_170 = arith.constant 0 : i32
      %dma_start3A_171 = tpu.memref_slice %arg19[%add3A_21, %dma_start3A_170] : memref<10240x136xf32, #tpu.memory_space<vmem_shared>> -> memref<40x136xf32, #tpu.memory_space<vmem_shared>>
      %dma_start3A_172 = arith.constant 0 : i32
      %dma_start3A_173 = tpu.memref_slice %arg19[%add3A_21, %dma_start3A_172] : memref<10240x136xf32, #tpu.memory_space<vmem_shared>> -> memref<40x136xf32, #tpu.memory_space<vmem_shared>>
      tpu.enqueue_dma source(%arg18 : memref<40x136xf32, #tpu.memory_space<vmem>>) target(%dma_start3A_173 : memref<40x136xf32, #tpu.memory_space<vmem_shared>>) target_semaphore(%run_scoped3A_169 : memref<!tpu.dma_semaphore, #tpu.memory_space<semaphore_mem>>)
      %dma_wait3A_174 = arith.constant 0 : i32
      %dma_wait3A_175 = tpu.memref_slice %arg19[%add3A_21, %dma_wait3A_174] : memref<10240x136xf32, #tpu.memory_space<vmem_shared>> -> memref<40x136xf32, #tpu.memory_space<vmem_shared>>
      %dma_wait3A_176 = arith.constant 0 : i32
      %dma_wait3A_177 = tpu.memref_slice %arg19[%add3A_21, %dma_wait3A_176] : memref<10240x136xf32, #tpu.memory_space<vmem_shared>> -> memref<40x136xf32, #tpu.memory_space<vmem_shared>>
      tpu.wait_dma2 semaphore(%run_scoped3A_169 : memref<!tpu.dma_semaphore, #tpu.memory_space<semaphore_mem>>) src(%arg18 : memref<40x136xf32, #tpu.memory_space<vmem>>) dst(%dma_wait3A_177 : memref<40x136xf32, #tpu.memory_space<vmem_shared>>)
      tpu.yield
    }) : () -> ()
    %mul3A_22 = arith.constant 640 : i32
    %mul3A_23 = arith.muli %arg1, %mul3A_22 : i32
    %add3A_24 = arith.constant 160 : i32
    %add3A_25 = arith.addi %mul3A_23, %add3A_24 : i32
    "tpu.region"() ({
      %run_scoped3A_169 = tpu.sem_alloc : memref<!tpu.dma_semaphore, #tpu.memory_space<semaphore_mem>>
      %dma_start3A_170 = arith.constant 0 : i32
      %dma_start3A_171 = tpu.memref_slice %arg19[%add3A_25, %dma_start3A_170] : memref<10240x136xf32, #tpu.memory_space<vmem_shared>> -> memref<40x136xf32, #tpu.memory_space<vmem_shared>>
      %dma_start3A_172 = arith.constant 0 : i32
      %dma_start3A_173 = tpu.memref_slice %arg19[%add3A_25, %dma_start3A_172] : memref<10240x136xf32, #tpu.memory_space<vmem_shared>> -> memref<40x136xf32, #tpu.memory_space<vmem_shared>>
      tpu.enqueue_dma source(%arg18 : memref<40x136xf32, #tpu.memory_space<vmem>>) target(%dma_start3A_173 : memref<40x136xf32, #tpu.memory_space<vmem_shared>>) target_semaphore(%run_scoped3A_169 : memref<!tpu.dma_semaphore, #tpu.memory_space<semaphore_mem>>)
      %dma_wait3A_174 = arith.constant 0 : i32
      %dma_wait3A_175 = tpu.memref_slice %arg19[%add3A_25, %dma_wait3A_174] : memref<10240x136xf32, #tpu.memory_space<vmem_shared>> -> memref<40x136xf32, #tpu.memory_space<vmem_shared>>
      %dma_wait3A_176 = arith.constant 0 : i32
      %dma_wait3A_177 = tpu.memref_slice %arg19[%add3A_25, %dma_wait3A_176] : memref<10240x136xf32, #tpu.memory_space<vmem_shared>> -> memref<40x136xf32, #tpu.memory_space<vmem_shared>>
      tpu.wait_dma2 semaphore(%run_scoped3A_169 : memref<!tpu.dma_semaphore, #tpu.memory_space<semaphore_mem>>) src(%arg18 : memref<40x136xf32, #tpu.memory_space<vmem>>) dst(%dma_wait3A_177 : memref<40x136xf32, #tpu.memory_space<vmem_shared>>)
      tpu.yield
    }) : () -> ()
    %mul3A_26 = arith.constant 640 : i32
    %mul3A_27 = arith.muli %arg1, %mul3A_26 : i32
    %add3A_28 = arith.constant 200 : i32
    %add3A_29 = arith.addi %mul3A_27, %add3A_28 : i32
    "tpu.region"() ({
      %run_scoped3A_169 = tpu.sem_alloc : memref<!tpu.dma_semaphore, #tpu.memory_space<semaphore_mem>>
      %dma_start3A_170 = arith.constant 0 : i32
      %dma_start3A_171 = tpu.memref_slice %arg19[%add3A_29, %dma_start3A_170] : memref<10240x136xf32, #tpu.memory_space<vmem_shared>> -> memref<40x136xf32, #tpu.memory_space<vmem_shared>>
      %dma_start3A_172 = arith.constant 0 : i32
      %dma_start3A_173 = tpu.memref_slice %arg19[%add3A_29, %dma_start3A_172] : memref<10240x136xf32, #tpu.memory_space<vmem_shared>> -> memref<40x136xf32, #tpu.memory_space<vmem_shared>>
      tpu.enqueue_dma source(%arg18 : memref<40x136xf32, #tpu.memory_space<vmem>>) target(%dma_start3A_173 : memref<40x136xf32, #tpu.memory_space<vmem_shared>>) target_semaphore(%run_scoped3A_169 : memref<!tpu.dma_semaphore, #tpu.memory_space<semaphore_mem>>)
      %dma_wait3A_174 = arith.constant 0 : i32
      %dma_wait3A_175 = tpu.memref_slice %arg19[%add3A_29, %dma_wait3A_174] : memref<10240x136xf32, #tpu.memory_space<vmem_shared>> -> memref<40x136xf32, #tpu.memory_space<vmem_shared>>
      %dma_wait3A_176 = arith.constant 0 : i32
      %dma_wait3A_177 = tpu.memref_slice %arg19[%add3A_29, %dma_wait3A_176] : memref<10240x136xf32, #tpu.memory_space<vmem_shared>> -> memref<40x136xf32, #tpu.memory_space<vmem_shared>>
      tpu.wait_dma2 semaphore(%run_scoped3A_169 : memref<!tpu.dma_semaphore, #tpu.memory_space<semaphore_mem>>) src(%arg18 : memref<40x136xf32, #tpu.memory_space<vmem>>) dst(%dma_wait3A_177 : memref<40x136xf32, #tpu.memory_space<vmem_shared>>)
      tpu.yield
    }) : () -> ()
    %mul3A_30 = arith.constant 640 : i32
    %mul3A_31 = arith.muli %arg1, %mul3A_30 : i32
    %add3A_32 = arith.constant 240 : i32
    %add3A_33 = arith.addi %mul3A_31, %add3A_32 : i32
    "tpu.region"() ({
      %run_scoped3A_169 = tpu.sem_alloc : memref<!tpu.dma_semaphore, #tpu.memory_space<semaphore_mem>>
      %dma_start3A_170 = arith.constant 0 : i32
      %dma_start3A_171 = tpu.memref_slice %arg19[%add3A_33, %dma_start3A_170] : memref<10240x136xf32, #tpu.memory_space<vmem_shared>> -> memref<40x136xf32, #tpu.memory_space<vmem_shared>>
      %dma_start3A_172 = arith.constant 0 : i32
      %dma_start3A_173 = tpu.memref_slice %arg19[%add3A_33, %dma_start3A_172] : memref<10240x136xf32, #tpu.memory_space<vmem_shared>> -> memref<40x136xf32, #tpu.memory_space<vmem_shared>>
      tpu.enqueue_dma source(%arg18 : memref<40x136xf32, #tpu.memory_space<vmem>>) target(%dma_start3A_173 : memref<40x136xf32, #tpu.memory_space<vmem_shared>>) target_semaphore(%run_scoped3A_169 : memref<!tpu.dma_semaphore, #tpu.memory_space<semaphore_mem>>)
      %dma_wait3A_174 = arith.constant 0 : i32
      %dma_wait3A_175 = tpu.memref_slice %arg19[%add3A_33, %dma_wait3A_174] : memref<10240x136xf32, #tpu.memory_space<vmem_shared>> -> memref<40x136xf32, #tpu.memory_space<vmem_shared>>
      %dma_wait3A_176 = arith.constant 0 : i32
      %dma_wait3A_177 = tpu.memref_slice %arg19[%add3A_33, %dma_wait3A_176] : memref<10240x136xf32, #tpu.memory_space<vmem_shared>> -> memref<40x136xf32, #tpu.memory_space<vmem_shared>>
      tpu.wait_dma2 semaphore(%run_scoped3A_169 : memref<!tpu.dma_semaphore, #tpu.memory_space<semaphore_mem>>) src(%arg18 : memref<40x136xf32, #tpu.memory_space<vmem>>) dst(%dma_wait3A_177 : memref<40x136xf32, #tpu.memory_space<vmem_shared>>)
      tpu.yield
    }) : () -> ()
    %mul3A_34 = arith.constant 640 : i32
    %mul3A_35 = arith.muli %arg1, %mul3A_34 : i32
    %add3A_36 = arith.constant 280 : i32
    %add3A_37 = arith.addi %mul3A_35, %add3A_36 : i32
    "tpu.region"() ({
      %run_scoped3A_169 = tpu.sem_alloc : memref<!tpu.dma_semaphore, #tpu.memory_space<semaphore_mem>>
      %dma_start3A_170 = arith.constant 0 : i32
      %dma_start3A_171 = tpu.memref_slice %arg19[%add3A_37, %dma_start3A_170] : memref<10240x136xf32, #tpu.memory_space<vmem_shared>> -> memref<40x136xf32, #tpu.memory_space<vmem_shared>>
      %dma_start3A_172 = arith.constant 0 : i32
      %dma_start3A_173 = tpu.memref_slice %arg19[%add3A_37, %dma_start3A_172] : memref<10240x136xf32, #tpu.memory_space<vmem_shared>> -> memref<40x136xf32, #tpu.memory_space<vmem_shared>>
      tpu.enqueue_dma source(%arg18 : memref<40x136xf32, #tpu.memory_space<vmem>>) target(%dma_start3A_173 : memref<40x136xf32, #tpu.memory_space<vmem_shared>>) target_semaphore(%run_scoped3A_169 : memref<!tpu.dma_semaphore, #tpu.memory_space<semaphore_mem>>)
      %dma_wait3A_174 = arith.constant 0 : i32
      %dma_wait3A_175 = tpu.memref_slice %arg19[%add3A_37, %dma_wait3A_174] : memref<10240x136xf32, #tpu.memory_space<vmem_shared>> -> memref<40x136xf32, #tpu.memory_space<vmem_shared>>
      %dma_wait3A_176 = arith.constant 0 : i32
      %dma_wait3A_177 = tpu.memref_slice %arg19[%add3A_37, %dma_wait3A_176] : memref<10240x136xf32, #tpu.memory_space<vmem_shared>> -> memref<40x136xf32, #tpu.memory_space<vmem_shared>>
      tpu.wait_dma2 semaphore(%run_scoped3A_169 : memref<!tpu.dma_semaphore, #tpu.memory_space<semaphore_mem>>) src(%arg18 : memref<40x136xf32, #tpu.memory_space<vmem>>) dst(%dma_wait3A_177 : memref<40x136xf32, #tpu.memory_space<vmem_shared>>)
      tpu.yield
    }) : () -> ()
    %mul3A_38 = arith.constant 640 : i32
    %mul3A_39 = arith.muli %arg1, %mul3A_38 : i32
    %add3A_40 = arith.constant 320 : i32
    %add3A_41 = arith.addi %mul3A_39, %add3A_40 : i32
    "tpu.region"() ({
      %run_scoped3A_169 = tpu.sem_alloc : memref<!tpu.dma_semaphore, #tpu.memory_space<semaphore_mem>>
      %dma_start3A_170 = arith.constant 0 : i32
      %dma_start3A_171 = tpu.memref_slice %arg19[%add3A_41, %dma_start3A_170] : memref<10240x136xf32, #tpu.memory_space<vmem_shared>> -> memref<40x136xf32, #tpu.memory_space<vmem_shared>>
      %dma_start3A_172 = arith.constant 0 : i32
      %dma_start3A_173 = tpu.memref_slice %arg19[%add3A_41, %dma_start3A_172] : memref<10240x136xf32, #tpu.memory_space<vmem_shared>> -> memref<40x136xf32, #tpu.memory_space<vmem_shared>>
      tpu.enqueue_dma source(%arg18 : memref<40x136xf32, #tpu.memory_space<vmem>>) target(%dma_start3A_173 : memref<40x136xf32, #tpu.memory_space<vmem_shared>>) target_semaphore(%run_scoped3A_169 : memref<!tpu.dma_semaphore, #tpu.memory_space<semaphore_mem>>)
      %dma_wait3A_174 = arith.constant 0 : i32
      %dma_wait3A_175 = tpu.memref_slice %arg19[%add3A_41, %dma_wait3A_174] : memref<10240x136xf32, #tpu.memory_space<vmem_shared>> -> memref<40x136xf32, #tpu.memory_space<vmem_shared>>
      %dma_wait3A_176 = arith.constant 0 : i32
      %dma_wait3A_177 = tpu.memref_slice %arg19[%add3A_41, %dma_wait3A_176] : memref<10240x136xf32, #tpu.memory_space<vmem_shared>> -> memref<40x136xf32, #tpu.memory_space<vmem_shared>>
      tpu.wait_dma2 semaphore(%run_scoped3A_169 : memref<!tpu.dma_semaphore, #tpu.memory_space<semaphore_mem>>) src(%arg18 : memref<40x136xf32, #tpu.memory_space<vmem>>) dst(%dma_wait3A_177 : memref<40x136xf32, #tpu.memory_space<vmem_shared>>)
      tpu.yield
    }) : () -> ()
    %mul3A_42 = arith.constant 640 : i32
    %mul3A_43 = arith.muli %arg1, %mul3A_42 : i32
    %add3A_44 = arith.constant 360 : i32
    %add3A_45 = arith.addi %mul3A_43, %add3A_44 : i32
    "tpu.region"() ({
      %run_scoped3A_169 = tpu.sem_alloc : memref<!tpu.dma_semaphore, #tpu.memory_space<semaphore_mem>>
      %dma_start3A_170 = arith.constant 0 : i32
      %dma_start3A_171 = tpu.memref_slice %arg19[%add3A_45, %dma_start3A_170] : memref<10240x136xf32, #tpu.memory_space<vmem_shared>> -> memref<40x136xf32, #tpu.memory_space<vmem_shared>>
      %dma_start3A_172 = arith.constant 0 : i32
      %dma_start3A_173 = tpu.memref_slice %arg19[%add3A_45, %dma_start3A_172] : memref<10240x136xf32, #tpu.memory_space<vmem_shared>> -> memref<40x136xf32, #tpu.memory_space<vmem_shared>>
      tpu.enqueue_dma source(%arg18 : memref<40x136xf32, #tpu.memory_space<vmem>>) target(%dma_start3A_173 : memref<40x136xf32, #tpu.memory_space<vmem_shared>>) target_semaphore(%run_scoped3A_169 : memref<!tpu.dma_semaphore, #tpu.memory_space<semaphore_mem>>)
      %dma_wait3A_174 = arith.constant 0 : i32
      %dma_wait3A_175 = tpu.memref_slice %arg19[%add3A_45, %dma_wait3A_174] : memref<10240x136xf32, #tpu.memory_space<vmem_shared>> -> memref<40x136xf32, #tpu.memory_space<vmem_shared>>
      %dma_wait3A_176 = arith.constant 0 : i32
      %dma_wait3A_177 = tpu.memref_slice %arg19[%add3A_45, %dma_wait3A_176] : memref<10240x136xf32, #tpu.memory_space<vmem_shared>> -> memref<40x136xf32, #tpu.memory_space<vmem_shared>>
      tpu.wait_dma2 semaphore(%run_scoped3A_169 : memref<!tpu.dma_semaphore, #tpu.memory_space<semaphore_mem>>) src(%arg18 : memref<40x136xf32, #tpu.memory_space<vmem>>) dst(%dma_wait3A_177 : memref<40x136xf32, #tpu.memory_space<vmem_shared>>)
      tpu.yield
    }) : () -> ()
    %mul3A_46 = arith.constant 640 : i32
    %mul3A_47 = arith.muli %arg1, %mul3A_46 : i32
    %add3A_48 = arith.constant 400 : i32
    %add3A_49 = arith.addi %mul3A_47, %add3A_48 : i32
    "tpu.region"() ({
      %run_scoped3A_169 = tpu.sem_alloc : memref<!tpu.dma_semaphore, #tpu.memory_space<semaphore_mem>>
      %dma_start3A_170 = arith.constant 0 : i32
      %dma_start3A_171 = tpu.memref_slice %arg19[%add3A_49, %dma_start3A_170] : memref<10240x136xf32, #tpu.memory_space<vmem_shared>> -> memref<40x136xf32, #tpu.memory_space<vmem_shared>>
      %dma_start3A_172 = arith.constant 0 : i32
      %dma_start3A_173 = tpu.memref_slice %arg19[%add3A_49, %dma_start3A_172] : memref<10240x136xf32, #tpu.memory_space<vmem_shared>> -> memref<40x136xf32, #tpu.memory_space<vmem_shared>>
      tpu.enqueue_dma source(%arg18 : memref<40x136xf32, #tpu.memory_space<vmem>>) target(%dma_start3A_173 : memref<40x136xf32, #tpu.memory_space<vmem_shared>>) target_semaphore(%run_scoped3A_169 : memref<!tpu.dma_semaphore, #tpu.memory_space<semaphore_mem>>)
      %dma_wait3A_174 = arith.constant 0 : i32
      %dma_wait3A_175 = tpu.memref_slice %arg19[%add3A_49, %dma_wait3A_174] : memref<10240x136xf32, #tpu.memory_space<vmem_shared>> -> memref<40x136xf32, #tpu.memory_space<vmem_shared>>
      %dma_wait3A_176 = arith.constant 0 : i32
      %dma_wait3A_177 = tpu.memref_slice %arg19[%add3A_49, %dma_wait3A_176] : memref<10240x136xf32, #tpu.memory_space<vmem_shared>> -> memref<40x136xf32, #tpu.memory_space<vmem_shared>>
      tpu.wait_dma2 semaphore(%run_scoped3A_169 : memref<!tpu.dma_semaphore, #tpu.memory_space<semaphore_mem>>) src(%arg18 : memref<40x136xf32, #tpu.memory_space<vmem>>) dst(%dma_wait3A_177 : memref<40x136xf32, #tpu.memory_space<vmem_shared>>)
      tpu.yield
    }) : () -> ()
    %mul3A_50 = arith.constant 640 : i32
    %mul3A_51 = arith.muli %arg1, %mul3A_50 : i32
    %add3A_52 = arith.constant 440 : i32
    %add3A_53 = arith.addi %mul3A_51, %add3A_52 : i32
    "tpu.region"() ({
      %run_scoped3A_169 = tpu.sem_alloc : memref<!tpu.dma_semaphore, #tpu.memory_space<semaphore_mem>>
      %dma_start3A_170 = arith.constant 0 : i32
      %dma_start3A_171 = tpu.memref_slice %arg19[%add3A_53, %dma_start3A_170] : memref<10240x136xf32, #tpu.memory_space<vmem_shared>> -> memref<40x136xf32, #tpu.memory_space<vmem_shared>>
      %dma_start3A_172 = arith.constant 0 : i32
      %dma_start3A_173 = tpu.memref_slice %arg19[%add3A_53, %dma_start3A_172] : memref<10240x136xf32, #tpu.memory_space<vmem_shared>> -> memref<40x136xf32, #tpu.memory_space<vmem_shared>>
      tpu.enqueue_dma source(%arg18 : memref<40x136xf32, #tpu.memory_space<vmem>>) target(%dma_start3A_173 : memref<40x136xf32, #tpu.memory_space<vmem_shared>>) target_semaphore(%run_scoped3A_169 : memref<!tpu.dma_semaphore, #tpu.memory_space<semaphore_mem>>)
      %dma_wait3A_174 = arith.constant 0 : i32
      %dma_wait3A_175 = tpu.memref_slice %arg19[%add3A_53, %dma_wait3A_174] : memref<10240x136xf32, #tpu.memory_space<vmem_shared>> -> memref<40x136xf32, #tpu.memory_space<vmem_shared>>
      %dma_wait3A_176 = arith.constant 0 : i32
      %dma_wait3A_177 = tpu.memref_slice %arg19[%add3A_53, %dma_wait3A_176] : memref<10240x136xf32, #tpu.memory_space<vmem_shared>> -> memref<40x136xf32, #tpu.memory_space<vmem_shared>>
      tpu.wait_dma2 semaphore(%run_scoped3A_169 : memref<!tpu.dma_semaphore, #tpu.memory_space<semaphore_mem>>) src(%arg18 : memref<40x136xf32, #tpu.memory_space<vmem>>) dst(%dma_wait3A_177 : memref<40x136xf32, #tpu.memory_space<vmem_shared>>)
      tpu.yield
    }) : () -> ()
    %mul3A_54 = arith.constant 640 : i32
    %mul3A_55 = arith.muli %arg1, %mul3A_54 : i32
    %add3A_56 = arith.constant 480 : i32
    %add3A_57 = arith.addi %mul3A_55, %add3A_56 : i32
    "tpu.region"() ({
      %run_scoped3A_169 = tpu.sem_alloc : memref<!tpu.dma_semaphore, #tpu.memory_space<semaphore_mem>>
      %dma_start3A_170 = arith.constant 0 : i32
      %dma_start3A_171 = tpu.memref_slice %arg19[%add3A_57, %dma_start3A_170] : memref<10240x136xf32, #tpu.memory_space<vmem_shared>> -> memref<40x136xf32, #tpu.memory_space<vmem_shared>>
      %dma_start3A_172 = arith.constant 0 : i32
      %dma_start3A_173 = tpu.memref_slice %arg19[%add3A_57, %dma_start3A_172] : memref<10240x136xf32, #tpu.memory_space<vmem_shared>> -> memref<40x136xf32, #tpu.memory_space<vmem_shared>>
      tpu.enqueue_dma source(%arg18 : memref<40x136xf32, #tpu.memory_space<vmem>>) target(%dma_start3A_173 : memref<40x136xf32, #tpu.memory_space<vmem_shared>>) target_semaphore(%run_scoped3A_169 : memref<!tpu.dma_semaphore, #tpu.memory_space<semaphore_mem>>)
      %dma_wait3A_174 = arith.constant 0 : i32
      %dma_wait3A_175 = tpu.memref_slice %arg19[%add3A_57, %dma_wait3A_174] : memref<10240x136xf32, #tpu.memory_space<vmem_shared>> -> memref<40x136xf32, #tpu.memory_space<vmem_shared>>
      %dma_wait3A_176 = arith.constant 0 : i32
      %dma_wait3A_177 = tpu.memref_slice %arg19[%add3A_57, %dma_wait3A_176] : memref<10240x136xf32, #tpu.memory_space<vmem_shared>> -> memref<40x136xf32, #tpu.memory_space<vmem_shared>>
      tpu.wait_dma2 semaphore(%run_scoped3A_169 : memref<!tpu.dma_semaphore, #tpu.memory_space<semaphore_mem>>) src(%arg18 : memref<40x136xf32, #tpu.memory_space<vmem>>) dst(%dma_wait3A_177 : memref<40x136xf32, #tpu.memory_space<vmem_shared>>)
      tpu.yield
    }) : () -> ()
    %mul3A_58 = arith.constant 640 : i32
    %mul3A_59 = arith.muli %arg1, %mul3A_58 : i32
    %add3A_60 = arith.constant 520 : i32
    %add3A_61 = arith.addi %mul3A_59, %add3A_60 : i32
    "tpu.region"() ({
      %run_scoped3A_169 = tpu.sem_alloc : memref<!tpu.dma_semaphore, #tpu.memory_space<semaphore_mem>>
      %dma_start3A_170 = arith.constant 0 : i32
      %dma_start3A_171 = tpu.memref_slice %arg19[%add3A_61, %dma_start3A_170] : memref<10240x136xf32, #tpu.memory_space<vmem_shared>> -> memref<40x136xf32, #tpu.memory_space<vmem_shared>>
      %dma_start3A_172 = arith.constant 0 : i32
      %dma_start3A_173 = tpu.memref_slice %arg19[%add3A_61, %dma_start3A_172] : memref<10240x136xf32, #tpu.memory_space<vmem_shared>> -> memref<40x136xf32, #tpu.memory_space<vmem_shared>>
      tpu.enqueue_dma source(%arg18 : memref<40x136xf32, #tpu.memory_space<vmem>>) target(%dma_start3A_173 : memref<40x136xf32, #tpu.memory_space<vmem_shared>>) target_semaphore(%run_scoped3A_169 : memref<!tpu.dma_semaphore, #tpu.memory_space<semaphore_mem>>)
      %dma_wait3A_174 = arith.constant 0 : i32
      %dma_wait3A_175 = tpu.memref_slice %arg19[%add3A_61, %dma_wait3A_174] : memref<10240x136xf32, #tpu.memory_space<vmem_shared>> -> memref<40x136xf32, #tpu.memory_space<vmem_shared>>
      %dma_wait3A_176 = arith.constant 0 : i32
      %dma_wait3A_177 = tpu.memref_slice %arg19[%add3A_61, %dma_wait3A_176] : memref<10240x136xf32, #tpu.memory_space<vmem_shared>> -> memref<40x136xf32, #tpu.memory_space<vmem_shared>>
      tpu.wait_dma2 semaphore(%run_scoped3A_169 : memref<!tpu.dma_semaphore, #tpu.memory_space<semaphore_mem>>) src(%arg18 : memref<40x136xf32, #tpu.memory_space<vmem>>) dst(%dma_wait3A_177 : memref<40x136xf32, #tpu.memory_space<vmem_shared>>)
      tpu.yield
    }) : () -> ()
    %mul3A_62 = arith.constant 640 : i32
    %mul3A_63 = arith.muli %arg1, %mul3A_62 : i32
    %add3A_64 = arith.constant 560 : i32
    %add3A_65 = arith.addi %mul3A_63, %add3A_64 : i32
    "tpu.region"() ({
      %run_scoped3A_169 = tpu.sem_alloc : memref<!tpu.dma_semaphore, #tpu.memory_space<semaphore_mem>>
      %dma_start3A_170 = arith.constant 0 : i32
      %dma_start3A_171 = tpu.memref_slice %arg19[%add3A_65, %dma_start3A_170] : memref<10240x136xf32, #tpu.memory_space<vmem_shared>> -> memref<40x136xf32, #tpu.memory_space<vmem_shared>>
      %dma_start3A_172 = arith.constant 0 : i32
      %dma_start3A_173 = tpu.memref_slice %arg19[%add3A_65, %dma_start3A_172] : memref<10240x136xf32, #tpu.memory_space<vmem_shared>> -> memref<40x136xf32, #tpu.memory_space<vmem_shared>>
      tpu.enqueue_dma source(%arg18 : memref<40x136xf32, #tpu.memory_space<vmem>>) target(%dma_start3A_173 : memref<40x136xf32, #tpu.memory_space<vmem_shared>>) target_semaphore(%run_scoped3A_169 : memref<!tpu.dma_semaphore, #tpu.memory_space<semaphore_mem>>)
      %dma_wait3A_174 = arith.constant 0 : i32
      %dma_wait3A_175 = tpu.memref_slice %arg19[%add3A_65, %dma_wait3A_174] : memref<10240x136xf32, #tpu.memory_space<vmem_shared>> -> memref<40x136xf32, #tpu.memory_space<vmem_shared>>
      %dma_wait3A_176 = arith.constant 0 : i32
      %dma_wait3A_177 = tpu.memref_slice %arg19[%add3A_65, %dma_wait3A_176] : memref<10240x136xf32, #tpu.memory_space<vmem_shared>> -> memref<40x136xf32, #tpu.memory_space<vmem_shared>>
      tpu.wait_dma2 semaphore(%run_scoped3A_169 : memref<!tpu.dma_semaphore, #tpu.memory_space<semaphore_mem>>) src(%arg18 : memref<40x136xf32, #tpu.memory_space<vmem>>) dst(%dma_wait3A_177 : memref<40x136xf32, #tpu.memory_space<vmem_shared>>)
      tpu.yield
    }) : () -> ()
    %mul3A_66 = arith.constant 640 : i32
    %mul3A_67 = arith.muli %arg1, %mul3A_66 : i32
    %add3A_68 = arith.constant 600 : i32
    %add3A_69 = arith.addi %mul3A_67, %add3A_68 : i32
    "tpu.region"() ({
      %run_scoped3A_169 = tpu.sem_alloc : memref<!tpu.dma_semaphore, #tpu.memory_space<semaphore_mem>>
      %dma_start3A_170 = arith.constant 0 : i32
      %dma_start3A_171 = tpu.memref_slice %arg19[%add3A_69, %dma_start3A_170] : memref<10240x136xf32, #tpu.memory_space<vmem_shared>> -> memref<40x136xf32, #tpu.memory_space<vmem_shared>>
      %dma_start3A_172 = arith.constant 0 : i32
      %dma_start3A_173 = tpu.memref_slice %arg19[%add3A_69, %dma_start3A_172] : memref<10240x136xf32, #tpu.memory_space<vmem_shared>> -> memref<40x136xf32, #tpu.memory_space<vmem_shared>>
      tpu.enqueue_dma source(%arg18 : memref<40x136xf32, #tpu.memory_space<vmem>>) target(%dma_start3A_173 : memref<40x136xf32, #tpu.memory_space<vmem_shared>>) target_semaphore(%run_scoped3A_169 : memref<!tpu.dma_semaphore, #tpu.memory_space<semaphore_mem>>)
      %dma_wait3A_174 = arith.constant 0 : i32
      %dma_wait3A_175 = tpu.memref_slice %arg19[%add3A_69, %dma_wait3A_174] : memref<10240x136xf32, #tpu.memory_space<vmem_shared>> -> memref<40x136xf32, #tpu.memory_space<vmem_shared>>
      %dma_wait3A_176 = arith.constant 0 : i32
      %dma_wait3A_177 = tpu.memref_slice %arg19[%add3A_69, %dma_wait3A_176] : memref<10240x136xf32, #tpu.memory_space<vmem_shared>> -> memref<40x136xf32, #tpu.memory_space<vmem_shared>>
      tpu.wait_dma2 semaphore(%run_scoped3A_169 : memref<!tpu.dma_semaphore, #tpu.memory_space<semaphore_mem>>) src(%arg18 : memref<40x136xf32, #tpu.memory_space<vmem>>) dst(%dma_wait3A_177 : memref<40x136xf32, #tpu.memory_space<vmem_shared>>)
      tpu.yield
    }) : () -> ()
    %barrier3A = arith.constant 0 : index
    tpu.barrier barrier_id(%barrier3A)
    %dma_start3A = arith.constant 0 : i32
    %dma_start3A_70 = arith.constant 0 : i32
    %dma_start3A_71 = tpu.memref_slice %arg8[%dma_start3A, %dma_start3A_70] : memref<250x40xi32, #tpu.memory_space<vmem>> -> memref<1x40xi32, #tpu.memory_space<vmem>>
    %dma_start3A_72 = tpu.memref_squeeze %dma_start3A_71 : memref<1x40xi32, #tpu.memory_space<vmem>> -> memref<40xi32, #tpu.memory_space<vmem>>
    %dma_start3A_73 = arith.constant 0 : i32
    %dma_start3A_74 = arith.constant 0 : i32
    %dma_start3A_75 = tpu.memref_slice %arg2[%dma_start3A_73, %dma_start3A_74] : memref<10000x16xf32, #tpu.memory_space<hbm>> -> memref<10000x16xf32, #tpu.memory_space<hbm>>
    tpu.enqueue_indirect_dma source(%dma_start3A_75 : memref<10000x16xf32, #tpu.memory_space<hbm>>) target(%arg10 : memref<40x16xf32, #tpu.memory_space<vmem>>) offsets(%dma_start3A_72 : memref<40xi32, #tpu.memory_space<vmem>>) semaphore(%arg13 : memref<!tpu.dma_semaphore, #tpu.memory_space<semaphore_mem>>)
    %dma_start3A_76 = arith.constant 0 : i32
    %dma_start3A_77 = arith.constant 0 : i32
    %dma_start3A_78 = tpu.memref_slice %arg9[%dma_start3A_76, %dma_start3A_77] : memref<250x40xi32, #tpu.memory_space<vmem>> -> memref<1x40xi32, #tpu.memory_space<vmem>>
    %dma_start3A_79 = tpu.memref_squeeze %dma_start3A_78 : memref<1x40xi32, #tpu.memory_space<vmem>> -> memref<40xi32, #tpu.memory_space<vmem>>
    %dma_start3A_80 = arith.constant 0 : i32
    %dma_start3A_81 = arith.constant 0 : i32
    %dma_start3A_82 = tpu.memref_slice %arg3[%dma_start3A_80, %dma_start3A_81] : memref<10000x16xf32, #tpu.memory_space<hbm>> -> memref<10000x16xf32, #tpu.memory_space<hbm>>
    tpu.enqueue_indirect_dma source(%dma_start3A_82 : memref<10000x16xf32, #tpu.memory_space<hbm>>) target(%arg11 : memref<40x16xf32, #tpu.memory_space<vmem>>) offsets(%dma_start3A_79 : memref<40xi32, #tpu.memory_space<vmem>>) semaphore(%arg13 : memref<!tpu.dma_semaphore, #tpu.memory_space<semaphore_mem>>)
    %dma_start3A_83 = arith.constant 0 : i32
    %dma_start3A_84 = arith.constant 0 : i32
    %dma_start3A_85 = tpu.memref_slice %arg8[%dma_start3A_83, %dma_start3A_84] : memref<250x40xi32, #tpu.memory_space<vmem>> -> memref<1x40xi32, #tpu.memory_space<vmem>>
    %dma_start3A_86 = tpu.memref_squeeze %dma_start3A_85 : memref<1x40xi32, #tpu.memory_space<vmem>> -> memref<40xi32, #tpu.memory_space<vmem>>
    %dma_start3A_87 = arith.constant 0 : i32
    %dma_start3A_88 = arith.constant 0 : i32
    %dma_start3A_89 = tpu.memref_slice %arg4[%dma_start3A_87, %dma_start3A_88] : memref<10000x128xbf16, #tpu.memory_space<hbm>> -> memref<10000x128xbf16, #tpu.memory_space<hbm>>
    tpu.enqueue_indirect_dma source(%dma_start3A_89 : memref<10000x128xbf16, #tpu.memory_space<hbm>>) target(%arg12 : memref<40x128xbf16, #tpu.memory_space<vmem>>) offsets(%dma_start3A_86 : memref<40xi32, #tpu.memory_space<vmem>>) semaphore(%arg13 : memref<!tpu.dma_semaphore, #tpu.memory_space<semaphore_mem>>)
    %scan3A_90 = arith.constant 0 : i32
    %scan3A_91 = arith.constant 0 : i32
    %scan3A_92 = arith.constant 124 : i32
    %scan3A_93 = arith.addi %scan3A_91, %scan3A_92 : i32
    %scan3A_94 = arith.constant 1 : i32
    scf.for %scan3A_169 = %scan3A_91 to %scan3A_93 step %scan3A_94  : i32 {
      %mul3A_170 = arith.constant 2 : i32
      %mul3A_171 = arith.muli %mul3A_170, %scan3A_169 : i32
      %add3A_172 = arith.constant 1 : i32
      %add3A_173 = arith.addi %mul3A_171, %add3A_172 : i32
      %dma_start3A_174 = arith.constant 0 : i32
      %dma_start3A_175 = tpu.memref_slice %arg8[%add3A_173, %dma_start3A_174] : memref<250x40xi32, #tpu.memory_space<vmem>> -> memref<1x40xi32, #tpu.memory_space<vmem>>
      %dma_start3A_176 = tpu.memref_squeeze %dma_start3A_175 : memref<1x40xi32, #tpu.memory_space<vmem>> -> memref<40xi32, #tpu.memory_space<vmem>>
      %dma_start3A_177 = arith.constant 0 : i32
      %dma_start3A_178 = arith.constant 0 : i32
      %dma_start3A_179 = tpu.memref_slice %arg2[%dma_start3A_177, %dma_start3A_178] : memref<10000x16xf32, #tpu.memory_space<hbm>> -> memref<10000x16xf32, #tpu.memory_space<hbm>>
      tpu.enqueue_indirect_dma source(%dma_start3A_179 : memref<10000x16xf32, #tpu.memory_space<hbm>>) target(%arg14 : memref<40x16xf32, #tpu.memory_space<vmem>>) offsets(%dma_start3A_176 : memref<40xi32, #tpu.memory_space<vmem>>) semaphore(%arg17 : memref<!tpu.dma_semaphore, #tpu.memory_space<semaphore_mem>>)
      %dma_start3A_180 = arith.constant 0 : i32
      %dma_start3A_181 = tpu.memref_slice %arg9[%add3A_173, %dma_start3A_180] : memref<250x40xi32, #tpu.memory_space<vmem>> -> memref<1x40xi32, #tpu.memory_space<vmem>>
      %dma_start3A_182 = tpu.memref_squeeze %dma_start3A_181 : memref<1x40xi32, #tpu.memory_space<vmem>> -> memref<40xi32, #tpu.memory_space<vmem>>
      %dma_start3A_183 = arith.constant 0 : i32
      %dma_start3A_184 = arith.constant 0 : i32
      %dma_start3A_185 = tpu.memref_slice %arg3[%dma_start3A_183, %dma_start3A_184] : memref<10000x16xf32, #tpu.memory_space<hbm>> -> memref<10000x16xf32, #tpu.memory_space<hbm>>
      tpu.enqueue_indirect_dma source(%dma_start3A_185 : memref<10000x16xf32, #tpu.memory_space<hbm>>) target(%arg15 : memref<40x16xf32, #tpu.memory_space<vmem>>) offsets(%dma_start3A_182 : memref<40xi32, #tpu.memory_space<vmem>>) semaphore(%arg17 : memref<!tpu.dma_semaphore, #tpu.memory_space<semaphore_mem>>)
      %dma_start3A_186 = arith.constant 0 : i32
      %dma_start3A_187 = tpu.memref_slice %arg8[%add3A_173, %dma_start3A_186] : memref<250x40xi32, #tpu.memory_space<vmem>> -> memref<1x40xi32, #tpu.memory_space<vmem>>
      %dma_start3A_188 = tpu.memref_squeeze %dma_start3A_187 : memref<1x40xi32, #tpu.memory_space<vmem>> -> memref<40xi32, #tpu.memory_space<vmem>>
      %dma_start3A_189 = arith.constant 0 : i32
      %dma_start3A_190 = arith.constant 0 : i32
      %dma_start3A_191 = tpu.memref_slice %arg4[%dma_start3A_189, %dma_start3A_190] : memref<10000x128xbf16, #tpu.memory_space<hbm>> -> memref<10000x128xbf16, #tpu.memory_space<hbm>>
      tpu.enqueue_indirect_dma source(%dma_start3A_191 : memref<10000x128xbf16, #tpu.memory_space<hbm>>) target(%arg16 : memref<40x128xbf16, #tpu.memory_space<vmem>>) offsets(%dma_start3A_188 : memref<40xi32, #tpu.memory_space<vmem>>) semaphore(%arg17 : memref<!tpu.dma_semaphore, #tpu.memory_space<semaphore_mem>>)
      %mul3A_192 = arith.constant 2 : i32
      %mul3A_193 = arith.muli %mul3A_192, %scan3A_169 : i32
      %dma_wait3A_194 = arith.constant 0 : i32
      %dma_wait3A_195 = tpu.memref_slice %arg8[%mul3A_193, %dma_wait3A_194] : memref<250x40xi32, #tpu.memory_space<vmem>> -> memref<1x40xi32, #tpu.memory_space<vmem>>
      %dma_wait3A_196 = tpu.memref_squeeze %dma_wait3A_195 : memref<1x40xi32, #tpu.memory_space<vmem>> -> memref<40xi32, #tpu.memory_space<vmem>>
      %dma_wait3A_197 = arith.constant 0 : i32
      %dma_wait3A_198 = arith.constant 0 : i32
      %dma_wait3A_199 = tpu.memref_slice %arg2[%dma_wait3A_197, %dma_wait3A_198] : memref<10000x16xf32, #tpu.memory_space<hbm>> -> memref<10000x16xf32, #tpu.memory_space<hbm>>
      tpu.wait_indirect_dma semaphore(%arg13 : memref<!tpu.dma_semaphore, #tpu.memory_space<semaphore_mem>>) src(%dma_wait3A_199 : memref<10000x16xf32, #tpu.memory_space<hbm>>) dst(%arg10 : memref<40x16xf32, #tpu.memory_space<vmem>>)
      %dma_wait3A_200 = arith.constant 0 : i32
      %dma_wait3A_201 = tpu.memref_slice %arg9[%mul3A_193, %dma_wait3A_200] : memref<250x40xi32, #tpu.memory_space<vmem>> -> memref<1x40xi32, #tpu.memory_space<vmem>>
      %dma_wait3A_202 = tpu.memref_squeeze %dma_wait3A_201 : memref<1x40xi32, #tpu.memory_space<vmem>> -> memref<40xi32, #tpu.memory_space<vmem>>
      %dma_wait3A_203 = arith.constant 0 : i32
      %dma_wait3A_204 = arith.constant 0 : i32
      %dma_wait3A_205 = tpu.memref_slice %arg3[%dma_wait3A_203, %dma_wait3A_204] : memref<10000x16xf32, #tpu.memory_space<hbm>> -> memref<10000x16xf32, #tpu.memory_space<hbm>>
      tpu.wait_indirect_dma semaphore(%arg13 : memref<!tpu.dma_semaphore, #tpu.memory_space<semaphore_mem>>) src(%dma_wait3A_205 : memref<10000x16xf32, #tpu.memory_space<hbm>>) dst(%arg11 : memref<40x16xf32, #tpu.memory_space<vmem>>)
      %dma_wait3A_206 = arith.constant 0 : i32
      %dma_wait3A_207 = tpu.memref_slice %arg8[%mul3A_193, %dma_wait3A_206] : memref<250x40xi32, #tpu.memory_space<vmem>> -> memref<1x40xi32, #tpu.memory_space<vmem>>
      %dma_wait3A_208 = tpu.memref_squeeze %dma_wait3A_207 : memref<1x40xi32, #tpu.memory_space<vmem>> -> memref<40xi32, #tpu.memory_space<vmem>>
      %dma_wait3A_209 = arith.constant 0 : i32
      %dma_wait3A_210 = arith.constant 0 : i32
      %dma_wait3A_211 = tpu.memref_slice %arg4[%dma_wait3A_209, %dma_wait3A_210] : memref<10000x128xbf16, #tpu.memory_space<hbm>> -> memref<10000x128xbf16, #tpu.memory_space<hbm>>
      tpu.wait_indirect_dma semaphore(%arg13 : memref<!tpu.dma_semaphore, #tpu.memory_space<semaphore_mem>>) src(%dma_wait3A_211 : memref<10000x128xbf16, #tpu.memory_space<hbm>>) dst(%arg12 : memref<40x128xbf16, #tpu.memory_space<vmem>>)
      %parallel_loop3A_212 = arith.constant 0 : i32
      %parallel_loop3A_213 = arith.constant 40 : i32
      %parallel_loop3A_214 = arith.constant 1 : i32
      scf.for %parallel_loop3A_262 = %parallel_loop3A_212 to %parallel_loop3A_213 step %parallel_loop3A_214  : i32 {
        %parallel_loop3A_263 = arith.index_cast %parallel_loop3A_262 : i32 to index
        %parallel_loop3A_264 = arith.constant 0 : index
        %parallel_loop3A_265 = tpu.vector_load %arg10[%parallel_loop3A_263, %parallel_loop3A_264] {strides = array<i32>} : memref<40x16xf32, #tpu.memory_space<vmem>>, vector<16xf32>,
        %parallel_loop3A_266 = arith.index_cast %parallel_loop3A_262 : i32 to index
        %parallel_loop3A_267 = arith.constant 0 : index
        %parallel_loop3A_268 = tpu.vector_load %arg11[%parallel_loop3A_266, %parallel_loop3A_267] {strides = array<i32>} : memref<40x16xf32, #tpu.memory_space<vmem>>, vector<16xf32>,
        %parallel_loop3A_269 = arith.addf %parallel_loop3A_265, %parallel_loop3A_268 : vector<16xf32>
        %parallel_loop3A_270 = arith.constant 0.000000e+00 : f32
        %parallel_loop3A_271 = vector.broadcast %parallel_loop3A_270 : f32 to vector<16xf32>
        %parallel_loop3A_272 = arith.cmpf oge, %parallel_loop3A_269, %parallel_loop3A_271 : vector<16xf32>
        %parallel_loop3A_273 = arith.constant 2.000000e-01 : f32
        %parallel_loop3A_274 = vector.broadcast %parallel_loop3A_273 : f32 to vector<16xf32>
        %parallel_loop3A_275 = arith.mulf %parallel_loop3A_274, %parallel_loop3A_269 : vector<16xf32>
        %parallel_loop3A_276 = arith.select %parallel_loop3A_272, %parallel_loop3A_269, %parallel_loop3A_275 : vector<16xi1>, vector<16xf32>
        %parallel_loop3A_277 = math.exp %parallel_loop3A_276 : vector<16xf32>
        %parallel_loop3A_278 = arith.index_cast %parallel_loop3A_262 : i32 to index
        %parallel_loop3A_279 = arith.constant 0 : index
        %parallel_loop3A_280 = tpu.vector_load %arg18[%parallel_loop3A_278, %parallel_loop3A_279] {strides = array<i32>} : memref<40x136xf32, #tpu.memory_space<vmem>>, vector<16xf32>,
        tpu.vector_store %arg18[%parallel_loop3A_278, %parallel_loop3A_279], %parallel_loop3A_277 {strides = array<i32>} : memref<40x136xf32, #tpu.memory_space<vmem>>, vector<16xf32>,
        %parallel_loop3A_281 = arith.index_cast %parallel_loop3A_262 : i32 to index
        %parallel_loop3A_282 = arith.constant 0 : index
        %parallel_loop3A_283 = tpu.vector_load %arg12[%parallel_loop3A_281, %parallel_loop3A_282] {strides = array<i32>} : memref<40x128xbf16, #tpu.memory_space<vmem>>, vector<32xbf16>,
        %parallel_loop3A_284 = tpu.unpack_subelements %parallel_loop3A_283, 0 {pack_format = #tpu.pack_format<interleaved>} : vector<32xbf16> -> vector<16xf32>
        %parallel_loop3A_285 = tpu.unpack_subelements %parallel_loop3A_283, 1 {pack_format = #tpu.pack_format<interleaved>} : vector<32xbf16> -> vector<16xf32>
        %parallel_loop3A_286 = arith.constant 0 : i32
        %parallel_loop3A_287 = vector.broadcast %parallel_loop3A_286 : i32 to vector<16xi32>
        %parallel_loop3A_288 = arith.constant 1 : i32
        %parallel_loop3A_289 = vector.broadcast %parallel_loop3A_288 : i32 to vector<16xi32>
        %parallel_loop3A_290 = arith.constant 0 : i32
        %parallel_loop3A_291 = vector.broadcast %parallel_loop3A_290 : i32 to vector<16xi32>
        %parallel_loop3A_292 = arith.cmpi slt, %parallel_loop3A_287, %parallel_loop3A_291 : vector<16xi32>
        %parallel_loop3A_293 = arith.constant 16 : i32
        %parallel_loop3A_294 = vector.broadcast %parallel_loop3A_293 : i32 to vector<16xi32>
        %parallel_loop3A_295 = arith.addi %parallel_loop3A_287, %parallel_loop3A_294 : vector<16xi32>
        %parallel_loop3A_296 = arith.select %parallel_loop3A_292, %parallel_loop3A_295, %parallel_loop3A_287 : vector<16xi1>, vector<16xi32>
        %parallel_loop3A_297 = vector.shape_cast %parallel_loop3A_296 : vector<16xi32> to vector<16x1xi32>
        %parallel_loop3A_298 = vector.shape_cast %parallel_loop3A_297 : vector<16x1xi32> to vector<16xi32>
        %parallel_loop3A_299 = tpu.dynamic_gather %parallel_loop3A_277[%parallel_loop3A_298] in [0] : vector<16xf32>, vector<16xi32> -> vector<16xf32>
        %parallel_loop3A_300 = arith.constant 0 : i32
        %parallel_loop3A_301 = vector.broadcast %parallel_loop3A_300 : i32 to vector<16xi32>
        %parallel_loop3A_302 = arith.cmpi slt, %parallel_loop3A_289, %parallel_loop3A_301 : vector<16xi32>
        %parallel_loop3A_303 = arith.constant 16 : i32
        %parallel_loop3A_304 = vector.broadcast %parallel_loop3A_303 : i32 to vector<16xi32>
        %parallel_loop3A_305 = arith.addi %parallel_loop3A_289, %parallel_loop3A_304 : vector<16xi32>
        %parallel_loop3A_306 = arith.select %parallel_loop3A_302, %parallel_loop3A_305, %parallel_loop3A_289 : vector<16xi1>, vector<16xi32>
        %parallel_loop3A_307 = vector.shape_cast %parallel_loop3A_306 : vector<16xi32> to vector<16x1xi32>
        %parallel_loop3A_308 = vector.shape_cast %parallel_loop3A_307 : vector<16x1xi32> to vector<16xi32>
        %parallel_loop3A_309 = tpu.dynamic_gather %parallel_loop3A_277[%parallel_loop3A_308] in [0] : vector<16xf32>, vector<16xi32> -> vector<16xf32>
        %parallel_loop3A_310 = arith.mulf %parallel_loop3A_284, %parallel_loop3A_299 : vector<16xf32>
        %parallel_loop3A_311 = arith.index_cast %parallel_loop3A_262 : i32 to index
        %parallel_loop3A_312 = arith.constant 8 : index
        %parallel_loop3A_313 = tpu.vector_load %arg18[%parallel_loop3A_311, %parallel_loop3A_312] {strides = array<i32>} : memref<40x136xf32, #tpu.memory_space<vmem>>, vector<16xf32>,
        tpu.vector_store %arg18[%parallel_loop3A_311, %parallel_loop3A_312], %parallel_loop3A_310 {strides = array<i32>} : memref<40x136xf32, #tpu.memory_space<vmem>>, vector<16xf32>,
        %parallel_loop3A_314 = arith.mulf %parallel_loop3A_285, %parallel_loop3A_309 : vector<16xf32>
        %parallel_loop3A_315 = arith.index_cast %parallel_loop3A_262 : i32 to index
        %parallel_loop3A_316 = arith.constant 24 : index
        %parallel_loop3A_317 = tpu.vector_load %arg18[%parallel_loop3A_315, %parallel_loop3A_316] {strides = array<i32>} : memref<40x136xf32, #tpu.memory_space<vmem>>, vector<16xf32>,
        tpu.vector_store %arg18[%parallel_loop3A_315, %parallel_loop3A_316], %parallel_loop3A_314 {strides = array<i32>} : memref<40x136xf32, #tpu.memory_space<vmem>>, vector<16xf32>,
        %parallel_loop3A_318 = arith.index_cast %parallel_loop3A_262 : i32 to index
        %parallel_loop3A_319 = arith.constant 32 : index
        %parallel_loop3A_320 = tpu.vector_load %arg12[%parallel_loop3A_318, %parallel_loop3A_319] {strides = array<i32>} : memref<40x128xbf16, #tpu.memory_space<vmem>>, vector<32xbf16>,
        %parallel_loop3A_321 = tpu.unpack_subelements %parallel_loop3A_320, 0 {pack_format = #tpu.pack_format<interleaved>} : vector<32xbf16> -> vector<16xf32>
        %parallel_loop3A_322 = tpu.unpack_subelements %parallel_loop3A_320, 1 {pack_format = #tpu.pack_format<interleaved>} : vector<32xbf16> -> vector<16xf32>
        %parallel_loop3A_323 = arith.constant 2 : i32
        %parallel_loop3A_324 = vector.broadcast %parallel_loop3A_323 : i32 to vector<16xi32>
        %parallel_loop3A_325 = arith.constant 3 : i32
        %parallel_loop3A_326 = vector.broadcast %parallel_loop3A_325 : i32 to vector<16xi32>
        %parallel_loop3A_327 = arith.constant 0 : i32
        %parallel_loop3A_328 = vector.broadcast %parallel_loop3A_327 : i32 to vector<16xi32>
        %parallel_loop3A_329 = arith.cmpi slt, %parallel_loop3A_324, %parallel_loop3A_328 : vector<16xi32>
        %parallel_loop3A_330 = arith.constant 16 : i32
        %parallel_loop3A_331 = vector.broadcast %parallel_loop3A_330 : i32 to vector<16xi32>
        %parallel_loop3A_332 = arith.addi %parallel_loop3A_324, %parallel_loop3A_331 : vector<16xi32>
        %parallel_loop3A_333 = arith.select %parallel_loop3A_329, %parallel_loop3A_332, %parallel_loop3A_324 : vector<16xi1>, vector<16xi32>
        %parallel_loop3A_334 = vector.shape_cast %parallel_loop3A_333 : vector<16xi32> to vector<16x1xi32>
        %parallel_loop3A_335 = vector.shape_cast %parallel_loop3A_334 : vector<16x1xi32> to vector<16xi32>
        %parallel_loop3A_336 = tpu.dynamic_gather %parallel_loop3A_277[%parallel_loop3A_335] in [0] : vector<16xf32>, vector<16xi32> -> vector<16xf32>
        %parallel_loop3A_337 = arith.constant 0 : i32
        %parallel_loop3A_338 = vector.broadcast %parallel_loop3A_337 : i32 to vector<16xi32>
        %parallel_loop3A_339 = arith.cmpi slt, %parallel_loop3A_326, %parallel_loop3A_338 : vector<16xi32>
        %parallel_loop3A_340 = arith.constant 16 : i32
        %parallel_loop3A_341 = vector.broadcast %parallel_loop3A_340 : i32 to vector<16xi32>
        %parallel_loop3A_342 = arith.addi %parallel_loop3A_326, %parallel_loop3A_341 : vector<16xi32>
        %parallel_loop3A_343 = arith.select %parallel_loop3A_339, %parallel_loop3A_342, %parallel_loop3A_326 : vector<16xi1>, vector<16xi32>
        %parallel_loop3A_344 = vector.shape_cast %parallel_loop3A_343 : vector<16xi32> to vector<16x1xi32>
        %parallel_loop3A_345 = vector.shape_cast %parallel_loop3A_344 : vector<16x1xi32> to vector<16xi32>
        %parallel_loop3A_346 = tpu.dynamic_gather %parallel_loop3A_277[%parallel_loop3A_345] in [0] : vector<16xf32>, vector<16xi32> -> vector<16xf32>
        %parallel_loop3A_347 = arith.mulf %parallel_loop3A_321, %parallel_loop3A_336 : vector<16xf32>
        %parallel_loop3A_348 = arith.index_cast %parallel_loop3A_262 : i32 to index
        %parallel_loop3A_349 = arith.constant 40 : index
        %parallel_loop3A_350 = tpu.vector_load %arg18[%parallel_loop3A_348, %parallel_loop3A_349] {strides = array<i32>} : memref<40x136xf32, #tpu.memory_space<vmem>>, vector<16xf32>,
        tpu.vector_store %arg18[%parallel_loop3A_348, %parallel_loop3A_349], %parallel_loop3A_347 {strides = array<i32>} : memref<40x136xf32, #tpu.memory_space<vmem>>, vector<16xf32>,
        %parallel_loop3A_351 = arith.mulf %parallel_loop3A_322, %parallel_loop3A_346 : vector<16xf32>
        %parallel_loop3A_352 = arith.index_cast %parallel_loop3A_262 : i32 to index
        %parallel_loop3A_353 = arith.constant 56 : index
        %parallel_loop3A_354 = tpu.vector_load %arg18[%parallel_loop3A_352, %parallel_loop3A_353] {strides = array<i32>} : memref<40x136xf32, #tpu.memory_space<vmem>>, vector<16xf32>,
        tpu.vector_store %arg18[%parallel_loop3A_352, %parallel_loop3A_353], %parallel_loop3A_351 {strides = array<i32>} : memref<40x136xf32, #tpu.memory_space<vmem>>, vector<16xf32>,
        %parallel_loop3A_355 = arith.index_cast %parallel_loop3A_262 : i32 to index
        %parallel_loop3A_356 = arith.constant 64 : index
        %parallel_loop3A_357 = tpu.vector_load %arg12[%parallel_loop3A_355, %parallel_loop3A_356] {strides = array<i32>} : memref<40x128xbf16, #tpu.memory_space<vmem>>, vector<32xbf16>,
        %parallel_loop3A_358 = tpu.unpack_subelements %parallel_loop3A_357, 0 {pack_format = #tpu.pack_format<interleaved>} : vector<32xbf16> -> vector<16xf32>
        %parallel_loop3A_359 = tpu.unpack_subelements %parallel_loop3A_357, 1 {pack_format = #tpu.pack_format<interleaved>} : vector<32xbf16> -> vector<16xf32>
        %parallel_loop3A_360 = arith.constant 4 : i32
        %parallel_loop3A_361 = vector.broadcast %parallel_loop3A_360 : i32 to vector<16xi32>
        %parallel_loop3A_362 = arith.constant 5 : i32
        %parallel_loop3A_363 = vector.broadcast %parallel_loop3A_362 : i32 to vector<16xi32>
        %parallel_loop3A_364 = arith.constant 0 : i32
        %parallel_loop3A_365 = vector.broadcast %parallel_loop3A_364 : i32 to vector<16xi32>
        %parallel_loop3A_366 = arith.cmpi slt, %parallel_loop3A_361, %parallel_loop3A_365 : vector<16xi32>
        %parallel_loop3A_367 = arith.constant 16 : i32
        %parallel_loop3A_368 = vector.broadcast %parallel_loop3A_367 : i32 to vector<16xi32>
        %parallel_loop3A_369 = arith.addi %parallel_loop3A_361, %parallel_loop3A_368 : vector<16xi32>
        %parallel_loop3A_370 = arith.select %parallel_loop3A_366, %parallel_loop3A_369, %parallel_loop3A_361 : vector<16xi1>, vector<16xi32>
        %parallel_loop3A_371 = vector.shape_cast %parallel_loop3A_370 : vector<16xi32> to vector<16x1xi32>
        %parallel_loop3A_372 = vector.shape_cast %parallel_loop3A_371 : vector<16x1xi32> to vector<16xi32>
        %parallel_loop3A_373 = tpu.dynamic_gather %parallel_loop3A_277[%parallel_loop3A_372] in [0] : vector<16xf32>, vector<16xi32> -> vector<16xf32>
        %parallel_loop3A_374 = arith.constant 0 : i32
        %parallel_loop3A_375 = vector.broadcast %parallel_loop3A_374 : i32 to vector<16xi32>
        %parallel_loop3A_376 = arith.cmpi slt, %parallel_loop3A_363, %parallel_loop3A_375 : vector<16xi32>
        %parallel_loop3A_377 = arith.constant 16 : i32
        %parallel_loop3A_378 = vector.broadcast %parallel_loop3A_377 : i32 to vector<16xi32>
        %parallel_loop3A_379 = arith.addi %parallel_loop3A_363, %parallel_loop3A_378 : vector<16xi32>
        %parallel_loop3A_380 = arith.select %parallel_loop3A_376, %parallel_loop3A_379, %parallel_loop3A_363 : vector<16xi1>, vector<16xi32>
        %parallel_loop3A_381 = vector.shape_cast %parallel_loop3A_380 : vector<16xi32> to vector<16x1xi32>
        %parallel_loop3A_382 = vector.shape_cast %parallel_loop3A_381 : vector<16x1xi32> to vector<16xi32>
        %parallel_loop3A_383 = tpu.dynamic_gather %parallel_loop3A_277[%parallel_loop3A_382] in [0] : vector<16xf32>, vector<16xi32> -> vector<16xf32>
        %parallel_loop3A_384 = arith.mulf %parallel_loop3A_358, %parallel_loop3A_373 : vector<16xf32>
        %parallel_loop3A_385 = arith.index_cast %parallel_loop3A_262 : i32 to index
        %parallel_loop3A_386 = arith.constant 72 : index
        %parallel_loop3A_387 = tpu.vector_load %arg18[%parallel_loop3A_385, %parallel_loop3A_386] {strides = array<i32>} : memref<40x136xf32, #tpu.memory_space<vmem>>, vector<16xf32>,
        tpu.vector_store %arg18[%parallel_loop3A_385, %parallel_loop3A_386], %parallel_loop3A_384 {strides = array<i32>} : memref<40x136xf32, #tpu.memory_space<vmem>>, vector<16xf32>,
        %parallel_loop3A_388 = arith.mulf %parallel_loop3A_359, %parallel_loop3A_383 : vector<16xf32>
        %parallel_loop3A_389 = arith.index_cast %parallel_loop3A_262 : i32 to index
        %parallel_loop3A_390 = arith.constant 88 : index
        %parallel_loop3A_391 = tpu.vector_load %arg18[%parallel_loop3A_389, %parallel_loop3A_390] {strides = array<i32>} : memref<40x136xf32, #tpu.memory_space<vmem>>, vector<16xf32>,
        tpu.vector_store %arg18[%parallel_loop3A_389, %parallel_loop3A_390], %parallel_loop3A_388 {strides = array<i32>} : memref<40x136xf32, #tpu.memory_space<vmem>>, vector<16xf32>,
        %parallel_loop3A_392 = arith.index_cast %parallel_loop3A_262 : i32 to index
        %parallel_loop3A_393 = arith.constant 96 : index
        %parallel_loop3A_394 = tpu.vector_load %arg12[%parallel_loop3A_392, %parallel_loop3A_393] {strides = array<i32>} : memref<40x128xbf16, #tpu.memory_space<vmem>>, vector<32xbf16>,
        %parallel_loop3A_395 = tpu.unpack_subelements %parallel_loop3A_394, 0 {pack_format = #tpu.pack_format<interleaved>} : vector<32xbf16> -> vector<16xf32>
        %parallel_loop3A_396 = tpu.unpack_subelements %parallel_loop3A_394, 1 {pack_format = #tpu.pack_format<interleaved>} : vector<32xbf16> -> vector<16xf32>
        %parallel_loop3A_397 = arith.constant 6 : i32
        %parallel_loop3A_398 = vector.broadcast %parallel_loop3A_397 : i32 to vector<16xi32>
        %parallel_loop3A_399 = arith.constant 7 : i32
        %parallel_loop3A_400 = vector.broadcast %parallel_loop3A_399 : i32 to vector<16xi32>
        %parallel_loop3A_401 = arith.constant 0 : i32
        %parallel_loop3A_402 = vector.broadcast %parallel_loop3A_401 : i32 to vector<16xi32>
        %parallel_loop3A_403 = arith.cmpi slt, %parallel_loop3A_398, %parallel_loop3A_402 : vector<16xi32>
        %parallel_loop3A_404 = arith.constant 16 : i32
        %parallel_loop3A_405 = vector.broadcast %parallel_loop3A_404 : i32 to vector<16xi32>
        %parallel_loop3A_406 = arith.addi %parallel_loop3A_398, %parallel_loop3A_405 : vector<16xi32>
        %parallel_loop3A_407 = arith.select %parallel_loop3A_403, %parallel_loop3A_406, %parallel_loop3A_398 : vector<16xi1>, vector<16xi32>
        %parallel_loop3A_408 = vector.shape_cast %parallel_loop3A_407 : vector<16xi32> to vector<16x1xi32>
        %parallel_loop3A_409 = vector.shape_cast %parallel_loop3A_408 : vector<16x1xi32> to vector<16xi32>
        %parallel_loop3A_410 = tpu.dynamic_gather %parallel_loop3A_277[%parallel_loop3A_409] in [0] : vector<16xf32>, vector<16xi32> -> vector<16xf32>
        %parallel_loop3A_411 = arith.constant 0 : i32
        %parallel_loop3A_412 = vector.broadcast %parallel_loop3A_411 : i32 to vector<16xi32>
        %parallel_loop3A_413 = arith.cmpi slt, %parallel_loop3A_400, %parallel_loop3A_412 : vector<16xi32>
        %parallel_loop3A_414 = arith.constant 16 : i32
        %parallel_loop3A_415 = vector.broadcast %parallel_loop3A_414 : i32 to vector<16xi32>
        %parallel_loop3A_416 = arith.addi %parallel_loop3A_400, %parallel_loop3A_415 : vector<16xi32>
        %parallel_loop3A_417 = arith.select %parallel_loop3A_413, %parallel_loop3A_416, %parallel_loop3A_400 : vector<16xi1>, vector<16xi32>
        %parallel_loop3A_418 = vector.shape_cast %parallel_loop3A_417 : vector<16xi32> to vector<16x1xi32>
        %parallel_loop3A_419 = vector.shape_cast %parallel_loop3A_418 : vector<16x1xi32> to vector<16xi32>
        %parallel_loop3A_420 = tpu.dynamic_gather %parallel_loop3A_277[%parallel_loop3A_419] in [0] : vector<16xf32>, vector<16xi32> -> vector<16xf32>
        %parallel_loop3A_421 = arith.mulf %parallel_loop3A_395, %parallel_loop3A_410 : vector<16xf32>
        %parallel_loop3A_422 = arith.index_cast %parallel_loop3A_262 : i32 to index
        %parallel_loop3A_423 = arith.constant 104 : index
        %parallel_loop3A_424 = tpu.vector_load %arg18[%parallel_loop3A_422, %parallel_loop3A_423] {strides = array<i32>} : memref<40x136xf32, #tpu.memory_space<vmem>>, vector<16xf32>,
        tpu.vector_store %arg18[%parallel_loop3A_422, %parallel_loop3A_423], %parallel_loop3A_421 {strides = array<i32>} : memref<40x136xf32, #tpu.memory_space<vmem>>, vector<16xf32>,
        %parallel_loop3A_425 = arith.mulf %parallel_loop3A_396, %parallel_loop3A_420 : vector<16xf32>
        %parallel_loop3A_426 = arith.index_cast %parallel_loop3A_262 : i32 to index
        %parallel_loop3A_427 = arith.constant 120 : index
        %parallel_loop3A_428 = tpu.vector_load %arg18[%parallel_loop3A_426, %parallel_loop3A_427] {strides = array<i32>} : memref<40x136xf32, #tpu.memory_space<vmem>>, vector<16xf32>,
        tpu.vector_store %arg18[%parallel_loop3A_426, %parallel_loop3A_427], %parallel_loop3A_425 {strides = array<i32>} : memref<40x136xf32, #tpu.memory_space<vmem>>, vector<16xf32>,
      } {sc.loop_unroll_factor = 4 : i64, sc.parallel_access}
      "tpu.region"() ({
        %run_scoped3A_262 = tpu.sem_alloc : memref<!tpu.dma_semaphore, #tpu.memory_space<semaphore_mem>>
        %dma_start3A_263 = arith.constant 0 : i32
        %dma_start3A_264 = tpu.memref_slice %arg9[%mul3A_193, %dma_start3A_263] : memref<250x40xi32, #tpu.memory_space<vmem>> -> memref<1x40xi32, #tpu.memory_space<vmem>>
        %dma_start3A_265 = tpu.memref_squeeze %dma_start3A_264 : memref<1x40xi32, #tpu.memory_space<vmem>> -> memref<40xi32, #tpu.memory_space<vmem>>
        %dma_start3A_266 = arith.constant 0 : i32
        %dma_start3A_267 = arith.constant 0 : i32
        %dma_start3A_268 = tpu.memref_slice %arg19[%dma_start3A_266, %dma_start3A_267] : memref<10240x136xf32, #tpu.memory_space<vmem_shared>> -> memref<10240x136xf32, #tpu.memory_space<vmem_shared>>
        tpu.enqueue_indirect_dma source(%arg18 : memref<40x136xf32, #tpu.memory_space<vmem>>) target(%dma_start3A_268 : memref<10240x136xf32, #tpu.memory_space<vmem_shared>>) offsets(%dma_start3A_265 : memref<40xi32, #tpu.memory_space<vmem>>) semaphore(%run_scoped3A_262 : memref<!tpu.dma_semaphore, #tpu.memory_space<semaphore_mem>>) {add = true}
        %dma_wait3A_269 = arith.constant 0 : i32
        %dma_wait3A_270 = tpu.memref_slice %arg9[%mul3A_193, %dma_wait3A_269] : memref<250x40xi32, #tpu.memory_space<vmem>> -> memref<1x40xi32, #tpu.memory_space<vmem>>
        %dma_wait3A_271 = tpu.memref_squeeze %dma_wait3A_270 : memref<1x40xi32, #tpu.memory_space<vmem>> -> memref<40xi32, #tpu.memory_space<vmem>>
        %dma_wait3A_272 = arith.constant 0 : i32
        %dma_wait3A_273 = arith.constant 0 : i32
        %dma_wait3A_274 = tpu.memref_slice %arg19[%dma_wait3A_272, %dma_wait3A_273] : memref<10240x136xf32, #tpu.memory_space<vmem_shared>> -> memref<10240x136xf32, #tpu.memory_space<vmem_shared>>
        tpu.wait_indirect_dma semaphore(%run_scoped3A_262 : memref<!tpu.dma_semaphore, #tpu.memory_space<semaphore_mem>>) src(%arg18 : memref<40x136xf32, #tpu.memory_space<vmem>>) dst(%dma_wait3A_274 : memref<10240x136xf32, #tpu.memory_space<vmem_shared>>)
        tpu.yield
      }) : () -> ()
      %mul3A_215 = arith.constant 2 : i32
      %mul3A_216 = arith.muli %mul3A_215, %scan3A_169 : i32
      %add3A_217 = arith.constant 2 : i32
      %add3A_218 = arith.addi %mul3A_216, %add3A_217 : i32
      %dma_start3A_219 = arith.constant 0 : i32
      %dma_start3A_220 = tpu.memref_slice %arg8[%add3A_218, %dma_start3A_219] : memref<250x40xi32, #tpu.memory_space<vmem>> -> memref<1x40xi32, #tpu.memory_space<vmem>>
      %dma_start3A_221 = tpu.memref_squeeze %dma_start3A_220 : memref<1x40xi32, #tpu.memory_space<vmem>> -> memref<40xi32, #tpu.memory_space<vmem>>
      %dma_start3A_222 = arith.constant 0 : i32
      %dma_start3A_223 = arith.constant 0 : i32
      %dma_start3A_224 = tpu.memref_slice %arg2[%dma_start3A_222, %dma_start3A_223] : memref<10000x16xf32, #tpu.memory_space<hbm>> -> memref<10000x16xf32, #tpu.memory_space<hbm>>
      tpu.enqueue_indirect_dma source(%dma_start3A_224 : memref<10000x16xf32, #tpu.memory_space<hbm>>) target(%arg10 : memref<40x16xf32, #tpu.memory_space<vmem>>) offsets(%dma_start3A_221 : memref<40xi32, #tpu.memory_space<vmem>>) semaphore(%arg13 : memref<!tpu.dma_semaphore, #tpu.memory_space<semaphore_mem>>)
      %dma_start3A_225 = arith.constant 0 : i32
      %dma_start3A_226 = tpu.memref_slice %arg9[%add3A_218, %dma_start3A_225] : memref<250x40xi32, #tpu.memory_space<vmem>> -> memref<1x40xi32, #tpu.memory_space<vmem>>
      %dma_start3A_227 = tpu.memref_squeeze %dma_start3A_226 : memref<1x40xi32, #tpu.memory_space<vmem>> -> memref<40xi32, #tpu.memory_space<vmem>>
      %dma_start3A_228 = arith.constant 0 : i32
      %dma_start3A_229 = arith.constant 0 : i32
      %dma_start3A_230 = tpu.memref_slice %arg3[%dma_start3A_228, %dma_start3A_229] : memref<10000x16xf32, #tpu.memory_space<hbm>> -> memref<10000x16xf32, #tpu.memory_space<hbm>>
      tpu.enqueue_indirect_dma source(%dma_start3A_230 : memref<10000x16xf32, #tpu.memory_space<hbm>>) target(%arg11 : memref<40x16xf32, #tpu.memory_space<vmem>>) offsets(%dma_start3A_227 : memref<40xi32, #tpu.memory_space<vmem>>) semaphore(%arg13 : memref<!tpu.dma_semaphore, #tpu.memory_space<semaphore_mem>>)
      %dma_start3A_231 = arith.constant 0 : i32
      %dma_start3A_232 = tpu.memref_slice %arg8[%add3A_218, %dma_start3A_231] : memref<250x40xi32, #tpu.memory_space<vmem>> -> memref<1x40xi32, #tpu.memory_space<vmem>>
      %dma_start3A_233 = tpu.memref_squeeze %dma_start3A_232 : memref<1x40xi32, #tpu.memory_space<vmem>> -> memref<40xi32, #tpu.memory_space<vmem>>
      %dma_start3A_234 = arith.constant 0 : i32
      %dma_start3A_235 = arith.constant 0 : i32
      %dma_start3A_236 = tpu.memref_slice %arg4[%dma_start3A_234, %dma_start3A_235] : memref<10000x128xbf16, #tpu.memory_space<hbm>> -> memref<10000x128xbf16, #tpu.memory_space<hbm>>
      tpu.enqueue_indirect_dma source(%dma_start3A_236 : memref<10000x128xbf16, #tpu.memory_space<hbm>>) target(%arg12 : memref<40x128xbf16, #tpu.memory_space<vmem>>) offsets(%dma_start3A_233 : memref<40xi32, #tpu.memory_space<vmem>>) semaphore(%arg13 : memref<!tpu.dma_semaphore, #tpu.memory_space<semaphore_mem>>)
      %mul3A_237 = arith.constant 2 : i32
      %mul3A_238 = arith.muli %mul3A_237, %scan3A_169 : i32
      %add3A_239 = arith.constant 1 : i32
      %add3A_240 = arith.addi %mul3A_238, %add3A_239 : i32
      %dma_wait3A_241 = arith.constant 0 : i32
      %dma_wait3A_242 = tpu.memref_slice %arg8[%add3A_240, %dma_wait3A_241] : memref<250x40xi32, #tpu.memory_space<vmem>> -> memref<1x40xi32, #tpu.memory_space<vmem>>
      %dma_wait3A_243 = tpu.memref_squeeze %dma_wait3A_242 : memref<1x40xi32, #tpu.memory_space<vmem>> -> memref<40xi32, #tpu.memory_space<vmem>>
      %dma_wait3A_244 = arith.constant 0 : i32
      %dma_wait3A_245 = arith.constant 0 : i32
      %dma_wait3A_246 = tpu.memref_slice %arg2[%dma_wait3A_244, %dma_wait3A_245] : memref<10000x16xf32, #tpu.memory_space<hbm>> -> memref<10000x16xf32, #tpu.memory_space<hbm>>
      tpu.wait_indirect_dma semaphore(%arg17 : memref<!tpu.dma_semaphore, #tpu.memory_space<semaphore_mem>>) src(%dma_wait3A_246 : memref<10000x16xf32, #tpu.memory_space<hbm>>) dst(%arg14 : memref<40x16xf32, #tpu.memory_space<vmem>>)
      %dma_wait3A_247 = arith.constant 0 : i32
      %dma_wait3A_248 = tpu.memref_slice %arg9[%add3A_240, %dma_wait3A_247] : memref<250x40xi32, #tpu.memory_space<vmem>> -> memref<1x40xi32, #tpu.memory_space<vmem>>
      %dma_wait3A_249 = tpu.memref_squeeze %dma_wait3A_248 : memref<1x40xi32, #tpu.memory_space<vmem>> -> memref<40xi32, #tpu.memory_space<vmem>>
      %dma_wait3A_250 = arith.constant 0 : i32
      %dma_wait3A_251 = arith.constant 0 : i32
      %dma_wait3A_252 = tpu.memref_slice %arg3[%dma_wait3A_250, %dma_wait3A_251] : memref<10000x16xf32, #tpu.memory_space<hbm>> -> memref<10000x16xf32, #tpu.memory_space<hbm>>
      tpu.wait_indirect_dma semaphore(%arg17 : memref<!tpu.dma_semaphore, #tpu.memory_space<semaphore_mem>>) src(%dma_wait3A_252 : memref<10000x16xf32, #tpu.memory_space<hbm>>) dst(%arg15 : memref<40x16xf32, #tpu.memory_space<vmem>>)
      %dma_wait3A_253 = arith.constant 0 : i32
      %dma_wait3A_254 = tpu.memref_slice %arg8[%add3A_240, %dma_wait3A_253] : memref<250x40xi32, #tpu.memory_space<vmem>> -> memref<1x40xi32, #tpu.memory_space<vmem>>
      %dma_wait3A_255 = tpu.memref_squeeze %dma_wait3A_254 : memref<1x40xi32, #tpu.memory_space<vmem>> -> memref<40xi32, #tpu.memory_space<vmem>>
      %dma_wait3A_256 = arith.constant 0 : i32
      %dma_wait3A_257 = arith.constant 0 : i32
      %dma_wait3A_258 = tpu.memref_slice %arg4[%dma_wait3A_256, %dma_wait3A_257] : memref<10000x128xbf16, #tpu.memory_space<hbm>> -> memref<10000x128xbf16, #tpu.memory_space<hbm>>
      tpu.wait_indirect_dma semaphore(%arg17 : memref<!tpu.dma_semaphore, #tpu.memory_space<semaphore_mem>>) src(%dma_wait3A_258 : memref<10000x128xbf16, #tpu.memory_space<hbm>>) dst(%arg16 : memref<40x128xbf16, #tpu.memory_space<vmem>>)
      %parallel_loop3A_259 = arith.constant 0 : i32
      %parallel_loop3A_260 = arith.constant 40 : i32
      %parallel_loop3A_261 = arith.constant 1 : i32
      scf.for %parallel_loop3A_262 = %parallel_loop3A_259 to %parallel_loop3A_260 step %parallel_loop3A_261  : i32 {
        %parallel_loop3A_263 = arith.index_cast %parallel_loop3A_262 : i32 to index
        %parallel_loop3A_264 = arith.constant 0 : index
        %parallel_loop3A_265 = tpu.vector_load %arg14[%parallel_loop3A_263, %parallel_loop3A_264] {strides = array<i32>} : memref<40x16xf32, #tpu.memory_space<vmem>>, vector<16xf32>,
        %parallel_loop3A_266 = arith.index_cast %parallel_loop3A_262 : i32 to index
        %parallel_loop3A_267 = arith.constant 0 : index
        %parallel_loop3A_268 = tpu.vector_load %arg15[%parallel_loop3A_266, %parallel_loop3A_267] {strides = array<i32>} : memref<40x16xf32, #tpu.memory_space<vmem>>, vector<16xf32>,
        %parallel_loop3A_269 = arith.addf %parallel_loop3A_265, %parallel_loop3A_268 : vector<16xf32>
        %parallel_loop3A_270 = arith.constant 0.000000e+00 : f32
        %parallel_loop3A_271 = vector.broadcast %parallel_loop3A_270 : f32 to vector<16xf32>
        %parallel_loop3A_272 = arith.cmpf oge, %parallel_loop3A_269, %parallel_loop3A_271 : vector<16xf32>
        %parallel_loop3A_273 = arith.constant 2.000000e-01 : f32
        %parallel_loop3A_274 = vector.broadcast %parallel_loop3A_273 : f32 to vector<16xf32>
        %parallel_loop3A_275 = arith.mulf %parallel_loop3A_274, %parallel_loop3A_269 : vector<16xf32>
        %parallel_loop3A_276 = arith.select %parallel_loop3A_272, %parallel_loop3A_269, %parallel_loop3A_275 : vector<16xi1>, vector<16xf32>
        %parallel_loop3A_277 = math.exp %parallel_loop3A_276 : vector<16xf32>
        %parallel_loop3A_278 = arith.index_cast %parallel_loop3A_262 : i32 to index
        %parallel_loop3A_279 = arith.constant 0 : index
        %parallel_loop3A_280 = tpu.vector_load %arg18[%parallel_loop3A_278, %parallel_loop3A_279] {strides = array<i32>} : memref<40x136xf32, #tpu.memory_space<vmem>>, vector<16xf32>,
        tpu.vector_store %arg18[%parallel_loop3A_278, %parallel_loop3A_279], %parallel_loop3A_277 {strides = array<i32>} : memref<40x136xf32, #tpu.memory_space<vmem>>, vector<16xf32>,
        %parallel_loop3A_281 = arith.index_cast %parallel_loop3A_262 : i32 to index
        %parallel_loop3A_282 = arith.constant 0 : index
        %parallel_loop3A_283 = tpu.vector_load %arg16[%parallel_loop3A_281, %parallel_loop3A_282] {strides = array<i32>} : memref<40x128xbf16, #tpu.memory_space<vmem>>, vector<32xbf16>,
        %parallel_loop3A_284 = tpu.unpack_subelements %parallel_loop3A_283, 0 {pack_format = #tpu.pack_format<interleaved>} : vector<32xbf16> -> vector<16xf32>
        %parallel_loop3A_285 = tpu.unpack_subelements %parallel_loop3A_283, 1 {pack_format = #tpu.pack_format<interleaved>} : vector<32xbf16> -> vector<16xf32>
        %parallel_loop3A_286 = arith.constant 0 : i32
        %parallel_loop3A_287 = vector.broadcast %parallel_loop3A_286 : i32 to vector<16xi32>
        %parallel_loop3A_288 = arith.constant 1 : i32
        %parallel_loop3A_289 = vector.broadcast %parallel_loop3A_288 : i32 to vector<16xi32>
        %parallel_loop3A_290 = arith.constant 0 : i32
        %parallel_loop3A_291 = vector.broadcast %parallel_loop3A_290 : i32 to vector<16xi32>
        %parallel_loop3A_292 = arith.cmpi slt, %parallel_loop3A_287, %parallel_loop3A_291 : vector<16xi32>
        %parallel_loop3A_293 = arith.constant 16 : i32
        %parallel_loop3A_294 = vector.broadcast %parallel_loop3A_293 : i32 to vector<16xi32>
        %parallel_loop3A_295 = arith.addi %parallel_loop3A_287, %parallel_loop3A_294 : vector<16xi32>
        %parallel_loop3A_296 = arith.select %parallel_loop3A_292, %parallel_loop3A_295, %parallel_loop3A_287 : vector<16xi1>, vector<16xi32>
        %parallel_loop3A_297 = vector.shape_cast %parallel_loop3A_296 : vector<16xi32> to vector<16x1xi32>
        %parallel_loop3A_298 = vector.shape_cast %parallel_loop3A_297 : vector<16x1xi32> to vector<16xi32>
        %parallel_loop3A_299 = tpu.dynamic_gather %parallel_loop3A_277[%parallel_loop3A_298] in [0] : vector<16xf32>, vector<16xi32> -> vector<16xf32>
        %parallel_loop3A_300 = arith.constant 0 : i32
        %parallel_loop3A_301 = vector.broadcast %parallel_loop3A_300 : i32 to vector<16xi32>
        %parallel_loop3A_302 = arith.cmpi slt, %parallel_loop3A_289, %parallel_loop3A_301 : vector<16xi32>
        %parallel_loop3A_303 = arith.constant 16 : i32
        %parallel_loop3A_304 = vector.broadcast %parallel_loop3A_303 : i32 to vector<16xi32>
        %parallel_loop3A_305 = arith.addi %parallel_loop3A_289, %parallel_loop3A_304 : vector<16xi32>
        %parallel_loop3A_306 = arith.select %parallel_loop3A_302, %parallel_loop3A_305, %parallel_loop3A_289 : vector<16xi1>, vector<16xi32>
        %parallel_loop3A_307 = vector.shape_cast %parallel_loop3A_306 : vector<16xi32> to vector<16x1xi32>
        %parallel_loop3A_308 = vector.shape_cast %parallel_loop3A_307 : vector<16x1xi32> to vector<16xi32>
        %parallel_loop3A_309 = tpu.dynamic_gather %parallel_loop3A_277[%parallel_loop3A_308] in [0] : vector<16xf32>, vector<16xi32> -> vector<16xf32>
        %parallel_loop3A_310 = arith.mulf %parallel_loop3A_284, %parallel_loop3A_299 : vector<16xf32>
        %parallel_loop3A_311 = arith.index_cast %parallel_loop3A_262 : i32 to index
        %parallel_loop3A_312 = arith.constant 8 : index
        %parallel_loop3A_313 = tpu.vector_load %arg18[%parallel_loop3A_311, %parallel_loop3A_312] {strides = array<i32>} : memref<40x136xf32, #tpu.memory_space<vmem>>, vector<16xf32>,
        tpu.vector_store %arg18[%parallel_loop3A_311, %parallel_loop3A_312], %parallel_loop3A_310 {strides = array<i32>} : memref<40x136xf32, #tpu.memory_space<vmem>>, vector<16xf32>,
        %parallel_loop3A_314 = arith.mulf %parallel_loop3A_285, %parallel_loop3A_309 : vector<16xf32>
        %parallel_loop3A_315 = arith.index_cast %parallel_loop3A_262 : i32 to index
        %parallel_loop3A_316 = arith.constant 24 : index
        %parallel_loop3A_317 = tpu.vector_load %arg18[%parallel_loop3A_315, %parallel_loop3A_316] {strides = array<i32>} : memref<40x136xf32, #tpu.memory_space<vmem>>, vector<16xf32>,
        tpu.vector_store %arg18[%parallel_loop3A_315, %parallel_loop3A_316], %parallel_loop3A_314 {strides = array<i32>} : memref<40x136xf32, #tpu.memory_space<vmem>>, vector<16xf32>,
        %parallel_loop3A_318 = arith.index_cast %parallel_loop3A_262 : i32 to index
        %parallel_loop3A_319 = arith.constant 32 : index
        %parallel_loop3A_320 = tpu.vector_load %arg16[%parallel_loop3A_318, %parallel_loop3A_319] {strides = array<i32>} : memref<40x128xbf16, #tpu.memory_space<vmem>>, vector<32xbf16>,
        %parallel_loop3A_321 = tpu.unpack_subelements %parallel_loop3A_320, 0 {pack_format = #tpu.pack_format<interleaved>} : vector<32xbf16> -> vector<16xf32>
        %parallel_loop3A_322 = tpu.unpack_subelements %parallel_loop3A_320, 1 {pack_format = #tpu.pack_format<interleaved>} : vector<32xbf16> -> vector<16xf32>
        %parallel_loop3A_323 = arith.constant 2 : i32
        %parallel_loop3A_324 = vector.broadcast %parallel_loop3A_323 : i32 to vector<16xi32>
        %parallel_loop3A_325 = arith.constant 3 : i32
        %parallel_loop3A_326 = vector.broadcast %parallel_loop3A_325 : i32 to vector<16xi32>
        %parallel_loop3A_327 = arith.constant 0 : i32
        %parallel_loop3A_328 = vector.broadcast %parallel_loop3A_327 : i32 to vector<16xi32>
        %parallel_loop3A_329 = arith.cmpi slt, %parallel_loop3A_324, %parallel_loop3A_328 : vector<16xi32>
        %parallel_loop3A_330 = arith.constant 16 : i32
        %parallel_loop3A_331 = vector.broadcast %parallel_loop3A_330 : i32 to vector<16xi32>
        %parallel_loop3A_332 = arith.addi %parallel_loop3A_324, %parallel_loop3A_331 : vector<16xi32>
        %parallel_loop3A_333 = arith.select %parallel_loop3A_329, %parallel_loop3A_332, %parallel_loop3A_324 : vector<16xi1>, vector<16xi32>
        %parallel_loop3A_334 = vector.shape_cast %parallel_loop3A_333 : vector<16xi32> to vector<16x1xi32>
        %parallel_loop3A_335 = vector.shape_cast %parallel_loop3A_334 : vector<16x1xi32> to vector<16xi32>
        %parallel_loop3A_336 = tpu.dynamic_gather %parallel_loop3A_277[%parallel_loop3A_335] in [0] : vector<16xf32>, vector<16xi32> -> vector<16xf32>
        %parallel_loop3A_337 = arith.constant 0 : i32
        %parallel_loop3A_338 = vector.broadcast %parallel_loop3A_337 : i32 to vector<16xi32>
        %parallel_loop3A_339 = arith.cmpi slt, %parallel_loop3A_326, %parallel_loop3A_338 : vector<16xi32>
        %parallel_loop3A_340 = arith.constant 16 : i32
        %parallel_loop3A_341 = vector.broadcast %parallel_loop3A_340 : i32 to vector<16xi32>
        %parallel_loop3A_342 = arith.addi %parallel_loop3A_326, %parallel_loop3A_341 : vector<16xi32>
        %parallel_loop3A_343 = arith.select %parallel_loop3A_339, %parallel_loop3A_342, %parallel_loop3A_326 : vector<16xi1>, vector<16xi32>
        %parallel_loop3A_344 = vector.shape_cast %parallel_loop3A_343 : vector<16xi32> to vector<16x1xi32>
        %parallel_loop3A_345 = vector.shape_cast %parallel_loop3A_344 : vector<16x1xi32> to vector<16xi32>
        %parallel_loop3A_346 = tpu.dynamic_gather %parallel_loop3A_277[%parallel_loop3A_345] in [0] : vector<16xf32>, vector<16xi32> -> vector<16xf32>
        %parallel_loop3A_347 = arith.mulf %parallel_loop3A_321, %parallel_loop3A_336 : vector<16xf32>
        %parallel_loop3A_348 = arith.index_cast %parallel_loop3A_262 : i32 to index
        %parallel_loop3A_349 = arith.constant 40 : index
        %parallel_loop3A_350 = tpu.vector_load %arg18[%parallel_loop3A_348, %parallel_loop3A_349] {strides = array<i32>} : memref<40x136xf32, #tpu.memory_space<vmem>>, vector<16xf32>,
        tpu.vector_store %arg18[%parallel_loop3A_348, %parallel_loop3A_349], %parallel_loop3A_347 {strides = array<i32>} : memref<40x136xf32, #tpu.memory_space<vmem>>, vector<16xf32>,
        %parallel_loop3A_351 = arith.mulf %parallel_loop3A_322, %parallel_loop3A_346 : vector<16xf32>
        %parallel_loop3A_352 = arith.index_cast %parallel_loop3A_262 : i32 to index
        %parallel_loop3A_353 = arith.constant 56 : index
        %parallel_loop3A_354 = tpu.vector_load %arg18[%parallel_loop3A_352, %parallel_loop3A_353] {strides = array<i32>} : memref<40x136xf32, #tpu.memory_space<vmem>>, vector<16xf32>,
        tpu.vector_store %arg18[%parallel_loop3A_352, %parallel_loop3A_353], %parallel_loop3A_351 {strides = array<i32>} : memref<40x136xf32, #tpu.memory_space<vmem>>, vector<16xf32>,
        %parallel_loop3A_355 = arith.index_cast %parallel_loop3A_262 : i32 to index
        %parallel_loop3A_356 = arith.constant 64 : index
        %parallel_loop3A_357 = tpu.vector_load %arg16[%parallel_loop3A_355, %parallel_loop3A_356] {strides = array<i32>} : memref<40x128xbf16, #tpu.memory_space<vmem>>, vector<32xbf16>,
        %parallel_loop3A_358 = tpu.unpack_subelements %parallel_loop3A_357, 0 {pack_format = #tpu.pack_format<interleaved>} : vector<32xbf16> -> vector<16xf32>
        %parallel_loop3A_359 = tpu.unpack_subelements %parallel_loop3A_357, 1 {pack_format = #tpu.pack_format<interleaved>} : vector<32xbf16> -> vector<16xf32>
        %parallel_loop3A_360 = arith.constant 4 : i32
        %parallel_loop3A_361 = vector.broadcast %parallel_loop3A_360 : i32 to vector<16xi32>
        %parallel_loop3A_362 = arith.constant 5 : i32
        %parallel_loop3A_363 = vector.broadcast %parallel_loop3A_362 : i32 to vector<16xi32>
        %parallel_loop3A_364 = arith.constant 0 : i32
        %parallel_loop3A_365 = vector.broadcast %parallel_loop3A_364 : i32 to vector<16xi32>
        %parallel_loop3A_366 = arith.cmpi slt, %parallel_loop3A_361, %parallel_loop3A_365 : vector<16xi32>
        %parallel_loop3A_367 = arith.constant 16 : i32
        %parallel_loop3A_368 = vector.broadcast %parallel_loop3A_367 : i32 to vector<16xi32>
        %parallel_loop3A_369 = arith.addi %parallel_loop3A_361, %parallel_loop3A_368 : vector<16xi32>
        %parallel_loop3A_370 = arith.select %parallel_loop3A_366, %parallel_loop3A_369, %parallel_loop3A_361 : vector<16xi1>, vector<16xi32>
        %parallel_loop3A_371 = vector.shape_cast %parallel_loop3A_370 : vector<16xi32> to vector<16x1xi32>
        %parallel_loop3A_372 = vector.shape_cast %parallel_loop3A_371 : vector<16x1xi32> to vector<16xi32>
        %parallel_loop3A_373 = tpu.dynamic_gather %parallel_loop3A_277[%parallel_loop3A_372] in [0] : vector<16xf32>, vector<16xi32> -> vector<16xf32>
        %parallel_loop3A_374 = arith.constant 0 : i32
        %parallel_loop3A_375 = vector.broadcast %parallel_loop3A_374 : i32 to vector<16xi32>
        %parallel_loop3A_376 = arith.cmpi slt, %parallel_loop3A_363, %parallel_loop3A_375 : vector<16xi32>
        %parallel_loop3A_377 = arith.constant 16 : i32
        %parallel_loop3A_378 = vector.broadcast %parallel_loop3A_377 : i32 to vector<16xi32>
        %parallel_loop3A_379 = arith.addi %parallel_loop3A_363, %parallel_loop3A_378 : vector<16xi32>
        %parallel_loop3A_380 = arith.select %parallel_loop3A_376, %parallel_loop3A_379, %parallel_loop3A_363 : vector<16xi1>, vector<16xi32>
        %parallel_loop3A_381 = vector.shape_cast %parallel_loop3A_380 : vector<16xi32> to vector<16x1xi32>
        %parallel_loop3A_382 = vector.shape_cast %parallel_loop3A_381 : vector<16x1xi32> to vector<16xi32>
        %parallel_loop3A_383 = tpu.dynamic_gather %parallel_loop3A_277[%parallel_loop3A_382] in [0] : vector<16xf32>, vector<16xi32> -> vector<16xf32>
        %parallel_loop3A_384 = arith.mulf %parallel_loop3A_358, %parallel_loop3A_373 : vector<16xf32>
        %parallel_loop3A_385 = arith.index_cast %parallel_loop3A_262 : i32 to index
        %parallel_loop3A_386 = arith.constant 72 : index
        %parallel_loop3A_387 = tpu.vector_load %arg18[%parallel_loop3A_385, %parallel_loop3A_386] {strides = array<i32>} : memref<40x136xf32, #tpu.memory_space<vmem>>, vector<16xf32>,
        tpu.vector_store %arg18[%parallel_loop3A_385, %parallel_loop3A_386], %parallel_loop3A_384 {strides = array<i32>} : memref<40x136xf32, #tpu.memory_space<vmem>>, vector<16xf32>,
        %parallel_loop3A_388 = arith.mulf %parallel_loop3A_359, %parallel_loop3A_383 : vector<16xf32>
        %parallel_loop3A_389 = arith.index_cast %parallel_loop3A_262 : i32 to index
        %parallel_loop3A_390 = arith.constant 88 : index
        %parallel_loop3A_391 = tpu.vector_load %arg18[%parallel_loop3A_389, %parallel_loop3A_390] {strides = array<i32>} : memref<40x136xf32, #tpu.memory_space<vmem>>, vector<16xf32>,
        tpu.vector_store %arg18[%parallel_loop3A_389, %parallel_loop3A_390], %parallel_loop3A_388 {strides = array<i32>} : memref<40x136xf32, #tpu.memory_space<vmem>>, vector<16xf32>,
        %parallel_loop3A_392 = arith.index_cast %parallel_loop3A_262 : i32 to index
        %parallel_loop3A_393 = arith.constant 96 : index
        %parallel_loop3A_394 = tpu.vector_load %arg16[%parallel_loop3A_392, %parallel_loop3A_393] {strides = array<i32>} : memref<40x128xbf16, #tpu.memory_space<vmem>>, vector<32xbf16>,
        %parallel_loop3A_395 = tpu.unpack_subelements %parallel_loop3A_394, 0 {pack_format = #tpu.pack_format<interleaved>} : vector<32xbf16> -> vector<16xf32>
        %parallel_loop3A_396 = tpu.unpack_subelements %parallel_loop3A_394, 1 {pack_format = #tpu.pack_format<interleaved>} : vector<32xbf16> -> vector<16xf32>
        %parallel_loop3A_397 = arith.constant 6 : i32
        %parallel_loop3A_398 = vector.broadcast %parallel_loop3A_397 : i32 to vector<16xi32>
        %parallel_loop3A_399 = arith.constant 7 : i32
        %parallel_loop3A_400 = vector.broadcast %parallel_loop3A_399 : i32 to vector<16xi32>
        %parallel_loop3A_401 = arith.constant 0 : i32
        %parallel_loop3A_402 = vector.broadcast %parallel_loop3A_401 : i32 to vector<16xi32>
        %parallel_loop3A_403 = arith.cmpi slt, %parallel_loop3A_398, %parallel_loop3A_402 : vector<16xi32>
        %parallel_loop3A_404 = arith.constant 16 : i32
        %parallel_loop3A_405 = vector.broadcast %parallel_loop3A_404 : i32 to vector<16xi32>
        %parallel_loop3A_406 = arith.addi %parallel_loop3A_398, %parallel_loop3A_405 : vector<16xi32>
        %parallel_loop3A_407 = arith.select %parallel_loop3A_403, %parallel_loop3A_406, %parallel_loop3A_398 : vector<16xi1>, vector<16xi32>
        %parallel_loop3A_408 = vector.shape_cast %parallel_loop3A_407 : vector<16xi32> to vector<16x1xi32>
        %parallel_loop3A_409 = vector.shape_cast %parallel_loop3A_408 : vector<16x1xi32> to vector<16xi32>
        %parallel_loop3A_410 = tpu.dynamic_gather %parallel_loop3A_277[%parallel_loop3A_409] in [0] : vector<16xf32>, vector<16xi32> -> vector<16xf32>
        %parallel_loop3A_411 = arith.constant 0 : i32
        %parallel_loop3A_412 = vector.broadcast %parallel_loop3A_411 : i32 to vector<16xi32>
        %parallel_loop3A_413 = arith.cmpi slt, %parallel_loop3A_400, %parallel_loop3A_412 : vector<16xi32>
        %parallel_loop3A_414 = arith.constant 16 : i32
        %parallel_loop3A_415 = vector.broadcast %parallel_loop3A_414 : i32 to vector<16xi32>
        %parallel_loop3A_416 = arith.addi %parallel_loop3A_400, %parallel_loop3A_415 : vector<16xi32>
        %parallel_loop3A_417 = arith.select %parallel_loop3A_413, %parallel_loop3A_416, %parallel_loop3A_400 : vector<16xi1>, vector<16xi32>
        %parallel_loop3A_418 = vector.shape_cast %parallel_loop3A_417 : vector<16xi32> to vector<16x1xi32>
        %parallel_loop3A_419 = vector.shape_cast %parallel_loop3A_418 : vector<16x1xi32> to vector<16xi32>
        %parallel_loop3A_420 = tpu.dynamic_gather %parallel_loop3A_277[%parallel_loop3A_419] in [0] : vector<16xf32>, vector<16xi32> -> vector<16xf32>
        %parallel_loop3A_421 = arith.mulf %parallel_loop3A_395, %parallel_loop3A_410 : vector<16xf32>
        %parallel_loop3A_422 = arith.index_cast %parallel_loop3A_262 : i32 to index
        %parallel_loop3A_423 = arith.constant 104 : index
        %parallel_loop3A_424 = tpu.vector_load %arg18[%parallel_loop3A_422, %parallel_loop3A_423] {strides = array<i32>} : memref<40x136xf32, #tpu.memory_space<vmem>>, vector<16xf32>,
        tpu.vector_store %arg18[%parallel_loop3A_422, %parallel_loop3A_423], %parallel_loop3A_421 {strides = array<i32>} : memref<40x136xf32, #tpu.memory_space<vmem>>, vector<16xf32>,
        %parallel_loop3A_425 = arith.mulf %parallel_loop3A_396, %parallel_loop3A_420 : vector<16xf32>
        %parallel_loop3A_426 = arith.index_cast %parallel_loop3A_262 : i32 to index
        %parallel_loop3A_427 = arith.constant 120 : index
        %parallel_loop3A_428 = tpu.vector_load %arg18[%parallel_loop3A_426, %parallel_loop3A_427] {strides = array<i32>} : memref<40x136xf32, #tpu.memory_space<vmem>>, vector<16xf32>,
        tpu.vector_store %arg18[%parallel_loop3A_426, %parallel_loop3A_427], %parallel_loop3A_425 {strides = array<i32>} : memref<40x136xf32, #tpu.memory_space<vmem>>, vector<16xf32>,
      } {sc.loop_unroll_factor = 4 : i64, sc.parallel_access}
      "tpu.region"() ({
        %run_scoped3A_262 = tpu.sem_alloc : memref<!tpu.dma_semaphore, #tpu.memory_space<semaphore_mem>>
        %dma_start3A_263 = arith.constant 0 : i32
        %dma_start3A_264 = tpu.memref_slice %arg9[%add3A_240, %dma_start3A_263] : memref<250x40xi32, #tpu.memory_space<vmem>> -> memref<1x40xi32, #tpu.memory_space<vmem>>
        %dma_start3A_265 = tpu.memref_squeeze %dma_start3A_264 : memref<1x40xi32, #tpu.memory_space<vmem>> -> memref<40xi32, #tpu.memory_space<vmem>>
        %dma_start3A_266 = arith.constant 0 : i32
        %dma_start3A_267 = arith.constant 0 : i32
        %dma_start3A_268 = tpu.memref_slice %arg19[%dma_start3A_266, %dma_start3A_267] : memref<10240x136xf32, #tpu.memory_space<vmem_shared>> -> memref<10240x136xf32, #tpu.memory_space<vmem_shared>>
        tpu.enqueue_indirect_dma source(%arg18 : memref<40x136xf32, #tpu.memory_space<vmem>>) target(%dma_start3A_268 : memref<10240x136xf32, #tpu.memory_space<vmem_shared>>) offsets(%dma_start3A_265 : memref<40xi32, #tpu.memory_space<vmem>>) semaphore(%run_scoped3A_262 : memref<!tpu.dma_semaphore, #tpu.memory_space<semaphore_mem>>) {add = true}
        %dma_wait3A_269 = arith.constant 0 : i32
        %dma_wait3A_270 = tpu.memref_slice %arg9[%add3A_240, %dma_wait3A_269] : memref<250x40xi32, #tpu.memory_space<vmem>> -> memref<1x40xi32, #tpu.memory_space<vmem>>
        %dma_wait3A_271 = tpu.memref_squeeze %dma_wait3A_270 : memref<1x40xi32, #tpu.memory_space<vmem>> -> memref<40xi32, #tpu.memory_space<vmem>>
        %dma_wait3A_272 = arith.constant 0 : i32
        %dma_wait3A_273 = arith.constant 0 : i32
        %dma_wait3A_274 = tpu.memref_slice %arg19[%dma_wait3A_272, %dma_wait3A_273] : memref<10240x136xf32, #tpu.memory_space<vmem_shared>> -> memref<10240x136xf32, #tpu.memory_space<vmem_shared>>
        tpu.wait_indirect_dma semaphore(%run_scoped3A_262 : memref<!tpu.dma_semaphore, #tpu.memory_space<semaphore_mem>>) src(%arg18 : memref<40x136xf32, #tpu.memory_space<vmem>>) dst(%dma_wait3A_274 : memref<10240x136xf32, #tpu.memory_space<vmem_shared>>)
        tpu.yield
      }) : () -> ()
    }
    %scan3A_95 = arith.constant 124 : i32
    %dma_start3A_96 = arith.constant 249 : i32
    %dma_start3A_97 = arith.constant 0 : i32
    %dma_start3A_98 = tpu.memref_slice %arg8[%dma_start3A_96, %dma_start3A_97] : memref<250x40xi32, #tpu.memory_space<vmem>> -> memref<1x40xi32, #tpu.memory_space<vmem>>
    %dma_start3A_99 = tpu.memref_squeeze %dma_start3A_98 : memref<1x40xi32, #tpu.memory_space<vmem>> -> memref<40xi32, #tpu.memory_space<vmem>>
    %dma_start3A_100 = arith.constant 0 : i32
    %dma_start3A_101 = arith.constant 0 : i32
    %dma_start3A_102 = tpu.memref_slice %arg2[%dma_start3A_100, %dma_start3A_101] : memref<10000x16xf32, #tpu.memory_space<hbm>> -> memref<10000x16xf32, #tpu.memory_space<hbm>>
    tpu.enqueue_indirect_dma source(%dma_start3A_102 : memref<10000x16xf32, #tpu.memory_space<hbm>>) target(%arg14 : memref<40x16xf32, #tpu.memory_space<vmem>>) offsets(%dma_start3A_99 : memref<40xi32, #tpu.memory_space<vmem>>) semaphore(%arg17 : memref<!tpu.dma_semaphore, #tpu.memory_space<semaphore_mem>>)
    %dma_start3A_103 = arith.constant 249 : i32
    %dma_start3A_104 = arith.constant 0 : i32
    %dma_start3A_105 = tpu.memref_slice %arg9[%dma_start3A_103, %dma_start3A_104] : memref<250x40xi32, #tpu.memory_space<vmem>> -> memref<1x40xi32, #tpu.memory_space<vmem>>
    %dma_start3A_106 = tpu.memref_squeeze %dma_start3A_105 : memref<1x40xi32, #tpu.memory_space<vmem>> -> memref<40xi32, #tpu.memory_space<vmem>>
    %dma_start3A_107 = arith.constant 0 : i32
    %dma_start3A_108 = arith.constant 0 : i32
    %dma_start3A_109 = tpu.memref_slice %arg3[%dma_start3A_107, %dma_start3A_108] : memref<10000x16xf32, #tpu.memory_space<hbm>> -> memref<10000x16xf32, #tpu.memory_space<hbm>>
    tpu.enqueue_indirect_dma source(%dma_start3A_109 : memref<10000x16xf32, #tpu.memory_space<hbm>>) target(%arg15 : memref<40x16xf32, #tpu.memory_space<vmem>>) offsets(%dma_start3A_106 : memref<40xi32, #tpu.memory_space<vmem>>) semaphore(%arg17 : memref<!tpu.dma_semaphore, #tpu.memory_space<semaphore_mem>>)
    %dma_start3A_110 = arith.constant 249 : i32
    %dma_start3A_111 = arith.constant 0 : i32
    %dma_start3A_112 = tpu.memref_slice %arg8[%dma_start3A_110, %dma_start3A_111] : memref<250x40xi32, #tpu.memory_space<vmem>> -> memref<1x40xi32, #tpu.memory_space<vmem>>
    %dma_start3A_113 = tpu.memref_squeeze %dma_start3A_112 : memref<1x40xi32, #tpu.memory_space<vmem>> -> memref<40xi32, #tpu.memory_space<vmem>>
    %dma_start3A_114 = arith.constant 0 : i32
    %dma_start3A_115 = arith.constant 0 : i32
    %dma_start3A_116 = tpu.memref_slice %arg4[%dma_start3A_114, %dma_start3A_115] : memref<10000x128xbf16, #tpu.memory_space<hbm>> -> memref<10000x128xbf16, #tpu.memory_space<hbm>>
    tpu.enqueue_indirect_dma source(%dma_start3A_116 : memref<10000x128xbf16, #tpu.memory_space<hbm>>) target(%arg16 : memref<40x128xbf16, #tpu.memory_space<vmem>>) offsets(%dma_start3A_113 : memref<40xi32, #tpu.memory_space<vmem>>) semaphore(%arg17 : memref<!tpu.dma_semaphore, #tpu.memory_space<semaphore_mem>>)
    %dma_wait3A = arith.constant 248 : i32
    %dma_wait3A_117 = arith.constant 0 : i32
    %dma_wait3A_118 = tpu.memref_slice %arg8[%dma_wait3A, %dma_wait3A_117] : memref<250x40xi32, #tpu.memory_space<vmem>> -> memref<1x40xi32, #tpu.memory_space<vmem>>
    %dma_wait3A_119 = tpu.memref_squeeze %dma_wait3A_118 : memref<1x40xi32, #tpu.memory_space<vmem>> -> memref<40xi32, #tpu.memory_space<vmem>>
    %dma_wait3A_120 = arith.constant 0 : i32
    %dma_wait3A_121 = arith.constant 0 : i32
    %dma_wait3A_122 = tpu.memref_slice %arg2[%dma_wait3A_120, %dma_wait3A_121] : memref<10000x16xf32, #tpu.memory_space<hbm>> -> memref<10000x16xf32, #tpu.memory_space<hbm>>
    tpu.wait_indirect_dma semaphore(%arg13 : memref<!tpu.dma_semaphore, #tpu.memory_space<semaphore_mem>>) src(%dma_wait3A_122 : memref<10000x16xf32, #tpu.memory_space<hbm>>) dst(%arg10 : memref<40x16xf32, #tpu.memory_space<vmem>>)
    %dma_wait3A_123 = arith.constant 248 : i32
    %dma_wait3A_124 = arith.constant 0 : i32
    %dma_wait3A_125 = tpu.memref_slice %arg9[%dma_wait3A_123, %dma_wait3A_124] : memref<250x40xi32, #tpu.memory_space<vmem>> -> memref<1x40xi32, #tpu.memory_space<vmem>>
    %dma_wait3A_126 = tpu.memref_squeeze %dma_wait3A_125 : memref<1x40xi32, #tpu.memory_space<vmem>> -> memref<40xi32, #tpu.memory_space<vmem>>
    %dma_wait3A_127 = arith.constant 0 : i32
    %dma_wait3A_128 = arith.constant 0 : i32
    %dma_wait3A_129 = tpu.memref_slice %arg3[%dma_wait3A_127, %dma_wait3A_128] : memref<10000x16xf32, #tpu.memory_space<hbm>> -> memref<10000x16xf32, #tpu.memory_space<hbm>>
    tpu.wait_indirect_dma semaphore(%arg13 : memref<!tpu.dma_semaphore, #tpu.memory_space<semaphore_mem>>) src(%dma_wait3A_129 : memref<10000x16xf32, #tpu.memory_space<hbm>>) dst(%arg11 : memref<40x16xf32, #tpu.memory_space<vmem>>)
    %dma_wait3A_130 = arith.constant 248 : i32
    %dma_wait3A_131 = arith.constant 0 : i32
    %dma_wait3A_132 = tpu.memref_slice %arg8[%dma_wait3A_130, %dma_wait3A_131] : memref<250x40xi32, #tpu.memory_space<vmem>> -> memref<1x40xi32, #tpu.memory_space<vmem>>
    %dma_wait3A_133 = tpu.memref_squeeze %dma_wait3A_132 : memref<1x40xi32, #tpu.memory_space<vmem>> -> memref<40xi32, #tpu.memory_space<vmem>>
    %dma_wait3A_134 = arith.constant 0 : i32
    %dma_wait3A_135 = arith.constant 0 : i32
    %dma_wait3A_136 = tpu.memref_slice %arg4[%dma_wait3A_134, %dma_wait3A_135] : memref<10000x128xbf16, #tpu.memory_space<hbm>> -> memref<10000x128xbf16, #tpu.memory_space<hbm>>
    tpu.wait_indirect_dma semaphore(%arg13 : memref<!tpu.dma_semaphore, #tpu.memory_space<semaphore_mem>>) src(%dma_wait3A_136 : memref<10000x128xbf16, #tpu.memory_space<hbm>>) dst(%arg12 : memref<40x128xbf16, #tpu.memory_space<vmem>>)
    %parallel_loop3A = arith.constant 0 : i32
    %parallel_loop3A_137 = arith.constant 40 : i32
    %parallel_loop3A_138 = arith.constant 1 : i32
    scf.for %parallel_loop3A_169 = %parallel_loop3A to %parallel_loop3A_137 step %parallel_loop3A_138  : i32 {
      %parallel_loop3A_170 = arith.index_cast %parallel_loop3A_169 : i32 to index
      %parallel_loop3A_171 = arith.constant 0 : index
      %parallel_loop3A_172 = tpu.vector_load %arg10[%parallel_loop3A_170, %parallel_loop3A_171] {strides = array<i32>} : memref<40x16xf32, #tpu.memory_space<vmem>>, vector<16xf32>,
      %parallel_loop3A_173 = arith.index_cast %parallel_loop3A_169 : i32 to index
      %parallel_loop3A_174 = arith.constant 0 : index
      %parallel_loop3A_175 = tpu.vector_load %arg11[%parallel_loop3A_173, %parallel_loop3A_174] {strides = array<i32>} : memref<40x16xf32, #tpu.memory_space<vmem>>, vector<16xf32>,
      %parallel_loop3A_176 = arith.addf %parallel_loop3A_172, %parallel_loop3A_175 : vector<16xf32>
      %parallel_loop3A_177 = arith.constant 0.000000e+00 : f32
      %parallel_loop3A_178 = vector.broadcast %parallel_loop3A_177 : f32 to vector<16xf32>
      %parallel_loop3A_179 = arith.cmpf oge, %parallel_loop3A_176, %parallel_loop3A_178 : vector<16xf32>
      %parallel_loop3A_180 = arith.constant 2.000000e-01 : f32
      %parallel_loop3A_181 = vector.broadcast %parallel_loop3A_180 : f32 to vector<16xf32>
      %parallel_loop3A_182 = arith.mulf %parallel_loop3A_181, %parallel_loop3A_176 : vector<16xf32>
      %parallel_loop3A_183 = arith.select %parallel_loop3A_179, %parallel_loop3A_176, %parallel_loop3A_182 : vector<16xi1>, vector<16xf32>
      %parallel_loop3A_184 = math.exp %parallel_loop3A_183 : vector<16xf32>
      %parallel_loop3A_185 = arith.index_cast %parallel_loop3A_169 : i32 to index
      %parallel_loop3A_186 = arith.constant 0 : index
      %parallel_loop3A_187 = tpu.vector_load %arg18[%parallel_loop3A_185, %parallel_loop3A_186] {strides = array<i32>} : memref<40x136xf32, #tpu.memory_space<vmem>>, vector<16xf32>,
      tpu.vector_store %arg18[%parallel_loop3A_185, %parallel_loop3A_186], %parallel_loop3A_184 {strides = array<i32>} : memref<40x136xf32, #tpu.memory_space<vmem>>, vector<16xf32>,
      %parallel_loop3A_188 = arith.index_cast %parallel_loop3A_169 : i32 to index
      %parallel_loop3A_189 = arith.constant 0 : index
      %parallel_loop3A_190 = tpu.vector_load %arg12[%parallel_loop3A_188, %parallel_loop3A_189] {strides = array<i32>} : memref<40x128xbf16, #tpu.memory_space<vmem>>, vector<32xbf16>,
      %parallel_loop3A_191 = tpu.unpack_subelements %parallel_loop3A_190, 0 {pack_format = #tpu.pack_format<interleaved>} : vector<32xbf16> -> vector<16xf32>
      %parallel_loop3A_192 = tpu.unpack_subelements %parallel_loop3A_190, 1 {pack_format = #tpu.pack_format<interleaved>} : vector<32xbf16> -> vector<16xf32>
      %parallel_loop3A_193 = arith.constant 0 : i32
      %parallel_loop3A_194 = vector.broadcast %parallel_loop3A_193 : i32 to vector<16xi32>
      %parallel_loop3A_195 = arith.constant 1 : i32
      %parallel_loop3A_196 = vector.broadcast %parallel_loop3A_195 : i32 to vector<16xi32>
      %parallel_loop3A_197 = arith.constant 0 : i32
      %parallel_loop3A_198 = vector.broadcast %parallel_loop3A_197 : i32 to vector<16xi32>
      %parallel_loop3A_199 = arith.cmpi slt, %parallel_loop3A_194, %parallel_loop3A_198 : vector<16xi32>
      %parallel_loop3A_200 = arith.constant 16 : i32
      %parallel_loop3A_201 = vector.broadcast %parallel_loop3A_200 : i32 to vector<16xi32>
      %parallel_loop3A_202 = arith.addi %parallel_loop3A_194, %parallel_loop3A_201 : vector<16xi32>
      %parallel_loop3A_203 = arith.select %parallel_loop3A_199, %parallel_loop3A_202, %parallel_loop3A_194 : vector<16xi1>, vector<16xi32>
      %parallel_loop3A_204 = vector.shape_cast %parallel_loop3A_203 : vector<16xi32> to vector<16x1xi32>
      %parallel_loop3A_205 = vector.shape_cast %parallel_loop3A_204 : vector<16x1xi32> to vector<16xi32>
      %parallel_loop3A_206 = tpu.dynamic_gather %parallel_loop3A_184[%parallel_loop3A_205] in [0] : vector<16xf32>, vector<16xi32> -> vector<16xf32>
      %parallel_loop3A_207 = arith.constant 0 : i32
      %parallel_loop3A_208 = vector.broadcast %parallel_loop3A_207 : i32 to vector<16xi32>
      %parallel_loop3A_209 = arith.cmpi slt, %parallel_loop3A_196, %parallel_loop3A_208 : vector<16xi32>
      %parallel_loop3A_210 = arith.constant 16 : i32
      %parallel_loop3A_211 = vector.broadcast %parallel_loop3A_210 : i32 to vector<16xi32>
      %parallel_loop3A_212 = arith.addi %parallel_loop3A_196, %parallel_loop3A_211 : vector<16xi32>
      %parallel_loop3A_213 = arith.select %parallel_loop3A_209, %parallel_loop3A_212, %parallel_loop3A_196 : vector<16xi1>, vector<16xi32>
      %parallel_loop3A_214 = vector.shape_cast %parallel_loop3A_213 : vector<16xi32> to vector<16x1xi32>
      %parallel_loop3A_215 = vector.shape_cast %parallel_loop3A_214 : vector<16x1xi32> to vector<16xi32>
      %parallel_loop3A_216 = tpu.dynamic_gather %parallel_loop3A_184[%parallel_loop3A_215] in [0] : vector<16xf32>, vector<16xi32> -> vector<16xf32>
      %parallel_loop3A_217 = arith.mulf %parallel_loop3A_191, %parallel_loop3A_206 : vector<16xf32>
      %parallel_loop3A_218 = arith.index_cast %parallel_loop3A_169 : i32 to index
      %parallel_loop3A_219 = arith.constant 8 : index
      %parallel_loop3A_220 = tpu.vector_load %arg18[%parallel_loop3A_218, %parallel_loop3A_219] {strides = array<i32>} : memref<40x136xf32, #tpu.memory_space<vmem>>, vector<16xf32>,
      tpu.vector_store %arg18[%parallel_loop3A_218, %parallel_loop3A_219], %parallel_loop3A_217 {strides = array<i32>} : memref<40x136xf32, #tpu.memory_space<vmem>>, vector<16xf32>,
      %parallel_loop3A_221 = arith.mulf %parallel_loop3A_192, %parallel_loop3A_216 : vector<16xf32>
      %parallel_loop3A_222 = arith.index_cast %parallel_loop3A_169 : i32 to index
      %parallel_loop3A_223 = arith.constant 24 : index
      %parallel_loop3A_224 = tpu.vector_load %arg18[%parallel_loop3A_222, %parallel_loop3A_223] {strides = array<i32>} : memref<40x136xf32, #tpu.memory_space<vmem>>, vector<16xf32>,
      tpu.vector_store %arg18[%parallel_loop3A_222, %parallel_loop3A_223], %parallel_loop3A_221 {strides = array<i32>} : memref<40x136xf32, #tpu.memory_space<vmem>>, vector<16xf32>,
      %parallel_loop3A_225 = arith.index_cast %parallel_loop3A_169 : i32 to index
      %parallel_loop3A_226 = arith.constant 32 : index
      %parallel_loop3A_227 = tpu.vector_load %arg12[%parallel_loop3A_225, %parallel_loop3A_226] {strides = array<i32>} : memref<40x128xbf16, #tpu.memory_space<vmem>>, vector<32xbf16>,
      %parallel_loop3A_228 = tpu.unpack_subelements %parallel_loop3A_227, 0 {pack_format = #tpu.pack_format<interleaved>} : vector<32xbf16> -> vector<16xf32>
      %parallel_loop3A_229 = tpu.unpack_subelements %parallel_loop3A_227, 1 {pack_format = #tpu.pack_format<interleaved>} : vector<32xbf16> -> vector<16xf32>
      %parallel_loop3A_230 = arith.constant 2 : i32
      %parallel_loop3A_231 = vector.broadcast %parallel_loop3A_230 : i32 to vector<16xi32>
      %parallel_loop3A_232 = arith.constant 3 : i32
      %parallel_loop3A_233 = vector.broadcast %parallel_loop3A_232 : i32 to vector<16xi32>
      %parallel_loop3A_234 = arith.constant 0 : i32
      %parallel_loop3A_235 = vector.broadcast %parallel_loop3A_234 : i32 to vector<16xi32>
      %parallel_loop3A_236 = arith.cmpi slt, %parallel_loop3A_231, %parallel_loop3A_235 : vector<16xi32>
      %parallel_loop3A_237 = arith.constant 16 : i32
      %parallel_loop3A_238 = vector.broadcast %parallel_loop3A_237 : i32 to vector<16xi32>
      %parallel_loop3A_239 = arith.addi %parallel_loop3A_231, %parallel_loop3A_238 : vector<16xi32>
      %parallel_loop3A_240 = arith.select %parallel_loop3A_236, %parallel_loop3A_239, %parallel_loop3A_231 : vector<16xi1>, vector<16xi32>
      %parallel_loop3A_241 = vector.shape_cast %parallel_loop3A_240 : vector<16xi32> to vector<16x1xi32>
      %parallel_loop3A_242 = vector.shape_cast %parallel_loop3A_241 : vector<16x1xi32> to vector<16xi32>
      %parallel_loop3A_243 = tpu.dynamic_gather %parallel_loop3A_184[%parallel_loop3A_242] in [0] : vector<16xf32>, vector<16xi32> -> vector<16xf32>
      %parallel_loop3A_244 = arith.constant 0 : i32
      %parallel_loop3A_245 = vector.broadcast %parallel_loop3A_244 : i32 to vector<16xi32>
      %parallel_loop3A_246 = arith.cmpi slt, %parallel_loop3A_233, %parallel_loop3A_245 : vector<16xi32>
      %parallel_loop3A_247 = arith.constant 16 : i32
      %parallel_loop3A_248 = vector.broadcast %parallel_loop3A_247 : i32 to vector<16xi32>
      %parallel_loop3A_249 = arith.addi %parallel_loop3A_233, %parallel_loop3A_248 : vector<16xi32>
      %parallel_loop3A_250 = arith.select %parallel_loop3A_246, %parallel_loop3A_249, %parallel_loop3A_233 : vector<16xi1>, vector<16xi32>
      %parallel_loop3A_251 = vector.shape_cast %parallel_loop3A_250 : vector<16xi32> to vector<16x1xi32>
      %parallel_loop3A_252 = vector.shape_cast %parallel_loop3A_251 : vector<16x1xi32> to vector<16xi32>
      %parallel_loop3A_253 = tpu.dynamic_gather %parallel_loop3A_184[%parallel_loop3A_252] in [0] : vector<16xf32>, vector<16xi32> -> vector<16xf32>
      %parallel_loop3A_254 = arith.mulf %parallel_loop3A_228, %parallel_loop3A_243 : vector<16xf32>
      %parallel_loop3A_255 = arith.index_cast %parallel_loop3A_169 : i32 to index
      %parallel_loop3A_256 = arith.constant 40 : index
      %parallel_loop3A_257 = tpu.vector_load %arg18[%parallel_loop3A_255, %parallel_loop3A_256] {strides = array<i32>} : memref<40x136xf32, #tpu.memory_space<vmem>>, vector<16xf32>,
      tpu.vector_store %arg18[%parallel_loop3A_255, %parallel_loop3A_256], %parallel_loop3A_254 {strides = array<i32>} : memref<40x136xf32, #tpu.memory_space<vmem>>, vector<16xf32>,
      %parallel_loop3A_258 = arith.mulf %parallel_loop3A_229, %parallel_loop3A_253 : vector<16xf32>
      %parallel_loop3A_259 = arith.index_cast %parallel_loop3A_169 : i32 to index
      %parallel_loop3A_260 = arith.constant 56 : index
      %parallel_loop3A_261 = tpu.vector_load %arg18[%parallel_loop3A_259, %parallel_loop3A_260] {strides = array<i32>} : memref<40x136xf32, #tpu.memory_space<vmem>>, vector<16xf32>,
      tpu.vector_store %arg18[%parallel_loop3A_259, %parallel_loop3A_260], %parallel_loop3A_258 {strides = array<i32>} : memref<40x136xf32, #tpu.memory_space<vmem>>, vector<16xf32>,
      %parallel_loop3A_262 = arith.index_cast %parallel_loop3A_169 : i32 to index
      %parallel_loop3A_263 = arith.constant 64 : index
      %parallel_loop3A_264 = tpu.vector_load %arg12[%parallel_loop3A_262, %parallel_loop3A_263] {strides = array<i32>} : memref<40x128xbf16, #tpu.memory_space<vmem>>, vector<32xbf16>,
      %parallel_loop3A_265 = tpu.unpack_subelements %parallel_loop3A_264, 0 {pack_format = #tpu.pack_format<interleaved>} : vector<32xbf16> -> vector<16xf32>
      %parallel_loop3A_266 = tpu.unpack_subelements %parallel_loop3A_264, 1 {pack_format = #tpu.pack_format<interleaved>} : vector<32xbf16> -> vector<16xf32>
      %parallel_loop3A_267 = arith.constant 4 : i32
      %parallel_loop3A_268 = vector.broadcast %parallel_loop3A_267 : i32 to vector<16xi32>
      %parallel_loop3A_269 = arith.constant 5 : i32
      %parallel_loop3A_270 = vector.broadcast %parallel_loop3A_269 : i32 to vector<16xi32>
      %parallel_loop3A_271 = arith.constant 0 : i32
      %parallel_loop3A_272 = vector.broadcast %parallel_loop3A_271 : i32 to vector<16xi32>
      %parallel_loop3A_273 = arith.cmpi slt, %parallel_loop3A_268, %parallel_loop3A_272 : vector<16xi32>
      %parallel_loop3A_274 = arith.constant 16 : i32
      %parallel_loop3A_275 = vector.broadcast %parallel_loop3A_274 : i32 to vector<16xi32>
      %parallel_loop3A_276 = arith.addi %parallel_loop3A_268, %parallel_loop3A_275 : vector<16xi32>
      %parallel_loop3A_277 = arith.select %parallel_loop3A_273, %parallel_loop3A_276, %parallel_loop3A_268 : vector<16xi1>, vector<16xi32>
      %parallel_loop3A_278 = vector.shape_cast %parallel_loop3A_277 : vector<16xi32> to vector<16x1xi32>
      %parallel_loop3A_279 = vector.shape_cast %parallel_loop3A_278 : vector<16x1xi32> to vector<16xi32>
      %parallel_loop3A_280 = tpu.dynamic_gather %parallel_loop3A_184[%parallel_loop3A_279] in [0] : vector<16xf32>, vector<16xi32> -> vector<16xf32>
      %parallel_loop3A_281 = arith.constant 0 : i32
      %parallel_loop3A_282 = vector.broadcast %parallel_loop3A_281 : i32 to vector<16xi32>
      %parallel_loop3A_283 = arith.cmpi slt, %parallel_loop3A_270, %parallel_loop3A_282 : vector<16xi32>
      %parallel_loop3A_284 = arith.constant 16 : i32
      %parallel_loop3A_285 = vector.broadcast %parallel_loop3A_284 : i32 to vector<16xi32>
      %parallel_loop3A_286 = arith.addi %parallel_loop3A_270, %parallel_loop3A_285 : vector<16xi32>
      %parallel_loop3A_287 = arith.select %parallel_loop3A_283, %parallel_loop3A_286, %parallel_loop3A_270 : vector<16xi1>, vector<16xi32>
      %parallel_loop3A_288 = vector.shape_cast %parallel_loop3A_287 : vector<16xi32> to vector<16x1xi32>
      %parallel_loop3A_289 = vector.shape_cast %parallel_loop3A_288 : vector<16x1xi32> to vector<16xi32>
      %parallel_loop3A_290 = tpu.dynamic_gather %parallel_loop3A_184[%parallel_loop3A_289] in [0] : vector<16xf32>, vector<16xi32> -> vector<16xf32>
      %parallel_loop3A_291 = arith.mulf %parallel_loop3A_265, %parallel_loop3A_280 : vector<16xf32>
      %parallel_loop3A_292 = arith.index_cast %parallel_loop3A_169 : i32 to index
      %parallel_loop3A_293 = arith.constant 72 : index
      %parallel_loop3A_294 = tpu.vector_load %arg18[%parallel_loop3A_292, %parallel_loop3A_293] {strides = array<i32>} : memref<40x136xf32, #tpu.memory_space<vmem>>, vector<16xf32>,
      tpu.vector_store %arg18[%parallel_loop3A_292, %parallel_loop3A_293], %parallel_loop3A_291 {strides = array<i32>} : memref<40x136xf32, #tpu.memory_space<vmem>>, vector<16xf32>,
      %parallel_loop3A_295 = arith.mulf %parallel_loop3A_266, %parallel_loop3A_290 : vector<16xf32>
      %parallel_loop3A_296 = arith.index_cast %parallel_loop3A_169 : i32 to index
      %parallel_loop3A_297 = arith.constant 88 : index
      %parallel_loop3A_298 = tpu.vector_load %arg18[%parallel_loop3A_296, %parallel_loop3A_297] {strides = array<i32>} : memref<40x136xf32, #tpu.memory_space<vmem>>, vector<16xf32>,
      tpu.vector_store %arg18[%parallel_loop3A_296, %parallel_loop3A_297], %parallel_loop3A_295 {strides = array<i32>} : memref<40x136xf32, #tpu.memory_space<vmem>>, vector<16xf32>,
      %parallel_loop3A_299 = arith.index_cast %parallel_loop3A_169 : i32 to index
      %parallel_loop3A_300 = arith.constant 96 : index
      %parallel_loop3A_301 = tpu.vector_load %arg12[%parallel_loop3A_299, %parallel_loop3A_300] {strides = array<i32>} : memref<40x128xbf16, #tpu.memory_space<vmem>>, vector<32xbf16>,
      %parallel_loop3A_302 = tpu.unpack_subelements %parallel_loop3A_301, 0 {pack_format = #tpu.pack_format<interleaved>} : vector<32xbf16> -> vector<16xf32>
      %parallel_loop3A_303 = tpu.unpack_subelements %parallel_loop3A_301, 1 {pack_format = #tpu.pack_format<interleaved>} : vector<32xbf16> -> vector<16xf32>
      %parallel_loop3A_304 = arith.constant 6 : i32
      %parallel_loop3A_305 = vector.broadcast %parallel_loop3A_304 : i32 to vector<16xi32>
      %parallel_loop3A_306 = arith.constant 7 : i32
      %parallel_loop3A_307 = vector.broadcast %parallel_loop3A_306 : i32 to vector<16xi32>
      %parallel_loop3A_308 = arith.constant 0 : i32
      %parallel_loop3A_309 = vector.broadcast %parallel_loop3A_308 : i32 to vector<16xi32>
      %parallel_loop3A_310 = arith.cmpi slt, %parallel_loop3A_305, %parallel_loop3A_309 : vector<16xi32>
      %parallel_loop3A_311 = arith.constant 16 : i32
      %parallel_loop3A_312 = vector.broadcast %parallel_loop3A_311 : i32 to vector<16xi32>
      %parallel_loop3A_313 = arith.addi %parallel_loop3A_305, %parallel_loop3A_312 : vector<16xi32>
      %parallel_loop3A_314 = arith.select %parallel_loop3A_310, %parallel_loop3A_313, %parallel_loop3A_305 : vector<16xi1>, vector<16xi32>
      %parallel_loop3A_315 = vector.shape_cast %parallel_loop3A_314 : vector<16xi32> to vector<16x1xi32>
      %parallel_loop3A_316 = vector.shape_cast %parallel_loop3A_315 : vector<16x1xi32> to vector<16xi32>
      %parallel_loop3A_317 = tpu.dynamic_gather %parallel_loop3A_184[%parallel_loop3A_316] in [0] : vector<16xf32>, vector<16xi32> -> vector<16xf32>
      %parallel_loop3A_318 = arith.constant 0 : i32
      %parallel_loop3A_319 = vector.broadcast %parallel_loop3A_318 : i32 to vector<16xi32>
      %parallel_loop3A_320 = arith.cmpi slt, %parallel_loop3A_307, %parallel_loop3A_319 : vector<16xi32>
      %parallel_loop3A_321 = arith.constant 16 : i32
      %parallel_loop3A_322 = vector.broadcast %parallel_loop3A_321 : i32 to vector<16xi32>
      %parallel_loop3A_323 = arith.addi %parallel_loop3A_307, %parallel_loop3A_322 : vector<16xi32>
      %parallel_loop3A_324 = arith.select %parallel_loop3A_320, %parallel_loop3A_323, %parallel_loop3A_307 : vector<16xi1>, vector<16xi32>
      %parallel_loop3A_325 = vector.shape_cast %parallel_loop3A_324 : vector<16xi32> to vector<16x1xi32>
      %parallel_loop3A_326 = vector.shape_cast %parallel_loop3A_325 : vector<16x1xi32> to vector<16xi32>
      %parallel_loop3A_327 = tpu.dynamic_gather %parallel_loop3A_184[%parallel_loop3A_326] in [0] : vector<16xf32>, vector<16xi32> -> vector<16xf32>
      %parallel_loop3A_328 = arith.mulf %parallel_loop3A_302, %parallel_loop3A_317 : vector<16xf32>
      %parallel_loop3A_329 = arith.index_cast %parallel_loop3A_169 : i32 to index
      %parallel_loop3A_330 = arith.constant 104 : index
      %parallel_loop3A_331 = tpu.vector_load %arg18[%parallel_loop3A_329, %parallel_loop3A_330] {strides = array<i32>} : memref<40x136xf32, #tpu.memory_space<vmem>>, vector<16xf32>,
      tpu.vector_store %arg18[%parallel_loop3A_329, %parallel_loop3A_330], %parallel_loop3A_328 {strides = array<i32>} : memref<40x136xf32, #tpu.memory_space<vmem>>, vector<16xf32>,
      %parallel_loop3A_332 = arith.mulf %parallel_loop3A_303, %parallel_loop3A_327 : vector<16xf32>
      %parallel_loop3A_333 = arith.index_cast %parallel_loop3A_169 : i32 to index
      %parallel_loop3A_334 = arith.constant 120 : index
      %parallel_loop3A_335 = tpu.vector_load %arg18[%parallel_loop3A_333, %parallel_loop3A_334] {strides = array<i32>} : memref<40x136xf32, #tpu.memory_space<vmem>>, vector<16xf32>,
      tpu.vector_store %arg18[%parallel_loop3A_333, %parallel_loop3A_334], %parallel_loop3A_332 {strides = array<i32>} : memref<40x136xf32, #tpu.memory_space<vmem>>, vector<16xf32>,
    } {sc.loop_unroll_factor = 4 : i64, sc.parallel_access}
    %run_scoped3A = arith.constant 248 : i32
    "tpu.region"() ({
      %run_scoped3A_169 = tpu.sem_alloc : memref<!tpu.dma_semaphore, #tpu.memory_space<semaphore_mem>>
      %dma_start3A_170 = arith.constant 0 : i32
      %dma_start3A_171 = tpu.memref_slice %arg9[%run_scoped3A, %dma_start3A_170] : memref<250x40xi32, #tpu.memory_space<vmem>> -> memref<1x40xi32, #tpu.memory_space<vmem>>
      %dma_start3A_172 = tpu.memref_squeeze %dma_start3A_171 : memref<1x40xi32, #tpu.memory_space<vmem>> -> memref<40xi32, #tpu.memory_space<vmem>>
      %dma_start3A_173 = arith.constant 0 : i32
      %dma_start3A_174 = arith.constant 0 : i32
      %dma_start3A_175 = tpu.memref_slice %arg19[%dma_start3A_173, %dma_start3A_174] : memref<10240x136xf32, #tpu.memory_space<vmem_shared>> -> memref<10240x136xf32, #tpu.memory_space<vmem_shared>>
      tpu.enqueue_indirect_dma source(%arg18 : memref<40x136xf32, #tpu.memory_space<vmem>>) target(%dma_start3A_175 : memref<10240x136xf32, #tpu.memory_space<vmem_shared>>) offsets(%dma_start3A_172 : memref<40xi32, #tpu.memory_space<vmem>>) semaphore(%run_scoped3A_169 : memref<!tpu.dma_semaphore, #tpu.memory_space<semaphore_mem>>) {add = true}
      %dma_wait3A_176 = arith.constant 0 : i32
      %dma_wait3A_177 = tpu.memref_slice %arg9[%run_scoped3A, %dma_wait3A_176] : memref<250x40xi32, #tpu.memory_space<vmem>> -> memref<1x40xi32, #tpu.memory_space<vmem>>
      %dma_wait3A_178 = tpu.memref_squeeze %dma_wait3A_177 : memref<1x40xi32, #tpu.memory_space<vmem>> -> memref<40xi32, #tpu.memory_space<vmem>>
      %dma_wait3A_179 = arith.constant 0 : i32
      %dma_wait3A_180 = arith.constant 0 : i32
      %dma_wait3A_181 = tpu.memref_slice %arg19[%dma_wait3A_179, %dma_wait3A_180] : memref<10240x136xf32, #tpu.memory_space<vmem_shared>> -> memref<10240x136xf32, #tpu.memory_space<vmem_shared>>
      tpu.wait_indirect_dma semaphore(%run_scoped3A_169 : memref<!tpu.dma_semaphore, #tpu.memory_space<semaphore_mem>>) src(%arg18 : memref<40x136xf32, #tpu.memory_space<vmem>>) dst(%dma_wait3A_181 : memref<10240x136xf32, #tpu.memory_space<vmem_shared>>)
      tpu.yield
    }) : () -> ()
    %dma_wait3A_139 = arith.constant 249 : i32
    %dma_wait3A_140 = arith.constant 0 : i32
    %dma_wait3A_141 = tpu.memref_slice %arg8[%dma_wait3A_139, %dma_wait3A_140] : memref<250x40xi32, #tpu.memory_space<vmem>> -> memref<1x40xi32, #tpu.memory_space<vmem>>
    %dma_wait3A_142 = tpu.memref_squeeze %dma_wait3A_141 : memref<1x40xi32, #tpu.memory_space<vmem>> -> memref<40xi32, #tpu.memory_space<vmem>>
    %dma_wait3A_143 = arith.constant 0 : i32
    %dma_wait3A_144 = arith.constant 0 : i32
    %dma_wait3A_145 = tpu.memref_slice %arg2[%dma_wait3A_143, %dma_wait3A_144] : memref<10000x16xf32, #tpu.memory_space<hbm>> -> memref<10000x16xf32, #tpu.memory_space<hbm>>
    tpu.wait_indirect_dma semaphore(%arg17 : memref<!tpu.dma_semaphore, #tpu.memory_space<semaphore_mem>>) src(%dma_wait3A_145 : memref<10000x16xf32, #tpu.memory_space<hbm>>) dst(%arg14 : memref<40x16xf32, #tpu.memory_space<vmem>>)
    %dma_wait3A_146 = arith.constant 249 : i32
    %dma_wait3A_147 = arith.constant 0 : i32
    %dma_wait3A_148 = tpu.memref_slice %arg9[%dma_wait3A_146, %dma_wait3A_147] : memref<250x40xi32, #tpu.memory_space<vmem>> -> memref<1x40xi32, #tpu.memory_space<vmem>>
    %dma_wait3A_149 = tpu.memref_squeeze %dma_wait3A_148 : memref<1x40xi32, #tpu.memory_space<vmem>> -> memref<40xi32, #tpu.memory_space<vmem>>
    %dma_wait3A_150 = arith.constant 0 : i32
    %dma_wait3A_151 = arith.constant 0 : i32
    %dma_wait3A_152 = tpu.memref_slice %arg3[%dma_wait3A_150, %dma_wait3A_151] : memref<10000x16xf32, #tpu.memory_space<hbm>> -> memref<10000x16xf32, #tpu.memory_space<hbm>>
    tpu.wait_indirect_dma semaphore(%arg17 : memref<!tpu.dma_semaphore, #tpu.memory_space<semaphore_mem>>) src(%dma_wait3A_152 : memref<10000x16xf32, #tpu.memory_space<hbm>>) dst(%arg15 : memref<40x16xf32, #tpu.memory_space<vmem>>)
    %dma_wait3A_153 = arith.constant 249 : i32
    %dma_wait3A_154 = arith.constant 0 : i32
    %dma_wait3A_155 = tpu.memref_slice %arg8[%dma_wait3A_153, %dma_wait3A_154] : memref<250x40xi32, #tpu.memory_space<vmem>> -> memref<1x40xi32, #tpu.memory_space<vmem>>
    %dma_wait3A_156 = tpu.memref_squeeze %dma_wait3A_155 : memref<1x40xi32, #tpu.memory_space<vmem>> -> memref<40xi32, #tpu.memory_space<vmem>>
    %dma_wait3A_157 = arith.constant 0 : i32
    %dma_wait3A_158 = arith.constant 0 : i32
    %dma_wait3A_159 = tpu.memref_slice %arg4[%dma_wait3A_157, %dma_wait3A_158] : memref<10000x128xbf16, #tpu.memory_space<hbm>> -> memref<10000x128xbf16, #tpu.memory_space<hbm>>
    tpu.wait_indirect_dma semaphore(%arg17 : memref<!tpu.dma_semaphore, #tpu.memory_space<semaphore_mem>>) src(%dma_wait3A_159 : memref<10000x128xbf16, #tpu.memory_space<hbm>>) dst(%arg16 : memref<40x128xbf16, #tpu.memory_space<vmem>>)
    %parallel_loop3A_160 = arith.constant 0 : i32
    %parallel_loop3A_161 = arith.constant 40 : i32
    %parallel_loop3A_162 = arith.constant 1 : i32
    scf.for %parallel_loop3A_169 = %parallel_loop3A_160 to %parallel_loop3A_161 step %parallel_loop3A_162  : i32 {
      %parallel_loop3A_170 = arith.index_cast %parallel_loop3A_169 : i32 to index
      %parallel_loop3A_171 = arith.constant 0 : index
      %parallel_loop3A_172 = tpu.vector_load %arg14[%parallel_loop3A_170, %parallel_loop3A_171] {strides = array<i32>} : memref<40x16xf32, #tpu.memory_space<vmem>>, vector<16xf32>,
      %parallel_loop3A_173 = arith.index_cast %parallel_loop3A_169 : i32 to index
      %parallel_loop3A_174 = arith.constant 0 : index
      %parallel_loop3A_175 = tpu.vector_load %arg15[%parallel_loop3A_173, %parallel_loop3A_174] {strides = array<i32>} : memref<40x16xf32, #tpu.memory_space<vmem>>, vector<16xf32>,
      %parallel_loop3A_176 = arith.addf %parallel_loop3A_172, %parallel_loop3A_175 : vector<16xf32>
      %parallel_loop3A_177 = arith.constant 0.000000e+00 : f32
      %parallel_loop3A_178 = vector.broadcast %parallel_loop3A_177 : f32 to vector<16xf32>
      %parallel_loop3A_179 = arith.cmpf oge, %parallel_loop3A_176, %parallel_loop3A_178 : vector<16xf32>
      %parallel_loop3A_180 = arith.constant 2.000000e-01 : f32
      %parallel_loop3A_181 = vector.broadcast %parallel_loop3A_180 : f32 to vector<16xf32>
      %parallel_loop3A_182 = arith.mulf %parallel_loop3A_181, %parallel_loop3A_176 : vector<16xf32>
      %parallel_loop3A_183 = arith.select %parallel_loop3A_179, %parallel_loop3A_176, %parallel_loop3A_182 : vector<16xi1>, vector<16xf32>
      %parallel_loop3A_184 = math.exp %parallel_loop3A_183 : vector<16xf32>
      %parallel_loop3A_185 = arith.index_cast %parallel_loop3A_169 : i32 to index
      %parallel_loop3A_186 = arith.constant 0 : index
      %parallel_loop3A_187 = tpu.vector_load %arg18[%parallel_loop3A_185, %parallel_loop3A_186] {strides = array<i32>} : memref<40x136xf32, #tpu.memory_space<vmem>>, vector<16xf32>,
      tpu.vector_store %arg18[%parallel_loop3A_185, %parallel_loop3A_186], %parallel_loop3A_184 {strides = array<i32>} : memref<40x136xf32, #tpu.memory_space<vmem>>, vector<16xf32>,
      %parallel_loop3A_188 = arith.index_cast %parallel_loop3A_169 : i32 to index
      %parallel_loop3A_189 = arith.constant 0 : index
      %parallel_loop3A_190 = tpu.vector_load %arg16[%parallel_loop3A_188, %parallel_loop3A_189] {strides = array<i32>} : memref<40x128xbf16, #tpu.memory_space<vmem>>, vector<32xbf16>,
      %parallel_loop3A_191 = tpu.unpack_subelements %parallel_loop3A_190, 0 {pack_format = #tpu.pack_format<interleaved>} : vector<32xbf16> -> vector<16xf32>
      %parallel_loop3A_192 = tpu.unpack_subelements %parallel_loop3A_190, 1 {pack_format = #tpu.pack_format<interleaved>} : vector<32xbf16> -> vector<16xf32>
      %parallel_loop3A_193 = arith.constant 0 : i32
      %parallel_loop3A_194 = vector.broadcast %parallel_loop3A_193 : i32 to vector<16xi32>
      %parallel_loop3A_195 = arith.constant 1 : i32
      %parallel_loop3A_196 = vector.broadcast %parallel_loop3A_195 : i32 to vector<16xi32>
      %parallel_loop3A_197 = arith.constant 0 : i32
      %parallel_loop3A_198 = vector.broadcast %parallel_loop3A_197 : i32 to vector<16xi32>
      %parallel_loop3A_199 = arith.cmpi slt, %parallel_loop3A_194, %parallel_loop3A_198 : vector<16xi32>
      %parallel_loop3A_200 = arith.constant 16 : i32
      %parallel_loop3A_201 = vector.broadcast %parallel_loop3A_200 : i32 to vector<16xi32>
      %parallel_loop3A_202 = arith.addi %parallel_loop3A_194, %parallel_loop3A_201 : vector<16xi32>
      %parallel_loop3A_203 = arith.select %parallel_loop3A_199, %parallel_loop3A_202, %parallel_loop3A_194 : vector<16xi1>, vector<16xi32>
      %parallel_loop3A_204 = vector.shape_cast %parallel_loop3A_203 : vector<16xi32> to vector<16x1xi32>
      %parallel_loop3A_205 = vector.shape_cast %parallel_loop3A_204 : vector<16x1xi32> to vector<16xi32>
      %parallel_loop3A_206 = tpu.dynamic_gather %parallel_loop3A_184[%parallel_loop3A_205] in [0] : vector<16xf32>, vector<16xi32> -> vector<16xf32>
      %parallel_loop3A_207 = arith.constant 0 : i32
      %parallel_loop3A_208 = vector.broadcast %parallel_loop3A_207 : i32 to vector<16xi32>
      %parallel_loop3A_209 = arith.cmpi slt, %parallel_loop3A_196, %parallel_loop3A_208 : vector<16xi32>
      %parallel_loop3A_210 = arith.constant 16 : i32
      %parallel_loop3A_211 = vector.broadcast %parallel_loop3A_210 : i32 to vector<16xi32>
      %parallel_loop3A_212 = arith.addi %parallel_loop3A_196, %parallel_loop3A_211 : vector<16xi32>
      %parallel_loop3A_213 = arith.select %parallel_loop3A_209, %parallel_loop3A_212, %parallel_loop3A_196 : vector<16xi1>, vector<16xi32>
      %parallel_loop3A_214 = vector.shape_cast %parallel_loop3A_213 : vector<16xi32> to vector<16x1xi32>
      %parallel_loop3A_215 = vector.shape_cast %parallel_loop3A_214 : vector<16x1xi32> to vector<16xi32>
      %parallel_loop3A_216 = tpu.dynamic_gather %parallel_loop3A_184[%parallel_loop3A_215] in [0] : vector<16xf32>, vector<16xi32> -> vector<16xf32>
      %parallel_loop3A_217 = arith.mulf %parallel_loop3A_191, %parallel_loop3A_206 : vector<16xf32>
      %parallel_loop3A_218 = arith.index_cast %parallel_loop3A_169 : i32 to index
      %parallel_loop3A_219 = arith.constant 8 : index
      %parallel_loop3A_220 = tpu.vector_load %arg18[%parallel_loop3A_218, %parallel_loop3A_219] {strides = array<i32>} : memref<40x136xf32, #tpu.memory_space<vmem>>, vector<16xf32>,
      tpu.vector_store %arg18[%parallel_loop3A_218, %parallel_loop3A_219], %parallel_loop3A_217 {strides = array<i32>} : memref<40x136xf32, #tpu.memory_space<vmem>>, vector<16xf32>,
      %parallel_loop3A_221 = arith.mulf %parallel_loop3A_192, %parallel_loop3A_216 : vector<16xf32>
      %parallel_loop3A_222 = arith.index_cast %parallel_loop3A_169 : i32 to index
      %parallel_loop3A_223 = arith.constant 24 : index
      %parallel_loop3A_224 = tpu.vector_load %arg18[%parallel_loop3A_222, %parallel_loop3A_223] {strides = array<i32>} : memref<40x136xf32, #tpu.memory_space<vmem>>, vector<16xf32>,
      tpu.vector_store %arg18[%parallel_loop3A_222, %parallel_loop3A_223], %parallel_loop3A_221 {strides = array<i32>} : memref<40x136xf32, #tpu.memory_space<vmem>>, vector<16xf32>,
      %parallel_loop3A_225 = arith.index_cast %parallel_loop3A_169 : i32 to index
      %parallel_loop3A_226 = arith.constant 32 : index
      %parallel_loop3A_227 = tpu.vector_load %arg16[%parallel_loop3A_225, %parallel_loop3A_226] {strides = array<i32>} : memref<40x128xbf16, #tpu.memory_space<vmem>>, vector<32xbf16>,
      %parallel_loop3A_228 = tpu.unpack_subelements %parallel_loop3A_227, 0 {pack_format = #tpu.pack_format<interleaved>} : vector<32xbf16> -> vector<16xf32>
      %parallel_loop3A_229 = tpu.unpack_subelements %parallel_loop3A_227, 1 {pack_format = #tpu.pack_format<interleaved>} : vector<32xbf16> -> vector<16xf32>
      %parallel_loop3A_230 = arith.constant 2 : i32
      %parallel_loop3A_231 = vector.broadcast %parallel_loop3A_230 : i32 to vector<16xi32>
      %parallel_loop3A_232 = arith.constant 3 : i32
      %parallel_loop3A_233 = vector.broadcast %parallel_loop3A_232 : i32 to vector<16xi32>
      %parallel_loop3A_234 = arith.constant 0 : i32
      %parallel_loop3A_235 = vector.broadcast %parallel_loop3A_234 : i32 to vector<16xi32>
      %parallel_loop3A_236 = arith.cmpi slt, %parallel_loop3A_231, %parallel_loop3A_235 : vector<16xi32>
      %parallel_loop3A_237 = arith.constant 16 : i32
      %parallel_loop3A_238 = vector.broadcast %parallel_loop3A_237 : i32 to vector<16xi32>
      %parallel_loop3A_239 = arith.addi %parallel_loop3A_231, %parallel_loop3A_238 : vector<16xi32>
      %parallel_loop3A_240 = arith.select %parallel_loop3A_236, %parallel_loop3A_239, %parallel_loop3A_231 : vector<16xi1>, vector<16xi32>
      %parallel_loop3A_241 = vector.shape_cast %parallel_loop3A_240 : vector<16xi32> to vector<16x1xi32>
      %parallel_loop3A_242 = vector.shape_cast %parallel_loop3A_241 : vector<16x1xi32> to vector<16xi32>
      %parallel_loop3A_243 = tpu.dynamic_gather %parallel_loop3A_184[%parallel_loop3A_242] in [0] : vector<16xf32>, vector<16xi32> -> vector<16xf32>
      %parallel_loop3A_244 = arith.constant 0 : i32
      %parallel_loop3A_245 = vector.broadcast %parallel_loop3A_244 : i32 to vector<16xi32>
      %parallel_loop3A_246 = arith.cmpi slt, %parallel_loop3A_233, %parallel_loop3A_245 : vector<16xi32>
      %parallel_loop3A_247 = arith.constant 16 : i32
      %parallel_loop3A_248 = vector.broadcast %parallel_loop3A_247 : i32 to vector<16xi32>
      %parallel_loop3A_249 = arith.addi %parallel_loop3A_233, %parallel_loop3A_248 : vector<16xi32>
      %parallel_loop3A_250 = arith.select %parallel_loop3A_246, %parallel_loop3A_249, %parallel_loop3A_233 : vector<16xi1>, vector<16xi32>
      %parallel_loop3A_251 = vector.shape_cast %parallel_loop3A_250 : vector<16xi32> to vector<16x1xi32>
      %parallel_loop3A_252 = vector.shape_cast %parallel_loop3A_251 : vector<16x1xi32> to vector<16xi32>
      %parallel_loop3A_253 = tpu.dynamic_gather %parallel_loop3A_184[%parallel_loop3A_252] in [0] : vector<16xf32>, vector<16xi32> -> vector<16xf32>
      %parallel_loop3A_254 = arith.mulf %parallel_loop3A_228, %parallel_loop3A_243 : vector<16xf32>
      %parallel_loop3A_255 = arith.index_cast %parallel_loop3A_169 : i32 to index
      %parallel_loop3A_256 = arith.constant 40 : index
      %parallel_loop3A_257 = tpu.vector_load %arg18[%parallel_loop3A_255, %parallel_loop3A_256] {strides = array<i32>} : memref<40x136xf32, #tpu.memory_space<vmem>>, vector<16xf32>,
      tpu.vector_store %arg18[%parallel_loop3A_255, %parallel_loop3A_256], %parallel_loop3A_254 {strides = array<i32>} : memref<40x136xf32, #tpu.memory_space<vmem>>, vector<16xf32>,
      %parallel_loop3A_258 = arith.mulf %parallel_loop3A_229, %parallel_loop3A_253 : vector<16xf32>
      %parallel_loop3A_259 = arith.index_cast %parallel_loop3A_169 : i32 to index
      %parallel_loop3A_260 = arith.constant 56 : index
      %parallel_loop3A_261 = tpu.vector_load %arg18[%parallel_loop3A_259, %parallel_loop3A_260] {strides = array<i32>} : memref<40x136xf32, #tpu.memory_space<vmem>>, vector<16xf32>,
      tpu.vector_store %arg18[%parallel_loop3A_259, %parallel_loop3A_260], %parallel_loop3A_258 {strides = array<i32>} : memref<40x136xf32, #tpu.memory_space<vmem>>, vector<16xf32>,
      %parallel_loop3A_262 = arith.index_cast %parallel_loop3A_169 : i32 to index
      %parallel_loop3A_263 = arith.constant 64 : index
      %parallel_loop3A_264 = tpu.vector_load %arg16[%parallel_loop3A_262, %parallel_loop3A_263] {strides = array<i32>} : memref<40x128xbf16, #tpu.memory_space<vmem>>, vector<32xbf16>,
      %parallel_loop3A_265 = tpu.unpack_subelements %parallel_loop3A_264, 0 {pack_format = #tpu.pack_format<interleaved>} : vector<32xbf16> -> vector<16xf32>
      %parallel_loop3A_266 = tpu.unpack_subelements %parallel_loop3A_264, 1 {pack_format = #tpu.pack_format<interleaved>} : vector<32xbf16> -> vector<16xf32>
      %parallel_loop3A_267 = arith.constant 4 : i32
      %parallel_loop3A_268 = vector.broadcast %parallel_loop3A_267 : i32 to vector<16xi32>
      %parallel_loop3A_269 = arith.constant 5 : i32
      %parallel_loop3A_270 = vector.broadcast %parallel_loop3A_269 : i32 to vector<16xi32>
      %parallel_loop3A_271 = arith.constant 0 : i32
      %parallel_loop3A_272 = vector.broadcast %parallel_loop3A_271 : i32 to vector<16xi32>
      %parallel_loop3A_273 = arith.cmpi slt, %parallel_loop3A_268, %parallel_loop3A_272 : vector<16xi32>
      %parallel_loop3A_274 = arith.constant 16 : i32
      %parallel_loop3A_275 = vector.broadcast %parallel_loop3A_274 : i32 to vector<16xi32>
      %parallel_loop3A_276 = arith.addi %parallel_loop3A_268, %parallel_loop3A_275 : vector<16xi32>
      %parallel_loop3A_277 = arith.select %parallel_loop3A_273, %parallel_loop3A_276, %parallel_loop3A_268 : vector<16xi1>, vector<16xi32>
      %parallel_loop3A_278 = vector.shape_cast %parallel_loop3A_277 : vector<16xi32> to vector<16x1xi32>
      %parallel_loop3A_279 = vector.shape_cast %parallel_loop3A_278 : vector<16x1xi32> to vector<16xi32>
      %parallel_loop3A_280 = tpu.dynamic_gather %parallel_loop3A_184[%parallel_loop3A_279] in [0] : vector<16xf32>, vector<16xi32> -> vector<16xf32>
      %parallel_loop3A_281 = arith.constant 0 : i32
      %parallel_loop3A_282 = vector.broadcast %parallel_loop3A_281 : i32 to vector<16xi32>
      %parallel_loop3A_283 = arith.cmpi slt, %parallel_loop3A_270, %parallel_loop3A_282 : vector<16xi32>
      %parallel_loop3A_284 = arith.constant 16 : i32
      %parallel_loop3A_285 = vector.broadcast %parallel_loop3A_284 : i32 to vector<16xi32>
      %parallel_loop3A_286 = arith.addi %parallel_loop3A_270, %parallel_loop3A_285 : vector<16xi32>
      %parallel_loop3A_287 = arith.select %parallel_loop3A_283, %parallel_loop3A_286, %parallel_loop3A_270 : vector<16xi1>, vector<16xi32>
      %parallel_loop3A_288 = vector.shape_cast %parallel_loop3A_287 : vector<16xi32> to vector<16x1xi32>
      %parallel_loop3A_289 = vector.shape_cast %parallel_loop3A_288 : vector<16x1xi32> to vector<16xi32>
      %parallel_loop3A_290 = tpu.dynamic_gather %parallel_loop3A_184[%parallel_loop3A_289] in [0] : vector<16xf32>, vector<16xi32> -> vector<16xf32>
      %parallel_loop3A_291 = arith.mulf %parallel_loop3A_265, %parallel_loop3A_280 : vector<16xf32>
      %parallel_loop3A_292 = arith.index_cast %parallel_loop3A_169 : i32 to index
      %parallel_loop3A_293 = arith.constant 72 : index
      %parallel_loop3A_294 = tpu.vector_load %arg18[%parallel_loop3A_292, %parallel_loop3A_293] {strides = array<i32>} : memref<40x136xf32, #tpu.memory_space<vmem>>, vector<16xf32>,
      tpu.vector_store %arg18[%parallel_loop3A_292, %parallel_loop3A_293], %parallel_loop3A_291 {strides = array<i32>} : memref<40x136xf32, #tpu.memory_space<vmem>>, vector<16xf32>,
      %parallel_loop3A_295 = arith.mulf %parallel_loop3A_266, %parallel_loop3A_290 : vector<16xf32>
      %parallel_loop3A_296 = arith.index_cast %parallel_loop3A_169 : i32 to index
      %parallel_loop3A_297 = arith.constant 88 : index
      %parallel_loop3A_298 = tpu.vector_load %arg18[%parallel_loop3A_296, %parallel_loop3A_297] {strides = array<i32>} : memref<40x136xf32, #tpu.memory_space<vmem>>, vector<16xf32>,
      tpu.vector_store %arg18[%parallel_loop3A_296, %parallel_loop3A_297], %parallel_loop3A_295 {strides = array<i32>} : memref<40x136xf32, #tpu.memory_space<vmem>>, vector<16xf32>,
      %parallel_loop3A_299 = arith.index_cast %parallel_loop3A_169 : i32 to index
      %parallel_loop3A_300 = arith.constant 96 : index
      %parallel_loop3A_301 = tpu.vector_load %arg16[%parallel_loop3A_299, %parallel_loop3A_300] {strides = array<i32>} : memref<40x128xbf16, #tpu.memory_space<vmem>>, vector<32xbf16>,
      %parallel_loop3A_302 = tpu.unpack_subelements %parallel_loop3A_301, 0 {pack_format = #tpu.pack_format<interleaved>} : vector<32xbf16> -> vector<16xf32>
      %parallel_loop3A_303 = tpu.unpack_subelements %parallel_loop3A_301, 1 {pack_format = #tpu.pack_format<interleaved>} : vector<32xbf16> -> vector<16xf32>
      %parallel_loop3A_304 = arith.constant 6 : i32
      %parallel_loop3A_305 = vector.broadcast %parallel_loop3A_304 : i32 to vector<16xi32>
      %parallel_loop3A_306 = arith.constant 7 : i32
      %parallel_loop3A_307 = vector.broadcast %parallel_loop3A_306 : i32 to vector<16xi32>
      %parallel_loop3A_308 = arith.constant 0 : i32
      %parallel_loop3A_309 = vector.broadcast %parallel_loop3A_308 : i32 to vector<16xi32>
      %parallel_loop3A_310 = arith.cmpi slt, %parallel_loop3A_305, %parallel_loop3A_309 : vector<16xi32>
      %parallel_loop3A_311 = arith.constant 16 : i32
      %parallel_loop3A_312 = vector.broadcast %parallel_loop3A_311 : i32 to vector<16xi32>
      %parallel_loop3A_313 = arith.addi %parallel_loop3A_305, %parallel_loop3A_312 : vector<16xi32>
      %parallel_loop3A_314 = arith.select %parallel_loop3A_310, %parallel_loop3A_313, %parallel_loop3A_305 : vector<16xi1>, vector<16xi32>
      %parallel_loop3A_315 = vector.shape_cast %parallel_loop3A_314 : vector<16xi32> to vector<16x1xi32>
      %parallel_loop3A_316 = vector.shape_cast %parallel_loop3A_315 : vector<16x1xi32> to vector<16xi32>
      %parallel_loop3A_317 = tpu.dynamic_gather %parallel_loop3A_184[%parallel_loop3A_316] in [0] : vector<16xf32>, vector<16xi32> -> vector<16xf32>
      %parallel_loop3A_318 = arith.constant 0 : i32
      %parallel_loop3A_319 = vector.broadcast %parallel_loop3A_318 : i32 to vector<16xi32>
      %parallel_loop3A_320 = arith.cmpi slt, %parallel_loop3A_307, %parallel_loop3A_319 : vector<16xi32>
      %parallel_loop3A_321 = arith.constant 16 : i32
      %parallel_loop3A_322 = vector.broadcast %parallel_loop3A_321 : i32 to vector<16xi32>
      %parallel_loop3A_323 = arith.addi %parallel_loop3A_307, %parallel_loop3A_322 : vector<16xi32>
      %parallel_loop3A_324 = arith.select %parallel_loop3A_320, %parallel_loop3A_323, %parallel_loop3A_307 : vector<16xi1>, vector<16xi32>
      %parallel_loop3A_325 = vector.shape_cast %parallel_loop3A_324 : vector<16xi32> to vector<16x1xi32>
      %parallel_loop3A_326 = vector.shape_cast %parallel_loop3A_325 : vector<16x1xi32> to vector<16xi32>
      %parallel_loop3A_327 = tpu.dynamic_gather %parallel_loop3A_184[%parallel_loop3A_326] in [0] : vector<16xf32>, vector<16xi32> -> vector<16xf32>
      %parallel_loop3A_328 = arith.mulf %parallel_loop3A_302, %parallel_loop3A_317 : vector<16xf32>
      %parallel_loop3A_329 = arith.index_cast %parallel_loop3A_169 : i32 to index
      %parallel_loop3A_330 = arith.constant 104 : index
      %parallel_loop3A_331 = tpu.vector_load %arg18[%parallel_loop3A_329, %parallel_loop3A_330] {strides = array<i32>} : memref<40x136xf32, #tpu.memory_space<vmem>>, vector<16xf32>,
      tpu.vector_store %arg18[%parallel_loop3A_329, %parallel_loop3A_330], %parallel_loop3A_328 {strides = array<i32>} : memref<40x136xf32, #tpu.memory_space<vmem>>, vector<16xf32>,
      %parallel_loop3A_332 = arith.mulf %parallel_loop3A_303, %parallel_loop3A_327 : vector<16xf32>
      %parallel_loop3A_333 = arith.index_cast %parallel_loop3A_169 : i32 to index
      %parallel_loop3A_334 = arith.constant 120 : index
      %parallel_loop3A_335 = tpu.vector_load %arg18[%parallel_loop3A_333, %parallel_loop3A_334] {strides = array<i32>} : memref<40x136xf32, #tpu.memory_space<vmem>>, vector<16xf32>,
      tpu.vector_store %arg18[%parallel_loop3A_333, %parallel_loop3A_334], %parallel_loop3A_332 {strides = array<i32>} : memref<40x136xf32, #tpu.memory_space<vmem>>, vector<16xf32>,
    } {sc.loop_unroll_factor = 4 : i64, sc.parallel_access}
    %run_scoped3A_163 = arith.constant 249 : i32
    "tpu.region"() ({
      %run_scoped3A_169 = tpu.sem_alloc : memref<!tpu.dma_semaphore, #tpu.memory_space<semaphore_mem>>
      %dma_start3A_170 = arith.constant 0 : i32
      %dma_start3A_171 = tpu.memref_slice %arg9[%run_scoped3A_163, %dma_start3A_170] : memref<250x40xi32, #tpu.memory_space<vmem>> -> memref<1x40xi32, #tpu.memory_space<vmem>>
      %dma_start3A_172 = tpu.memref_squeeze %dma_start3A_171 : memref<1x40xi32, #tpu.memory_space<vmem>> -> memref<40xi32, #tpu.memory_space<vmem>>
      %dma_start3A_173 = arith.constant 0 : i32
      %dma_start3A_174 = arith.constant 0 : i32
      %dma_start3A_175 = tpu.memref_slice %arg19[%dma_start3A_173, %dma_start3A_174] : memref<10240x136xf32, #tpu.memory_space<vmem_shared>> -> memref<10240x136xf32, #tpu.memory_space<vmem_shared>>
      tpu.enqueue_indirect_dma source(%arg18 : memref<40x136xf32, #tpu.memory_space<vmem>>) target(%dma_start3A_175 : memref<10240x136xf32, #tpu.memory_space<vmem_shared>>) offsets(%dma_start3A_172 : memref<40xi32, #tpu.memory_space<vmem>>) semaphore(%run_scoped3A_169 : memref<!tpu.dma_semaphore, #tpu.memory_space<semaphore_mem>>) {add = true}
      %dma_wait3A_176 = arith.constant 0 : i32
      %dma_wait3A_177 = tpu.memref_slice %arg9[%run_scoped3A_163, %dma_wait3A_176] : memref<250x40xi32, #tpu.memory_space<vmem>> -> memref<1x40xi32, #tpu.memory_space<vmem>>
      %dma_wait3A_178 = tpu.memref_squeeze %dma_wait3A_177 : memref<1x40xi32, #tpu.memory_space<vmem>> -> memref<40xi32, #tpu.memory_space<vmem>>
      %dma_wait3A_179 = arith.constant 0 : i32
      %dma_wait3A_180 = arith.constant 0 : i32
      %dma_wait3A_181 = tpu.memref_slice %arg19[%dma_wait3A_179, %dma_wait3A_180] : memref<10240x136xf32, #tpu.memory_space<vmem_shared>> -> memref<10240x136xf32, #tpu.memory_space<vmem_shared>>
      tpu.wait_indirect_dma semaphore(%run_scoped3A_169 : memref<!tpu.dma_semaphore, #tpu.memory_space<semaphore_mem>>) src(%arg18 : memref<40x136xf32, #tpu.memory_space<vmem>>) dst(%dma_wait3A_181 : memref<10240x136xf32, #tpu.memory_space<vmem_shared>>)
      tpu.yield
    }) : () -> ()
    %barrier3A_164 = arith.constant 0 : index
    tpu.barrier barrier_id(%barrier3A_164)
    %mul3A_165 = arith.constant 640 : i32
    %mul3A_166 = arith.muli %arg1, %mul3A_165 : i32
    %mul3A_167 = arith.constant 640 : i32
    %mul3A_168 = arith.muli %arg1, %mul3A_167 : i32
    "tpu.region"() ({
      %run_scoped3A_169 = tpu.sem_alloc : memref<!tpu.dma_semaphore, #tpu.memory_space<semaphore_mem>>
      %dma_start3A_170 = arith.constant 0 : i32
      %dma_start3A_171 = tpu.memref_slice %arg7[%arg0, %mul3A_168, %dma_start3A_170] : memref<2x10240x136xf32, #tpu.memory_space<hbm>> -> memref<1x640x136xf32, #tpu.memory_space<hbm>>
      %dma_start3A_172 = tpu.memref_squeeze %dma_start3A_171 : memref<1x640x136xf32, #tpu.memory_space<hbm>> -> memref<640x136xf32, #tpu.memory_space<hbm>>
      %dma_start3A_173 = arith.constant 0 : i32
      %dma_start3A_174 = tpu.memref_slice %arg19[%mul3A_166, %dma_start3A_173] : memref<10240x136xf32, #tpu.memory_space<vmem_shared>> -> memref<640x136xf32, #tpu.memory_space<vmem_shared>>
      tpu.enqueue_dma source(%dma_start3A_174 : memref<640x136xf32, #tpu.memory_space<vmem_shared>>) target(%dma_start3A_172 : memref<640x136xf32, #tpu.memory_space<hbm>>) target_semaphore(%run_scoped3A_169 : memref<!tpu.dma_semaphore, #tpu.memory_space<semaphore_mem>>)
      %dma_wait3A_175 = arith.constant 0 : i32
      %dma_wait3A_176 = tpu.memref_slice %arg7[%arg0, %mul3A_168, %dma_wait3A_175] : memref<2x10240x136xf32, #tpu.memory_space<hbm>> -> memref<1x640x136xf32, #tpu.memory_space<hbm>>
      %dma_wait3A_177 = tpu.memref_squeeze %dma_wait3A_176 : memref<1x640x136xf32, #tpu.memory_space<hbm>> -> memref<640x136xf32, #tpu.memory_space<hbm>>
      %dma_wait3A_178 = arith.constant 0 : i32
      %dma_wait3A_179 = tpu.memref_slice %arg19[%mul3A_166, %dma_wait3A_178] : memref<10240x136xf32, #tpu.memory_space<vmem_shared>> -> memref<640x136xf32, #tpu.memory_space<vmem_shared>>
      tpu.wait_dma2 semaphore(%run_scoped3A_169 : memref<!tpu.dma_semaphore, #tpu.memory_space<semaphore_mem>>) src(%dma_wait3A_179 : memref<640x136xf32, #tpu.memory_space<vmem_shared>>) dst(%dma_wait3A_177 : memref<640x136xf32, #tpu.memory_space<hbm>>)
      tpu.yield
    }) : () -> ()
    return
  }
}

module attributes {stable_mosaic.version = 14 : i64} {
  func.func @_tc1_body(%arg0: i32, %arg1: memref<2000x128xf32, #tpu.memory_space<vmem>>, %arg2: memref<128x128xf32, #tpu.memory_space<vmem>>, %arg3: memref<128x128xf32, #tpu.memory_space<vmem>>, %arg4: memref<128x16xf32, #tpu.memory_space<vmem>>, %arg5: memref<128x16xf32, #tpu.memory_space<vmem>>, %arg6: memref<2000x128xbf16, #tpu.memory_space<vmem>>, %arg7: memref<2000x16xf32, #tpu.memory_space<vmem>>, %arg8: memref<2000x16xf32, #tpu.memory_space<vmem>>) attributes {dimension_semantics = [#tpu.dimension_semantics<arbitrary>], iteration_bounds = array<i64: 5>, scalar_prefetch = 0 : i64, scratch_operands = 0 : i64, tpu.core_type = #tpu.core_type<tc>, window_params = [{transform_indices = @transform_0, window_bounds = array<i64: 2000, 128>}, {pipeline_mode = #tpu.pipeline_mode<synchronous>, transform_indices = @transform_1, window_bounds = array<i64: 128, 128>}, {pipeline_mode = #tpu.pipeline_mode<synchronous>, transform_indices = @transform_2, window_bounds = array<i64: 128, 128>}, {pipeline_mode = #tpu.pipeline_mode<synchronous>, transform_indices = @transform_3, window_bounds = array<i64: 128, 16>}, {pipeline_mode = #tpu.pipeline_mode<synchronous>, transform_indices = @transform_4, window_bounds = array<i64: 128, 16>}, {transform_indices = @transform_5, window_bounds = array<i64: 2000, 128>}, {transform_indices = @transform_6, window_bounds = array<i64: 2000, 16>}, {transform_indices = @transform_7, window_bounds = array<i64: 2000, 16>}]} {
    %get3A = arith.constant 0 : index
    %get3A_0 = arith.constant 0 : index
    %get3A_1 = vector.load %arg1[%get3A, %get3A_0] : memref<2000x128xf32, #tpu.memory_space<vmem>>, vector<2000x128xf32>
    %get3A_2 = arith.constant 0 : index
    %get3A_3 = arith.constant 0 : index
    %get3A_4 = vector.load %arg2[%get3A_2, %get3A_3] : memref<128x128xf32, #tpu.memory_space<vmem>>, vector<128x128xf32>
    %dot_general3A = arith.constant dense<0.000000e+00> : vector<2000x128xf32>
    %dot_general3A_5 = tpu.matmul %get3A_1, %get3A_4, %dot_general3A {dimension_numbers = #tpu.dot_dimension_numbers<[1], [0], [0], [1], [0, 0, 1, 1], [], []>, precision = #tpu.contract_precision<fp32>, transpose_lhs_hint = false} : vector<2000x128xf32>, vector<128x128xf32>, vector<2000x128xf32> -> vector<2000x128xf32>
    %get3A_6 = arith.constant 0 : index
    %get3A_7 = arith.constant 0 : index
    %get3A_8 = vector.load %arg3[%get3A_6, %get3A_7] : memref<128x128xf32, #tpu.memory_space<vmem>>, vector<128x128xf32>
    %dot_general3A_9 = arith.constant dense<0.000000e+00> : vector<2000x128xf32>
    %dot_general3A_10 = tpu.matmul %dot_general3A_5, %get3A_8, %dot_general3A_9 {dimension_numbers = #tpu.dot_dimension_numbers<[1], [0], [0], [1], [0, 0, 1, 1], [], []>, transpose_lhs_hint = false} : vector<2000x128xf32>, vector<128x128xf32>, vector<2000x128xf32> -> vector<2000x128xf32>
    %convert_element_type3A = arith.truncf %dot_general3A_10 : vector<2000x128xf32> to vector<2000x128xbf16>
    %swap3A = arith.constant 0 : index
    %swap3A_11 = arith.constant 0 : index
    %swap3A_12 = vector.load %arg6[%swap3A, %swap3A_11] : memref<2000x128xbf16, #tpu.memory_space<vmem>>, vector<2000x128xbf16>
    tpu.vector_store %arg6[%swap3A, %swap3A_11], %convert_element_type3A {strides = array<i32>} : memref<2000x128xbf16, #tpu.memory_space<vmem>>, vector<2000x128xbf16>,
    %get3A_13 = arith.constant 0 : index
    %get3A_14 = arith.constant 0 : index
    %get3A_15 = vector.load %arg4[%get3A_13, %get3A_14] : memref<128x16xf32, #tpu.memory_space<vmem>>, vector<128x16xf32>
    %dot_general3A_16 = arith.constant dense<0.000000e+00> : vector<2000x16xf32>
    %dot_general3A_17 = tpu.matmul %dot_general3A_5, %get3A_15, %dot_general3A_16 {dimension_numbers = #tpu.dot_dimension_numbers<[1], [0], [0], [1], [0, 0, 1, 1], [], []>, precision = #tpu.contract_precision<fp32>, transpose_lhs_hint = false} : vector<2000x128xf32>, vector<128x16xf32>, vector<2000x16xf32> -> vector<2000x16xf32>
    %swap3A_18 = arith.constant 0 : index
    %swap3A_19 = arith.constant 0 : index
    %swap3A_20 = vector.load %arg7[%swap3A_18, %swap3A_19] : memref<2000x16xf32, #tpu.memory_space<vmem>>, vector<2000x16xf32>
    tpu.vector_store %arg7[%swap3A_18, %swap3A_19], %dot_general3A_17 {strides = array<i32>} : memref<2000x16xf32, #tpu.memory_space<vmem>>, vector<2000x16xf32>,
    %get3A_21 = arith.constant 0 : index
    %get3A_22 = arith.constant 0 : index
    %get3A_23 = vector.load %arg5[%get3A_21, %get3A_22] : memref<128x16xf32, #tpu.memory_space<vmem>>, vector<128x16xf32>
    %dot_general3A_24 = arith.constant dense<0.000000e+00> : vector<2000x16xf32>
    %dot_general3A_25 = tpu.matmul %dot_general3A_5, %get3A_23, %dot_general3A_24 {dimension_numbers = #tpu.dot_dimension_numbers<[1], [0], [0], [1], [0, 0, 1, 1], [], []>, precision = #tpu.contract_precision<fp32>, transpose_lhs_hint = false} : vector<2000x128xf32>, vector<128x16xf32>, vector<2000x16xf32> -> vector<2000x16xf32>
    %swap3A_26 = arith.constant 0 : index
    %swap3A_27 = arith.constant 0 : index
    %swap3A_28 = vector.load %arg8[%swap3A_26, %swap3A_27] : memref<2000x16xf32, #tpu.memory_space<vmem>>, vector<2000x16xf32>
    tpu.vector_store %arg8[%swap3A_26, %swap3A_27], %dot_general3A_25 {strides = array<i32>} : memref<2000x16xf32, #tpu.memory_space<vmem>>, vector<2000x16xf32>,
    return
  }
  func.func @transform_0(%arg0: i32) -> (i32, i32) {
    %c0_i32 = arith.constant 0 : i32
    %c0_i32_0 = arith.constant 0 : i32
    return %arg0, %c0_i32 : i32, i32
  }
  func.func @transform_1(%arg0: i32) -> (i32, i32) {
    %c0_i32 = arith.constant 0 : i32
    %c0_i32_0 = arith.constant 0 : i32
    %c0_i32_1 = arith.constant 0 : i32
    return %c0_i32, %c0_i32_0 : i32, i32
  }
  func.func @transform_2(%arg0: i32) -> (i32, i32) {
    %c0_i32 = arith.constant 0 : i32
    %c0_i32_0 = arith.constant 0 : i32
    %c0_i32_1 = arith.constant 0 : i32
    return %c0_i32, %c0_i32_0 : i32, i32
  }
  func.func @transform_3(%arg0: i32) -> (i32, i32) {
    %c0_i32 = arith.constant 0 : i32
    %c0_i32_0 = arith.constant 0 : i32
    %c0_i32_1 = arith.constant 0 : i32
    return %c0_i32, %c0_i32_0 : i32, i32
  }
  func.func @transform_4(%arg0: i32) -> (i32, i32) {
    %c0_i32 = arith.constant 0 : i32
    %c0_i32_0 = arith.constant 0 : i32
    %c0_i32_1 = arith.constant 0 : i32
    return %c0_i32, %c0_i32_0 : i32, i32
  }
  func.func @transform_5(%arg0: i32) -> (i32, i32) {
    %c0_i32 = arith.constant 0 : i32
    %c0_i32_0 = arith.constant 0 : i32
    return %arg0, %c0_i32 : i32, i32
  }
  func.func @transform_6(%arg0: i32) -> (i32, i32) {
    %c0_i32 = arith.constant 0 : i32
    %c0_i32_0 = arith.constant 0 : i32
    return %arg0, %c0_i32 : i32, i32
  }
  func.func @transform_7(%arg0: i32) -> (i32, i32) {
    %c0_i32 = arith.constant 0 : i32
    %c0_i32_0 = arith.constant 0 : i32
    return %arg0, %c0_i32 : i32, i32
  }
}

module attributes {stable_mosaic.version = 14 : i64} {
  func.func @_tc2_body(%arg0: i32, %arg1: memref<2x2000x136xf32, #tpu.memory_space<vmem>>, %arg2: memref<8x128xf32, #tpu.memory_space<vmem>>, %arg3: memref<1x128xf32, #tpu.memory_space<vmem>>, %arg4: memref<128x16xf32, #tpu.memory_space<vmem>>, %arg5: memref<16x16xf32, #tpu.memory_space<vmem>>, %arg6: memref<16x16xf32, #tpu.memory_space<vmem>>, %arg7: memref<2000x32xf32, #tpu.memory_space<vmem>>, %arg8: memref<2000x16xf32, #tpu.memory_space<vmem>>) attributes {dimension_semantics = [#tpu.dimension_semantics<arbitrary>], iteration_bounds = array<i64: 5>, scalar_prefetch = 0 : i64, scratch_operands = 0 : i64, tpu.core_type = #tpu.core_type<tc>, window_params = [{transform_indices = @transform_0, window_bounds = array<i64: 2, 2000, 136>}, {pipeline_mode = #tpu.pipeline_mode<synchronous>, transform_indices = @transform_1, window_bounds = array<i64: 8, 128>}, {pipeline_mode = #tpu.pipeline_mode<synchronous>, transform_indices = @transform_2, window_bounds = array<i64: 1, 128>}, {pipeline_mode = #tpu.pipeline_mode<synchronous>, transform_indices = @transform_3, window_bounds = array<i64: 128, 16>}, {pipeline_mode = #tpu.pipeline_mode<synchronous>, transform_indices = @transform_4, window_bounds = array<i64: 16, 16>}, {pipeline_mode = #tpu.pipeline_mode<synchronous>, transform_indices = @transform_5, window_bounds = array<i64: 16, 16>}, {transform_indices = @transform_6, window_bounds = array<i64: 2000, 32>}, {transform_indices = @transform_7, window_bounds = array<i64: 2000, 16>}]} {
    %get3A = arith.constant 0 : index
    %get3A_0 = arith.constant 0 : index
    %get3A_1 = arith.constant 0 : index
    %get3A_2 = vector.load %arg1[%get3A, %get3A_0, %get3A_1] : memref<2x2000x136xf32, #tpu.memory_space<vmem>>, vector<1x2000x136xf32>
    %get3A_3 = vector.shape_cast %get3A_2 : vector<1x2000x136xf32> to vector<2000x136xf32>
    %get3A_4 = arith.constant 1 : index
    %get3A_5 = arith.constant 0 : index
    %get3A_6 = arith.constant 0 : index
    %get3A_7 = vector.load %arg1[%get3A_4, %get3A_5, %get3A_6] : memref<2x2000x136xf32, #tpu.memory_space<vmem>>, vector<1x2000x136xf32>
    %get3A_8 = vector.shape_cast %get3A_7 : vector<1x2000x136xf32> to vector<2000x136xf32>
    %add3A = arith.addf %get3A_3, %get3A_8 : vector<2000x136xf32>
    %slice3A = vector.extract_strided_slice %add3A {offsets = [0, 0], sizes = [2000, 8], strides = [1, 1]} : vector<2000x136xf32> to vector<2000x8xf32>
    %slice3A_9 = vector.extract_strided_slice %add3A {offsets = [0, 8], sizes = [2000, 128], strides = [1, 1]} : vector<2000x136xf32> to vector<2000x128xf32>
    %get3A_10 = arith.constant 0 : index
    %get3A_11 = arith.constant 0 : index
    %get3A_12 = vector.load %arg2[%get3A_10, %get3A_11] : memref<8x128xf32, #tpu.memory_space<vmem>>, vector<8x128xf32>
    %dot_general3A = arith.constant dense<0.000000e+00> : vector<2000x128xf32>
    %dot_general3A_13 = tpu.matmul %slice3A, %get3A_12, %dot_general3A {dimension_numbers = #tpu.dot_dimension_numbers<[1], [0], [0], [1], [0, 0, 1, 1], [], []>, precision = #tpu.contract_precision<fp32>, transpose_lhs_hint = false} : vector<2000x8xf32>, vector<8x128xf32>, vector<2000x128xf32> -> vector<2000x128xf32>
    %gt3A = arith.constant 0.000000e+00 : f32
    %gt3A_14 = vector.broadcast %gt3A : f32 to vector<2000x128xf32>
    %gt3A_15 = arith.cmpf ogt, %dot_general3A_13, %gt3A_14 : vector<2000x128xf32>
    %max3A = arith.constant 1.000000e-30 : f32
    %max3A_16 = vector.broadcast %max3A : f32 to vector<2000x128xf32>
    %max3A_17 = arith.maximumf %dot_general3A_13, %max3A_16 : vector<2000x128xf32>
    %div3A = arith.divf %slice3A_9, %max3A_17 : vector<2000x128xf32>
    %jit3A = arith.constant 0.000000e+00 : f32
    %broadcast_in_dim3A = vector.broadcast %jit3A : f32 to vector<2000x128xf32>
    %select_n3A = arith.select %gt3A_15, %div3A, %broadcast_in_dim3A : vector<2000x128xi1>, vector<2000x128xf32>
    %get3A_18 = arith.constant 0 : index
    %get3A_19 = arith.constant 0 : index
    %get3A_20 = vector.load %arg3[%get3A_18, %get3A_19] : memref<1x128xf32, #tpu.memory_space<vmem>>, vector<1x128xf32>
    %add3A_21 = vector.broadcast %get3A_20 : vector<1x128xf32> to vector<2000x128xf32>
    %add3A_22 = arith.addf %select_n3A, %add3A_21 : vector<2000x128xf32>
    %gt3A_23 = arith.constant 0.000000e+00 : f32
    %gt3A_24 = vector.broadcast %gt3A_23 : f32 to vector<2000x128xf32>
    %gt3A_25 = arith.cmpf ogt, %add3A_22, %gt3A_24 : vector<2000x128xf32>
    %exp3A = math.exp %add3A_22 : vector<2000x128xf32>
    %sub3A = arith.constant 1.000000e+00 : f32
    %sub3A_26 = vector.broadcast %sub3A : f32 to vector<2000x128xf32>
    %sub3A_27 = arith.subf %exp3A, %sub3A_26 : vector<2000x128xf32>
    %select_n3A_28 = arith.select %gt3A_25, %add3A_22, %sub3A_27 : vector<2000x128xi1>, vector<2000x128xf32>
    %get3A_29 = arith.constant 0 : index
    %get3A_30 = arith.constant 0 : index
    %get3A_31 = vector.load %arg4[%get3A_29, %get3A_30] : memref<128x16xf32, #tpu.memory_space<vmem>>, vector<128x16xf32>
    %dot_general3A_32 = arith.constant dense<0.000000e+00> : vector<2000x16xf32>
    %dot_general3A_33 = tpu.matmul %select_n3A_28, %get3A_31, %dot_general3A_32 {dimension_numbers = #tpu.dot_dimension_numbers<[1], [0], [0], [1], [0, 0, 1, 1], [], []>, precision = #tpu.contract_precision<fp32>, transpose_lhs_hint = false} : vector<2000x128xf32>, vector<128x16xf32>, vector<2000x16xf32> -> vector<2000x16xf32>
    %get3A_34 = arith.constant 0 : index
    %get3A_35 = arith.constant 0 : index
    %get3A_36 = vector.load %arg5[%get3A_34, %get3A_35] : memref<16x16xf32, #tpu.memory_space<vmem>>, vector<16x16xf32>
    %dot_general3A_37 = arith.constant dense<0.000000e+00> : vector<2000x16xf32>
    %dot_general3A_38 = tpu.matmul %dot_general3A_33, %get3A_36, %dot_general3A_37 {dimension_numbers = #tpu.dot_dimension_numbers<[1], [0], [0], [1], [0, 0, 1, 1], [], []>, precision = #tpu.contract_precision<fp32>, transpose_lhs_hint = false} : vector<2000x16xf32>, vector<16x16xf32>, vector<2000x16xf32> -> vector<2000x16xf32>
    %concatenate3A = tpu.concatenate %dot_general3A_33, %dot_general3A_38 in 1 : vector<2000x16xf32>, vector<2000x16xf32> -> vector<2000x32xf32>
    %swap3A = arith.constant 0 : index
    %swap3A_39 = arith.constant 0 : index
    %swap3A_40 = vector.load %arg7[%swap3A, %swap3A_39] : memref<2000x32xf32, #tpu.memory_space<vmem>>, vector<2000x32xf32>
    tpu.vector_store %arg7[%swap3A, %swap3A_39], %concatenate3A {strides = array<i32>} : memref<2000x32xf32, #tpu.memory_space<vmem>>, vector<2000x32xf32>,
    %get3A_41 = arith.constant 0 : index
    %get3A_42 = arith.constant 0 : index
    %get3A_43 = vector.load %arg6[%get3A_41, %get3A_42] : memref<16x16xf32, #tpu.memory_space<vmem>>, vector<16x16xf32>
    %dot_general3A_44 = arith.constant dense<0.000000e+00> : vector<2000x16xf32>
    %dot_general3A_45 = tpu.matmul %dot_general3A_33, %get3A_43, %dot_general3A_44 {dimension_numbers = #tpu.dot_dimension_numbers<[1], [0], [0], [1], [0, 0, 1, 1], [], []>, precision = #tpu.contract_precision<fp32>, transpose_lhs_hint = false} : vector<2000x16xf32>, vector<16x16xf32>, vector<2000x16xf32> -> vector<2000x16xf32>
    %swap3A_46 = arith.constant 0 : index
    %swap3A_47 = arith.constant 0 : index
    %swap3A_48 = vector.load %arg8[%swap3A_46, %swap3A_47] : memref<2000x16xf32, #tpu.memory_space<vmem>>, vector<2000x16xf32>
    tpu.vector_store %arg8[%swap3A_46, %swap3A_47], %dot_general3A_45 {strides = array<i32>} : memref<2000x16xf32, #tpu.memory_space<vmem>>, vector<2000x16xf32>,
    return
  }
  func.func @transform_0(%arg0: i32) -> (i32, i32, i32) {
    %c0_i32 = arith.constant 0 : i32
    %c0_i32_0 = arith.constant 0 : i32
    %c0_i32_1 = arith.constant 0 : i32
    return %c0_i32, %arg0, %c0_i32_0 : i32, i32, i32
  }
  func.func @transform_1(%arg0: i32) -> (i32, i32) {
    %c0_i32 = arith.constant 0 : i32
    %c0_i32_0 = arith.constant 0 : i32
    %c0_i32_1 = arith.constant 0 : i32
    return %c0_i32, %c0_i32_0 : i32, i32
  }
  func.func @transform_2(%arg0: i32) -> (i32, i32) {
    %c0_i32 = arith.constant 0 : i32
    %c0_i32_0 = arith.constant 0 : i32
    %c0_i32_1 = arith.constant 0 : i32
    return %c0_i32, %c0_i32_0 : i32, i32
  }
  func.func @transform_3(%arg0: i32) -> (i32, i32) {
    %c0_i32 = arith.constant 0 : i32
    %c0_i32_0 = arith.constant 0 : i32
    %c0_i32_1 = arith.constant 0 : i32
    return %c0_i32, %c0_i32_0 : i32, i32
  }
  func.func @transform_4(%arg0: i32) -> (i32, i32) {
    %c0_i32 = arith.constant 0 : i32
    %c0_i32_0 = arith.constant 0 : i32
    %c0_i32_1 = arith.constant 0 : i32
    return %c0_i32, %c0_i32_0 : i32, i32
  }
  func.func @transform_5(%arg0: i32) -> (i32, i32) {
    %c0_i32 = arith.constant 0 : i32
    %c0_i32_0 = arith.constant 0 : i32
    %c0_i32_1 = arith.constant 0 : i32
    return %c0_i32, %c0_i32_0 : i32, i32
  }
  func.func @transform_6(%arg0: i32) -> (i32, i32) {
    %c0_i32 = arith.constant 0 : i32
    %c0_i32_0 = arith.constant 0 : i32
    return %arg0, %c0_i32 : i32, i32
  }
  func.func @transform_7(%arg0: i32) -> (i32, i32) {
    %c0_i32 = arith.constant 0 : i32
    %c0_i32_0 = arith.constant 0 : i32
    return %arg0, %c0_i32 : i32, i32
  }
}

module attributes {stable_mosaic.version = 14 : i64} {
  func.func @_tc3_body(%arg0: i32, %arg1: memref<2x2000x32xf32, #tpu.memory_space<vmem>>, %arg2: memref<1x16xf32, #tpu.memory_space<vmem>>, %arg3: memref<16x8xf32, #tpu.memory_space<vmem>>, %arg4: memref<1x8xf32, #tpu.memory_space<vmem>>, %arg5: memref<2000x8xf32, #tpu.memory_space<vmem>>) attributes {dimension_semantics = [#tpu.dimension_semantics<arbitrary>], iteration_bounds = array<i64: 5>, scalar_prefetch = 0 : i64, scratch_operands = 0 : i64, tpu.core_type = #tpu.core_type<tc>, window_params = [{transform_indices = @transform_0, window_bounds = array<i64: 2, 2000, 32>}, {pipeline_mode = #tpu.pipeline_mode<synchronous>, transform_indices = @transform_1, window_bounds = array<i64: 1, 16>}, {pipeline_mode = #tpu.pipeline_mode<synchronous>, transform_indices = @transform_2, window_bounds = array<i64: 16, 8>}, {pipeline_mode = #tpu.pipeline_mode<synchronous>, transform_indices = @transform_3, window_bounds = array<i64: 1, 8>}, {transform_indices = @transform_4, window_bounds = array<i64: 2000, 8>}]} {
    %get3A = arith.constant 0 : index
    %get3A_0 = arith.constant 0 : index
    %get3A_1 = arith.constant 0 : index
    %get3A_2 = vector.load %arg1[%get3A, %get3A_0, %get3A_1] : memref<2x2000x32xf32, #tpu.memory_space<vmem>>, vector<1x2000x32xf32>
    %get3A_3 = vector.shape_cast %get3A_2 : vector<1x2000x32xf32> to vector<2000x32xf32>
    %get3A_4 = arith.constant 1 : index
    %get3A_5 = arith.constant 0 : index
    %get3A_6 = arith.constant 0 : index
    %get3A_7 = vector.load %arg1[%get3A_4, %get3A_5, %get3A_6] : memref<2x2000x32xf32, #tpu.memory_space<vmem>>, vector<1x2000x32xf32>
    %get3A_8 = vector.shape_cast %get3A_7 : vector<1x2000x32xf32> to vector<2000x32xf32>
    %add3A = arith.addf %get3A_3, %get3A_8 : vector<2000x32xf32>
    %slice3A = vector.extract_strided_slice %add3A {offsets = [0, 16], sizes = [2000, 16], strides = [1, 1]} : vector<2000x32xf32> to vector<2000x16xf32>
    %gt3A = arith.constant 0.000000e+00 : f32
    %gt3A_9 = vector.broadcast %gt3A : f32 to vector<2000x16xf32>
    %gt3A_10 = arith.cmpf ogt, %slice3A, %gt3A_9 : vector<2000x16xf32>
    %slice3A_11 = vector.extract_strided_slice %add3A {offsets = [0, 0], sizes = [2000, 16], strides = [1, 1]} : vector<2000x32xf32> to vector<2000x16xf32>
    %max3A = arith.constant 1.000000e-30 : f32
    %max3A_12 = vector.broadcast %max3A : f32 to vector<2000x16xf32>
    %max3A_13 = arith.maximumf %slice3A, %max3A_12 : vector<2000x16xf32>
    %div3A = arith.divf %slice3A_11, %max3A_13 : vector<2000x16xf32>
    %jit3A = arith.constant 0.000000e+00 : f32
    %broadcast_in_dim3A = vector.broadcast %jit3A : f32 to vector<2000x16xf32>
    %select_n3A = arith.select %gt3A_10, %div3A, %broadcast_in_dim3A : vector<2000x16xi1>, vector<2000x16xf32>
    %get3A_14 = arith.constant 0 : index
    %get3A_15 = arith.constant 0 : index
    %get3A_16 = vector.load %arg2[%get3A_14, %get3A_15] : memref<1x16xf32, #tpu.memory_space<vmem>>, vector<1x16xf32>
    %add3A_17 = vector.broadcast %get3A_16 : vector<1x16xf32> to vector<2000x16xf32>
    %add3A_18 = arith.addf %select_n3A, %add3A_17 : vector<2000x16xf32>
    %gt3A_19 = arith.constant 0.000000e+00 : f32
    %gt3A_20 = vector.broadcast %gt3A_19 : f32 to vector<2000x16xf32>
    %gt3A_21 = arith.cmpf ogt, %add3A_18, %gt3A_20 : vector<2000x16xf32>
    %exp3A = math.exp %add3A_18 : vector<2000x16xf32>
    %sub3A = arith.constant 1.000000e+00 : f32
    %sub3A_22 = vector.broadcast %sub3A : f32 to vector<2000x16xf32>
    %sub3A_23 = arith.subf %exp3A, %sub3A_22 : vector<2000x16xf32>
    %select_n3A_24 = arith.select %gt3A_21, %add3A_18, %sub3A_23 : vector<2000x16xi1>, vector<2000x16xf32>
    %get3A_25 = arith.constant 0 : index
    %get3A_26 = arith.constant 0 : index
    %get3A_27 = vector.load %arg3[%get3A_25, %get3A_26] : memref<16x8xf32, #tpu.memory_space<vmem>>, vector<16x8xf32>
    %dot_general3A = arith.constant dense<0.000000e+00> : vector<2000x8xf32>
    %dot_general3A_28 = tpu.matmul %select_n3A_24, %get3A_27, %dot_general3A {dimension_numbers = #tpu.dot_dimension_numbers<[1], [0], [0], [1], [0, 0, 1, 1], [], []>, precision = #tpu.contract_precision<fp32>, transpose_lhs_hint = false} : vector<2000x16xf32>, vector<16x8xf32>, vector<2000x8xf32> -> vector<2000x8xf32>
    %get3A_29 = arith.constant 0 : index
    %get3A_30 = arith.constant 0 : index
    %get3A_31 = vector.load %arg4[%get3A_29, %get3A_30] : memref<1x8xf32, #tpu.memory_space<vmem>>, vector<1x8xf32>
    %add3A_32 = vector.broadcast %get3A_31 : vector<1x8xf32> to vector<2000x8xf32>
    %add3A_33 = arith.addf %dot_general3A_28, %add3A_32 : vector<2000x8xf32>
    %swap3A = arith.constant 0 : index
    %swap3A_34 = arith.constant 0 : index
    %swap3A_35 = vector.load %arg5[%swap3A, %swap3A_34] : memref<2000x8xf32, #tpu.memory_space<vmem>>, vector<2000x8xf32>
    tpu.vector_store %arg5[%swap3A, %swap3A_34], %add3A_33 {strides = array<i32>} : memref<2000x8xf32, #tpu.memory_space<vmem>>, vector<2000x8xf32>,
    return
  }
  func.func @transform_0(%arg0: i32) -> (i32, i32, i32) {
    %c0_i32 = arith.constant 0 : i32
    %c0_i32_0 = arith.constant 0 : i32
    %c0_i32_1 = arith.constant 0 : i32
    return %c0_i32, %arg0, %c0_i32_0 : i32, i32, i32
  }
  func.func @transform_1(%arg0: i32) -> (i32, i32) {
    %c0_i32 = arith.constant 0 : i32
    %c0_i32_0 = arith.constant 0 : i32
    %c0_i32_1 = arith.constant 0 : i32
    return %c0_i32, %c0_i32_0 : i32, i32
  }
  func.func @transform_2(%arg0: i32) -> (i32, i32) {
    %c0_i32 = arith.constant 0 : i32
    %c0_i32_0 = arith.constant 0 : i32
    %c0_i32_1 = arith.constant 0 : i32
    return %c0_i32, %c0_i32_0 : i32, i32
  }
  func.func @transform_3(%arg0: i32) -> (i32, i32) {
    %c0_i32 = arith.constant 0 : i32
    %c0_i32_0 = arith.constant 0 : i32
    %c0_i32_1 = arith.constant 0 : i32
    return %c0_i32, %c0_i32_0 : i32, i32
  }
  func.func @transform_4(%arg0: i32) -> (i32, i32) {
    %c0_i32 = arith.constant 0 : i32
    %c0_i32_0 = arith.constant 0 : i32
    return %arg0, %c0_i32 : i32, i32
  }
}

</mosaic_0001>

<sc_bundles>
// kernel: kernel.10.cloned.1.call-start
scs
__scs_entry_jumppad:
0x0: {  	(pc) =	sbr.rel $0x88, $3  }
0x1: {  	(tag) =	ssettag $0x0;
	lr =	simm.s32 $0x1  }
0x2: {  	[smem:$0x3F95] =	sst lr;
	_ =	strace $0xD0000000  }
0x3: {  	_ = 	snop  }
0x4: {  	_ = 	snop  }
0x5: {  	_ = 	snop  }
0x6: {  	_ = 	snop  }
0x7: {  	_ = 	snop  }
__scs_overlays_trampoline_lowered:
0x8: {  	[smem:$0x3FA4] =	sst s0  }
0x9: {  	[smem:$0x3FA5] =	sst s1  }
0xa: {  	[smem:$0x3FA6] =	sst s2  }
0xb: {  	[smem:$0x3FA7] =	sst s3  }
0xc: {  	[smem:$0x3FA8] =	sst s4  }
0xd: {  	[smem:$0x3FA9] =	sst s5  }
0xe: {  	[smem:$0x3FAA] =	sst s6  }
0xf: {  	[smem:$0x3FAB] =	sst s7  }
0x10: {  	[smem:$0x3FAC] =	sst s8  }
0x11: {  	[smem:$0x3FAD] =	sst s9;
	s0 =	simm.s32 @!p0 $0x0  }
0x12: {  	s1 =	sld [smem:$0x3F93];
	s0 =	simm.s32 @p0 $0x1  }
0x13: {  	[smem:$0x3FAE] =	sst s0;
	s0 =	simm.s32 @!p1 $0x0  }
0x14: {  	s2 =	sld [smem:$0x3F92];
	s0 =	simm.s32 @p1 $0x1  }
0x15: {  	[smem:$0x3FAF] =	sst s0;
	s0 =	simm.s32 @!p2 $0x0  }
0x16: {  	s3 =	sld [smem:$0x3FDB];
	s0 =	simm.s32 @p2 $0x1  }
0x17: {  	s4 =	simm.s32 $0x1BF5;
	[smem:$0x3FB1] =	sst s0  }
0x18: {  	s0 =	sld [smem:$0x3F94];
	_ =	swait.ge [sflag:s4], $0x0  }
0x19: {  	s7 =	sld [smem:$0x3F95]  }
0x1a: {  	s8 =	sadd.s32 $0xFFFFE003, lr  }
0x1b: {  	s9 =	sadd.s32 $0xFFFFFEF7, lr;
	s5 =	simm.s32 $0xFFFFFFFF;
	p2 =	slt.u32 s8, $0xFFFFF086  }
0x1c: {  	p1 =	slt.u32 s9, $0xF7A;
	s5 =	simm.s32 @!p2 $0x0  }
0x1d: {  	s5 =	simm.s32 @p1 $0x1;
	p0 =	seq.s32 s7, s2  }
0x1e: {  	s7 =	smul.u32 @!p0 $0xF7A, s2;
	p2 =	seq.s32 @!p0 s5, $0x0  }
0x1f: {  	s9 =	smul.u32 $0xF7A, s1;
	s8 =	simm.s32 @!p0 $0x1BF5;
	p2 =	por !p2, p0  }
0x20: {  	[sflag:s8] =	ssyncset.s32 @!p0 $0xFFFFF086;
	s6 =	sadd.s32 @!p0 s3, s7;
	s7 =	simm.s32 @!p0 $0x108  }
0x21: {  	s3 =	sadd.s32 s3, s9;
	s6 =	sadd.s32 @!p0 $0x88, s6;
	s7 =	simm.s32 @p2 $0x1082  }
0x22: {  	[simem:s7], [sflag:s8] =	dma.local @!p0 [hbm:s6], $0xF7A  }
0x23: {  	s9 =	sor.u32 $0xD0000000, s2;
	s6 =	simm.s32 $0x108;
	_ =	swait.ge @!p0 [sflag:s8], $0x0  }
0x24: {  	s3 =	sadd.s32 $0x88, s3;
	s6 =	simm.s32 @!p1 $0x1082;
	[sflag:s4] =	ssyncset.s32 $0xFFFFF086  }
0x25: {  	[simem:s6], [sflag:s4] =	dma.local [hbm:s3], $0xF7A  }
0x26: {  	[smem:$0x3F95] =	sst s1;
	(tag) =	ssettag s2;
	_ =	strace s9  }
0x27: {  	s1 =	sld [smem:$0x3FA5]  }
0x28: {  	s2 =	sld [smem:$0x3FA6]  }
0x29: {  	s4 =	sld [smem:$0x3FA8]  }
0x2a: {  	p0 =	seq.s32 s5, $0x0;
	s5 =	sld [smem:$0x3FA9]  }
0x2b: {  	s6 =	sld [smem:$0x3FAA]  }
0x2c: {  	s7 =	sld [smem:$0x3FAB]  }
0x2d: {  	s3 =	simm.s32 $0x108;
	s8 =	sld [smem:$0x3FAC]  }
0x2e: {  	s3 =	simm.s32 @!p0 $0x1082;
	s9 =	sld [smem:$0x3FAD]  }
0x2f: {  	lr =	sadd.s32 s0, s3;
	s0 =	sld [smem:$0x3FA4]  }
0x30: {  	s3 =	sld [smem:$0x3FA7]  }
0x31: {  	[smem:$0x3FB0] =	sst s10  }
0x32: {  	s10 =	sld [smem:$0x3FAE];
	_ =	sdelay $0x3  }
0x33: {  	p0 =	seq.s32 s10, $0x1;
	s10 =	sld [smem:$0x3FB0];
	_ =	sdelay $0x3  }
0x34: {  	[smem:$0x3FB0] =	sst s10  }
0x35: {  	s10 =	sld [smem:$0x3FAF];
	_ =	sdelay $0x3  }
0x36: {  	p1 =	seq.s32 s10, $0x1;
	s10 =	sld [smem:$0x3FB0];
	_ =	sdelay $0x3  }
0x37: {  	[smem:$0x3FB0] =	sst s10  }
0x38: {  	s10 =	sld [smem:$0x3FB1]  }
0x39: {  	_ = 	snop;
	(pc) =	sbr.ind lr, $3  }
0x3a: {  	_ = 	snop  }
0x3b: {  	_ = 	snop  }
0x3c: {  	p2 =	seq.s32 s10, $0x1;
	s10 =	sld [smem:$0x3FB0]  }
0x3d: {  	_ =	shalt  }
0x3e: {  	_ =	shalt  }
0x3f: {  	_ =	shalt  }
0x40: {  	_ =	shalt  }
0x41: {  	_ =	shalt  }
0x42: {  	_ =	shalt  }
0x43: {  	_ =	shalt  }
0x44: {  	_ =	shalt  }
0x45: {  	_ =	shalt  }
0x46: {  	_ =	shalt  }
0x47: {  	_ =	shalt  }
0x48: {  	_ =	shalt  }
0x49: {  	_ =	shalt  }
0x4a: {  	_ =	shalt  }
0x4b: {  	_ =	shalt  }
0x4c: {  	_ =	shalt  }
0x4d: {  	_ =	shalt  }
0x4e: {  	_ =	shalt  }
0x4f: {  	_ =	shalt  }
0x50: {  	_ =	shalt  }
0x51: {  	_ =	shalt  }
0x52: {  	_ =	shalt  }
0x53: {  	_ =	shalt  }
0x54: {  	_ =	shalt  }
0x55: {  	_ =	shalt  }
0x56: {  	_ =	shalt  }
0x57: {  	_ =	shalt  }
0x58: {  	_ =	shalt  }
0x59: {  	_ =	shalt  }
0x5a: {  	_ =	shalt  }
0x5b: {  	_ =	shalt  }
0x5c: {  	_ =	shalt  }
0x5d: {  	_ =	shalt  }
0x5e: {  	_ =	shalt  }
0x5f: {  	_ =	shalt  }
0x60: {  	_ =	shalt  }
0x61: {  	_ =	shalt  }
0x62: {  	_ =	shalt  }
0x63: {  	_ =	shalt  }
0x64: {  	_ =	shalt  }
0x65: {  	_ =	shalt  }
0x66: {  	_ =	shalt  }
0x67: {  	_ =	shalt  }
0x68: {  	_ =	shalt  }
0x69: {  	_ =	shalt  }
0x6a: {  	_ =	shalt  }
0x6b: {  	_ =	shalt  }
0x6c: {  	_ =	shalt  }
0x6d: {  	_ =	shalt  }
0x6e: {  	_ =	shalt  }
0x6f: {  	_ =	shalt  }
0x70: {  	_ =	shalt  }
0x71: {  	_ =	shalt  }
0x72: {  	_ =	shalt  }
0x73: {  	_ =	shalt  }
0x74: {  	_ =	shalt  }
0x75: {  	_ =	shalt  }
0x76: {  	_ =	shalt  }
0x77: {  	_ =	shalt  }
0x78: {  	_ =	shalt  }
0x79: {  	_ =	shalt  }
0x7a: {  	_ =	shalt  }
0x7b: {  	_ =	shalt  }
0x7c: {  	_ =	shalt  }
0x7d: {  	_ =	shalt  }
0x7e: {  	_ =	shalt  }
0x7f: {  	_ =	shalt  }
0x80: {  	_ =	shalt  }
0x81: {  	_ =	shalt  }
0x82: {  	_ =	shalt  }
0x83: {  	_ =	shalt  }
0x84: {  	_ =	shalt  }
0x85: {  	_ =	shalt  }
0x86: {  	_ =	shalt  }
0x87: {  	_ =	shalt  }
.Lfunc_end0:
.L_simem_size_0:
called_computation.1_lowered:
.L_overlay_start_0:
0x88: {  	s2 =	sld [smem:$0x3FD9]  }
0x89: {  	s3 =	sld [smem:$0x3FFE];
	_ =	sdelay $0x1  }
0x8a: {  	s1 =	srdreg.scid  }
0x8b: {  	s0 =	sand.u32 $0x1, s1  }
0x8c: {  	s16 =	sshll.u32 s0, $0xA;
	s2 =	sadd.s32 s3, s2  }
0x8d: {  	s2 =	sadd.s32 s2, s16  }
0x8e: {  	[smem:$0x3FBC] =	sst s2  }
0x8f: {  	_ = 	snop  }
0x90: {  	(tm) =	ssettm $0x1  }
0x91: {  	s17 =	sld [smem:$0x3FFB];
	_ =	sdelay $0x3  }
0x92: {  	_ =	strace s17  }
0x93: {  	s2 =	sld [smem:$0x3FFC];
	_ =	sdelay $0x3  }
0x94: {  	_ =	strace s2  }
0x95: {  	s2 =	sld [smem:$0x3FFD];
	_ =	sdelay $0x3  }
0x96: {  	_ =	strace s2  }
0x97: {  	_ =	strace $0x8FFFFFFF  }
0x98: {  	s18 =	sld [smem:$0x3FDB];
	_ =	sdelay $0x1  }
0x99: {  	s19 =	simm.s32 $_scs_section_size  }
0x9a: {  	s4 =	simm.s32 $_size__tile_overlayer_lowered;
	s5 =	simm.s32 $_tile_overlayer_lowered  }
0x9b: {  	s22 =	simm.s32 $0x1BFF;
	s21 =	sshll.u32 s5, $0x1;
	s2 =	sadd.s32 s19, s18  }
0x9c: {  	s6 =	simm.s32 $0x0;
	s20 =	sshll.u32 s4, $0x1;
	s4 =	sadd.s32 s21, s2  }
0x9d: {  	[timem:s6], [sflag:s22] =	dma.local [hbm:s4], s20  }
0x9e: {  	_ =	swait.ge [sflag:s22], s20  }
0x9f: {  	s3 =	ssub.s32 $0x0, s20;
	[sflag:s22] =	ssyncset.done $0x0  }
0xa0: {  	[sflag:s22] =	ssyncadd.s32 s3;
	_ =	sdelay $0x1  }
0xa1: {  	s23 =	simm.s32 $0x1B8B  }
0xa2: {  	_ =	swait.ge [sflag:s23], $0x1  }
0xa3: {  	[sflag:s23] =	ssyncset.done $0x0  }
0xa4: {  	s25 =	simm.s32 $0x1B8E;
	s24 =	sld [smem:$0x3FFE];
	[sflag:s23] =	ssyncadd.s32 $0xFFFFFFFF  }
0xa5: {  	s26 =	simm.s32 $execute0_lowered;
	[smem:$0x3FD2] =	sst s25  }
0xa6: {  	s4 =	sshll.u32 s26, $0x1;
	_ =	strace $0x80000049;
	[dreg:$0x1] =	wrdreg $0xFFFFFFFF  }
0xa7: {  	s28 =	simm.s32 $_size_execute0_lowered;
	s2 =	sadd.s32 s2, s4;
	[dreg:$0x0] =	wrdreg $0x0  }
0xa8: {  	s4 =	sshll.u32 s28, $0x1;
	[dreg:$0x2] =	wrdreg s2  }
0xa9: {  	[dreg:$0x3] =	wrdreg s4  }
0xaa: {  	[dreg:$0x4] =	wrdreg $0xC0  }
0xab: {  	_ =	task [dreg:s6], $0x5FFFF  }
0xac: {  	[dreg:$0x1] =	wrdreg $0xFFFFFFFF  }
0xad: {  	[dreg:$0x0] =	wrdreg $0x60  }
0xae: {  	[dreg:$0x2] =	wrdreg s24  }
0xaf: {  	[dreg:$0x3] =	wrdreg $0x76200  }
0xb0: {  	[dreg:$0x4] =	wrdreg $0x9  }
0xb1: {  	_ =	task.clear_ibuf [dreg:s6], $0x5FFFF;
	_ =	strace $0x90000049  }
0xb2: {  	s29 =	simm.s32 $0x9;
	_ =	strace $0x8000004B  }
0xb3: {  	_ =	swait.ge [sflag:s29], $0x1  }
0xb4: {  	[sflag:s29] =	ssyncadd.s32 $0xFFFFFFFF  }
0xb5: {  	_ =	strace $0x9000004B  }
0xb6: {  	_ =	sfence  }
0xb7: {  	s30 =	sld [smem:$0x0];
	_ =	sdelay $0x2  }
0xb8: {  	s31 =	sshll.u32 s1, $0xD;
	s1 =	sshrl.u32 s1, $0x2  }
0xb9: {  	s3 =	sand.u32 $0x4000, s31;
	s1 =	sadd.s32 s1, s30  }
0xba: {  	s0 =	sor.u32 s3, s0;
	s1 =	sshll.u32 s1, $0x11  }
0xbb: {  	s0 =	sor.u32 s1, s0  }
0xbc: {  	s0 =	sadd.s32 $0x8F2B, s0  }
0xbd: {  	[sflag:s0] =	ssyncadd.remote.s32 $0x1  }
0xbe: {  	_ =	sfence.sel $0xFFFF  }
0xbf: {  	[dreg:$0x0] =	wrdreg $0xFFFFFFFF;
	(pc) =	sbr.abs _section_cstart, $3  }
0xc0: {  	[dreg:$0x1] =	wrdreg $0xFFFFFFFF  }
0xc1: {  	_ =	task.clear_ibuf [dreg:s6], $0x2FFFF;
	_ =	strace $0x9FFFFFFF  }
0xc2: {  	(tm) =	ssettm $0x7FFFFFFF  }
0xc3: {  	_ =	shalt  }
tec
execute0_lowered:
.L_overlay_start_1:
0x0: {  	(tag) =	ssettag $0x1  }
0x1: {  	s0 =	rddreg [dreg:$0x0]  }
0x2: {  	s2 =	rddreg [dreg:$0x1]  }
0x3: {  	s1 =	srdreg.scid;
	s8 =	stileid.u32;
	s4 =	simm.s32 $0x0  }
0x4: {  	s18 =	simm.s32 $0x3;
	s20 =	simm.s32 $0x6C20;
	s21 =	simm.s32 $0x50  }
0x5: {  	s22 =	simm.s32 $0x4E20;
	s23 =	simm.s32 $0x5820;
	s24 =	simm.s32 $0x5D20  }
0x6: {  	s28 =	simm.s32 $0x2;
	s30 =	simm.s32 $0x0;
	s3 =	smul.u32 $0x5000, s8  }
0x7: {  	s1 =	sand.u32 $0x1, s1;
	s5 =	sshll.u32 s8, $0x1;
	s8 =	smul.u32 $0x14000, s8  }
0x8: {  	[smem:$0x7FF] =	sst s4;
	s4 =	sadd.s32 $0x1A00, s0;
	s6 =	smul.u32 $0x50000, s1  }
0x9: {  	_ =	strace $0x8000004A;
	s7 =	sor.u32 s1, s5;
	s1 =	ssub.s32 $0x2, s1  }
0xa: {  	s5 =	sadd.s32 $0xB800, s0;
	s7 =	smul.u32 $0x4E2, s7;
	s25 =	sshrl.u32 s1, $0x1  }
0xb: {  	s29 =	sshrl.u32 s8, $0x2;
	s8 =	sadd.s32 s3, s2;
	s6 =	sadd.s32 s3, s6  }
0xc: {  	s1 =	ssub.s32 s1, s25;
	s31 =	sadd.s32 s29, s2;
	s25 =	simm.s32 $0x6720  }
0xd: {  	s6 =	sshrl.u32 s6, $0x3;
	s7 =	sadd.s32 s7, s0;
	s9 =	sadd.s32 $0xA00, s31  }
0xe: {  	s10 =	sadd.s32 $0x1400, s31;
	s11 =	sadd.s32 $0x1E00, s31;
	s12 =	sadd.s32 $0x2800, s31  }
0xf: {  	s13 =	sadd.s32 $0x3200, s31;
	s14 =	sadd.s32 $0x3C00, s31;
	s15 =	sadd.s32 $0x4600, s31  }
0x10: {  	s17 =	smax.u32 s1, $0x1;
	s0 =	sadd.s32 s6, s0;
	s26 =	sadd.s32 $0x29200, s7  }
0x11: {  	s7 =	sadd.s32 $0x1F400, s7;
	s6 =	simm.s32 $0x2710;
	[dreg:$0x3] =	wrdreg s26  }
0x12: {  	v0 =	vimm.f32 $0.0e+00;
	[dreg:$0x4] =	wrdreg s7;
	s16 =	sadd.s32 $0x33000, s0;
	s26 =	simm.s32 $0x1  }
.LBB2_1:
0x13: {  	s0 =	simm.s32 $0x0;
	s1 =	rddreg [dreg:$0x3]  }
0x14: {  	[tilespmem:s0], [sflag:$0x3] =	stream.linear.gather [hbm4b:s1+s0], $0x2710, $0x38;
	[tilespmem:$0xC620] =	vst v63  }
0x15: {  	_ =	swait.ge [sflag:s18], $0x2710  }
0x16: {  	[sflag:s18] =	ssyncset.done $0x0  }
0x17: {  	s31 =	rddreg [dreg:$0x4];
	[sflag:s18] =	ssyncadd.s32 $0xFFFFD8F0  }
0x18: {  	[tilespmem:s6], [sflag:$0x3] =	stream.linear.gather [hbm4b:s31+s0], $0x2710, $0x38;
	[tilespmem:$0xC620] =	vst v63  }
0x19: {  	_ =	swait.ge [sflag:s18], $0x2710  }
0x1a: {  	[sflag:s18] =	ssyncset.done $0x0  }
0x1b: {  	s1 =	simm.s32 $0x0;
	s0 =	simm.s32 $0x80;
	[sflag:s18] =	ssyncadd.s32 $0xFFFFD8F0  }
.LBB2_2:
0x1c: {  	p0 =	sne.s32 s0, $0x2780;
	[tilespmem:s1+$0x6C20] =	vst v0;
	s3 =	smov.u32 s0;
	s0 =	sadd.s32 $0x80, s0  }
.Ltmp0:
0x1d: {  	[tilespmem:s1+$0x6C30] =	vst v0;
	(pc) =	sbr.rel @p0 .LBB2_2-.Ltmp0, $2  }
0x1e: {  	_ =	sdelay $0x2  }
0x1f: {  	s1 =	sshra.s32 s3, $0x2  }
0x20: {  	[tilespmem:s1+$0x6C20] =	vst v0  }
0x21: {  	[tilespmem:s1+$0x6C30] =	vst v0  }
0x22: {  	[spmem:s8] =	stream.linear.scatter [tilespmem:s20], [sflag:$0x3], $0xA00, $0x38;
	[tilespmem:$0xC620] =	vst v63  }
0x23: {  	_ =	swait.ge [sflag:s18], $0xA00  }
0x24: {  	[sflag:s18] =	ssyncset.done $0x0  }
0x25: {  	[sflag:s18] =	ssyncadd.s32 $0xFFFFF600  }
0x26: {  	[spmem:s9] =	stream.linear.scatter [tilespmem:s20], [sflag:$0x3], $0xA00, $0x38;
	[tilespmem:$0xC620] =	vst v63  }
0x27: {  	_ =	swait.ge [sflag:s18], $0xA00  }
0x28: {  	[sflag:s18] =	ssyncset.done $0x0  }
0x29: {  	[sflag:s18] =	ssyncadd.s32 $0xFFFFF600  }
0x2a: {  	[spmem:s10] =	stream.linear.scatter [tilespmem:s20], [sflag:$0x3], $0xA00, $0x38;
	[tilespmem:$0xC620] =	vst v63  }
0x2b: {  	_ =	swait.ge [sflag:s18], $0xA00  }
0x2c: {  	[sflag:s18] =	ssyncset.done $0x0  }
0x2d: {  	[sflag:s18] =	ssyncadd.s32 $0xFFFFF600  }
0x2e: {  	[spmem:s11] =	stream.linear.scatter [tilespmem:s20], [sflag:$0x3], $0xA00, $0x38;
	[tilespmem:$0xC620] =	vst v63  }
0x2f: {  	_ =	swait.ge [sflag:s18], $0xA00  }
0x30: {  	[sflag:s18] =	ssyncset.done $0x0  }
0x31: {  	[sflag:s18] =	ssyncadd.s32 $0xFFFFF600  }
0x32: {  	[spmem:s12] =	stream.linear.scatter [tilespmem:s20], [sflag:$0x3], $0xA00, $0x38;
	[tilespmem:$0xC620] =	vst v63  }
0x33: {  	_ =	swait.ge [sflag:s18], $0xA00  }
0x34: {  	[sflag:s18] =	ssyncset.done $0x0  }
0x35: {  	[sflag:s18] =	ssyncadd.s32 $0xFFFFF600  }
0x36: {  	[spmem:s13] =	stream.linear.scatter [tilespmem:s20], [sflag:$0x3], $0xA00, $0x38;
	[tilespmem:$0xC620] =	vst v63  }
0x37: {  	_ =	swait.ge [sflag:s18], $0xA00  }
0x38: {  	[sflag:s18] =	ssyncset.done $0x0  }
0x39: {  	[sflag:s18] =	ssyncadd.s32 $0xFFFFF600  }
0x3a: {  	[spmem:s14] =	stream.linear.scatter [tilespmem:s20], [sflag:$0x3], $0xA00, $0x38;
	[tilespmem:$0xC620] =	vst v63  }
0x3b: {  	_ =	swait.ge [sflag:s18], $0xA00  }
0x3c: {  	[sflag:s18] =	ssyncset.done $0x0  }
0x3d: {  	[sflag:s18] =	ssyncadd.s32 $0xFFFFF600  }
0x3e: {  	[spmem:s15] =	stream.linear.scatter [tilespmem:s20], [sflag:$0x3], $0xA00, $0x38;
	[tilespmem:$0xC620] =	vst v63  }
0x3f: {  	_ =	swait.ge [sflag:s18], $0xA00  }
0x40: {  	[sflag:s18] =	ssyncset.done $0x0  }
0x41: {  	[sflag:s18] =	ssyncadd.s32 $0xFFFFF600  }
0x42: {  	s31 =	simm.s32 $0x0;
	[bflag:$0x0] =	sbarrier.arrive $0xFFFF  }
0x43: {  	[tilespmem:s22], [sflag:$0x1] =	stream.indirect.gather [hbm4b:s4+s21], $0x20, s31, s21, $0xb8;
	[tilespmem:$0xC620] =	vst v63  }
0x44: {  	_ = 	snop  }
0x45: {  	[tilespmem:s23], [sflag:$0x1] =	stream.indirect.gather [hbm4b:s5+s21], $0x10, s6, s21, $0xb8;
	[tilespmem:$0xC620] =	vst v63  }
.LBB2_4:
0x46: {  	s29 =	smul.u32 $0xA0, s31;
	_ =	sdelay $0x1  }
0x47: {  	s0 =	sadd.s32 $0x50, s29  }
0x48: {  	[tilespmem:s24], [sflag:$0x2] =	stream.indirect.gather [hbm4b:s4+s21], $0x20, s0, s21, $0xb8;
	[tilespmem:$0xC620] =	vst v63  }
0x49: {  	s0 =	sadd.s32 $0x2760, s29  }
0x4a: {  	[tilespmem:s25], [sflag:$0x2] =	stream.indirect.gather [hbm4b:s5+s21], $0x10, s0, s21, $0xb8;
	[tilespmem:$0xC620] =	vst v63  }
0x4b: {  	_ =	swait.ge [sflag:s26], $0xA00  }
0x4c: {  	[sflag:s26] =	ssyncset.done $0x0  }
0x4d: {  	[sflag:s26] =	ssyncadd.s32 $0xFFFFF600  }
0x4e: {  	_ =	swait.ge [sflag:s26], $0x500  }
0x4f: {  	[sflag:s26] =	ssyncset.done $0x0  }
0x50: {  	s1 =	simm.s32 $0x4EA0;
	[sflag:s26] =	ssyncadd.s32 $0xFFFFFB00  }
0x51: {  	s3 =	simm.s32 $0x5860;
	v1 =	vld [tilespmem:s1+$0x70]  }
0x52: {  	v2 =	vld [tilespmem:s3+$0x30]  }
0x53: {  	v3 =	vld [tilespmem:s3+$0xFFFFFFC0]  }
0x54: {  	v4 =	vld [tilespmem:s1+$0xFFFFFFB0]  }
0x55: {  	v5 =	vld [tilespmem:s3+$0xFFFFFFD0]  }
0x56: {  	v6 =	vld [tilespmem:s1+$0xFFFFFFD0]  }
0x57: {  	v7 =	vld [tilespmem:s3+$0xFFFFFFE0]  }
0x58: {  	v8 =	vld [tilespmem:s1+$0xFFFFFFF0]  }
0x59: {  	v9 =	vld [tilespmem:s3+$0xFFFFFFF0]  }
0x5a: {  	v10 =	vld [tilespmem:s1+$0x10]  }
0x5b: {  	v11 =	vld [tilespmem:s3+$0x0]  }
0x5c: {  	v12 =	vld [tilespmem:s3+$0x10]  }
0x5d: {  	v14 =	vld [tilespmem:s1+$0x50];
	v1 =	vadd.f32 v2, v1  }
0x5e: {  	v6 =	vadd.f32 v7, v6;
	v7 =	vld [tilespmem:s1+$0xFFFFFF90]  }
0x5f: {  	v15 =	vld [tilespmem:s1+$0xFFFFFF80];
	v13 =	vmul.f32 $2.000000030e-01, v1  }
0x60: {  	v2 =	vld [tilespmem:s1+$0x30];
	v4 =	vadd.f32 v5, v4;
	vm0 =	vge.f32 v1, $0.0e+00  }
0x61: {  	v5 =	vld [tilespmem:s3+$0x20];
	v8 =	vadd.f32 v9, v8;
	v16 =	vmul.f32 $2.000000030e-01, v6;
	v1 =	vsel vm0, v1, v13  }
0x62: {  	v9 =	vld [tilespmem:s1+$0xFFFFFFA0];
	v13 =	vmul.f32 $2.000000030e-01, v4;
	v1 =	vmul.f32 $1.442695020e+00, v1  }
0x63: {  	vm1 =	vge.f32 v8, $0.0e+00;
	vm0 =	vge.f32 v4, $0.0e+00;
	v3 =	vadd.f32 v3, v7;
	v7 =	vld [tilespmem:s1+$0x0]  }
0x64: {  	(erf) = vpow2.f32 v1;
	v1 =	vsel vm0, v4, v13;
	v4 =	vadd.f32 v11, v10;
	v10 =	vld [tilespmem:s1+$0x60]  }
0x65: {  	v2 =	vadd.f32 v12, v2;
	vm0 =	vge.f32 v6, $0.0e+00;
	v11 =	vmul.f32 $2.000000030e-01, v8;
	v13 =	vld [tilespmem:s1+$0xFFFFFFC0]  }
0x66: {  	v12 =	vmul.f32 $2.000000030e-01, v3;
	v1 =	vmul.f32 $1.442695020e+00, v1;
	v6 =	vsel vm0, v6, v16;
	v16 =	vld [tilespmem:s1+$0xFFFFFFE0]  }
0x67: {  	v17 =	vmul.f32 $2.000000030e-01, v4;
	v8 =	vsel vm1, v8, v11;
	v6 =	vmul.f32 $1.442695020e+00, v6;
	v11 =	vld [tilespmem:s1+$0x20]  }
0x68: {  	s7 =	simm.s32 $0x4FA0;
	vm0 =	vge.f32 v4, $0.0e+00;
	v8 =	vmul.f32 $1.442695020e+00, v8;
	(erf) = vpow2.f32 v1;
	v1 =	vld [tilespmem:s1+$0x40]  }
0x69: {  	s1 =	simm.s32 $0x58E0;
	v4 =	vsel vm0, v4, v17;
	vm0 =	vge.f32 v3, $0.0e+00;
	v17 =	vld [tilespmem:s7+$0x70];
	(erf) = vpow2.f32 v6  }
0x6a: {  	v6 =	vmul.f32 $2.000000030e-01, v2;
	v19 =	vld [tilespmem:s1+$0xFFFFFFF0];
	v4 =	vmul.f32 $1.442695020e+00, v4;
	v3 =	vsel vm0, v3, v12  }
0x6b: {  	v12 =	vld [tilespmem:s1+$0x30];
	(erf) = vpow2.f32 v8;
	vm0 =	vge.f32 v2, $0.0e+00;
	v3 =	vmul.f32 $1.442695020e+00, v3  }
0x6c: {  	v2 =	vsel vm0, v2, v6;
	(erf) = vpow2.f32 v4;
	v4 =	vadd.f32 v5, v14;
	v5 =	vld [tilespmem:s7+$0xFFFFFFB0]  }
0x6d: {  	v2 =	vmul.f32 $1.442695020e+00, v2;
	(erf) = vpow2.f32 v3;
	v3 =	vld [tilespmem:s1+$0xFFFFFFD0]  }
0x6e: {  	v8 =	vld [tilespmem:s1+$0xFFFFFFC0];
	v6 =	vmul.f32 $2.000000030e-01, v4  }
0x6f: {  	v14 =	vld [tilespmem:s7+$0xFFFFFFD0];
	vm0 =	vge.f32 v4, $0.0e+00;
	v18 =	vpop (erf);
	(erf) = vpow2.f32 v2  }
0x70: {  	s3 =	simm.s32 $0x6CA0;
	v2 =	vld [tilespmem:s1+$0xFFFFFFE0];
	v12 =	vadd.f32 v12, v17;
	v4 =	vsel vm0, v4, v6;
	v6 =	vmul.f32 v18, v10  }
0x71: {  	[tilespmem:s3+$0x70] =	vst v18;
	v10 =	vld [tilespmem:s7+$0xFFFFFFF0];
	v4 =	vmul.f32 $1.442695020e+00, v4  }
0x72: {  	v17 =	vpop (erf);
	v20 =	vmul.f32 $2.000000030e-01, v12;
	[tilespmem:s3+$0x60] =	vst v6;
	v3 =	vadd.f32 v3, v5;
	v5 =	vld [tilespmem:s7+$0x10]  }
0x73: {  	vm0 =	vge.f32 v12, $0.0e+00;
	v6 =	vmul.f32 v17, v9;
	v9 =	vpop (erf);
	[tilespmem:s3+$0xFFFFFFB0] =	vst v17;
	(erf) = vpow2.f32 v4;
	v4 =	vld [tilespmem:s1+$0x0]  }
0x74: {  	v12 =	vsel vm0, v12, v20;
	v13 =	vmul.f32 v9, v13;
	v20 =	vld [tilespmem:s7+$0x30];
	[tilespmem:s3+$0xFFFFFFD0] =	vst v9  }
0x75: {  	v18 =	vpop (erf);
	v14 =	vadd.f32 v2, v14;
	v17 =	vmul.f32 $2.000000030e-01, v3;
	v2 =	vmul.f32 $1.442695020e+00, v12;
	[tilespmem:s3+$0xFFFFFFA0] =	vst v6;
	v6 =	vld [tilespmem:s1+$0x10]  }
0x76: {  	vm0 =	vge.f32 v3, $0.0e+00;
	v16 =	vmul.f32 v18, v16;
	[tilespmem:s3+$0xFFFFFFF0] =	vst v18;
	v18 =	vld [tilespmem:s7+$0xFFFFFF90];
	v9 =	vadd.f32 v19, v10  }
0x77: {  	v10 =	vmul.f32 $2.000000030e-01, v14;
	v19 =	vld [tilespmem:s7+$0x50];
	v12 =	vpop (erf);
	(erf) = vpow2.f32 v2;
	v3 =	vsel vm0, v3, v17  }
0x78: {  	vm0 =	vge.f32 v14, $0.0e+00;
	v17 =	vld [tilespmem:s1+$0x20];
	v21 =	vmul.f32 v12, v7;
	v7 =	vpop (erf);
	vm1 =	vge.f32 v9, $0.0e+00  }
0x79: {  	[tilespmem:s3+$0xFFFFFFC0] =	vst v13;
	v3 =	vmul.f32 $1.442695020e+00, v3;
	v15 =	vmul.f32 v7, v15;
	v13 =	vpop (erf);
	v22 =	vadd.f32 v4, v5  }
0x7a: {  	v63 =	vld [tilespmem:s7+$0x60];
	[tilespmem:s3+$0xFFFFFFE0] =	vst v16;
	v4 =	vmul.f32 $2.000000030e-01, v9;
	v5 =	vsel vm0, v14, v10;
	v14 =	vmul.f32 v13, v11  }
0x7b: {  	v2 =	vld [tilespmem:s7+$0xFFFFFF80];
	[tilespmem:s3+$0x10] =	vst v12;
	v20 =	vadd.f32 v6, v20;
	v10 =	vmul.f32 $1.442695020e+00, v5;
	(erf) = vpow2.f32 v3  }
0x7c: {  	[tilespmem:s3+$0xFFFFFF90] =	vst v7;
	v7 =	vld [tilespmem:s7+$0xFFFFFFA0];
	v12 =	vadd.f32 v8, v18;
	vm0 =	vge.f32 v22, $0.0e+00;
	v16 =	vmul.f32 $2.000000030e-01, v22  }
0x7d: {  	[tilespmem:s3+$0x0] =	vst v21;
	v5 =	vld [tilespmem:s7+$0xFFFFFFC0];
	v4 =	vsel vm1, v9, v4;
	vm1 =	vge.f32 v20, $0.0e+00;
	v9 =	vadd.f32 v17, v19  }
0x7e: {  	v6 =	vld [tilespmem:s7+$0x0];
	[tilespmem:s3+$0xFFFFFF80] =	vst v15;
	v3 =	vmul.f32 $2.000000030e-01, v20;
	v11 =	vmul.f32 $1.442695020e+00, v4;
	v15 =	vsel vm0, v22, v16  }
0x7f: {  	[tilespmem:s3+$0x30] =	vst v13;
	v4 =	vld [tilespmem:s7+$0xFFFFFFE0];
	v8 =	vpop (erf);
	vm0 =	vge.f32 v12, $0.0e+00;
	v16 =	vmul.f32 $2.000000030e-01, v12;
	v18 =	vmul.f32 $2.000000030e-01, v9  }
0x80: {  	[tilespmem:s3+$0x20] =	vst v14;
	v17 =	vsel vm1, v20, v3;
	vm1 =	vge.f32 v9, $0.0e+00;
	v15 =	vmul.f32 $1.442695020e+00, v15;
	v3 =	vld [tilespmem:s7+$0x20];
	v14 =	vpop (erf)  }
0x81: {  	s6 =	simm.s32 $0x8;
	s19 =	simm.s32 $0x6CA0;
	[tilespmem:s3+$0x50] =	vst v8;
	v13 =	vmul.f32 $1.442695020e+00, v17;
	v17 =	vsel vm1, v9, v18;
	v9 =	vld [tilespmem:s7+$0x40];
	s7 =	simm.s32 $0x50A0;
	v18 =	vmul.f32 v14, v63  }
.LBB2_5:
0x82: {  	v19 =	vld [tilespmem:s7+$0x70];
	v12 =	vsel vm0, v12, v16;
	v16 =	vmul.f32 $1.442695020e+00, v17;
	s1 =	sadd.s32 $0x80, s1;
	(erf) = vpow2.f32 v10;
	s3 =	sadd.s32 $0x100, s3  }
0x83: {  	s6 =	sadd.s32 $0x8, s6;
	v10 =	vld [tilespmem:s1+$0x30];
	v17 =	vmul.f32 $1.442695020e+00, v12;
	[tilespmem:s3+$0x60] =	vst v18;
	(erf) = vpow2.f32 v11  }
0x84: {  	p0 =	slt.u32 s6, $0x48;
	v11 =	vld [tilespmem:s1+$0xFFFFFFC0];
	[tilespmem:s3+$0x70] =	vst v14;
	(erf) = vpow2.f32 v15;
	v15 =	vmul.f32 v8, v1  }
0x85: {  	v8 =	vld [tilespmem:s7+$0xFFFFFFB0];
	(erf) = vpow2.f32 v17;
	v12 =	vpop (erf)  }
0x86: {  	v14 =	vld [tilespmem:s1+$0xFFFFFFD0];
	v7 =	vmul.f32 v12, v7;
	(erf) = vpow2.f32 v13;
	[tilespmem:s19+$0x40] =	vst v15;
	v1 =	vmov v9;
	s19 =	smov.u32 s3  }
0x87: {  	v9 =	vld [tilespmem:s7+$0xFFFFFFD0];
	[tilespmem:s3+$0xFFFFFFB0] =	vst v12;
	(erf) = vpow2.f32 v16  }
0x88: {  	v12 =	vld [tilespmem:s1+$0xFFFFFFE0];
	v10 =	vadd.f32 v10, v19;
	[tilespmem:s3+$0xFFFFFFA0] =	vst v7  }
0x89: {  	v7 =	vld [tilespmem:s7+$0xFFFFFFF0]  }
0x8a: {  	v13 =	vld [tilespmem:s1+$0xFFFFFFF0];
	v19 =	vmul.f32 $2.000000030e-01, v10  }
0x8b: {  	vm0 =	vge.f32 v10, $0.0e+00;
	v8 =	vadd.f32 v14, v8;
	v14 =	vld [tilespmem:s7+$0x10];
	v16 =	vpop (erf)  }
0x8c: {  	v17 =	vld [tilespmem:s1+$0x0];
	v10 =	vsel vm0, v10, v19;
	v5 =	vmul.f32 v16, v5;
	[tilespmem:s3+$0xFFFFFFD0] =	vst v16;
	v15 =	vpop (erf)  }
0x8d: {  	v16 =	vmul.f32 $2.000000030e-01, v8;
	v9 =	vadd.f32 v12, v9;
	v12 =	vld [tilespmem:s7+$0x30];
	v10 =	vmul.f32 $1.442695020e+00, v10;
	[tilespmem:s3+$0xFFFFFFF0] =	vst v15;
	v18 =	vpop (erf)  }
0x8e: {  	vm0 =	vge.f32 v8, $0.0e+00;
	v4 =	vmul.f32 v15, v4;
	v19 =	vld [tilespmem:s1+$0x10];
	[tilespmem:s3+$0xFFFFFFC0] =	vst v5;
	v5 =	vmul.f32 v18, v6;
	v6 =	vpop (erf)  }
0x8f: {  	v15 =	vmul.f32 $2.000000030e-01, v9;
	v13 =	vadd.f32 v13, v7;
	v20 =	vld [tilespmem:s7+$0x50];
	(erf) = vpow2.f32 v10;
	[tilespmem:s3+$0xFFFFFF90] =	vst v6;
	v21 =	vpop (erf)  }
0x90: {  	v7 =	vsel vm0, v8, v16;
	vm0 =	vge.f32 v9, $0.0e+00;
	v6 =	vmul.f32 v6, v2;
	v16 =	vld [tilespmem:s1+$0x20];
	[tilespmem:s3+$0xFFFFFFE0] =	vst v4;
	v8 =	vpop (erf)  }
0x91: {  	v4 =	vld [tilespmem:s7+$0xFFFFFF90];
	vm1 =	vge.f32 v13, $0.0e+00;
	v22 =	vmul.f32 $2.000000030e-01, v13;
	v14 =	vadd.f32 v17, v14;
	[tilespmem:s3+$0x0] =	vst v5  }
0x92: {  	v3 =	vmul.f32 v21, v3;
	v5 =	vmul.f32 $1.442695020e+00, v7;
	v9 =	vsel vm0, v9, v15;
	v2 =	vld [tilespmem:s7+$0xFFFFFF80];
	[tilespmem:s3+$0xFFFFFF80] =	vst v6  }
0x93: {  	v7 =	vld [tilespmem:s7+$0xFFFFFFA0];
	vm0 =	vge.f32 v14, $0.0e+00;
	v6 =	vmul.f32 $2.000000030e-01, v14;
	v15 =	vadd.f32 v19, v12;
	[tilespmem:s3+$0x10] =	vst v18  }
0x94: {  	v10 =	vmul.f32 $1.442695020e+00, v9;
	v9 =	vsel vm1, v13, v22;
	v18 =	vld [tilespmem:s7+$0x60];
	(erf) = vpow2.f32 v5;
	[tilespmem:s3+$0x20] =	vst v3  }
.Ltmp1:
0x95: {  	v5 =	vld [tilespmem:s7+$0xFFFFFFC0];
	vm1 =	vge.f32 v15, $0.0e+00;
	v3 =	vmul.f32 $2.000000030e-01, v15;
	v17 =	vadd.f32 v16, v20;
	[tilespmem:s3+$0x30] =	vst v21;
	(pc) =	sbr.rel @p0 .LBB2_5-.Ltmp1, $4  }
0x96: {  	v12 =	vadd.f32 v11, v4;
	v11 =	vmul.f32 $1.442695020e+00, v9;
	v4 =	vld [tilespmem:s7+$0xFFFFFFE0];
	v9 =	vsel vm0, v14, v6;
	[tilespmem:s3+$0x50] =	vst v8  }
0x97: {  	v6 =	vld [tilespmem:s7+$0x0];
	v13 =	vsel vm1, v15, v3;
	vm1 =	vge.f32 v17, $0.0e+00;
	v19 =	vmul.f32 $2.000000030e-01, v17  }
0x98: {  	v15 =	vmul.f32 $1.442695020e+00, v9;
	vm0 =	vge.f32 v12, $0.0e+00;
	v16 =	vmul.f32 $2.000000030e-01, v12;
	v3 =	vld [tilespmem:s7+$0x20];
	v14 =	vpop (erf)  }
0x99: {  	v13 =	vmul.f32 $1.442695020e+00, v13;
	v17 =	vsel vm1, v17, v19;
	v9 =	vld [tilespmem:s7+$0x40];
	v18 =	vmul.f32 v14, v18;
	s7 =	sadd.s32 $0x100, s7  }
0x9a: {  	(erf) = vpow2.f32 v10  }
0x9b: {  	v12 =	vsel vm0, v12, v16;
	(erf) = vpow2.f32 v11  }
0x9c: {  	v10 =	vmul.f32 $1.442695020e+00, v12  }
0x9d: {  	(erf) = vpow2.f32 v15  }
0x9e: {  	s1 =	sadd.s32 $0x100, s3;
	(erf) = vpow2.f32 v10  }
0x9f: {  	v1 =	vmul.f32 v8, v1;
	[tilespmem:s1+$0x60] =	vst v18  }
0xa0: {  	[tilespmem:s1+$0x70] =	vst v14;
	v8 =	vpop (erf)  }
0xa1: {  	[tilespmem:s19+$0x40] =	vst v1;
	v10 =	vmul.f32 $1.442695020e+00, v17;
	v7 =	vmul.f32 v8, v7  }
0xa2: {  	(erf) = vpow2.f32 v13;
	[tilespmem:s1+$0xFFFFFFB0] =	vst v8  }
0xa3: {  	(erf) = vpow2.f32 v10;
	[tilespmem:s1+$0xFFFFFFA0] =	vst v7;
	v1 =	vpop (erf)  }
0xa4: {  	v5 =	vmul.f32 v1, v5;
	[tilespmem:s1+$0xFFFFFFD0] =	vst v1;
	v1 =	vpop (erf)  }
0xa5: {  	[tilespmem:s1+$0xFFFFFFF0] =	vst v1  }
0xa6: {  	v7 =	vpop (erf);
	[tilespmem:s1+$0xFFFFFFC0] =	vst v5  }
0xa7: {  	v1 =	vmul.f32 v1, v4;
	v4 =	vpop (erf);
	[tilespmem:s1+$0x10] =	vst v7  }
0xa8: {  	v5 =	vmul.f32 v7, v6;
	[tilespmem:s1+$0xFFFFFF90] =	vst v4  }
0xa9: {  	v2 =	vmul.f32 v4, v2;
	[tilespmem:s1+$0xFFFFFFE0] =	vst v1  }
0xaa: {  	[tilespmem:s1+$0x0] =	vst v5  }
0xab: {  	v1 =	vpop (erf);
	[tilespmem:s1+$0xFFFFFF80] =	vst v2  }
0xac: {  	s19 =	smul.u32 $0x280, s31;
	v2 =	vmul.f32 v1, v3;
	v3 =	vpop (erf);
	[tilespmem:s1+$0x30] =	vst v1  }
0xad: {  	v1 =	vmul.f32 v3, v9;
	[tilespmem:s1+$0x50] =	vst v3  }
0xae: {  	s3 =	sshra.s32 s19, $0x2;
	[tilespmem:s1+$0x20] =	vst v2  }
0xaf: {  	s3 =	sadd.s32 $0x2710, s3;
	[tilespmem:s1+$0x40] =	vst v1  }
0xb0: {  	[spmem:s2] =	stream.indirect.scatter.add.f32 [tilespmem:s20], [sflag:$0x3], $0x20, s3, s21, $0xb8;
	[tilespmem:$0xC620] =	vst v63  }
0xb1: {  	_ =	swait.ge [sflag:s18], $0xA00  }
0xb2: {  	[sflag:s18] =	ssyncset.done $0x0  }
0xb3: {  	s6 =	sadd.s32 $0xA0, s29;
	[sflag:s18] =	ssyncadd.s32 $0xFFFFF600  }
0xb4: {  	[tilespmem:s22], [sflag:$0x1] =	stream.indirect.gather [hbm4b:s4+s21], $0x20, s6, s21, $0xb8;
	[tilespmem:$0xC620] =	vst v63  }
0xb5: {  	s7 =	sadd.s32 $0x27B0, s29  }
0xb6: {  	[tilespmem:s23], [sflag:$0x1] =	stream.indirect.gather [hbm4b:s5+s21], $0x10, s7, s21, $0xb8;
	[tilespmem:$0xC620] =	vst v63  }
0xb7: {  	_ =	swait.ge [sflag:s28], $0xA00  }
0xb8: {  	[sflag:s28] =	ssyncset.done $0x0  }
0xb9: {  	[sflag:s28] =	ssyncadd.s32 $0xFFFFF600  }
0xba: {  	_ =	swait.ge [sflag:s28], $0x500  }
0xbb: {  	[sflag:s28] =	ssyncset.done $0x0  }
0xbc: {  	s19 =	simm.s32 $0x5DA0;
	[sflag:s28] =	ssyncadd.s32 $0xFFFFFB00  }
0xbd: {  	s29 =	simm.s32 $0x6760;
	v1 =	vld [tilespmem:s19+$0x70]  }
0xbe: {  	v2 =	vld [tilespmem:s29+$0x30]  }
0xbf: {  	v3 =	vld [tilespmem:s29+$0xFFFFFFC0]  }
0xc0: {  	v4 =	vld [tilespmem:s19+$0xFFFFFFB0]  }
0xc1: {  	v5 =	vld [tilespmem:s29+$0xFFFFFFD0]  }
0xc2: {  	v6 =	vld [tilespmem:s19+$0xFFFFFFD0]  }
0xc3: {  	v7 =	vld [tilespmem:s29+$0xFFFFFFE0]  }
0xc4: {  	v8 =	vld [tilespmem:s19+$0xFFFFFFF0]  }
0xc5: {  	v9 =	vld [tilespmem:s29+$0xFFFFFFF0]  }
0xc6: {  	v10 =	vld [tilespmem:s19+$0x10]  }
0xc7: {  	v11 =	vld [tilespmem:s29+$0x0]  }
0xc8: {  	v12 =	vld [tilespmem:s29+$0x10];
	v1 =	vadd.f32 v2, v1  }
0xc9: {  	v6 =	vadd.f32 v7, v6;
	v7 =	vld [tilespmem:s19+$0xFFFFFF90]  }
0xca: {  	v2 =	vld [tilespmem:s19+$0x30];
	v13 =	vmul.f32 $2.000000030e-01, v1  }
0xcb: {  	v14 =	vld [tilespmem:s19+$0x50];
	v4 =	vadd.f32 v5, v4;
	vm0 =	vge.f32 v1, $0.0e+00  }
0xcc: {  	s1 =	simm.s32 $0x67E0;
	v15 =	vld [tilespmem:s19+$0xFFFFFF80];
	v8 =	vadd.f32 v9, v8;
	v16 =	vmul.f32 $2.000000030e-01, v6;
	v1 =	vsel vm0, v1, v13  }
0xcd: {  	v19 =	vld [tilespmem:s1+$0xFFFFFFF0];
	v13 =	vmul.f32 $2.000000030e-01, v4;
	v1 =	vmul.f32 $1.442695020e+00, v1  }
0xce: {  	v5 =	vld [tilespmem:s29+$0x20];
	vm1 =	vge.f32 v8, $0.0e+00;
	vm0 =	vge.f32 v4, $0.0e+00;
	v3 =	vadd.f32 v3, v7  }
0xcf: {  	v9 =	vld [tilespmem:s19+$0xFFFFFFA0];
	v2 =	vadd.f32 v12, v2;
	(erf) = vpow2.f32 v1;
	v1 =	vsel vm0, v4, v13  }
0xd0: {  	v7 =	vld [tilespmem:s19+$0x0];
	v4 =	vadd.f32 v11, v10;
	vm0 =	vge.f32 v6, $0.0e+00;
	v11 =	vmul.f32 $2.000000030e-01, v8  }
0xd1: {  	v10 =	vld [tilespmem:s19+$0x60];
	v12 =	vmul.f32 $2.000000030e-01, v3;
	v1 =	vmul.f32 $1.442695020e+00, v1;
	v6 =	vsel vm0, v6, v16  }
0xd2: {  	v13 =	vld [tilespmem:s19+$0xFFFFFFC0];
	v17 =	vmul.f32 $2.000000030e-01, v4;
	v8 =	vsel vm1, v8, v11;
	v6 =	vmul.f32 $1.442695020e+00, v6  }
0xd3: {  	v16 =	vld [tilespmem:s19+$0xFFFFFFE0];
	vm0 =	vge.f32 v4, $0.0e+00;
	v8 =	vmul.f32 $1.442695020e+00, v8;
	(erf) = vpow2.f32 v1  }
0xd4: {  	s7 =	simm.s32 $0x5EA0;
	v11 =	vld [tilespmem:s19+$0x20];
	v4 =	vsel vm0, v4, v17;
	vm0 =	vge.f32 v3, $0.0e+00;
	(erf) = vpow2.f32 v6  }
0xd5: {  	v17 =	vld [tilespmem:s7+$0x70];
	v6 =	vmul.f32 $2.000000030e-01, v2;
	v4 =	vmul.f32 $1.442695020e+00, v4;
	v3 =	vsel vm0, v3, v12  }
0xd6: {  	v12 =	vld [tilespmem:s1+$0x30];
	(erf) = vpow2.f32 v8;
	v3 =	vmul.f32 $1.442695020e+00, v3  }
0xd7: {  	vm0 =	vge.f32 v2, $0.0e+00;
	(erf) = vpow2.f32 v4;
	v4 =	vadd.f32 v5, v14;
	v5 =	vld [tilespmem:s7+$0xFFFFFFB0]  }
0xd8: {  	v2 =	vsel vm0, v2, v6;
	(erf) = vpow2.f32 v3;
	v3 =	vld [tilespmem:s1+$0xFFFFFFD0]  }
0xd9: {  	v8 =	vld [tilespmem:s1+$0xFFFFFFC0];
	v2 =	vmul.f32 $1.442695020e+00, v2;
	v6 =	vmul.f32 $2.000000030e-01, v4  }
0xda: {  	v14 =	vld [tilespmem:s7+$0xFFFFFFD0];
	vm0 =	vge.f32 v4, $0.0e+00  }
0xdb: {  	v18 =	vpop (erf);
	(erf) = vpow2.f32 v2;
	v2 =	vld [tilespmem:s1+$0xFFFFFFE0];
	v12 =	vadd.f32 v12, v17;
	v4 =	vsel vm0, v4, v6  }
0xdc: {  	s3 =	simm.s32 $0x6CA0;
	v6 =	vmul.f32 v18, v10;
	v10 =	vld [tilespmem:s7+$0xFFFFFFF0];
	v4 =	vmul.f32 $1.442695020e+00, v4  }
0xdd: {  	[tilespmem:s3+$0x70] =	vst v18;
	v17 =	vpop (erf);
	v20 =	vmul.f32 $2.000000030e-01, v12;
	v3 =	vadd.f32 v3, v5;
	v5 =	vld [tilespmem:s7+$0x10]  }
0xde: {  	vm0 =	vge.f32 v12, $0.0e+00;
	[tilespmem:s3+$0x60] =	vst v6;
	v6 =	vmul.f32 v17, v9;
	v9 =	vpop (erf);
	(erf) = vpow2.f32 v4;
	v4 =	vld [tilespmem:s1+$0x0]  }
0xdf: {  	[tilespmem:s3+$0xFFFFFFB0] =	vst v17;
	v12 =	vsel vm0, v12, v20;
	v13 =	vmul.f32 v9, v13;
	v20 =	vld [tilespmem:s7+$0x30]  }
0xe0: {  	v18 =	vpop (erf);
	v14 =	vadd.f32 v2, v14;
	v17 =	vmul.f32 $2.000000030e-01, v3;
	v2 =	vmul.f32 $1.442695020e+00, v12;
	[tilespmem:s3+$0xFFFFFFA0] =	vst v6;
	v6 =	vld [tilespmem:s1+$0x10]  }
0xe1: {  	vm0 =	vge.f32 v3, $0.0e+00;
	v16 =	vmul.f32 v18, v16;
	[tilespmem:s3+$0xFFFFFFF0] =	vst v18;
	v18 =	vld [tilespmem:s7+$0xFFFFFF90];
	v10 =	vadd.f32 v19, v10  }
0xe2: {  	[tilespmem:s3+$0xFFFFFFD0] =	vst v9;
	v9 =	vmul.f32 $2.000000030e-01, v14;
	v19 =	vld [tilespmem:s7+$0x50];
	v12 =	vpop (erf);
	(erf) = vpow2.f32 v2;
	v3 =	vsel vm0, v3, v17  }
0xe3: {  	vm0 =	vge.f32 v14, $0.0e+00;
	v17 =	vld [tilespmem:s1+$0x20];
	v21 =	vmul.f32 v12, v7;
	v7 =	vpop (erf);
	vm1 =	vge.f32 v10, $0.0e+00  }
0xe4: {  	v63 =	vld [tilespmem:s7+$0x60];
	[tilespmem:s3+$0xFFFFFFC0] =	vst v13;
	v3 =	vmul.f32 $1.442695020e+00, v3;
	v15 =	vmul.f32 v7, v15;
	v13 =	vpop (erf);
	v22 =	vadd.f32 v4, v5  }
0xe5: {  	v1 =	vld [tilespmem:s19+$0x40];
	[tilespmem:s3+$0xFFFFFFE0] =	vst v16;
	v4 =	vmul.f32 $2.000000030e-01, v10;
	v5 =	vsel vm0, v14, v9;
	v14 =	vmul.f32 v13, v11  }
0xe6: {  	v2 =	vld [tilespmem:s7+$0xFFFFFF80];
	[tilespmem:s3+$0x10] =	vst v12;
	v20 =	vadd.f32 v6, v20;
	v9 =	vmul.f32 $1.442695020e+00, v5;
	(erf) = vpow2.f32 v3  }
0xe7: {  	[tilespmem:s3+$0xFFFFFF90] =	vst v7;
	v7 =	vld [tilespmem:s7+$0xFFFFFFA0];
	v12 =	vadd.f32 v8, v18;
	vm0 =	vge.f32 v22, $0.0e+00;
	v16 =	vmul.f32 $2.000000030e-01, v22  }
0xe8: {  	[tilespmem:s3+$0x0] =	vst v21;
	v5 =	vld [tilespmem:s7+$0xFFFFFFC0];
	v4 =	vsel vm1, v10, v4;
	vm1 =	vge.f32 v20, $0.0e+00;
	v10 =	vadd.f32 v17, v19  }
0xe9: {  	v6 =	vld [tilespmem:s7+$0x0];
	[tilespmem:s3+$0xFFFFFF80] =	vst v15;
	v3 =	vmul.f32 $2.000000030e-01, v20;
	v11 =	vmul.f32 $1.442695020e+00, v4;
	v15 =	vsel vm0, v22, v16  }
0xea: {  	[tilespmem:s3+$0x30] =	vst v13;
	v4 =	vld [tilespmem:s7+$0xFFFFFFE0];
	v8 =	vpop (erf);
	vm0 =	vge.f32 v12, $0.0e+00;
	v16 =	vmul.f32 $2.000000030e-01, v12;
	v18 =	vmul.f32 $2.000000030e-01, v10  }
0xeb: {  	[tilespmem:s3+$0x20] =	vst v14;
	v17 =	vsel vm1, v20, v3;
	vm1 =	vge.f32 v10, $0.0e+00;
	v15 =	vmul.f32 $1.442695020e+00, v15;
	v3 =	vld [tilespmem:s7+$0x20];
	v14 =	vpop (erf)  }
0xec: {  	s6 =	simm.s32 $0x8;
	s19 =	simm.s32 $0x6CA0;
	[tilespmem:s3+$0x50] =	vst v8;
	v13 =	vmul.f32 $1.442695020e+00, v17;
	v17 =	vsel vm1, v10, v18;
	v10 =	vld [tilespmem:s7+$0x40];
	s7 =	simm.s32 $0x5FA0;
	v18 =	vmul.f32 v14, v63  }
.LBB2_7:
0xed: {  	v19 =	vld [tilespmem:s7+$0x70];
	v12 =	vsel vm0, v12, v16;
	v16 =	vmul.f32 $1.442695020e+00, v17;
	s1 =	sadd.s32 $0x80, s1;
	(erf) = vpow2.f32 v9;
	s3 =	sadd.s32 $0x100, s3  }
0xee: {  	s6 =	sadd.s32 $0x8, s6;
	v9 =	vld [tilespmem:s1+$0x30];
	v17 =	vmul.f32 $1.442695020e+00, v12;
	[tilespmem:s3+$0x60] =	vst v18;
	(erf) = vpow2.f32 v11  }
0xef: {  	p0 =	slt.u32 s6, $0x48;
	v11 =	vld [tilespmem:s1+$0xFFFFFFC0];
	[tilespmem:s3+$0x70] =	vst v14;
	(erf) = vpow2.f32 v15;
	v15 =	vmul.f32 v8, v1  }
0xf0: {  	v8 =	vld [tilespmem:s7+$0xFFFFFFB0];
	(erf) = vpow2.f32 v17;
	v12 =	vpop (erf)  }
0xf1: {  	v14 =	vld [tilespmem:s1+$0xFFFFFFD0];
	v7 =	vmul.f32 v12, v7;
	(erf) = vpow2.f32 v13;
	[tilespmem:s19+$0x40] =	vst v15;
	v1 =	vmov v10;
	s19 =	smov.u32 s3  }
0xf2: {  	v10 =	vld [tilespmem:s7+$0xFFFFFFD0];
	[tilespmem:s3+$0xFFFFFFB0] =	vst v12;
	(erf) = vpow2.f32 v16  }
0xf3: {  	v12 =	vld [tilespmem:s1+$0xFFFFFFE0];
	v9 =	vadd.f32 v9, v19;
	[tilespmem:s3+$0xFFFFFFA0] =	vst v7  }
0xf4: {  	v7 =	vld [tilespmem:s7+$0xFFFFFFF0]  }
0xf5: {  	v13 =	vld [tilespmem:s1+$0xFFFFFFF0];
	v19 =	vmul.f32 $2.000000030e-01, v9  }
0xf6: {  	vm0 =	vge.f32 v9, $0.0e+00;
	v8 =	vadd.f32 v14, v8;
	v14 =	vld [tilespmem:s7+$0x10];
	v16 =	vpop (erf)  }
0xf7: {  	v17 =	vld [tilespmem:s1+$0x0];
	v9 =	vsel vm0, v9, v19;
	v5 =	vmul.f32 v16, v5;
	[tilespmem:s3+$0xFFFFFFD0] =	vst v16;
	v15 =	vpop (erf)  }
0xf8: {  	v16 =	vmul.f32 $2.000000030e-01, v8;
	v10 =	vadd.f32 v12, v10;
	v12 =	vld [tilespmem:s7+$0x30];
	v9 =	vmul.f32 $1.442695020e+00, v9;
	[tilespmem:s3+$0xFFFFFFF0] =	vst v15;
	v18 =	vpop (erf)  }
0xf9: {  	vm0 =	vge.f32 v8, $0.0e+00;
	v4 =	vmul.f32 v15, v4;
	v19 =	vld [tilespmem:s1+$0x10];
	[tilespmem:s3+$0xFFFFFFC0] =	vst v5;
	v5 =	vmul.f32 v18, v6;
	v6 =	vpop (erf)  }
0xfa: {  	v15 =	vmul.f32 $2.000000030e-01, v10;
	v13 =	vadd.f32 v13, v7;
	v20 =	vld [tilespmem:s7+$0x50];
	(erf) = vpow2.f32 v9;
	[tilespmem:s3+$0xFFFFFF90] =	vst v6;
	v21 =	vpop (erf)  }
0xfb: {  	v7 =	vsel vm0, v8, v16;
	vm0 =	vge.f32 v10, $0.0e+00;
	v6 =	vmul.f32 v6, v2;
	v16 =	vld [tilespmem:s1+$0x20];
	[tilespmem:s3+$0xFFFFFFE0] =	vst v4;
	v8 =	vpop (erf)  }
0xfc: {  	v4 =	vld [tilespmem:s7+$0xFFFFFF90];
	vm1 =	vge.f32 v13, $0.0e+00;
	v22 =	vmul.f32 $2.000000030e-01, v13;
	v14 =	vadd.f32 v17, v14;
	[tilespmem:s3+$0x0] =	vst v5  }
0xfd: {  	v3 =	vmul.f32 v21, v3;
	v5 =	vmul.f32 $1.442695020e+00, v7;
	v9 =	vsel vm0, v10, v15;
	v2 =	vld [tilespmem:s7+$0xFFFFFF80];
	[tilespmem:s3+$0xFFFFFF80] =	vst v6  }
0xfe: {  	v7 =	vld [tilespmem:s7+$0xFFFFFFA0];
	vm0 =	vge.f32 v14, $0.0e+00;
	v6 =	vmul.f32 $2.000000030e-01, v14;
	v10 =	vadd.f32 v19, v12;
	[tilespmem:s3+$0x10] =	vst v18  }
0xff: {  	v9 =	vmul.f32 $1.442695020e+00, v9;
	v13 =	vsel vm1, v13, v22;
	v18 =	vld [tilespmem:s7+$0x60];
	(erf) = vpow2.f32 v5;
	[tilespmem:s3+$0x20] =	vst v3  }
.Ltmp2:
0x100: {  	v5 =	vld [tilespmem:s7+$0xFFFFFFC0];
	vm1 =	vge.f32 v10, $0.0e+00;
	v3 =	vmul.f32 $2.000000030e-01, v10;
	v17 =	vadd.f32 v16, v20;
	[tilespmem:s3+$0x30] =	vst v21;
	(pc) =	sbr.rel @p0 .LBB2_7-.Ltmp2, $4  }
0x101: {  	v12 =	vadd.f32 v11, v4;
	v11 =	vmul.f32 $1.442695020e+00, v13;
	v4 =	vld [tilespmem:s7+$0xFFFFFFE0];
	v13 =	vsel vm0, v14, v6;
	[tilespmem:s3+$0x50] =	vst v8  }
0x102: {  	v6 =	vld [tilespmem:s7+$0x0];
	v10 =	vsel vm1, v10, v3;
	vm1 =	vge.f32 v17, $0.0e+00;
	v19 =	vmul.f32 $2.000000030e-01, v17  }
0x103: {  	v15 =	vmul.f32 $1.442695020e+00, v13;
	vm0 =	vge.f32 v12, $0.0e+00;
	v16 =	vmul.f32 $2.000000030e-01, v12;
	v3 =	vld [tilespmem:s7+$0x20];
	v14 =	vpop (erf)  }
0x104: {  	v13 =	vmul.f32 $1.442695020e+00, v10;
	v17 =	vsel vm1, v17, v19;
	v10 =	vld [tilespmem:s7+$0x40];
	v18 =	vmul.f32 v14, v18;
	s7 =	sadd.s32 $0x100, s7  }
0x105: {  	(erf) = vpow2.f32 v9  }
0x106: {  	v12 =	vsel vm0, v12, v16;
	(erf) = vpow2.f32 v11  }
0x107: {  	v58 =	vmul.f32 $1.442695020e+00, v12  }
0x108: {  	(erf) = vpow2.f32 v15  }
0x109: {  	s1 =	sadd.s32 $0x100, s3;
	(erf) = vpow2.f32 v58  }
0x10a: {  	v1 =	vmul.f32 v8, v1;
	[tilespmem:s1+$0x60] =	vst v18  }
0x10b: {  	[tilespmem:s1+$0x70] =	vst v14;
	v59 =	vpop (erf)  }
0x10c: {  	v60 =	vmul.f32 $1.442695020e+00, v17;
	[tilespmem:s19+$0x40] =	vst v1;
	v7 =	vmul.f32 v59, v7  }
0x10d: {  	(erf) = vpow2.f32 v13;
	[tilespmem:s1+$0xFFFFFFB0] =	vst v59  }
0x10e: {  	(erf) = vpow2.f32 v60;
	[tilespmem:s1+$0xFFFFFFA0] =	vst v7;
	v1 =	vpop (erf)  }
0x10f: {  	v5 =	vmul.f32 v1, v5;
	[tilespmem:s1+$0xFFFFFFD0] =	vst v1;
	v1 =	vpop (erf)  }
0x110: {  	[tilespmem:s1+$0xFFFFFFF0] =	vst v1  }
0x111: {  	v61 =	vpop (erf);
	[tilespmem:s1+$0xFFFFFFC0] =	vst v5  }
0x112: {  	v1 =	vmul.f32 v1, v4;
	v62 =	vpop (erf);
	[tilespmem:s1+$0x10] =	vst v61  }
0x113: {  	v63 =	vmul.f32 v61, v6;
	[tilespmem:s1+$0xFFFFFF90] =	vst v62  }
0x114: {  	v2 =	vmul.f32 v62, v2;
	[tilespmem:s1+$0xFFFFFFE0] =	vst v1  }
0x115: {  	[tilespmem:s1+$0x0] =	vst v63  }
0x116: {  	v1 =	vpop (erf);
	[tilespmem:s1+$0xFFFFFF80] =	vst v2  }
0x117: {  	v2 =	vmul.f32 v1, v3;
	v3 =	vpop (erf);
	[tilespmem:s1+$0x30] =	vst v1  }
0x118: {  	s31 =	sadd.s32 $0x1, s31;
	v1 =	vmul.f32 v3, v10;
	[tilespmem:s1+$0x50] =	vst v3  }
0x119: {  	p0 =	sne.s32 s31, $0x3E;
	[tilespmem:s1+$0x20] =	vst v2  }
.Ltmp3:
0x11a: {  	[tilespmem:s1+$0x40] =	vst v1;
	(pc) =	sbr.rel @p0 .LBB2_4-.Ltmp3, $4  }
0x11b: {  	[spmem:s2] =	stream.indirect.scatter.add.f32 [tilespmem:s20], [sflag:$0x3], $0x20, s0, s21, $0xb8;
	[tilespmem:$0xC620] =	vst v63  }
0x11c: {  	_ =	swait.ge [sflag:s18], $0xA00  }
0x11d: {  	[sflag:s18] =	ssyncset.done $0x0  }
0x11e: {  	[sflag:s18] =	ssyncadd.s32 $0xFFFFF600  }
0x11f: {  	_ =	swait.ge [sflag:s26], $0xA00  }
0x120: {  	[sflag:s26] =	ssyncset.done $0x0  }
0x121: {  	[sflag:s26] =	ssyncadd.s32 $0xFFFFF600  }
0x122: {  	_ =	swait.ge [sflag:s26], $0x500  }
0x123: {  	[sflag:s26] =	ssyncset.done $0x0  }
0x124: {  	s0 =	simm.s32 $0x4EA0;
	[sflag:s26] =	ssyncadd.s32 $0xFFFFFB00  }
0x125: {  	s1 =	simm.s32 $0x5860;
	v1 =	vld [tilespmem:s0+$0x70]  }
0x126: {  	v2 =	vld [tilespmem:s1+$0x30]  }
0x127: {  	v3 =	vld [tilespmem:s1+$0xFFFFFFC0]  }
0x128: {  	v4 =	vld [tilespmem:s0+$0xFFFFFFB0]  }
0x129: {  	v5 =	vld [tilespmem:s1+$0xFFFFFFD0]  }
0x12a: {  	v6 =	vld [tilespmem:s0+$0xFFFFFFD0]  }
0x12b: {  	v7 =	vld [tilespmem:s1+$0xFFFFFFE0]  }
0x12c: {  	v8 =	vld [tilespmem:s0+$0xFFFFFFF0]  }
0x12d: {  	v9 =	vld [tilespmem:s1+$0xFFFFFFF0]  }
0x12e: {  	v10 =	vld [tilespmem:s0+$0x10]  }
0x12f: {  	v11 =	vld [tilespmem:s1+$0x0]  }
0x130: {  	v12 =	vld [tilespmem:s1+$0x10]  }
0x131: {  	v14 =	vld [tilespmem:s0+$0x50];
	v1 =	vadd.f32 v2, v1  }
0x132: {  	v6 =	vadd.f32 v7, v6;
	v7 =	vld [tilespmem:s0+$0xFFFFFF90]  }
0x133: {  	v15 =	vld [tilespmem:s0+$0xFFFFFF80];
	v13 =	vmul.f32 $2.000000030e-01, v1  }
0x134: {  	v2 =	vld [tilespmem:s0+$0x30];
	v4 =	vadd.f32 v5, v4;
	vm0 =	vge.f32 v1, $0.0e+00  }
0x135: {  	v5 =	vld [tilespmem:s1+$0x20];
	v8 =	vadd.f32 v9, v8;
	v16 =	vmul.f32 $2.000000030e-01, v6;
	v1 =	vsel vm0, v1, v13  }
0x136: {  	v9 =	vld [tilespmem:s0+$0xFFFFFFA0];
	v13 =	vmul.f32 $2.000000030e-01, v4;
	v1 =	vmul.f32 $1.442695020e+00, v1  }
0x137: {  	vm1 =	vge.f32 v8, $0.0e+00;
	vm0 =	vge.f32 v4, $0.0e+00;
	v3 =	vadd.f32 v3, v7;
	v7 =	vld [tilespmem:s0+$0x0]  }
0x138: {  	(erf) = vpow2.f32 v1;
	v1 =	vsel vm0, v4, v13;
	v4 =	vadd.f32 v11, v10;
	v10 =	vld [tilespmem:s0+$0x60]  }
0x139: {  	v2 =	vadd.f32 v12, v2;
	vm0 =	vge.f32 v6, $0.0e+00;
	v11 =	vmul.f32 $2.000000030e-01, v8;
	v13 =	vld [tilespmem:s0+$0xFFFFFFC0]  }
0x13a: {  	v12 =	vmul.f32 $2.000000030e-01, v3;
	v1 =	vmul.f32 $1.442695020e+00, v1;
	v6 =	vsel vm0, v6, v16;
	v16 =	vld [tilespmem:s0+$0xFFFFFFE0]  }
0x13b: {  	v17 =	vmul.f32 $2.000000030e-01, v4;
	v8 =	vsel vm1, v8, v11;
	v6 =	vmul.f32 $1.442695020e+00, v6;
	v11 =	vld [tilespmem:s0+$0x20]  }
0x13c: {  	s3 =	simm.s32 $0x4FA0;
	vm0 =	vge.f32 v4, $0.0e+00;
	v8 =	vmul.f32 $1.442695020e+00, v8;
	(erf) = vpow2.f32 v1;
	v1 =	vld [tilespmem:s0+$0x40]  }
0x13d: {  	s0 =	simm.s32 $0x58E0;
	v4 =	vsel vm0, v4, v17;
	vm0 =	vge.f32 v3, $0.0e+00;
	v17 =	vld [tilespmem:s3+$0x70];
	(erf) = vpow2.f32 v6  }
0x13e: {  	v6 =	vmul.f32 $2.000000030e-01, v2;
	v19 =	vld [tilespmem:s0+$0xFFFFFFF0];
	v4 =	vmul.f32 $1.442695020e+00, v4;
	v3 =	vsel vm0, v3, v12  }
0x13f: {  	v12 =	vld [tilespmem:s0+$0x30];
	(erf) = vpow2.f32 v8;
	v3 =	vmul.f32 $1.442695020e+00, v3  }
0x140: {  	vm0 =	vge.f32 v2, $0.0e+00;
	(erf) = vpow2.f32 v4;
	v4 =	vadd.f32 v5, v14;
	v5 =	vld [tilespmem:s3+$0xFFFFFFB0]  }
0x141: {  	v2 =	vsel vm0, v2, v6;
	(erf) = vpow2.f32 v3;
	v3 =	vld [tilespmem:s0+$0xFFFFFFD0]  }
0x142: {  	v8 =	vld [tilespmem:s0+$0xFFFFFFC0];
	v2 =	vmul.f32 $1.442695020e+00, v2;
	v6 =	vmul.f32 $2.000000030e-01, v4  }
0x143: {  	v14 =	vld [tilespmem:s3+$0xFFFFFFD0];
	vm0 =	vge.f32 v4, $0.0e+00  }
0x144: {  	v18 =	vpop (erf);
	(erf) = vpow2.f32 v2;
	v2 =	vld [tilespmem:s0+$0xFFFFFFE0];
	v12 =	vadd.f32 v12, v17;
	v4 =	vsel vm0, v4, v6  }
0x145: {  	s1 =	simm.s32 $0x6CA0;
	v6 =	vmul.f32 v18, v10;
	v10 =	vld [tilespmem:s3+$0xFFFFFFF0];
	v4 =	vmul.f32 $1.442695020e+00, v4  }
0x146: {  	[tilespmem:s1+$0x70] =	vst v18;
	v17 =	vpop (erf);
	v20 =	vmul.f32 $2.000000030e-01, v12;
	v3 =	vadd.f32 v3, v5;
	v5 =	vld [tilespmem:s3+$0x10]  }
0x147: {  	vm0 =	vge.f32 v12, $0.0e+00;
	[tilespmem:s1+$0x60] =	vst v6;
	v6 =	vmul.f32 v17, v9;
	v9 =	vpop (erf);
	(erf) = vpow2.f32 v4;
	v4 =	vld [tilespmem:s0+$0x0]  }
0x148: {  	[tilespmem:s1+$0xFFFFFFB0] =	vst v17;
	v12 =	vsel vm0, v12, v20;
	v13 =	vmul.f32 v9, v13;
	v20 =	vld [tilespmem:s3+$0x30]  }
0x149: {  	v18 =	vpop (erf);
	v14 =	vadd.f32 v2, v14;
	v17 =	vmul.f32 $2.000000030e-01, v3;
	v2 =	vmul.f32 $1.442695020e+00, v12;
	[tilespmem:s1+$0xFFFFFFA0] =	vst v6;
	v6 =	vld [tilespmem:s0+$0x10]  }
0x14a: {  	vm0 =	vge.f32 v3, $0.0e+00;
	v16 =	vmul.f32 v18, v16;
	[tilespmem:s1+$0xFFFFFFF0] =	vst v18;
	v18 =	vld [tilespmem:s3+$0xFFFFFF90];
	v10 =	vadd.f32 v19, v10  }
0x14b: {  	[tilespmem:s1+$0xFFFFFFD0] =	vst v9;
	v9 =	vmul.f32 $2.000000030e-01, v14;
	v19 =	vld [tilespmem:s3+$0x50];
	v12 =	vpop (erf);
	(erf) = vpow2.f32 v2;
	v3 =	vsel vm0, v3, v17  }
0x14c: {  	vm0 =	vge.f32 v14, $0.0e+00;
	v17 =	vld [tilespmem:s0+$0x20];
	v21 =	vmul.f32 v12, v7;
	v7 =	vpop (erf);
	vm1 =	vge.f32 v10, $0.0e+00  }
0x14d: {  	[tilespmem:s1+$0xFFFFFFC0] =	vst v13;
	v3 =	vmul.f32 $1.442695020e+00, v3;
	v15 =	vmul.f32 v7, v15;
	v13 =	vpop (erf);
	v22 =	vadd.f32 v4, v5  }
0x14e: {  	v63 =	vld [tilespmem:s3+$0x60];
	[tilespmem:s1+$0xFFFFFFE0] =	vst v16;
	v4 =	vmul.f32 $2.000000030e-01, v10;
	v5 =	vsel vm0, v14, v9;
	v14 =	vmul.f32 v13, v11  }
0x14f: {  	v2 =	vld [tilespmem:s3+$0xFFFFFF80];
	[tilespmem:s1+$0x10] =	vst v12;
	v20 =	vadd.f32 v6, v20;
	v9 =	vmul.f32 $1.442695020e+00, v5;
	(erf) = vpow2.f32 v3  }
0x150: {  	[tilespmem:s1+$0xFFFFFF90] =	vst v7;
	v7 =	vld [tilespmem:s3+$0xFFFFFFA0];
	v12 =	vadd.f32 v8, v18;
	vm0 =	vge.f32 v22, $0.0e+00;
	v16 =	vmul.f32 $2.000000030e-01, v22  }
0x151: {  	[tilespmem:s1+$0x0] =	vst v21;
	v5 =	vld [tilespmem:s3+$0xFFFFFFC0];
	v4 =	vsel vm1, v10, v4;
	vm1 =	vge.f32 v20, $0.0e+00;
	v10 =	vadd.f32 v17, v19  }
0x152: {  	v6 =	vld [tilespmem:s3+$0x0];
	[tilespmem:s1+$0xFFFFFF80] =	vst v15;
	v3 =	vmul.f32 $2.000000030e-01, v20;
	v11 =	vmul.f32 $1.442695020e+00, v4;
	v15 =	vsel vm0, v22, v16  }
0x153: {  	[tilespmem:s1+$0x30] =	vst v13;
	v4 =	vld [tilespmem:s3+$0xFFFFFFE0];
	v8 =	vpop (erf);
	vm0 =	vge.f32 v12, $0.0e+00;
	v16 =	vmul.f32 $2.000000030e-01, v12;
	v18 =	vmul.f32 $2.000000030e-01, v10  }
0x154: {  	[tilespmem:s1+$0x20] =	vst v14;
	v17 =	vsel vm1, v20, v3;
	vm1 =	vge.f32 v10, $0.0e+00;
	v15 =	vmul.f32 $1.442695020e+00, v15;
	v3 =	vld [tilespmem:s3+$0x20];
	v14 =	vpop (erf)  }
0x155: {  	s6 =	simm.s32 $0x8;
	s7 =	simm.s32 $0x50A0;
	[tilespmem:s1+$0x50] =	vst v8;
	v13 =	vmul.f32 $1.442695020e+00, v17;
	v17 =	vsel vm1, v10, v18;
	v10 =	vld [tilespmem:s3+$0x40];
	s3 =	simm.s32 $0x6CA0;
	v18 =	vmul.f32 v14, v63  }
.LBB2_10:
0x156: {  	v19 =	vld [tilespmem:s7+$0x70];
	v12 =	vsel vm0, v12, v16;
	v16 =	vmul.f32 $1.442695020e+00, v17;
	s0 =	sadd.s32 $0x80, s0;
	(erf) = vpow2.f32 v9;
	s1 =	sadd.s32 $0x100, s1  }
0x157: {  	s6 =	sadd.s32 $0x8, s6;
	v9 =	vld [tilespmem:s0+$0x30];
	v17 =	vmul.f32 $1.442695020e+00, v12;
	[tilespmem:s1+$0x60] =	vst v18;
	(erf) = vpow2.f32 v11  }
0x158: {  	p0 =	slt.u32 s6, $0x48;
	v11 =	vld [tilespmem:s0+$0xFFFFFFC0];
	[tilespmem:s1+$0x70] =	vst v14;
	(erf) = vpow2.f32 v15;
	v15 =	vmul.f32 v8, v1  }
0x159: {  	v8 =	vld [tilespmem:s7+$0xFFFFFFB0];
	(erf) = vpow2.f32 v17;
	v12 =	vpop (erf)  }
0x15a: {  	v14 =	vld [tilespmem:s0+$0xFFFFFFD0];
	v7 =	vmul.f32 v12, v7;
	(erf) = vpow2.f32 v13;
	[tilespmem:s3+$0x40] =	vst v15;
	v1 =	vmov v10;
	s3 =	smov.u32 s1  }
0x15b: {  	v10 =	vld [tilespmem:s7+$0xFFFFFFD0];
	[tilespmem:s1+$0xFFFFFFB0] =	vst v12;
	(erf) = vpow2.f32 v16  }
0x15c: {  	v12 =	vld [tilespmem:s0+$0xFFFFFFE0];
	v9 =	vadd.f32 v9, v19;
	[tilespmem:s1+$0xFFFFFFA0] =	vst v7  }
0x15d: {  	v7 =	vld [tilespmem:s7+$0xFFFFFFF0]  }
0x15e: {  	v13 =	vld [tilespmem:s0+$0xFFFFFFF0];
	v19 =	vmul.f32 $2.000000030e-01, v9  }
0x15f: {  	vm0 =	vge.f32 v9, $0.0e+00;
	v8 =	vadd.f32 v14, v8;
	v14 =	vld [tilespmem:s7+$0x10];
	v16 =	vpop (erf)  }
0x160: {  	v17 =	vld [tilespmem:s0+$0x0];
	v9 =	vsel vm0, v9, v19;
	v5 =	vmul.f32 v16, v5;
	[tilespmem:s1+$0xFFFFFFD0] =	vst v16;
	v15 =	vpop (erf)  }
0x161: {  	v16 =	vmul.f32 $2.000000030e-01, v8;
	v10 =	vadd.f32 v12, v10;
	v12 =	vld [tilespmem:s7+$0x30];
	v9 =	vmul.f32 $1.442695020e+00, v9;
	[tilespmem:s1+$0xFFFFFFF0] =	vst v15;
	v18 =	vpop (erf)  }
0x162: {  	vm0 =	vge.f32 v8, $0.0e+00;
	v4 =	vmul.f32 v15, v4;
	v19 =	vld [tilespmem:s0+$0x10];
	[tilespmem:s1+$0xFFFFFFC0] =	vst v5;
	v5 =	vmul.f32 v18, v6;
	v6 =	vpop (erf)  }
0x163: {  	v15 =	vmul.f32 $2.000000030e-01, v10;
	v13 =	vadd.f32 v13, v7;
	v20 =	vld [tilespmem:s7+$0x50];
	(erf) = vpow2.f32 v9;
	[tilespmem:s1+$0xFFFFFF90] =	vst v6;
	v21 =	vpop (erf)  }
0x164: {  	v7 =	vsel vm0, v8, v16;
	vm0 =	vge.f32 v10, $0.0e+00;
	v6 =	vmul.f32 v6, v2;
	v16 =	vld [tilespmem:s0+$0x20];
	[tilespmem:s1+$0xFFFFFFE0] =	vst v4;
	v8 =	vpop (erf)  }
0x165: {  	v4 =	vld [tilespmem:s7+$0xFFFFFF90];
	vm1 =	vge.f32 v13, $0.0e+00;
	v22 =	vmul.f32 $2.000000030e-01, v13;
	v14 =	vadd.f32 v17, v14;
	[tilespmem:s1+$0x0] =	vst v5  }
0x166: {  	v3 =	vmul.f32 v21, v3;
	v5 =	vmul.f32 $1.442695020e+00, v7;
	v9 =	vsel vm0, v10, v15;
	v2 =	vld [tilespmem:s7+$0xFFFFFF80];
	[tilespmem:s1+$0xFFFFFF80] =	vst v6  }
0x167: {  	v7 =	vld [tilespmem:s7+$0xFFFFFFA0];
	vm0 =	vge.f32 v14, $0.0e+00;
	v6 =	vmul.f32 $2.000000030e-01, v14;
	v10 =	vadd.f32 v19, v12;
	[tilespmem:s1+$0x10] =	vst v18  }
0x168: {  	v9 =	vmul.f32 $1.442695020e+00, v9;
	v13 =	vsel vm1, v13, v22;
	v18 =	vld [tilespmem:s7+$0x60];
	(erf) = vpow2.f32 v5;
	[tilespmem:s1+$0x20] =	vst v3  }
.Ltmp4:
0x169: {  	v5 =	vld [tilespmem:s7+$0xFFFFFFC0];
	vm1 =	vge.f32 v10, $0.0e+00;
	v3 =	vmul.f32 $2.000000030e-01, v10;
	v17 =	vadd.f32 v16, v20;
	[tilespmem:s1+$0x30] =	vst v21;
	(pc) =	sbr.rel @p0 .LBB2_10-.Ltmp4, $4  }
0x16a: {  	v12 =	vadd.f32 v11, v4;
	v11 =	vmul.f32 $1.442695020e+00, v13;
	v4 =	vld [tilespmem:s7+$0xFFFFFFE0];
	v13 =	vsel vm0, v14, v6;
	[tilespmem:s1+$0x50] =	vst v8  }
0x16b: {  	v6 =	vld [tilespmem:s7+$0x0];
	v10 =	vsel vm1, v10, v3;
	vm1 =	vge.f32 v17, $0.0e+00;
	v19 =	vmul.f32 $2.000000030e-01, v17  }
0x16c: {  	v15 =	vmul.f32 $1.442695020e+00, v13;
	vm0 =	vge.f32 v12, $0.0e+00;
	v16 =	vmul.f32 $2.000000030e-01, v12;
	v3 =	vld [tilespmem:s7+$0x20];
	v14 =	vpop (erf)  }
0x16d: {  	v13 =	vmul.f32 $1.442695020e+00, v10;
	v17 =	vsel vm1, v17, v19;
	v10 =	vld [tilespmem:s7+$0x40];
	v18 =	vmul.f32 v14, v18;
	s7 =	sadd.s32 $0x100, s7  }
0x16e: {  	(erf) = vpow2.f32 v9  }
0x16f: {  	v12 =	vsel vm0, v12, v16;
	(erf) = vpow2.f32 v11  }
0x170: {  	v58 =	vmul.f32 $1.442695020e+00, v12  }
0x171: {  	(erf) = vpow2.f32 v15  }
0x172: {  	s0 =	sadd.s32 $0x100, s1;
	(erf) = vpow2.f32 v58  }
0x173: {  	v1 =	vmul.f32 v8, v1;
	[tilespmem:s0+$0x60] =	vst v18  }
0x174: {  	[tilespmem:s0+$0x70] =	vst v14;
	v59 =	vpop (erf)  }
0x175: {  	v60 =	vmul.f32 $1.442695020e+00, v17;
	[tilespmem:s3+$0x40] =	vst v1;
	v7 =	vmul.f32 v59, v7  }
0x176: {  	(erf) = vpow2.f32 v13;
	[tilespmem:s0+$0xFFFFFFB0] =	vst v59  }
0x177: {  	(erf) = vpow2.f32 v60;
	[tilespmem:s0+$0xFFFFFFA0] =	vst v7;
	v1 =	vpop (erf)  }
0x178: {  	v5 =	vmul.f32 v1, v5;
	[tilespmem:s0+$0xFFFFFFD0] =	vst v1;
	v1 =	vpop (erf)  }
0x179: {  	[tilespmem:s0+$0xFFFFFFF0] =	vst v1  }
0x17a: {  	v61 =	vpop (erf);
	[tilespmem:s0+$0xFFFFFFC0] =	vst v5  }
0x17b: {  	v1 =	vmul.f32 v1, v4;
	v62 =	vpop (erf);
	[tilespmem:s0+$0x10] =	vst v61  }
0x17c: {  	v63 =	vmul.f32 v61, v6;
	[tilespmem:s0+$0xFFFFFF90] =	vst v62  }
0x17d: {  	v2 =	vmul.f32 v62, v2;
	[tilespmem:s0+$0xFFFFFFE0] =	vst v1  }
0x17e: {  	[tilespmem:s0+$0x0] =	vst v63  }
0x17f: {  	v1 =	vpop (erf);
	[tilespmem:s0+$0xFFFFFF80] =	vst v2  }
0x180: {  	v2 =	vmul.f32 v1, v3;
	v3 =	vpop (erf);
	[tilespmem:s0+$0x30] =	vst v1  }
0x181: {  	v1 =	vmul.f32 v3, v10;
	[tilespmem:s0+$0x50] =	vst v3  }
0x182: {  	[tilespmem:s0+$0x20] =	vst v2  }
0x183: {  	s19 =	simm.s32 $0x4DD0;
	[tilespmem:s0+$0x40] =	vst v1  }
0x184: {  	[spmem:s2] =	stream.indirect.scatter.add.f32 [tilespmem:s20], [sflag:$0x3], $0x20, s19, s21, $0xb8;
	[tilespmem:$0xC620] =	vst v63  }
0x185: {  	s29 =	stileid.u32;
	_ =	swait.ge [sflag:s18], $0xA00  }
0x186: {  	s31 =	sshrl.u32 s8, $0x3;
	s30 =	sadd.s32 $0x1, s30;
	[sflag:s18] =	ssyncset.done $0x0  }
0x187: {  	p0 =	sne.s32 s30, s17;
	s0 =	sshll.u32 s29, $0x6;
	[sflag:s18] =	ssyncadd.s32 $0xFFFFF600  }
.Ltmp5:
0x188: {  	s0 =	sor.u32 $0x1C03, s0;
	[bflag:$0x0] =	sbarrier.arrive $0xFFFF;
	(pc) =	sbr.rel @p0 .LBB2_1-.Ltmp5, $4  }
0x189: {  	[hbm:s16], [sflag:s0] =	dma.local [spmem:s31], $0xA00  }
0x18a: {  	_ =	swait.ge [sflag:s18], $0xA00  }
0x18b: {  	[sflag:s18] =	ssyncset.done $0x0  }
0x18c: {  	s6 =	simm.s32 $0x2710;
	[sflag:s18] =	ssyncadd.s32 $0xFFFFF600  }
0x18d: {  	_ =	sfence.sel $0x180000  }
0x18e: {  	[bflag:$0x0] =	sbarrier.arrive $0xFFFF  }
0x18f: {  	_ =	strace $0x9000004A  }
0x190: {  	s0 =	stileid.u32;
	[bflag:$0x2] =	sbarrier.arrive $0xFFFF  }
0x191: {  	p0 =	sne.s32 s0, $0x0;
	s0 =	rddreg [dreg:$0x2]  }
0x192: {  	s0 =	sadd.s32 @!p0 $0x100000, s0  }
0x193: {  	[sflag:s0] =	ssyncadd.tile.s32 @!p0 $0x1;
	_ =	shalt  }
.Lfunc_end2:
_tile_overlayer_lowered:
.L_overlay_start_2:
0x194: {  	(tag) =	ssettag $0x2  }
0x195: {  	s0 =	rddreg [dreg:$0x0];
	s2 =	stileid.u32  }
0x196: {  	s1 =	rddreg [dreg:$0x1];
	p0 =	sne.s32 s2, $0x0  }
0x197: {  	s3 =	rddreg [dreg:$0x2];
	[bflag:$0x3] =	sbarrier.arrive $0xFFFF;
	s2 =	simm.s32 @!p0 $0x1C03  }
0x198: {  	[timem:s3], [sflag:s2] =	dma.local @!p0 [hbm:s0], s1  }
0x199: {  	s0 =	simm.s32 @!p0 $0x3  }
0x19a: {  	_ =	swait.ge @!p0 [sflag:s0], s1  }
0x19b: {  	s1 =	ssub.s32 @!p0 $0x0, s1;
	[sflag:s0] =	ssyncset.done @!p0 $0x0  }
0x19c: {  	[sflag:s0] =	ssyncadd.s32 @!p0 s1  }
0x19d: {  	[bflag:$0x3] =	sbarrier.arrive $0xFFFF  }
0x19e: {  	_ =	shalt  }

// kernel: kernel.7.cloned.1.call-start
scs
__scs_entry_jumppad:
0x0: {  	(pc) =	sbr.rel $0x88, $3  }
0x1: {  	(tag) =	ssettag $0x0;
	lr =	simm.s32 $0x1  }
0x2: {  	[smem:$0x3F95] =	sst lr;
	_ =	strace $0xD0000000  }
0x3: {  	_ = 	snop  }
0x4: {  	_ = 	snop  }
0x5: {  	_ = 	snop  }
0x6: {  	_ = 	snop  }
0x7: {  	_ = 	snop  }
__scs_overlays_trampoline_lowered:
0x8: {  	[smem:$0x3FA4] =	sst s0  }
0x9: {  	[smem:$0x3FA5] =	sst s1  }
0xa: {  	[smem:$0x3FA6] =	sst s2  }
0xb: {  	[smem:$0x3FA7] =	sst s3  }
0xc: {  	[smem:$0x3FA8] =	sst s4  }
0xd: {  	[smem:$0x3FA9] =	sst s5  }
0xe: {  	[smem:$0x3FAA] =	sst s6  }
0xf: {  	[smem:$0x3FAB] =	sst s7  }
0x10: {  	[smem:$0x3FAC] =	sst s8  }
0x11: {  	[smem:$0x3FAD] =	sst s9;
	s0 =	simm.s32 @!p0 $0x0  }
0x12: {  	s1 =	sld [smem:$0x3F93];
	s0 =	simm.s32 @p0 $0x1  }
0x13: {  	[smem:$0x3FAE] =	sst s0;
	s0 =	simm.s32 @!p1 $0x0  }
0x14: {  	s2 =	sld [smem:$0x3F92];
	s0 =	simm.s32 @p1 $0x1  }
0x15: {  	[smem:$0x3FAF] =	sst s0;
	s0 =	simm.s32 @!p2 $0x0  }
0x16: {  	s3 =	sld [smem:$0x3FDB];
	s0 =	simm.s32 @p2 $0x1  }
0x17: {  	s4 =	simm.s32 $0x1BF5;
	[smem:$0x3FB1] =	sst s0  }
0x18: {  	s0 =	sld [smem:$0x3F94];
	_ =	swait.ge [sflag:s4], $0x0  }
0x19: {  	s7 =	sld [smem:$0x3F95]  }
0x1a: {  	s8 =	sadd.s32 $0xFFFFE003, lr  }
0x1b: {  	s9 =	sadd.s32 $0xFFFFFEF7, lr;
	s5 =	simm.s32 $0xFFFFFFFF;
	p2 =	slt.u32 s8, $0xFFFFF086  }
0x1c: {  	p1 =	slt.u32 s9, $0xF7A;
	s5 =	simm.s32 @!p2 $0x0  }
0x1d: {  	s5 =	simm.s32 @p1 $0x1;
	p0 =	seq.s32 s7, s2  }
0x1e: {  	s7 =	smul.u32 @!p0 $0xF7A, s2;
	p2 =	seq.s32 @!p0 s5, $0x0  }
0x1f: {  	s9 =	smul.u32 $0xF7A, s1;
	s8 =	simm.s32 @!p0 $0x1BF5;
	p2 =	por !p2, p0  }
0x20: {  	[sflag:s8] =	ssyncset.s32 @!p0 $0xFFFFF086;
	s6 =	sadd.s32 @!p0 s3, s7;
	s7 =	simm.s32 @!p0 $0x108  }
0x21: {  	s3 =	sadd.s32 s3, s9;
	s6 =	sadd.s32 @!p0 $0x88, s6;
	s7 =	simm.s32 @p2 $0x1082  }
0x22: {  	[simem:s7], [sflag:s8] =	dma.local @!p0 [hbm:s6], $0xF7A  }
0x23: {  	s9 =	sor.u32 $0xD0000000, s2;
	s6 =	simm.s32 $0x108;
	_ =	swait.ge @!p0 [sflag:s8], $0x0  }
0x24: {  	s3 =	sadd.s32 $0x88, s3;
	s6 =	simm.s32 @!p1 $0x1082;
	[sflag:s4] =	ssyncset.s32 $0xFFFFF086  }
0x25: {  	[simem:s6], [sflag:s4] =	dma.local [hbm:s3], $0xF7A  }
0x26: {  	[smem:$0x3F95] =	sst s1;
	(tag) =	ssettag s2;
	_ =	strace s9  }
0x27: {  	s1 =	sld [smem:$0x3FA5]  }
0x28: {  	s2 =	sld [smem:$0x3FA6]  }
0x29: {  	s4 =	sld [smem:$0x3FA8]  }
0x2a: {  	p0 =	seq.s32 s5, $0x0;
	s5 =	sld [smem:$0x3FA9]  }
0x2b: {  	s6 =	sld [smem:$0x3FAA]  }
0x2c: {  	s7 =	sld [smem:$0x3FAB]  }
0x2d: {  	s3 =	simm.s32 $0x108;
	s8 =	sld [smem:$0x3FAC]  }
0x2e: {  	s3 =	simm.s32 @!p0 $0x1082;
	s9 =	sld [smem:$0x3FAD]  }
0x2f: {  	lr =	sadd.s32 s0, s3;
	s0 =	sld [smem:$0x3FA4]  }
0x30: {  	s3 =	sld [smem:$0x3FA7]  }
0x31: {  	[smem:$0x3FB0] =	sst s10  }
0x32: {  	s10 =	sld [smem:$0x3FAE];
	_ =	sdelay $0x3  }
0x33: {  	p0 =	seq.s32 s10, $0x1;
	s10 =	sld [smem:$0x3FB0];
	_ =	sdelay $0x3  }
0x34: {  	[smem:$0x3FB0] =	sst s10  }
0x35: {  	s10 =	sld [smem:$0x3FAF];
	_ =	sdelay $0x3  }
0x36: {  	p1 =	seq.s32 s10, $0x1;
	s10 =	sld [smem:$0x3FB0];
	_ =	sdelay $0x3  }
0x37: {  	[smem:$0x3FB0] =	sst s10  }
0x38: {  	s10 =	sld [smem:$0x3FB1]  }
0x39: {  	_ = 	snop;
	(pc) =	sbr.ind lr, $3  }
0x3a: {  	_ = 	snop  }
0x3b: {  	_ = 	snop  }
0x3c: {  	p2 =	seq.s32 s10, $0x1;
	s10 =	sld [smem:$0x3FB0]  }
0x3d: {  	_ =	shalt  }
0x3e: {  	_ =	shalt  }
0x3f: {  	_ =	shalt  }
0x40: {  	_ =	shalt  }
0x41: {  	_ =	shalt  }
0x42: {  	_ =	shalt  }
0x43: {  	_ =	shalt  }
0x44: {  	_ =	shalt  }
0x45: {  	_ =	shalt  }
0x46: {  	_ =	shalt  }
0x47: {  	_ =	shalt  }
0x48: {  	_ =	shalt  }
0x49: {  	_ =	shalt  }
0x4a: {  	_ =	shalt  }
0x4b: {  	_ =	shalt  }
0x4c: {  	_ =	shalt  }
0x4d: {  	_ =	shalt  }
0x4e: {  	_ =	shalt  }
0x4f: {  	_ =	shalt  }
0x50: {  	_ =	shalt  }
0x51: {  	_ =	shalt  }
0x52: {  	_ =	shalt  }
0x53: {  	_ =	shalt  }
0x54: {  	_ =	shalt  }
0x55: {  	_ =	shalt  }
0x56: {  	_ =	shalt  }
0x57: {  	_ =	shalt  }
0x58: {  	_ =	shalt  }
0x59: {  	_ =	shalt  }
0x5a: {  	_ =	shalt  }
0x5b: {  	_ =	shalt  }
0x5c: {  	_ =	shalt  }
0x5d: {  	_ =	shalt  }
0x5e: {  	_ =	shalt  }
0x5f: {  	_ =	shalt  }
0x60: {  	_ =	shalt  }
0x61: {  	_ =	shalt  }
0x62: {  	_ =	shalt  }
0x63: {  	_ =	shalt  }
0x64: {  	_ =	shalt  }
0x65: {  	_ =	shalt  }
0x66: {  	_ =	shalt  }
0x67: {  	_ =	shalt  }
0x68: {  	_ =	shalt  }
0x69: {  	_ =	shalt  }
0x6a: {  	_ =	shalt  }
0x6b: {  	_ =	shalt  }
0x6c: {  	_ =	shalt  }
0x6d: {  	_ =	shalt  }
0x6e: {  	_ =	shalt  }
0x6f: {  	_ =	shalt  }
0x70: {  	_ =	shalt  }
0x71: {  	_ =	shalt  }
0x72: {  	_ =	shalt  }
0x73: {  	_ =	shalt  }
0x74: {  	_ =	shalt  }
0x75: {  	_ =	shalt  }
0x76: {  	_ =	shalt  }
0x77: {  	_ =	shalt  }
0x78: {  	_ =	shalt  }
0x79: {  	_ =	shalt  }
0x7a: {  	_ =	shalt  }
0x7b: {  	_ =	shalt  }
0x7c: {  	_ =	shalt  }
0x7d: {  	_ =	shalt  }
0x7e: {  	_ =	shalt  }
0x7f: {  	_ =	shalt  }
0x80: {  	_ =	shalt  }
0x81: {  	_ =	shalt  }
0x82: {  	_ =	shalt  }
0x83: {  	_ =	shalt  }
0x84: {  	_ =	shalt  }
0x85: {  	_ =	shalt  }
0x86: {  	_ =	shalt  }
0x87: {  	_ =	shalt  }
.Lfunc_end0:
.L_simem_size_0:
called_computation_lowered:
.L_overlay_start_0:
0x88: {  	s2 =	sld [smem:$0x3FD9]  }
0x89: {  	s3 =	sld [smem:$0x3FFE];
	_ =	sdelay $0x1  }
0x8a: {  	s1 =	srdreg.scid  }
0x8b: {  	s0 =	sand.u32 $0x1, s1  }
0x8c: {  	s16 =	sshll.u32 s0, $0xA;
	s2 =	sadd.s32 s3, s2  }
0x8d: {  	s2 =	sadd.s32 s2, s16  }
0x8e: {  	[smem:$0x3FBC] =	sst s2  }
0x8f: {  	_ = 	snop  }
0x90: {  	(tm) =	ssettm $0x1  }
0x91: {  	s17 =	sld [smem:$0x3FFB];
	_ =	sdelay $0x3  }
0x92: {  	_ =	strace s17  }
0x93: {  	s2 =	sld [smem:$0x3FFC];
	_ =	sdelay $0x3  }
0x94: {  	_ =	strace s2  }
0x95: {  	s2 =	sld [smem:$0x3FFD];
	_ =	sdelay $0x3  }
0x96: {  	_ =	strace s2  }
0x97: {  	_ =	strace $0x8FFFFFFF  }
0x98: {  	s18 =	sld [smem:$0x3FDB];
	_ =	sdelay $0x1  }
0x99: {  	s19 =	simm.s32 $_scs_section_size  }
0x9a: {  	s4 =	simm.s32 $_size__tile_overlayer_lowered;
	s5 =	simm.s32 $_tile_overlayer_lowered  }
0x9b: {  	s22 =	simm.s32 $0x1BFF;
	s21 =	sshll.u32 s5, $0x1;
	s2 =	sadd.s32 s19, s18  }
0x9c: {  	s6 =	simm.s32 $0x0;
	s20 =	sshll.u32 s4, $0x1;
	s4 =	sadd.s32 s21, s2  }
0x9d: {  	[timem:s6], [sflag:s22] =	dma.local [hbm:s4], s20  }
0x9e: {  	_ =	swait.ge [sflag:s22], s20  }
0x9f: {  	s3 =	ssub.s32 $0x0, s20;
	[sflag:s22] =	ssyncset.done $0x0  }
0xa0: {  	[sflag:s22] =	ssyncadd.s32 s3;
	_ =	sdelay $0x1  }
0xa1: {  	s23 =	simm.s32 $0x1B8B  }
0xa2: {  	_ =	swait.ge [sflag:s23], $0x1  }
0xa3: {  	[sflag:s23] =	ssyncset.done $0x0  }
0xa4: {  	s25 =	simm.s32 $0x1B8E;
	s24 =	sld [smem:$0x3FFE];
	[sflag:s23] =	ssyncadd.s32 $0xFFFFFFFF  }
0xa5: {  	s26 =	simm.s32 $execute0_lowered;
	[smem:$0x3FD2] =	sst s25  }
0xa6: {  	s4 =	sshll.u32 s26, $0x1;
	_ =	strace $0x80000046;
	[dreg:$0x1] =	wrdreg $0xFFFFFFFF  }
0xa7: {  	s28 =	simm.s32 $_size_execute0_lowered;
	s2 =	sadd.s32 s2, s4;
	[dreg:$0x0] =	wrdreg $0x0  }
0xa8: {  	s4 =	sshll.u32 s28, $0x1;
	[dreg:$0x2] =	wrdreg s2  }
0xa9: {  	[dreg:$0x3] =	wrdreg s4  }
0xaa: {  	[dreg:$0x4] =	wrdreg $0xC0  }
0xab: {  	_ =	task [dreg:s6], $0x5FFFF  }
0xac: {  	[dreg:$0x1] =	wrdreg $0xFFFFFFFF  }
0xad: {  	[dreg:$0x0] =	wrdreg $0x60  }
0xae: {  	[dreg:$0x2] =	wrdreg s24  }
0xaf: {  	[dreg:$0x3] =	wrdreg $0x81600  }
0xb0: {  	[dreg:$0x4] =	wrdreg $0x9  }
0xb1: {  	_ =	task.clear_ibuf [dreg:s6], $0x5FFFF;
	_ =	strace $0x90000046  }
0xb2: {  	s29 =	simm.s32 $0x9;
	_ =	strace $0x80000048  }
0xb3: {  	_ =	swait.ge [sflag:s29], $0x1  }
0xb4: {  	[sflag:s29] =	ssyncadd.s32 $0xFFFFFFFF  }
0xb5: {  	_ =	strace $0x90000048  }
0xb6: {  	_ =	sfence  }
0xb7: {  	s30 =	sld [smem:$0x0];
	_ =	sdelay $0x2  }
0xb8: {  	s31 =	sshll.u32 s1, $0xD;
	s1 =	sshrl.u32 s1, $0x2  }
0xb9: {  	s3 =	sand.u32 $0x4000, s31;
	s1 =	sadd.s32 s1, s30  }
0xba: {  	s0 =	sor.u32 s3, s0;
	s1 =	sshll.u32 s1, $0x11  }
0xbb: {  	s0 =	sor.u32 s1, s0  }
0xbc: {  	s0 =	sadd.s32 $0x8F2B, s0  }
0xbd: {  	[sflag:s0] =	ssyncadd.remote.s32 $0x1  }
0xbe: {  	_ =	sfence.sel $0xFFFF  }
0xbf: {  	[dreg:$0x0] =	wrdreg $0xFFFFFFFF;
	(pc) =	sbr.abs _section_cstart, $3  }
0xc0: {  	[dreg:$0x1] =	wrdreg $0xFFFFFFFF  }
0xc1: {  	_ =	task.clear_ibuf [dreg:s6], $0x2FFFF;
	_ =	strace $0x9FFFFFFF  }
0xc2: {  	(tm) =	ssettm $0x7FFFFFFF  }
0xc3: {  	_ =	shalt  }
tec
execute0_lowered:
.L_overlay_start_1:
0x0: {  	(tag) =	ssettag $0x1  }
0x1: {  	s0 =	rddreg [dreg:$0x0]  }
0x2: {  	s2 =	rddreg [dreg:$0x1];
	s3 =	simm.s32 $0x0;
	s9 =	stileid.u32  }
0x3: {  	s1 =	srdreg.scid;
	s28 =	simm.s32 $0x3;
	s26 =	smul.u32 $0x15400, s9  }
0x4: {  	s30 =	simm.s32 $0x6C20;
	s6 =	sshll.u32 s9, $0x1;
	s9 =	smul.u32 $0x55000, s9  }
0x5: {  	s31 =	simm.s32 $0x28;
	s29 =	simm.s32 $0x5320;
	[smem:$0x7FF] =	sst s3  }
0x6: {  	s1 =	sand.u32 $0x1, s1;
	s4 =	sadd.s32 $0x1A400, s0;
	s12 =	sshrl.u32 s9, $0x2  }
0x7: {  	s5 =	sadd.s32 $0x15400, s0;
	_ =	strace $0x80000047;
	s13 =	sadd.s32 s12, s2  }
0x8: {  	s7 =	smul.u32 $0x154000, s1;
	s8 =	sor.u32 s1, s6;
	s14 =	sadd.s32 $0x2A80, s13  }
0x9: {  	s6 =	sadd.s32 $0x1A00, s0;
	s15 =	sadd.s32 $0x3FC0, s13;
	[dreg:$0x6] =	wrdreg s14  }
0xa: {  	s1 =	ssub.s32 $0x2, s1;
	s16 =	sadd.s32 $0x5500, s13;
	[dreg:$0x7] =	wrdreg s15  }
0xb: {  	s8 =	smul.u32 $0x4E2, s8;
	s17 =	sadd.s32 $0x6A40, s13;
	[dreg:$0x8] =	wrdreg s16  }
0xc: {  	s10 =	sshrl.u32 s1, $0x1;
	s18 =	sadd.s32 $0x7F80, s13;
	[dreg:$0x9] =	wrdreg s17  }
0xd: {  	s9 =	sadd.s32 s26, s2;
	s19 =	sadd.s32 $0x94C0, s13;
	[dreg:$0xa] =	wrdreg s18  }
0xe: {  	s7 =	sadd.s32 s26, s7;
	s20 =	sadd.s32 $0xAA00, s13;
	[dreg:$0xb] =	wrdreg s19  }
0xf: {  	s1 =	ssub.s32 s1, s10;
	s21 =	sadd.s32 $0xBF40, s13;
	[dreg:$0xc] =	wrdreg s20  }
0x10: {  	s10 =	simm.s32 $0x1;
	s22 =	sadd.s32 $0xD480, s13;
	[dreg:$0xd] =	wrdreg s21  }
0x11: {  	s12 =	simm.s32 $0x0;
	s23 =	sadd.s32 $0xE9C0, s13;
	[dreg:$0xe] =	wrdreg s22  }
0x12: {  	s7 =	sshrl.u32 s7, $0x3;
	s24 =	sadd.s32 $0xFF00, s13;
	[dreg:$0xf] =	wrdreg s23  }
0x13: {  	s8 =	sadd.s32 s8, s0;
	s25 =	sadd.s32 $0x11440, s13;
	[dreg:$0x10] =	wrdreg s24  }
0x14: {  	s26 =	sadd.s32 $0x12980, s13;
	s3 =	sadd.s32 $0x13EC0, s13;
	[dreg:$0x11] =	wrdreg s25  }
0x15: {  	s0 =	sadd.s32 s7, s0;
	s11 =	sadd.s32 $0x29200, s8;
	[dreg:$0x12] =	wrdreg s26  }
0x16: {  	s8 =	sadd.s32 $0x1F400, s8;
	s7 =	sadd.s32 $0x1540, s13;
	[dreg:$0x13] =	wrdreg s3  }
0x17: {  	s26 =	smax.u32 s1, $0x1;
	s15 =	simm.s32 $0x2710;
	[dreg:$0x3] =	wrdreg s11  }
0x18: {  	v0 =	vimm.f32 $0.0e+00;
	v1 =	vimm.s32 $0x0;
	v2 =	vimm.s32 $0x1;
	s1 =	simm.s32 $0x50A0;
	s3 =	simm.s32 $0x5D20;
	[dreg:$0x4] =	wrdreg s8  }
0x19: {  	v3 =	vimm.s32 $0x2;
	v4 =	vimm.s32 $0x3;
	v5 =	vimm.s32 $0x4;
	[dreg:$0x5] =	wrdreg s7;
	s25 =	sadd.s32 $0x33000, s0;
	s0 =	simm.s32 $0x4E20  }
0x1a: {  	v6 =	vimm.s32 $0x5;
	v7 =	vimm.s32 $0x6;
	v8 =	vimm.s32 $0x7;
	s7 =	simm.s32 $0x5FA0;
	s8 =	simm.s32 $0x6220;
	s11 =	simm.s32 $0x2  }
.LBB2_1:
0x1b: {  	s13 =	simm.s32 $0x0;
	s14 =	rddreg [dreg:$0x3]  }
0x1c: {  	[tilespmem:s13], [sflag:$0x3] =	stream.linear.gather [hbm4b:s14+s13], $0x2710, $0x38;
	[tilespmem:$0x1D560] =	vst v63  }
0x1d: {  	_ =	swait.ge [sflag:s28], $0x2710  }
0x1e: {  	[sflag:s28] =	ssyncset.done $0x0  }
0x1f: {  	s24 =	rddreg [dreg:$0x4];
	[sflag:s28] =	ssyncadd.s32 $0xFFFFD8F0  }
0x20: {  	[tilespmem:s15], [sflag:$0x3] =	stream.linear.gather [hbm4b:s24+s13], $0x2710, $0x38;
	[tilespmem:$0x1D560] =	vst v63  }
0x21: {  	_ =	swait.ge [sflag:s28], $0x2710  }
0x22: {  	[sflag:s28] =	ssyncset.done $0x0  }
0x23: {  	s13 =	simm.s32 $0x0;
	[sflag:s28] =	ssyncadd.s32 $0xFFFFD8F0  }
0x24: {  	s14 =	simm.s32 $0x220;
	[tilespmem:s13+$0x6C90] =	vst v0  }
.LBB2_2:
0x25: {  	p0 =	sne.s32 s14, $0x52E0;
	[tilespmem:s13+$0x6C98] =	vst v0  }
0x26: {  	[tilespmem:s13+$0x6C20] =	vst v0  }
0x27: {  	[tilespmem:s13+$0x6C30] =	vst v0  }
0x28: {  	[tilespmem:s13+$0x6C40] =	vst v0  }
.Ltmp0:
0x29: {  	[tilespmem:s13+$0x6C50] =	vst v0;
	(pc) =	sbr.rel @p0 .LBB2_2-.Ltmp0, $4  }
0x2a: {  	[tilespmem:s13+$0x6C60] =	vst v0  }
0x2b: {  	[tilespmem:s13+$0x6C70] =	vst v0  }
0x2c: {  	[tilespmem:s13+$0x6C80] =	vst v0;
	s13 =	sshra.s32 s14, $0x2  }
0x2d: {  	s14 =	sadd.s32 $0x220, s14;
	[tilespmem:s13+$0x6C90] =	vst v0  }
0x2e: {  	[tilespmem:s13+$0x6C98] =	vst v0  }
0x2f: {  	[tilespmem:s13+$0x6C20] =	vst v0  }
0x30: {  	[tilespmem:s13+$0x6C30] =	vst v0  }
0x31: {  	[tilespmem:s13+$0x6C40] =	vst v0  }
0x32: {  	[tilespmem:s13+$0x6C50] =	vst v0  }
0x33: {  	[tilespmem:s13+$0x6C60] =	vst v0  }
0x34: {  	[tilespmem:s13+$0x6C70] =	vst v0  }
0x35: {  	[tilespmem:s13+$0x6C80] =	vst v0  }
0x36: {  	[spmem:s9] =	stream.linear.scatter [tilespmem:s30], [sflag:$0x3], $0x1540, $0x38;
	[tilespmem:$0x1D560] =	vst v63  }
0x37: {  	_ =	swait.ge [sflag:s28], $0x1540  }
0x38: {  	[sflag:s28] =	ssyncset.done $0x0  }
0x39: {  	s20 =	rddreg [dreg:$0x5];
	[sflag:s28] =	ssyncadd.s32 $0xFFFFEAC0  }
0x3a: {  	[spmem:s20] =	stream.linear.scatter [tilespmem:s30], [sflag:$0x3], $0x1540, $0x38;
	[tilespmem:$0x1D560] =	vst v63  }
0x3b: {  	_ =	swait.ge [sflag:s28], $0x1540  }
0x3c: {  	[sflag:s28] =	ssyncset.done $0x0  }
0x3d: {  	s21 =	rddreg [dreg:$0x6];
	[sflag:s28] =	ssyncadd.s32 $0xFFFFEAC0  }
0x3e: {  	[spmem:s21] =	stream.linear.scatter [tilespmem:s30], [sflag:$0x3], $0x1540, $0x38;
	[tilespmem:$0x1D560] =	vst v63  }
0x3f: {  	_ =	swait.ge [sflag:s28], $0x1540  }
0x40: {  	[sflag:s28] =	ssyncset.done $0x0  }
0x41: {  	s22 =	rddreg [dreg:$0x7];
	[sflag:s28] =	ssyncadd.s32 $0xFFFFEAC0  }
0x42: {  	[spmem:s22] =	stream.linear.scatter [tilespmem:s30], [sflag:$0x3], $0x1540, $0x38;
	[tilespmem:$0x1D560] =	vst v63  }
0x43: {  	_ =	swait.ge [sflag:s28], $0x1540  }
0x44: {  	[sflag:s28] =	ssyncset.done $0x0  }
0x45: {  	s23 =	rddreg [dreg:$0x8];
	[sflag:s28] =	ssyncadd.s32 $0xFFFFEAC0  }
0x46: {  	[spmem:s23] =	stream.linear.scatter [tilespmem:s30], [sflag:$0x3], $0x1540, $0x38;
	[tilespmem:$0x1D560] =	vst v63  }
0x47: {  	_ =	swait.ge [sflag:s28], $0x1540  }
0x48: {  	[sflag:s28] =	ssyncset.done $0x0  }
0x49: {  	s24 =	rddreg [dreg:$0x9];
	[sflag:s28] =	ssyncadd.s32 $0xFFFFEAC0  }
0x4a: {  	[spmem:s24] =	stream.linear.scatter [tilespmem:s30], [sflag:$0x3], $0x1540, $0x38;
	[tilespmem:$0x1D560] =	vst v63  }
0x4b: {  	_ =	swait.ge [sflag:s28], $0x1540  }
0x4c: {  	[sflag:s28] =	ssyncset.done $0x0  }
0x4d: {  	s14 =	rddreg [dreg:$0xa];
	[sflag:s28] =	ssyncadd.s32 $0xFFFFEAC0  }
0x4e: {  	[spmem:s14] =	stream.linear.scatter [tilespmem:s30], [sflag:$0x3], $0x1540, $0x38;
	[tilespmem:$0x1D560] =	vst v63  }
0x4f: {  	_ =	swait.ge [sflag:s28], $0x1540  }
0x50: {  	[sflag:s28] =	ssyncset.done $0x0  }
0x51: {  	s16 =	rddreg [dreg:$0xb];
	[sflag:s28] =	ssyncadd.s32 $0xFFFFEAC0  }
0x52: {  	[spmem:s16] =	stream.linear.scatter [tilespmem:s30], [sflag:$0x3], $0x1540, $0x38;
	[tilespmem:$0x1D560] =	vst v63  }
0x53: {  	_ =	swait.ge [sflag:s28], $0x1540  }
0x54: {  	[sflag:s28] =	ssyncset.done $0x0  }
0x55: {  	s17 =	rddreg [dreg:$0xc];
	[sflag:s28] =	ssyncadd.s32 $0xFFFFEAC0  }
0x56: {  	[spmem:s17] =	stream.linear.scatter [tilespmem:s30], [sflag:$0x3], $0x1540, $0x38;
	[tilespmem:$0x1D560] =	vst v63  }
0x57: {  	_ =	swait.ge [sflag:s28], $0x1540  }
0x58: {  	[sflag:s28] =	ssyncset.done $0x0  }
0x59: {  	s18 =	rddreg [dreg:$0xd];
	[sflag:s28] =	ssyncadd.s32 $0xFFFFEAC0  }
0x5a: {  	[spmem:s18] =	stream.linear.scatter [tilespmem:s30], [sflag:$0x3], $0x1540, $0x38;
	[tilespmem:$0x1D560] =	vst v63  }
0x5b: {  	_ =	swait.ge [sflag:s28], $0x1540  }
0x5c: {  	[sflag:s28] =	ssyncset.done $0x0  }
0x5d: {  	s19 =	rddreg [dreg:$0xe];
	[sflag:s28] =	ssyncadd.s32 $0xFFFFEAC0  }
0x5e: {  	[spmem:s19] =	stream.linear.scatter [tilespmem:s30], [sflag:$0x3], $0x1540, $0x38;
	[tilespmem:$0x1D560] =	vst v63  }
0x5f: {  	_ =	swait.ge [sflag:s28], $0x1540  }
0x60: {  	[sflag:s28] =	ssyncset.done $0x0  }
0x61: {  	s20 =	rddreg [dreg:$0xf];
	[sflag:s28] =	ssyncadd.s32 $0xFFFFEAC0  }
0x62: {  	[spmem:s20] =	stream.linear.scatter [tilespmem:s30], [sflag:$0x3], $0x1540, $0x38;
	[tilespmem:$0x1D560] =	vst v63  }
0x63: {  	_ =	swait.ge [sflag:s28], $0x1540  }
0x64: {  	[sflag:s28] =	ssyncset.done $0x0  }
0x65: {  	s21 =	rddreg [dreg:$0x10];
	[sflag:s28] =	ssyncadd.s32 $0xFFFFEAC0  }
0x66: {  	[spmem:s21] =	stream.linear.scatter [tilespmem:s30], [sflag:$0x3], $0x1540, $0x38;
	[tilespmem:$0x1D560] =	vst v63  }
0x67: {  	_ =	swait.ge [sflag:s28], $0x1540  }
0x68: {  	[sflag:s28] =	ssyncset.done $0x0  }
0x69: {  	s22 =	rddreg [dreg:$0x11];
	[sflag:s28] =	ssyncadd.s32 $0xFFFFEAC0  }
0x6a: {  	[spmem:s22] =	stream.linear.scatter [tilespmem:s30], [sflag:$0x3], $0x1540, $0x38;
	[tilespmem:$0x1D560] =	vst v63  }
0x6b: {  	_ =	swait.ge [sflag:s28], $0x1540  }
0x6c: {  	[sflag:s28] =	ssyncset.done $0x0  }
0x6d: {  	s23 =	rddreg [dreg:$0x12];
	[sflag:s28] =	ssyncadd.s32 $0xFFFFEAC0  }
0x6e: {  	[spmem:s23] =	stream.linear.scatter [tilespmem:s30], [sflag:$0x3], $0x1540, $0x38;
	[tilespmem:$0x1D560] =	vst v63  }
0x6f: {  	_ =	swait.ge [sflag:s28], $0x1540  }
0x70: {  	[sflag:s28] =	ssyncset.done $0x0  }
0x71: {  	s24 =	rddreg [dreg:$0x13];
	[sflag:s28] =	ssyncadd.s32 $0xFFFFEAC0  }
0x72: {  	[spmem:s24] =	stream.linear.scatter [tilespmem:s30], [sflag:$0x3], $0x1540, $0x38;
	[tilespmem:$0x1D560] =	vst v63  }
0x73: {  	_ =	swait.ge [sflag:s28], $0x1540  }
0x74: {  	[sflag:s28] =	ssyncset.done $0x0  }
0x75: {  	[sflag:s28] =	ssyncadd.s32 $0xFFFFEAC0  }
0x76: {  	s13 =	simm.s32 $0x0;
	[bflag:$0x0] =	sbarrier.arrive $0xFFFF  }
0x77: {  	[tilespmem:s0], [sflag:$0x1] =	stream.indirect.gather [hbm4b:s4+s31], $0x10, s13, s31, $0xb8;
	[tilespmem:$0x1D560] =	vst v63  }
0x78: {  	_ = 	snop  }
0x79: {  	[tilespmem:s1], [sflag:$0x1] =	stream.indirect.gather [hbm4b:s5+s31], $0x10, s15, s31, $0xb8;
	[tilespmem:$0x1D560] =	vst v63  }
0x7a: {  	_ = 	snop  }
0x7b: {  	[tilespmem:s29], [sflag:$0x1] =	stream.indirect.gather [hbm4b:s6+s31], $0x40, s13, s31, $0xb8;
	[tilespmem:$0x1D560] =	vst v63  }
.LBB2_4:
0x7c: {  	s15 =	smul.u32 $0x50, s13;
	_ =	sdelay $0x1  }
0x7d: {  	s16 =	sadd.s32 $0x28, s15  }
0x7e: {  	[tilespmem:s3], [sflag:$0x2] =	stream.indirect.gather [hbm4b:s4+s31], $0x10, s16, s31, $0xb8;
	[tilespmem:$0x1D560] =	vst v63  }
0x7f: {  	s14 =	sadd.s32 $0x2738, s15  }
0x80: {  	[tilespmem:s7], [sflag:$0x2] =	stream.indirect.gather [hbm4b:s5+s31], $0x10, s14, s31, $0xb8;
	[tilespmem:$0x1D560] =	vst v63  }
0x81: {  	_ = 	snop  }
0x82: {  	[tilespmem:s8], [sflag:$0x2] =	stream.indirect.gather [hbm4b:s6+s31], $0x40, s16, s31, $0xb8;
	[tilespmem:$0x1D560] =	vst v63  }
0x83: {  	_ =	swait.ge [sflag:s10], $0x280  }
0x84: {  	[sflag:s10] =	ssyncset.done $0x0  }
0x85: {  	[sflag:s10] =	ssyncadd.s32 $0xFFFFFD80  }
0x86: {  	_ =	swait.ge [sflag:s10], $0x280  }
0x87: {  	[sflag:s10] =	ssyncset.done $0x0  }
0x88: {  	[sflag:s10] =	ssyncadd.s32 $0xFFFFFD80  }
0x89: {  	_ =	swait.ge [sflag:s10], $0xA00  }
0x8a: {  	[sflag:s10] =	ssyncset.done $0x0  }
0x8b: {  	s23 =	simm.s32 $0x4E40;
	[sflag:s10] =	ssyncadd.s32 $0xFFFFF600  }
0x8c: {  	s17 =	simm.s32 $0x50C0;
	v9 =	vld [tilespmem:s23+$0xFFFFFFF0]  }
0x8d: {  	v10 =	vld [tilespmem:s17+$0xFFFFFFF0];
	_ =	sdelay $0x2  }
0x8e: {  	v11 =	vld [tilespmem:s23+$0xFFFFFFE0]  }
0x8f: {  	v13 =	vld [tilespmem:s17+$0xFFFFFFE0]  }
0x90: {  	v12 =	vld [tilespmem:s17+$0x10];
	v9 =	vadd.f32 v10, v9  }
0x91: {  	v10 =	vld [tilespmem:s23+$0x10]  }
0x92: {  	v14 =	vmul.f32 $2.000000030e-01, v9  }
0x93: {  	vm0 =	vge.f32 v9, $0.0e+00  }
0x94: {  	v15 =	vld [tilespmem:s23+$0x0];
	v11 =	vadd.f32 v13, v11;
	v9 =	vsel vm0, v9, v14  }
0x95: {  	v13 =	vld [tilespmem:s17+$0x0];
	v9 =	vmul.f32 $1.442695020e+00, v9  }
0x96: {  	v10 =	vadd.f32 v12, v10;
	v12 =	vmul.f32 $2.000000030e-01, v11  }
0x97: {  	vm6 =	vge.f32 v11, $0.0e+00;
	(erf) = vpow2.f32 v9  }
0x98: {  	v9 =	vmul.f32 $2.000000030e-01, v10;
	v11 =	vsel vm6, v11, v12  }
0x99: {  	vm7 =	vge.f32 v10, $0.0e+00;
	v11 =	vmul.f32 $1.442695020e+00, v11  }
0x9a: {  	s24 =	simm.s32 $0x4E80;
	v9 =	vsel vm7, v10, v9;
	v10 =	vadd.f32 v13, v15  }
0x9b: {  	s18 =	simm.s32 $0x5100;
	v23 =	vld [tilespmem:s24+$0xFFFFFFF0];
	(erf) = vpow2.f32 v11  }
0x9c: {  	v27 =	vld [tilespmem:s18+$0xFFFFFFF0];
	v9 =	vmul.f32 $1.442695020e+00, v9;
	v11 =	vmul.f32 $2.000000030e-01, v10  }
0x9d: {  	vm8 =	vge.f32 v10, $0.0e+00  }
0x9e: {  	(erf) = vpow2.f32 v9;
	v9 =	vsel vm8, v10, v11  }
0x9f: {  	v9 =	vmul.f32 $1.442695020e+00, v9  }
0xa0: {  	s17 =	simm.s32 $0x6D30;
	v19 =	vpop (erf)  }
0xa1: {  	s19 =	simm.s32 $0x53A0;
	v23 =	vadd.f32 v27, v23;
	(erf) = vpow2.f32 v9;
	[tilespmem:s17+$0xFFFFFF78] =	vst v19  }
0xa2: {  	v9 =	vld [tilespmem:s19+$0xFFFFFFC0]  }
0xa3: {  	v40 =	vmul.f32 $2.000000030e-01, v23;
	v10 =	vperm.xlane v19, v2  }
0xa4: {  	v12 =	vperm.xlane v19, v1;
	v25 =	vperm.xlane v19, v3;
	v14 =	vpop (erf)  }
0xa5: {  	v28 =	vperm.xlane v19, v4;
	v29 =	vperm.xlane v19, v5;
	[tilespmem:s17+$0xFFFFFEF0] =	vst v14  }
0xa6: {  	v20 =	vperm.xlane v14, v1;
	v32 =	vperm.xlane v14, v4;
	v11 =	vld [tilespmem:s19+$0xFFFFFF80]  }
0xa7: {  	v34 =	vperm.xlane v14, v5;
	v35 =	vperm.xlane v14, v6;
	v17 =	vpop (erf);
	v13 =	vunpack.i.u.bf16.f32 v9  }
0xa8: {  	v30 =	vld [tilespmem:s18+$0xFFFFFFE0];
	v60 =	vperm.xlane v14, v8;
	[tilespmem:s17+$0x88] =	vst v17;
	v10 =	vmul.f32 v10, v13  }
0xa9: {  	v15 =	vperm.xlane v17, v6;
	v16 =	vld [tilespmem:s19+$0x40];
	v9 =	vunpack.i.l.bf16.f32 v9;
	v13 =	vperm.xlane v14, v2  }
0xaa: {  	v31 =	vld [tilespmem:s24+$0x0];
	v9 =	vmul.f32 v12, v9;
	v12 =	vperm.xlane v17, v2;
	v18 =	vpop (erf);
	[tilespmem:s17+$0xFFFFFF90] =	vst v10  }
0xab: {  	v10 =	vld [tilespmem:s24+$0xFFFFFFE0];
	v21 =	vperm.xlane v18, v1;
	v22 =	vunpack.i.l.bf16.f32 v11;
	v11 =	vunpack.i.u.bf16.f32 v11;
	[tilespmem:s17+$0x0] =	vst v18  }
0xac: {  	[tilespmem:s17+$0xFFFFFF80] =	vst v9;
	v20 =	vmul.f32 v20, v22;
	v11 =	vmul.f32 v13, v11;
	v13 =	vld [tilespmem:s19+$0x0]  }
0xad: {  	v9 =	vperm.xlane v17, v1;
	v26 =	vperm.xlane v18, v2;
	v24 =	vld [tilespmem:s19+$0xFFFFFFD0]  }
0xae: {  	v37 =	vld [tilespmem:s24+$0x10];
	v36 =	vperm.xlane v18, v4;
	v22 =	vunpack.i.u.bf16.f32 v16;
	v16 =	vunpack.i.l.bf16.f32 v16;
	[tilespmem:s17+$0xFFFFFEF8] =	vst v20  }
0xaf: {  	v9 =	vmul.f32 v9, v16;
	v12 =	vmul.f32 v12, v22;
	v22 =	vld [tilespmem:s18+$0x10];
	[tilespmem:s17+$0xFFFFFF08] =	vst v11  }
0xb0: {  	vm9 =	vge.f32 v23, $0.0e+00;
	v20 =	vperm.xlane v14, v3;
	v16 =	vperm.xlane v18, v8;
	v33 =	vld [tilespmem:s19+$0xFFFFFF90]  }
0xb1: {  	v38 =	vld [tilespmem:s18+$0x0];
	v11 =	vperm.xlane v19, v6;
	v10 =	vadd.f32 v30, v10;
	v39 =	vunpack.i.u.bf16.f32 v13  }
0xb2: {  	v27 =	vunpack.i.l.bf16.f32 v24;
	v13 =	vunpack.i.l.bf16.f32 v13;
	v26 =	vmul.f32 v26, v39  }
0xb3: {  	v25 =	vmul.f32 v25, v27;
	v13 =	vmul.f32 v21, v13;
	v21 =	vsel vm9, v23, v40  }
0xb4: {  	v23 =	vmul.f32 $2.000000030e-01, v10;
	v21 =	vmul.f32 $1.442695020e+00, v21  }
0xb5: {  	vm10 =	vge.f32 v10, $0.0e+00;
	v22 =	vadd.f32 v22, v37;
	[tilespmem:s17+$0x18] =	vst v26;
	v26 =	vunpack.i.l.bf16.f32 v33  }
0xb6: {  	[tilespmem:s17+$0x8] =	vst v13;
	v13 =	vadd.f32 v38, v31;
	v10 =	vsel vm10, v10, v23;
	(erf) = vpow2.f32 v21  }
0xb7: {  	v23 =	vunpack.i.u.bf16.f32 v24;
	v21 =	vld [tilespmem:s19+$0x10];
	v24 =	vmul.f32 $2.000000030e-01, v22;
	v10 =	vmul.f32 $1.442695020e+00, v10  }
0xb8: {  	[tilespmem:s17+$0xA0] =	vst v12;
	vm1 =	vge.f32 v22, $0.0e+00;
	v12 =	vmul.f32 v28, v23;
	v20 =	vmul.f32 v20, v26  }
0xb9: {  	[tilespmem:s17+$0x90] =	vst v9;
	v9 =	vmul.f32 $2.000000030e-01, v13;
	vm11 =	vge.f32 v13, $0.0e+00;
	v22 =	vsel vm1, v22, v24  }
0xba: {  	[tilespmem:s17+$0xFFFFFFA0] =	vst v25;
	(erf) = vpow2.f32 v10;
	v10 =	vunpack.i.u.bf16.f32 v33;
	v22 =	vmul.f32 $1.442695020e+00, v22  }
0xbb: {  	v23 =	vperm.xlane v18, v3;
	[tilespmem:s17+$0xFFFFFFB0] =	vst v12;
	v12 =	vld [tilespmem:s19+$0x50];
	v9 =	vsel vm11, v13, v9;
	v10 =	vmul.f32 v32, v10  }
0xbc: {  	v24 =	vld [tilespmem:s19+$0xFFFFFFE0];
	v9 =	vmul.f32 $1.442695020e+00, v9;
	v13 =	vunpack.i.u.bf16.f32 v21;
	(erf) = vpow2.f32 v22  }
0xbd: {  	[tilespmem:s17+$0xFFFFFF18] =	vst v20;
	v22 =	vperm.xlane v18, v5;
	v20 =	vunpack.i.l.bf16.f32 v21;
	v21 =	vperm.xlane v17, v4  }
0xbe: {  	s20 =	simm.s32 $0x4EC0;
	[tilespmem:s17+$0xFFFFFF28] =	vst v10;
	v13 =	vmul.f32 v36, v13;
	v10 =	vmul.f32 v23, v20  }
0xbf: {  	s21 =	simm.s32 $0x5140;
	v41 =	vld [tilespmem:s20+$0xFFFFFFF0];
	(erf) = vpow2.f32 v9;
	v23 =	vperm.xlane v18, v6  }
0xc0: {  	v43 =	vld [tilespmem:s21+$0xFFFFFFF0];
	v18 =	vperm.xlane v18, v7;
	v25 =	vunpack.i.l.bf16.f32 v12;
	v12 =	vunpack.i.u.bf16.f32 v12;
	[tilespmem:s17+$0x38] =	vst v13  }
0xc1: {  	v20 =	vld [tilespmem:s19+$0xFFFFFFA0];
	v13 =	vperm.xlane v17, v3;
	[tilespmem:s17+$0x28] =	vst v10;
	v10 =	vunpack.i.l.bf16.f32 v24;
	v21 =	vmul.f32 v21, v12  }
0xc2: {  	v12 =	vunpack.i.u.bf16.f32 v24;
	v24 =	vperm.xlane v14, v7;
	v27 =	vmul.f32 v29, v10  }
0xc3: {  	v9 =	vpop (erf);
	v30 =	vmul.f32 v11, v12;
	v25 =	vmul.f32 v13, v25  }
0xc4: {  	v62 =	vld [tilespmem:s20+$0x0];
	v29 =	vperm.xlane v9, v1;
	v49 =	vperm.xlane v9, v2  }
0xc5: {  	v63 =	vld [tilespmem:s21+$0x0];
	v41 =	vadd.f32 v43, v41;
	v59 =	vperm.xlane v9, v3;
	v45 =	vperm.xlane v9, v4  }
0xc6: {  	v26 =	vld [tilespmem:s19+$0x20];
	v47 =	vperm.xlane v9, v5;
	v48 =	vperm.xlane v9, v6;
	v10 =	vunpack.i.u.bf16.f32 v20  }
0xc7: {  	s16 =	simm.s32 $0x6F50;
	v11 =	vunpack.i.l.bf16.f32 v20;
	v20 =	vperm.xlane v19, v7;
	v19 =	vperm.xlane v19, v8  }
0xc8: {  	[tilespmem:s16+$0xFFFFFF78] =	vst v9;
	v13 =	vpop (erf);
	v31 =	vmul.f32 v35, v10;
	v50 =	vmul.f32 v34, v11  }
0xc9: {  	s18 =	simm.s32 $0x54A0;
	[tilespmem:s17+$0xB0] =	vst v25;
	v25 =	vmul.f32 $2.000000030e-01, v41;
	v51 =	vperm.xlane v13, v2  }
0xca: {  	v62 =	vadd.f32 v63, v62;
	v28 =	vld [tilespmem:s18+$0xFFFFFFC0];
	[tilespmem:s16+$0xFFFFFEF0] =	vst v13;
	v55 =	vperm.xlane v13, v1;
	v35 =	vperm.xlane v13, v3  }
0xcb: {  	v32 =	vperm.xlane v13, v4;
	v10 =	vpop (erf);
	v54 =	vunpack.i.u.bf16.f32 v26;
	[tilespmem:s17+$0xFFFFFF38] =	vst v50;
	v50 =	vperm.xlane v13, v5  }
0xcc: {  	v52 =	vld [tilespmem:s18+$0xFFFFFF80];
	v26 =	vunpack.i.l.bf16.f32 v26;
	v53 =	vperm.xlane v10, v2;
	v12 =	vperm.xlane v10, v6  }
0xcd: {  	vm12 =	vge.f32 v41, $0.0e+00;
	[tilespmem:s17+$0xC0] =	vst v21;
	v33 =	vmul.f32 v23, v54;
	v40 =	vmul.f32 v22, v26  }
0xce: {  	[tilespmem:s17+$0xFFFFFF48] =	vst v31;
	v25 =	vsel vm12, v41, v25;
	v11 =	vpop (erf);
	v22 =	vperm.xlane v17, v7;
	v34 =	vperm.xlane v10, v4  }
0xcf: {  	[tilespmem:s16+$0x88] =	vst v10;
	v31 =	vld [tilespmem:s19+$0xFFFFFFB0];
	v25 =	vmul.f32 $1.442695020e+00, v25;
	v23 =	vunpack.i.l.bf16.f32 v28;
	v37 =	vperm.xlane v11, v1  }
0xd0: {  	[tilespmem:s17+$0xFFFFFFD0] =	vst v30;
	v56 =	vld [tilespmem:s18+$0x40];
	v28 =	vunpack.i.u.bf16.f32 v28;
	v42 =	vperm.xlane v11, v2;
	v26 =	vmul.f32 v29, v23  }
0xd1: {  	v44 =	vld [tilespmem:s20+$0xFFFFFFE0];
	[tilespmem:s16+$0x0] =	vst v11;
	v28 =	vmul.f32 v49, v28;
	v29 =	vperm.xlane v10, v1;
	v23 =	vunpack.i.l.bf16.f32 v52  }
0xd2: {  	[tilespmem:s17+$0xFFFFFFC0] =	vst v27;
	v61 =	vld [tilespmem:s18+$0x0];
	(erf) = vpow2.f32 v25;
	v14 =	vunpack.i.u.bf16.f32 v52;
	v57 =	vmul.f32 v55, v23  }
0xd3: {  	v46 =	vld [tilespmem:s21+$0x10];
	vm14 =	vge.f32 v62, $0.0e+00;
	[tilespmem:s16+$0xFFFFFF90] =	vst v28;
	v23 =	vperm.xlane v17, v8;
	v21 =	vmul.f32 v51, v14  }
0xd4: {  	[tilespmem:s16+$0xFFFFFF80] =	vst v26;
	v52 =	vld [tilespmem:s19+$0x60];
	v26 =	vunpack.i.l.bf16.f32 v31;
	v14 =	vperm.xlane v11, v8;
	v17 =	vperm.xlane v17, v5  }
0xd5: {  	[tilespmem:s17+$0x58] =	vst v33;
	v36 =	vld [tilespmem:s18+$0xFFFFFFD0];
	v51 =	vperm.xlane v13, v6;
	v31 =	vunpack.i.u.bf16.f32 v31;
	v58 =	vunpack.i.u.bf16.f32 v56  }
0xd6: {  	[tilespmem:s17+$0x48] =	vst v40;
	v28 =	vunpack.i.l.bf16.f32 v56;
	v24 =	vmul.f32 v24, v26;
	v26 =	vld [tilespmem:s21+$0xFFFFFFE0];
	v31 =	vmul.f32 v60, v31  }
0xd7: {  	v56 =	vld [tilespmem:s19+$0x30];
	v28 =	vmul.f32 v29, v28;
	v29 =	vmul.f32 v53, v58;
	[tilespmem:s16+$0xFFFFFEF8] =	vst v57;
	v54 =	vunpack.i.u.bf16.f32 v61  }
0xd8: {  	[tilespmem:s16+$0xFFFFFF08] =	vst v21;
	v53 =	vperm.xlane v11, v4;
	v57 =	vld [tilespmem:s20+$0x10];
	v58 =	vunpack.i.l.bf16.f32 v61;
	v42 =	vmul.f32 v42, v54  }
0xd9: {  	v49 =	vld [tilespmem:s18+$0xFFFFFF90];
	v33 =	vmul.f32 v37, v58;
	v58 =	vperm.xlane v11, v6;
	[tilespmem:s16+$0x90] =	vst v28;
	v28 =	vunpack.i.l.bf16.f32 v52  }
0xda: {  	[tilespmem:s17+$0xFFFFFF58] =	vst v24;
	v63 =	vunpack.i.u.bf16.f32 v52;
	v21 =	vunpack.i.l.bf16.f32 v36;
	v17 =	vmul.f32 v17, v28  }
0xdb: {  	[tilespmem:s16+$0xA0] =	vst v29;
	v29 =	vld [tilespmem:s19+$0xFFFFFFF0];
	v15 =	vmul.f32 v15, v63;
	v30 =	vadd.f32 v26, v44;
	v26 =	vperm.xlane v11, v5  }
0xdc: {  	[tilespmem:s16+$0x18] =	vst v42;
	v24 =	vunpack.i.u.bf16.f32 v36;
	v21 =	vmul.f32 v59, v21;
	v59 =	vperm.xlane v11, v3  }
0xdd: {  	[tilespmem:s16+$0x8] =	vst v33;
	v54 =	vadd.f32 v46, v57;
	v57 =	vunpack.i.u.bf16.f32 v56;
	vm13 =	vge.f32 v30, $0.0e+00  }
0xde: {  	v60 =	vunpack.i.l.bf16.f32 v49;
	v61 =	vmul.f32 $2.000000030e-01, v30;
	[tilespmem:s16+$0xFFFFFFA0] =	vst v21;
	v21 =	vmul.f32 v45, v24  }
0xdf: {  	[tilespmem:s17+$0xD0] =	vst v17;
	v17 =	vunpack.i.u.bf16.f32 v49;
	v16 =	vmul.f32 v16, v57;
	v55 =	vmul.f32 $2.000000030e-01, v54  }
0xe0: {  	v27 =	vld [tilespmem:s18+$0x10];
	[tilespmem:s17+$0xE0] =	vst v15;
	vm15 =	vge.f32 v54, $0.0e+00;
	v17 =	vmul.f32 v32, v17;
	v15 =	vunpack.i.u.bf16.f32 v29  }
0xe1: {  	[tilespmem:s17+$0xFFFFFF68] =	vst v31;
	v31 =	vld [tilespmem:s18+$0x50];
	v29 =	vunpack.i.l.bf16.f32 v29;
	v25 =	vsel vm13, v30, v61;
	v30 =	vmul.f32 $2.000000030e-01, v62  }
0xe2: {  	v20 =	vmul.f32 v20, v29;
	v25 =	vmul.f32 $1.442695020e+00, v25;
	v28 =	vsel vm15, v54, v55  }
0xe3: {  	[tilespmem:s16+$0xFFFFFFB0] =	vst v21;
	v24 =	vsel vm14, v62, v30;
	v30 =	vmul.f32 v35, v60;
	v21 =	vmul.f32 $1.442695020e+00, v28  }
0xe4: {  	[tilespmem:s17+$0x78] =	vst v16;
	v60 =	vmul.f32 v19, v15;
	(erf) = vpow2.f32 v25  }
0xe5: {  	[tilespmem:s16+$0xFFFFFF28] =	vst v17;
	v16 =	vpop (erf);
	v25 =	vunpack.i.l.bf16.f32 v27;
	v27 =	vunpack.i.u.bf16.f32 v27;
	v17 =	vmul.f32 $1.442695020e+00, v24  }
0xe6: {  	v28 =	vld [tilespmem:s18+$0xFFFFFFE0];
	v24 =	vunpack.i.l.bf16.f32 v31;
	v33 =	vperm.xlane v16, v1;
	v25 =	vmul.f32 v59, v25;
	[tilespmem:s16+$0xFFFFFF18] =	vst v30  }
0xe7: {  	v27 =	vmul.f32 v53, v27;
	v30 =	vunpack.i.l.bf16.f32 v56;
	(erf) = vpow2.f32 v21;
	v59 =	vld [tilespmem:s18+$0xFFFFFFA0]  }
0xe8: {  	v21 =	vperm.xlane v10, v3;
	(erf) = vpow2.f32 v17;
	v17 =	vunpack.i.u.bf16.f32 v31;
	v31 =	vld [tilespmem:s19+$0x70]  }
0xe9: {  	v35 =	vperm.xlane v16, v2;
	v15 =	vmul.f32 v18, v30;
	[tilespmem:s16+$0x38] =	vst v27  }
0xea: {  	v21 =	vmul.f32 v21, v24;
	[tilespmem:s16+$0x28] =	vst v25;
	v17 =	vmul.f32 v34, v17  }
0xeb: {  	[tilespmem:s17+$0xFFFFFFE0] =	vst v20;
	s19 =	simm.s32 $0x7170;
	v25 =	vperm.xlane v13, v7;
	v18 =	vunpack.i.l.bf16.f32 v28;
	v19 =	vunpack.i.u.bf16.f32 v28;
	v28 =	vld [tilespmem:s18+$0x20]  }
0xec: {  	s21 =	simm.s32 $0x55A0;
	[tilespmem:s19+$0xFFFFFF78] =	vst v16;
	v24 =	vmul.f32 v47, v18;
	v27 =	vmul.f32 v48, v19  }
0xed: {  	v61 =	vld [tilespmem:s21+$0xFFFFFFC0];
	[tilespmem:s16+$0xC0] =	vst v17;
	v18 =	vunpack.i.u.bf16.f32 v59;
	v17 =	vunpack.i.l.bf16.f32 v59;
	v20 =	vunpack.i.l.bf16.f32 v31  }
0xee: {  	[tilespmem:s17+$0x68] =	vst v15;
	v34 =	vmul.f32 v51, v18;
	v15 =	vmul.f32 v50, v17;
	v17 =	vunpack.i.u.bf16.f32 v31;
	v19 =	vpop (erf)  }
0xef: {  	v62 =	vmul.f32 v22, v20;
	v32 =	vmul.f32 v23, v17;
	[tilespmem:s19+$0xFFFFFEF0] =	vst v19  }
0xf0: {  	v23 =	vunpack.i.u.bf16.f32 v28;
	v30 =	vperm.xlane v19, v2;
	v18 =	vpop (erf);
	[tilespmem:s16+$0xFFFFFF38] =	vst v15;
	v36 =	vperm.xlane v19, v1;
	v31 =	vld [tilespmem:s21+$0xFFFFFF80]  }
0xf1: {  	v63 =	vunpack.i.l.bf16.f32 v28;
	v15 =	vperm.xlane v9, v7;
	v37 =	vmul.f32 v58, v23;
	[tilespmem:s19+$0x88] =	vst v18  }
0xf2: {  	s22 =	simm.s32 $0x8;
	[tilespmem:s17+$0xFFFFFFF0] =	vst v60;
	v22 =	vunpack.i.u.bf16.f32 v61;
	v26 =	vmul.f32 v26, v63;
	v29 =	vperm.xlane v18, v2;
	v20 =	vpop (erf);
	v23 =	vld [tilespmem:s21+$0x40]  }
0xf3: {  	s23 =	simm.s32 $0x5180;
	s24 =	simm.s32 $0x4F00;
	s20 =	simm.s32 $0x55A0;
	v38 =	vunpack.i.l.bf16.f32 v61;
	[tilespmem:s17+$0xF0] =	vst v62;
	v17 =	vperm.xlane v18, v6;
	v28 =	vperm.xlane v20, v1  }
.LBB2_5:
0xf4: {  	s22 =	sadd.s32 $0x4, s22;
	v33 =	vmul.f32 v33, v38;
	v35 =	vmul.f32 v35, v22;
	[tilespmem:s16+$0xFFFFFF48] =	vst v34  }
0xf5: {  	v38 =	vperm.xlane v18, v1;
	v22 =	vperm.xlane v10, v7;
	p0 =	slt.u32 s22, $0x24;
	v34 =	vunpack.i.l.bf16.f32 v31;
	v39 =	vld [tilespmem:s18+$0xFFFFFFB0];
	[tilespmem:s16+$0xFFFFFFD0] =	vst v27  }
0xf6: {  	v27 =	vperm.xlane v9, v8;
	v9 =	vmov v16;
	v34 =	vmul.f32 v36, v34;
	[tilespmem:s19+$0xFFFFFF90] =	vst v35  }
0xf7: {  	v16 =	vld [tilespmem:s24+$0xFFFFFFE0];
	v35 =	vunpack.i.u.bf16.f32 v23;
	v36 =	vunpack.i.l.bf16.f32 v23;
	[tilespmem:s16+$0x58] =	vst v37;
	v23 =	vperm.xlane v10, v8  }
0xf8: {  	v40 =	vperm.xlane v20, v2;
	v37 =	vld [tilespmem:s24+$0xFFFFFFF0];
	[tilespmem:s19+$0xFFFFFF80] =	vst v33;
	v33 =	vperm.xlane v9, v3  }
0xf9: {  	v36 =	vmul.f32 v38, v36;
	v35 =	vmul.f32 v29, v35;
	v41 =	vld [tilespmem:s21+$0xFFFFFFD0];
	[tilespmem:s16+$0x48] =	vst v26  }
0xfa: {  	v38 =	vld [tilespmem:s23+$0x10];
	v42 =	vunpack.i.u.bf16.f32 v39;
	v26 =	vunpack.i.l.bf16.f32 v39;
	v39 =	vperm.xlane v13, v8;
	[tilespmem:s17+$0x100] =	vst v32;
	v13 =	vmovc v19;
	s17 =	smov.u32 s16;
	s16 =	smov.u32 s19  }
0xfb: {  	v32 =	vperm.xlane v9, v4;
	v19 =	vld [tilespmem:s23+$0xFFFFFFF0];
	[tilespmem:s19+$0xFFFFFEF8] =	vst v34;
	v25 =	vmul.f32 v25, v26  }
0xfc: {  	v29 =	vperm.xlane v9, v5;
	v26 =	vunpack.i.u.bf16.f32 v31;
	v31 =	vperm.xlane v13, v3;
	v34 =	vld [tilespmem:s24+$0x0];
	[tilespmem:s19+$0x0] =	vst v20  }
0xfd: {  	v43 =	vperm.xlane v13, v4;
	v26 =	vmul.f32 v30, v26;
	v44 =	vld [tilespmem:s21+$0x0];
	[tilespmem:s17+$0xFFFFFFC0] =	vst v24  }
0xfe: {  	v45 =	vperm.xlane v20, v8;
	v24 =	vld [tilespmem:s23+$0xFFFFFFE0];
	[tilespmem:s17+$0xFFFFFF58] =	vst v25;
	v25 =	vperm.xlane v11, v7;
	v11 =	vmov v20  }
0xff: {  	v48 =	vperm.xlane v10, v5;
	v10 =	vmovc v18;
	v46 =	vunpack.i.l.bf16.f32 v41;
	v20 =	vperm.xlane v9, v6;
	[tilespmem:s19+$0xFFFFFF08] =	vst v26;
	v47 =	vld [tilespmem:s18+$0x30]  }
0x100: {  	v18 =	vperm.xlane v13, v5;
	v30 =	vperm.xlane v13, v6;
	v49 =	vld [tilespmem:s21+$0xFFFFFF90];
	[tilespmem:s17+$0xB0] =	vst v21  }
0x101: {  	v26 =	vperm.xlane v11, v5;
	v19 =	vadd.f32 v19, v37;
	v21 =	vperm.xlane v11, v4;
	[tilespmem:s19+$0x90] =	vst v36;
	v36 =	vld [tilespmem:s18+$0x60]  }
0x102: {  	v37 =	vld [tilespmem:s23+$0x0];
	v50 =	vunpack.i.u.bf16.f32 v44;
	v44 =	vunpack.i.l.bf16.f32 v44;
	[tilespmem:s19+$0xA0] =	vst v35;
	v35 =	vperm.xlane v10, v4  }
0x103: {  	v16 =	vadd.f32 v24, v16;
	v24 =	vmul.f32 $2.000000030e-01, v19;
	v51 =	vld [tilespmem:s24+$0x10];
	v40 =	vmul.f32 v40, v50  }
0x104: {  	v33 =	vmul.f32 v33, v46;
	vm0 =	vge.f32 v19, $0.0e+00;
	v28 =	vmul.f32 v28, v44;
	v44 =	vld [tilespmem:s18+$0xFFFFFFF0]  }
0x105: {  	v39 =	vmul.f32 v39, v42;
	v19 =	vsel vm0, v19, v24;
	[tilespmem:s19+$0x18] =	vst v40;
	v24 =	vperm.xlane v11, v3  }
0x106: {  	vm0 =	vge.f32 v16, $0.0e+00;
	v40 =	vunpack.i.l.bf16.f32 v49;
	v19 =	vmul.f32 $1.442695020e+00, v19;
	[tilespmem:s19+$0x8] =	vst v28  }
0x107: {  	v28 =	vmul.f32 $2.000000030e-01, v16;
	v34 =	vadd.f32 v37, v34;
	[tilespmem:s19+$0xFFFFFFA0] =	vst v33;
	v33 =	vld [tilespmem:s21+$0x10];
	v37 =	vunpack.i.u.bf16.f32 v36  }
0x108: {  	v38 =	vadd.f32 v38, v51;
	(erf) = vpow2.f32 v19;
	v19 =	vunpack.i.u.bf16.f32 v41;
	[tilespmem:s17+$0xFFFFFF68] =	vst v39  }
0x109: {  	s19 =	sadd.s32 $0x220, s19;
	v36 =	vunpack.i.l.bf16.f32 v36;
	v16 =	vsel vm0, v16, v28;
	v28 =	vmul.f32 $2.000000030e-01, v34  }
0x10a: {  	s21 =	sadd.s32 $0x100, s21;
	v36 =	vmul.f32 v48, v36;
	vm0 =	vge.f32 v34, $0.0e+00;
	v39 =	vmul.f32 $2.000000030e-01, v38  }
0x10b: {  	v16 =	vmul.f32 $1.442695020e+00, v16;
	v19 =	vmul.f32 v32, v19;
	vm1 =	vge.f32 v38, $0.0e+00  }
0x10c: {  	v28 =	vsel vm0, v34, v28;
	v32 =	vsel vm1, v38, v39;
	v34 =	vunpack.i.u.bf16.f32 v33;
	[tilespmem:s17+$0xD0] =	vst v36  }
0x10d: {  	(erf) = vpow2.f32 v16;
	v16 =	vunpack.i.l.bf16.f32 v33;
	v33 =	vmul.f32 v12, v37;
	v12 =	vmovc v17  }
0x10e: {  	v31 =	vmul.f32 v31, v40;
	v17 =	vunpack.i.u.bf16.f32 v49;
	[tilespmem:s16+$0xFFFFFFB0] =	vst v19;
	v19 =	vmul.f32 v24, v16;
	v24 =	vld [tilespmem:s20+$0x50]  }
0x10f: {  	v32 =	vmul.f32 $1.442695020e+00, v32;
	v37 =	vunpack.i.u.bf16.f32 v47;
	v17 =	vmul.f32 v43, v17;
	v36 =	vld [tilespmem:s20+$0xFFFFFFE0];
	[tilespmem:s17+$0xE0] =	vst v33  }
0x110: {  	v38 =	vperm.xlane v11, v6;
	v21 =	vmul.f32 v21, v34;
	[tilespmem:s16+$0xFFFFFF18] =	vst v31;
	v31 =	vunpack.i.l.bf16.f32 v47  }
0x111: {  	v16 =	vpop (erf);
	(erf) = vpow2.f32 v32;
	[tilespmem:s16+$0xFFFFFF28] =	vst v17;
	v17 =	vunpack.i.u.bf16.f32 v44;
	v32 =	vmul.f32 v14, v37  }
0x112: {  	v28 =	vmul.f32 $1.442695020e+00, v28;
	v37 =	vunpack.i.l.bf16.f32 v44;
	v14 =	vmovc v45;
	v34 =	vld [tilespmem:s20+$0xFFFFFFA0];
	[tilespmem:s16+$0x38] =	vst v21;
	v21 =	vperm.xlane v10, v3  }
0x113: {  	v39 =	vmul.f32 v27, v17;
	v17 =	vmul.f32 v25, v31;
	v33 =	vunpack.i.l.bf16.f32 v24;
	[tilespmem:s17+$0x78] =	vst v32  }
0x114: {  	v24 =	vunpack.i.u.bf16.f32 v24;
	(erf) = vpow2.f32 v28;
	v21 =	vmul.f32 v21, v33;
	v28 =	vld [tilespmem:s18+$0x70];
	s18 =	smov.u32 s20;
	s20 =	smov.u32 s21  }
0x115: {  	v27 =	vunpack.i.u.bf16.f32 v36;
	v31 =	vunpack.i.l.bf16.f32 v36;
	v32 =	vmul.f32 v35, v24;
	[tilespmem:s16+$0x28] =	vst v19  }
0x116: {  	v25 =	vperm.xlane v13, v7;
	v24 =	vmul.f32 v29, v31;
	[tilespmem:s19+$0xFFFFFF78] =	vst v16;
	v19 =	vpop (erf);
	v40 =	vld [tilespmem:s18+$0x20]  }
0x117: {  	v33 =	vperm.xlane v16, v1;
	v27 =	vmul.f32 v20, v27;
	v41 =	vld [tilespmem:s21+$0xFFFFFFC0];
	v29 =	vunpack.i.u.bf16.f32 v34;
	[tilespmem:s16+$0xC0] =	vst v32  }
0x118: {  	v15 =	vmul.f32 v15, v37;
	v20 =	vunpack.i.l.bf16.f32 v34;
	v34 =	vmul.f32 v30, v29;
	[tilespmem:s17+$0x68] =	vst v17  }
0x119: {  	v35 =	vperm.xlane v16, v2;
	v17 =	vmul.f32 v18, v20;
	[tilespmem:s19+$0xFFFFFEF0] =	vst v19;
	v20 =	vunpack.i.u.bf16.f32 v28  }
.Ltmp1:
0x11a: {  	v30 =	vperm.xlane v19, v2;
	v18 =	vpop (erf);
	[tilespmem:s17+$0xFFFFFFE0] =	vst v15;
	v15 =	vunpack.i.l.bf16.f32 v28;
	v32 =	vmul.f32 v23, v20;
	(pc) =	sbr.rel @p0 .LBB2_5-.Ltmp1, $4  }
0x11b: {  	v31 =	vld [tilespmem:s21+$0xFFFFFF80];
	v29 =	vperm.xlane v18, v2;
	[tilespmem:s16+$0xFFFFFF38] =	vst v17;
	v28 =	vunpack.i.u.bf16.f32 v40;
	v42 =	vmul.f32 v22, v15  }
0x11c: {  	v36 =	vperm.xlane v19, v1;
	v15 =	vperm.xlane v9, v7;
	v22 =	vunpack.i.u.bf16.f32 v41;
	[tilespmem:s19+$0x88] =	vst v18  }
0x11d: {  	v17 =	vperm.xlane v18, v6;
	v40 =	vunpack.i.l.bf16.f32 v40;
	v37 =	vmul.f32 v38, v28;
	v23 =	vld [tilespmem:s21+$0x40];
	v20 =	vpop (erf);
	[tilespmem:s17+$0xF0] =	vst v42  }
0x11e: {  	s23 =	sadd.s32 $0x40, s23;
	s24 =	sadd.s32 $0x40, s24;
	v38 =	vunpack.i.l.bf16.f32 v41;
	v26 =	vmul.f32 v26, v40;
	v28 =	vperm.xlane v20, v1;
	[tilespmem:s17+$0xFFFFFFF0] =	vst v39  }
0x11f: {  	[tilespmem:s16+$0xFFFFFF48] =	vst v34  }
0x120: {  	v22 =	vmul.f32 v35, v22;
	[tilespmem:s16+$0xFFFFFFD0] =	vst v27  }
0x121: {  	[tilespmem:s16+$0x58] =	vst v37  }
0x122: {  	[tilespmem:s19+$0xFFFFFF90] =	vst v22;
	v22 =	vld [tilespmem:s18+$0xFFFFFFB0]  }
0x123: {  	v27 =	vmul.f32 v33, v38;
	[tilespmem:s19+$0x0] =	vst v20  }
0x124: {  	[tilespmem:s16+$0x48] =	vst v26  }
0x125: {  	v26 =	vld [tilespmem:s21+$0x0];
	[tilespmem:s19+$0xFFFFFF80] =	vst v27;
	v27 =	vunpack.i.l.bf16.f32 v31  }
0x126: {  	[tilespmem:s17+$0x100] =	vst v32;
	v27 =	vmul.f32 v36, v27  }
0x127: {  	[tilespmem:s16+$0xFFFFFFC0] =	vst v24;
	v59 =	vunpack.i.l.bf16.f32 v22  }
0x128: {  	v31 =	vunpack.i.u.bf16.f32 v31;
	v60 =	vld [tilespmem:s21+$0xFFFFFFD0];
	[tilespmem:s19+$0xFFFFFEF8] =	vst v27;
	v27 =	vperm.xlane v18, v1;
	v25 =	vmul.f32 v25, v59  }
0x129: {  	v61 =	vperm.xlane v20, v2;
	[tilespmem:s16+$0xB0] =	vst v21;
	v24 =	vunpack.i.l.bf16.f32 v23;
	v30 =	vmul.f32 v30, v31  }
0x12a: {  	v21 =	vmul.f32 v27, v24;
	v24 =	vld [tilespmem:s18+$0x60];
	[tilespmem:s16+$0xFFFFFF58] =	vst v25;
	v25 =	vunpack.i.u.bf16.f32 v26  }
0x12b: {  	[tilespmem:s19+$0xFFFFFF08] =	vst v30;
	v26 =	vunpack.i.l.bf16.f32 v26;
	v25 =	vmul.f32 v61, v25  }
0x12c: {  	v23 =	vunpack.i.u.bf16.f32 v23;
	v30 =	vld [tilespmem:s21+$0xFFFFFF90];
	v27 =	vperm.xlane v16, v3;
	[tilespmem:s19+$0x90] =	vst v21;
	v21 =	vmul.f32 v28, v26  }
0x12d: {  	v13 =	vperm.xlane v13, v8;
	v23 =	vmul.f32 v29, v23;
	v26 =	vunpack.i.l.bf16.f32 v60;
	[tilespmem:s19+$0x18] =	vst v25  }
0x12e: {  	v22 =	vunpack.i.u.bf16.f32 v22;
	v26 =	vmul.f32 v27, v26;
	v25 =	vperm.xlane v10, v5;
	[tilespmem:s19+$0x8] =	vst v21  }
0x12f: {  	[tilespmem:s19+$0xA0] =	vst v23;
	v13 =	vmul.f32 v13, v22;
	v23 =	vunpack.i.l.bf16.f32 v24;
	v21 =	vperm.xlane v16, v4;
	v22 =	vld [tilespmem:s21+$0x10]  }
0x130: {  	v27 =	vperm.xlane v19, v3;
	[tilespmem:s19+$0xFFFFFFA0] =	vst v26;
	v26 =	vunpack.i.u.bf16.f32 v60;
	v23 =	vmul.f32 v25, v23  }
0x131: {  	[tilespmem:s16+$0xFFFFFF68] =	vst v13;
	v28 =	vld [tilespmem:s18+$0x30];
	v29 =	vunpack.i.l.bf16.f32 v30;
	v25 =	vperm.xlane v19, v4;
	v13 =	vmul.f32 v21, v26  }
0x132: {  	v21 =	vunpack.i.u.bf16.f32 v30;
	v26 =	vld [tilespmem:s20+$0x50];
	[tilespmem:s16+$0xD0] =	vst v23;
	v23 =	vmul.f32 v27, v29  }
0x133: {  	v24 =	vunpack.i.u.bf16.f32 v24;
	v27 =	vperm.xlane v20, v4;
	[tilespmem:s19+$0xFFFFFFB0] =	vst v13;
	v13 =	vmul.f32 v25, v21  }
0x134: {  	v12 =	vmul.f32 v12, v24;
	v21 =	vperm.xlane v20, v3;
	v25 =	vunpack.i.u.bf16.f32 v22;
	[tilespmem:s19+$0xFFFFFF18] =	vst v23  }
0x135: {  	v23 =	vld [tilespmem:s18+$0xFFFFFFF0];
	v22 =	vunpack.i.l.bf16.f32 v22;
	[tilespmem:s19+$0xFFFFFF28] =	vst v13;
	v24 =	vmul.f32 v27, v25  }
0x136: {  	[tilespmem:s16+$0xE0] =	vst v12;
	v13 =	vperm.xlane v18, v4;
	v21 =	vmul.f32 v21, v22;
	v22 =	vunpack.i.u.bf16.f32 v28;
	v12 =	vld [tilespmem:s20+$0xFFFFFFA0]  }
0x137: {  	v14 =	vmul.f32 v14, v22;
	v22 =	vperm.xlane v18, v3;
	[tilespmem:s19+$0x38] =	vst v24;
	v24 =	vunpack.i.u.bf16.f32 v26  }
0x138: {  	v11 =	vperm.xlane v11, v7;
	v25 =	vld [tilespmem:s20+$0xFFFFFFE0];
	v26 =	vunpack.i.l.bf16.f32 v26;
	[tilespmem:s19+$0x28] =	vst v21;
	v13 =	vmul.f32 v13, v24  }
0x139: {  	v21 =	vunpack.i.l.bf16.f32 v28;
	[tilespmem:s16+$0x78] =	vst v14;
	v14 =	vmul.f32 v22, v26;
	v22 =	vld [tilespmem:s20+$0x20]  }
0x13a: {  	v24 =	vperm.xlane v19, v5;
	v11 =	vmul.f32 v11, v21;
	v26 =	vunpack.i.l.bf16.f32 v23;
	[tilespmem:s19+$0xC0] =	vst v13  }
0x13b: {  	v13 =	vperm.xlane v19, v6;
	v21 =	vunpack.i.l.bf16.f32 v12;
	v15 =	vmul.f32 v15, v26;
	[tilespmem:s19+$0xB0] =	vst v14  }
0x13c: {  	v14 =	vperm.xlane v16, v6;
	v12 =	vunpack.i.u.bf16.f32 v12;
	[tilespmem:s16+$0x68] =	vst v11;
	v11 =	vmul.f32 v24, v21;
	v21 =	vld [tilespmem:s20+$0x60]  }
0x13d: {  	v26 =	vunpack.i.u.bf16.f32 v25;
	v24 =	vperm.xlane v20, v6;
	v12 =	vmul.f32 v13, v12;
	[tilespmem:s16+$0xFFFFFFE0] =	vst v15  }
0x13e: {  	v13 =	vperm.xlane v20, v5;
	v15 =	vld [tilespmem:s18+$0x70];
	v14 =	vmul.f32 v14, v26;
	[tilespmem:s19+$0xFFFFFF38] =	vst v11;
	v11 =	vunpack.i.u.bf16.f32 v22  }
0x13f: {  	v26 =	vperm.xlane v16, v5;
	v22 =	vunpack.i.l.bf16.f32 v22;
	v11 =	vmul.f32 v24, v11;
	[tilespmem:s19+$0xFFFFFF48] =	vst v12  }
0x140: {  	v12 =	vunpack.i.l.bf16.f32 v25;
	v13 =	vmul.f32 v13, v22;
	[tilespmem:s19+$0xFFFFFFD0] =	vst v14;
	v14 =	vperm.xlane v18, v5  }
0x141: {  	v12 =	vmul.f32 v26, v12;
	v22 =	vld [tilespmem:s20+$0xFFFFFFB0];
	[tilespmem:s19+$0x58] =	vst v11;
	v11 =	vunpack.i.l.bf16.f32 v21  }
0x142: {  	v24 =	vperm.xlane v10, v7;
	[tilespmem:s19+$0x48] =	vst v13;
	v13 =	vunpack.i.u.bf16.f32 v21;
	v11 =	vmul.f32 v14, v11  }
0x143: {  	v9 =	vperm.xlane v9, v8;
	v14 =	vunpack.i.l.bf16.f32 v15;
	[tilespmem:s19+$0xFFFFFFC0] =	vst v12;
	v12 =	vld [tilespmem:s20+$0x30];
	v13 =	vmul.f32 v17, v13  }
0x144: {  	v10 =	vperm.xlane v10, v8;
	v17 =	vunpack.i.u.bf16.f32 v23;
	v14 =	vmul.f32 v24, v14;
	[tilespmem:s19+$0xD0] =	vst v11  }
0x145: {  	v15 =	vunpack.i.u.bf16.f32 v15;
	v9 =	vmul.f32 v9, v17;
	v17 =	vld [tilespmem:s20+$0xFFFFFFF0];
	v11 =	vperm.xlane v19, v7;
	[tilespmem:s19+$0xE0] =	vst v13  }
0x146: {  	v10 =	vmul.f32 v10, v15;
	[tilespmem:s16+$0xF0] =	vst v14;
	v13 =	vunpack.i.l.bf16.f32 v22;
	v14 =	vperm.xlane v19, v8;
	v15 =	vld [tilespmem:s20+$0x70]  }
0x147: {  	v19 =	vperm.xlane v20, v8;
	[tilespmem:s16+$0xFFFFFFF0] =	vst v9;
	v9 =	vunpack.i.u.bf16.f32 v22;
	v11 =	vmul.f32 v11, v13  }
0x148: {  	[tilespmem:s16+$0x100] =	vst v10;
	v10 =	vperm.xlane v20, v7;
	v9 =	vmul.f32 v14, v9;
	v13 =	vunpack.i.u.bf16.f32 v12  }
0x149: {  	v14 =	vperm.xlane v16, v7;
	[tilespmem:s19+$0xFFFFFF58] =	vst v11;
	v11 =	vunpack.i.l.bf16.f32 v12;
	v12 =	vmul.f32 v19, v13  }
0x14a: {  	v13 =	vperm.xlane v18, v7;
	[tilespmem:s19+$0xFFFFFF68] =	vst v9;
	v9 =	vunpack.i.l.bf16.f32 v17;
	v10 =	vmul.f32 v10, v11  }
0x14b: {  	v11 =	vperm.xlane v16, v8;
	[tilespmem:s19+$0x78] =	vst v12;
	v9 =	vmul.f32 v14, v9;
	v12 =	vunpack.i.l.bf16.f32 v15  }
0x14c: {  	v16 =	vunpack.i.u.bf16.f32 v17;
	v14 =	vperm.xlane v18, v8;
	[tilespmem:s19+$0x68] =	vst v10;
	v10 =	vmul.f32 v13, v12  }
0x14d: {  	s24 =	smul.u32 $0x140, s13;
	v11 =	vmul.f32 v11, v16;
	v12 =	vunpack.i.u.bf16.f32 v15;
	[tilespmem:s19+$0xFFFFFFE0] =	vst v9  }
0x14e: {  	v9 =	vmul.f32 v14, v12;
	[tilespmem:s19+$0xF0] =	vst v10  }
0x14f: {  	s16 =	sshra.s32 s24, $0x2;
	[tilespmem:s19+$0xFFFFFFF0] =	vst v11  }
0x150: {  	s16 =	sadd.s32 $0x2710, s16;
	[tilespmem:s19+$0x100] =	vst v9  }
0x151: {  	[spmem:s2] =	stream.indirect.scatter.add.f32 [tilespmem:s30], [sflag:$0x3], $0x88, s16, s31, $0xb8;
	[tilespmem:$0x1D560] =	vst v63  }
0x152: {  	_ =	swait.ge [sflag:s28], $0x1540  }
0x153: {  	[sflag:s28] =	ssyncset.done $0x0  }
0x154: {  	s17 =	sadd.s32 $0x50, s15;
	[sflag:s28] =	ssyncadd.s32 $0xFFFFEAC0  }
0x155: {  	[tilespmem:s0], [sflag:$0x1] =	stream.indirect.gather [hbm4b:s4+s31], $0x10, s17, s31, $0xb8;
	[tilespmem:$0x1D560] =	vst v63  }
0x156: {  	s18 =	sadd.s32 $0x2760, s15  }
0x157: {  	[tilespmem:s1], [sflag:$0x1] =	stream.indirect.gather [hbm4b:s5+s31], $0x10, s18, s31, $0xb8;
	[tilespmem:$0x1D560] =	vst v63  }
0x158: {  	_ = 	snop  }
0x159: {  	[tilespmem:s29], [sflag:$0x1] =	stream.indirect.gather [hbm4b:s6+s31], $0x40, s17, s31, $0xb8;
	[tilespmem:$0x1D560] =	vst v63  }
0x15a: {  	_ =	swait.ge [sflag:s11], $0x280  }
0x15b: {  	[sflag:s11] =	ssyncset.done $0x0  }
0x15c: {  	[sflag:s11] =	ssyncadd.s32 $0xFFFFFD80  }
0x15d: {  	_ =	swait.ge [sflag:s11], $0x280  }
0x15e: {  	[sflag:s11] =	ssyncset.done $0x0  }
0x15f: {  	[sflag:s11] =	ssyncadd.s32 $0xFFFFFD80  }
0x160: {  	_ =	swait.ge [sflag:s11], $0xA00  }
0x161: {  	[sflag:s11] =	ssyncset.done $0x0  }
0x162: {  	s19 =	simm.s32 $0x5D40;
	[sflag:s11] =	ssyncadd.s32 $0xFFFFF600  }
0x163: {  	s20 =	simm.s32 $0x5FC0;
	v9 =	vld [tilespmem:s19+$0xFFFFFFF0]  }
0x164: {  	v10 =	vld [tilespmem:s20+$0xFFFFFFF0];
	_ =	sdelay $0x2  }
0x165: {  	v11 =	vld [tilespmem:s19+$0xFFFFFFE0]  }
0x166: {  	v13 =	vld [tilespmem:s20+$0xFFFFFFE0]  }
0x167: {  	v12 =	vld [tilespmem:s20+$0x10];
	v9 =	vadd.f32 v10, v9  }
0x168: {  	v10 =	vld [tilespmem:s19+$0x10]  }
0x169: {  	v14 =	vmul.f32 $2.000000030e-01, v9  }
0x16a: {  	vm0 =	vge.f32 v9, $0.0e+00  }
0x16b: {  	v15 =	vld [tilespmem:s19+$0x0];
	v11 =	vadd.f32 v13, v11;
	v9 =	vsel vm0, v9, v14  }
0x16c: {  	v13 =	vld [tilespmem:s20+$0x0];
	v9 =	vmul.f32 $1.442695020e+00, v9  }
0x16d: {  	v10 =	vadd.f32 v12, v10;
	v12 =	vmul.f32 $2.000000030e-01, v11  }
0x16e: {  	vm6 =	vge.f32 v11, $0.0e+00;
	(erf) = vpow2.f32 v9  }
0x16f: {  	v9 =	vmul.f32 $2.000000030e-01, v10;
	v11 =	vsel vm6, v11, v12  }
0x170: {  	vm7 =	vge.f32 v10, $0.0e+00;
	v11 =	vmul.f32 $1.442695020e+00, v11  }
0x171: {  	s21 =	simm.s32 $0x5D80;
	v9 =	vsel vm7, v10, v9;
	v10 =	vadd.f32 v13, v15  }
0x172: {  	s22 =	simm.s32 $0x6000;
	v23 =	vld [tilespmem:s21+$0xFFFFFFF0];
	(erf) = vpow2.f32 v11  }
0x173: {  	v27 =	vld [tilespmem:s22+$0xFFFFFFF0];
	v9 =	vmul.f32 $1.442695020e+00, v9;
	v11 =	vmul.f32 $2.000000030e-01, v10  }
0x174: {  	vm8 =	vge.f32 v10, $0.0e+00  }
0x175: {  	(erf) = vpow2.f32 v9;
	v9 =	vsel vm8, v10, v11  }
0x176: {  	v9 =	vmul.f32 $1.442695020e+00, v9  }
0x177: {  	s16 =	simm.s32 $0x6D30;
	v19 =	vpop (erf)  }
0x178: {  	s18 =	simm.s32 $0x62A0;
	v23 =	vadd.f32 v27, v23;
	(erf) = vpow2.f32 v9;
	[tilespmem:s16+$0xFFFFFF78] =	vst v19  }
0x179: {  	v9 =	vld [tilespmem:s18+$0xFFFFFFC0]  }
0x17a: {  	v40 =	vmul.f32 $2.000000030e-01, v23;
	v10 =	vperm.xlane v19, v2  }
0x17b: {  	v12 =	vperm.xlane v19, v1;
	v25 =	vperm.xlane v19, v3;
	v14 =	vpop (erf)  }
0x17c: {  	v28 =	vperm.xlane v19, v4;
	v29 =	vperm.xlane v19, v5;
	[tilespmem:s16+$0xFFFFFEF0] =	vst v14  }
0x17d: {  	v20 =	vperm.xlane v14, v1;
	v62 =	vperm.xlane v14, v4;
	v11 =	vld [tilespmem:s18+$0xFFFFFF80]  }
0x17e: {  	v44 =	vperm.xlane v14, v5;
	v45 =	vperm.xlane v14, v6;
	v17 =	vpop (erf);
	v13 =	vunpack.i.u.bf16.f32 v9  }
0x17f: {  	v30 =	vld [tilespmem:s22+$0xFFFFFFE0];
	v60 =	vperm.xlane v14, v8;
	[tilespmem:s16+$0x88] =	vst v17;
	v10 =	vmul.f32 v10, v13  }
0x180: {  	v15 =	vperm.xlane v17, v6;
	v16 =	vld [tilespmem:s18+$0x40];
	v9 =	vunpack.i.l.bf16.f32 v9;
	v13 =	vperm.xlane v14, v2  }
0x181: {  	v31 =	vld [tilespmem:s21+$0x0];
	v9 =	vmul.f32 v12, v9;
	v12 =	vperm.xlane v17, v2;
	v18 =	vpop (erf);
	[tilespmem:s16+$0xFFFFFF90] =	vst v10  }
0x182: {  	v10 =	vld [tilespmem:s21+$0xFFFFFFE0];
	v21 =	vperm.xlane v18, v1;
	v22 =	vunpack.i.l.bf16.f32 v11;
	v11 =	vunpack.i.u.bf16.f32 v11;
	[tilespmem:s16+$0x0] =	vst v18  }
0x183: {  	[tilespmem:s16+$0xFFFFFF80] =	vst v9;
	v20 =	vmul.f32 v20, v22;
	v11 =	vmul.f32 v13, v11;
	v13 =	vld [tilespmem:s18+$0x0]  }
0x184: {  	v9 =	vperm.xlane v17, v1;
	v26 =	vperm.xlane v18, v2;
	v24 =	vld [tilespmem:s18+$0xFFFFFFD0]  }
0x185: {  	v47 =	vld [tilespmem:s21+$0x10];
	v46 =	vperm.xlane v18, v4;
	v22 =	vunpack.i.u.bf16.f32 v16;
	v16 =	vunpack.i.l.bf16.f32 v16;
	[tilespmem:s16+$0xFFFFFEF8] =	vst v20  }
0x186: {  	v9 =	vmul.f32 v9, v16;
	v12 =	vmul.f32 v12, v22;
	v22 =	vld [tilespmem:s22+$0x10];
	[tilespmem:s16+$0xFFFFFF08] =	vst v11  }
0x187: {  	vm9 =	vge.f32 v23, $0.0e+00;
	v20 =	vperm.xlane v14, v3;
	v16 =	vperm.xlane v18, v8;
	v63 =	vld [tilespmem:s18+$0xFFFFFF90]  }
0x188: {  	v48 =	vld [tilespmem:s22+$0x0];
	v11 =	vperm.xlane v19, v6;
	v10 =	vadd.f32 v30, v10;
	v39 =	vunpack.i.u.bf16.f32 v13  }
0x189: {  	v27 =	vunpack.i.l.bf16.f32 v24;
	v13 =	vunpack.i.l.bf16.f32 v13;
	v26 =	vmul.f32 v26, v39  }
0x18a: {  	v25 =	vmul.f32 v25, v27;
	v13 =	vmul.f32 v21, v13;
	v21 =	vsel vm9, v23, v40  }
0x18b: {  	v23 =	vmul.f32 $2.000000030e-01, v10;
	v21 =	vmul.f32 $1.442695020e+00, v21  }
0x18c: {  	vm10 =	vge.f32 v10, $0.0e+00;
	v22 =	vadd.f32 v22, v47;
	[tilespmem:s16+$0x18] =	vst v26;
	v26 =	vunpack.i.l.bf16.f32 v63  }
0x18d: {  	[tilespmem:s16+$0x8] =	vst v13;
	v13 =	vadd.f32 v48, v31;
	v10 =	vsel vm10, v10, v23;
	(erf) = vpow2.f32 v21  }
0x18e: {  	v23 =	vunpack.i.u.bf16.f32 v24;
	v24 =	vmul.f32 $2.000000030e-01, v22;
	v10 =	vmul.f32 $1.442695020e+00, v10  }
0x18f: {  	[tilespmem:s16+$0xA0] =	vst v12;
	v21 =	vld [tilespmem:s18+$0x10];
	v12 =	vmul.f32 v28, v23;
	v20 =	vmul.f32 v20, v26  }
0x190: {  	[tilespmem:s16+$0x90] =	vst v9;
	vm1 =	vge.f32 v22, $0.0e+00;
	v23 =	vperm.xlane v18, v3;
	v9 =	vmul.f32 $2.000000030e-01, v13  }
0x191: {  	[tilespmem:s16+$0xFFFFFFA0] =	vst v25;
	vm11 =	vge.f32 v13, $0.0e+00;
	v22 =	vsel vm1, v22, v24;
	(erf) = vpow2.f32 v10  }
0x192: {  	v10 =	vunpack.i.u.bf16.f32 v63;
	[tilespmem:s16+$0xFFFFFFB0] =	vst v12;
	v12 =	vld [tilespmem:s18+$0x50];
	v22 =	vmul.f32 $1.442695020e+00, v22;
	v9 =	vsel vm11, v13, v9  }
0x193: {  	v10 =	vmul.f32 v62, v10;
	v24 =	vld [tilespmem:s18+$0xFFFFFFE0];
	v9 =	vmul.f32 $1.442695020e+00, v9  }
0x194: {  	v13 =	vunpack.i.u.bf16.f32 v21;
	(erf) = vpow2.f32 v22;
	v22 =	vperm.xlane v18, v5  }
0x195: {  	[tilespmem:s16+$0xFFFFFF18] =	vst v20;
	v20 =	vunpack.i.l.bf16.f32 v21;
	v21 =	vperm.xlane v17, v4;
	v13 =	vmul.f32 v46, v13  }
0x196: {  	[tilespmem:s16+$0xFFFFFF28] =	vst v10;
	v10 =	vmul.f32 v23, v20;
	(erf) = vpow2.f32 v9  }
0x197: {  	s23 =	simm.s32 $0x5DC0;
	v23 =	vperm.xlane v18, v6;
	v18 =	vperm.xlane v18, v7;
	v25 =	vunpack.i.l.bf16.f32 v12;
	[tilespmem:s16+$0x38] =	vst v13  }
0x198: {  	v41 =	vld [tilespmem:s23+$0xFFFFFFF0];
	v12 =	vunpack.i.u.bf16.f32 v12;
	v13 =	vperm.xlane v17, v3;
	[tilespmem:s16+$0x28] =	vst v10;
	v10 =	vunpack.i.l.bf16.f32 v24  }
0x199: {  	s24 =	simm.s32 $0x6040;
	v20 =	vld [tilespmem:s18+$0xFFFFFFA0];
	v21 =	vmul.f32 v21, v12;
	v12 =	vunpack.i.u.bf16.f32 v24;
	v24 =	vperm.xlane v14, v7  }
0x19a: {  	v43 =	vld [tilespmem:s24+$0xFFFFFFF0];
	v9 =	vpop (erf);
	v27 =	vmul.f32 v29, v10;
	v30 =	vmul.f32 v11, v12  }
0x19b: {  	v25 =	vmul.f32 v13, v25;
	v29 =	vperm.xlane v9, v1  }
0x19c: {  	v49 =	vperm.xlane v9, v2;
	v59 =	vperm.xlane v9, v3  }
0x19d: {  	v47 =	vperm.xlane v9, v5;
	v48 =	vperm.xlane v9, v6  }
0x19e: {  	v26 =	vld [tilespmem:s18+$0x20];
	v10 =	vunpack.i.u.bf16.f32 v20;
	v11 =	vunpack.i.l.bf16.f32 v20;
	v20 =	vperm.xlane v19, v7  }
0x19f: {  	s15 =	simm.s32 $0x6F50;
	v41 =	vadd.f32 v43, v41;
	v63 =	vld [tilespmem:s24+$0x0];
	v19 =	vperm.xlane v19, v8;
	v31 =	vmul.f32 v45, v10  }
0x1a0: {  	v62 =	vld [tilespmem:s23+$0x0];
	[tilespmem:s15+$0xFFFFFF78] =	vst v9;
	v13 =	vpop (erf);
	v50 =	vmul.f32 v44, v11;
	v45 =	vperm.xlane v9, v4  }
0x1a1: {  	s17 =	simm.s32 $0x63A0;
	[tilespmem:s16+$0xB0] =	vst v25;
	v25 =	vmul.f32 $2.000000030e-01, v41;
	v51 =	vperm.xlane v13, v2  }
0x1a2: {  	vm12 =	vge.f32 v41, $0.0e+00;
	v28 =	vld [tilespmem:s17+$0xFFFFFFC0];
	[tilespmem:s15+$0xFFFFFEF0] =	vst v13;
	v55 =	vperm.xlane v13, v1;
	v35 =	vperm.xlane v13, v3  }
0x1a3: {  	v32 =	vperm.xlane v13, v4;
	v10 =	vpop (erf);
	v54 =	vunpack.i.u.bf16.f32 v26;
	[tilespmem:s16+$0xFFFFFF38] =	vst v50;
	v50 =	vperm.xlane v13, v5  }
0x1a4: {  	v52 =	vld [tilespmem:s17+$0xFFFFFF80];
	v26 =	vunpack.i.l.bf16.f32 v26;
	v53 =	vperm.xlane v10, v2;
	v12 =	vperm.xlane v10, v6  }
0x1a5: {  	v62 =	vadd.f32 v63, v62;
	[tilespmem:s16+$0xC0] =	vst v21;
	v33 =	vmul.f32 v23, v54;
	v40 =	vmul.f32 v22, v26  }
0x1a6: {  	[tilespmem:s16+$0xFFFFFF48] =	vst v31;
	v25 =	vsel vm12, v41, v25;
	v11 =	vpop (erf);
	v22 =	vperm.xlane v17, v7;
	v34 =	vperm.xlane v10, v4  }
0x1a7: {  	[tilespmem:s15+$0x88] =	vst v10;
	v31 =	vld [tilespmem:s18+$0xFFFFFFB0];
	v25 =	vmul.f32 $1.442695020e+00, v25;
	v23 =	vunpack.i.l.bf16.f32 v28;
	v37 =	vperm.xlane v11, v1  }
0x1a8: {  	[tilespmem:s16+$0xFFFFFFD0] =	vst v30;
	v56 =	vld [tilespmem:s17+$0x40];
	v28 =	vunpack.i.u.bf16.f32 v28;
	v42 =	vperm.xlane v11, v2;
	v26 =	vmul.f32 v29, v23  }
0x1a9: {  	v46 =	vld [tilespmem:s24+$0x10];
	[tilespmem:s15+$0x0] =	vst v11;
	v28 =	vmul.f32 v49, v28;
	v29 =	vperm.xlane v10, v1;
	v23 =	vunpack.i.l.bf16.f32 v52  }
0x1aa: {  	[tilespmem:s16+$0xFFFFFFC0] =	vst v27;
	v61 =	vld [tilespmem:s17+$0x0];
	(erf) = vpow2.f32 v25;
	v14 =	vunpack.i.u.bf16.f32 v52;
	v57 =	vmul.f32 v55, v23  }
0x1ab: {  	vm14 =	vge.f32 v62, $0.0e+00;
	v44 =	vld [tilespmem:s23+$0xFFFFFFE0];
	[tilespmem:s15+$0xFFFFFF90] =	vst v28;
	v23 =	vperm.xlane v17, v8;
	v21 =	vmul.f32 v51, v14  }
0x1ac: {  	[tilespmem:s15+$0xFFFFFF80] =	vst v26;
	v52 =	vld [tilespmem:s18+$0x60];
	v26 =	vunpack.i.l.bf16.f32 v31;
	v14 =	vperm.xlane v11, v8;
	v17 =	vperm.xlane v17, v5  }
0x1ad: {  	[tilespmem:s16+$0x58] =	vst v33;
	v36 =	vld [tilespmem:s17+$0xFFFFFFD0];
	v51 =	vperm.xlane v13, v6;
	v31 =	vunpack.i.u.bf16.f32 v31;
	v58 =	vunpack.i.u.bf16.f32 v56  }
0x1ae: {  	[tilespmem:s16+$0x48] =	vst v40;
	v28 =	vunpack.i.l.bf16.f32 v56;
	v24 =	vmul.f32 v24, v26;
	v26 =	vld [tilespmem:s24+$0xFFFFFFE0];
	v31 =	vmul.f32 v60, v31  }
0x1af: {  	v56 =	vld [tilespmem:s18+$0x30];
	v28 =	vmul.f32 v29, v28;
	v29 =	vmul.f32 v53, v58;
	[tilespmem:s15+$0xFFFFFEF8] =	vst v57;
	v54 =	vunpack.i.u.bf16.f32 v61  }
0x1b0: {  	[tilespmem:s15+$0xFFFFFF08] =	vst v21;
	v53 =	vperm.xlane v11, v4;
	v57 =	vld [tilespmem:s23+$0x10];
	v58 =	vunpack.i.l.bf16.f32 v61;
	v42 =	vmul.f32 v42, v54  }
0x1b1: {  	v49 =	vld [tilespmem:s17+$0xFFFFFF90];
	v33 =	vmul.f32 v37, v58;
	v58 =	vperm.xlane v11, v6;
	[tilespmem:s15+$0x90] =	vst v28;
	v28 =	vunpack.i.l.bf16.f32 v52  }
0x1b2: {  	[tilespmem:s16+$0xFFFFFF58] =	vst v24;
	v63 =	vunpack.i.u.bf16.f32 v52;
	v21 =	vunpack.i.l.bf16.f32 v36;
	v17 =	vmul.f32 v17, v28  }
0x1b3: {  	[tilespmem:s15+$0xA0] =	vst v29;
	v29 =	vld [tilespmem:s18+$0xFFFFFFF0];
	v15 =	vmul.f32 v15, v63;
	v30 =	vadd.f32 v26, v44;
	v26 =	vperm.xlane v11, v5  }
0x1b4: {  	[tilespmem:s15+$0x18] =	vst v42;
	v24 =	vunpack.i.u.bf16.f32 v36;
	v21 =	vmul.f32 v59, v21;
	v59 =	vperm.xlane v11, v3  }
0x1b5: {  	[tilespmem:s15+$0x8] =	vst v33;
	v54 =	vadd.f32 v46, v57;
	v57 =	vunpack.i.u.bf16.f32 v56;
	vm13 =	vge.f32 v30, $0.0e+00  }
0x1b6: {  	v60 =	vunpack.i.l.bf16.f32 v49;
	v61 =	vmul.f32 $2.000000030e-01, v30;
	[tilespmem:s15+$0xFFFFFFA0] =	vst v21;
	v21 =	vmul.f32 v45, v24  }
0x1b7: {  	[tilespmem:s16+$0xD0] =	vst v17;
	v17 =	vunpack.i.u.bf16.f32 v49;
	v16 =	vmul.f32 v16, v57;
	v55 =	vmul.f32 $2.000000030e-01, v54  }
0x1b8: {  	v27 =	vld [tilespmem:s17+$0x10];
	[tilespmem:s16+$0xE0] =	vst v15;
	vm15 =	vge.f32 v54, $0.0e+00;
	v17 =	vmul.f32 v32, v17;
	v15 =	vunpack.i.u.bf16.f32 v29  }
0x1b9: {  	[tilespmem:s16+$0xFFFFFF68] =	vst v31;
	v31 =	vld [tilespmem:s17+$0x50];
	v29 =	vunpack.i.l.bf16.f32 v29;
	v25 =	vsel vm13, v30, v61;
	v30 =	vmul.f32 $2.000000030e-01, v62  }
0x1ba: {  	v20 =	vmul.f32 v20, v29;
	v25 =	vmul.f32 $1.442695020e+00, v25;
	v28 =	vsel vm15, v54, v55  }
0x1bb: {  	[tilespmem:s15+$0xFFFFFFB0] =	vst v21;
	v24 =	vsel vm14, v62, v30;
	v30 =	vmul.f32 v35, v60;
	v21 =	vmul.f32 $1.442695020e+00, v28  }
0x1bc: {  	[tilespmem:s16+$0x78] =	vst v16;
	v60 =	vmul.f32 v19, v15;
	(erf) = vpow2.f32 v25  }
0x1bd: {  	[tilespmem:s15+$0xFFFFFF28] =	vst v17;
	v16 =	vpop (erf);
	v25 =	vunpack.i.l.bf16.f32 v27;
	v27 =	vunpack.i.u.bf16.f32 v27;
	v17 =	vmul.f32 $1.442695020e+00, v24  }
0x1be: {  	v28 =	vld [tilespmem:s17+$0xFFFFFFE0];
	v24 =	vunpack.i.l.bf16.f32 v31;
	v33 =	vperm.xlane v16, v1;
	v25 =	vmul.f32 v59, v25;
	[tilespmem:s15+$0xFFFFFF18] =	vst v30  }
0x1bf: {  	v27 =	vmul.f32 v53, v27;
	v30 =	vunpack.i.l.bf16.f32 v56;
	(erf) = vpow2.f32 v21;
	v59 =	vld [tilespmem:s17+$0xFFFFFFA0]  }
0x1c0: {  	v21 =	vperm.xlane v10, v3;
	(erf) = vpow2.f32 v17;
	v17 =	vunpack.i.u.bf16.f32 v31;
	v31 =	vld [tilespmem:s18+$0x70]  }
0x1c1: {  	v35 =	vperm.xlane v16, v2;
	v15 =	vmul.f32 v18, v30;
	[tilespmem:s15+$0x38] =	vst v27  }
0x1c2: {  	v21 =	vmul.f32 v21, v24;
	[tilespmem:s15+$0x28] =	vst v25;
	v17 =	vmul.f32 v34, v17  }
0x1c3: {  	[tilespmem:s16+$0xFFFFFFE0] =	vst v20;
	s18 =	simm.s32 $0x7170;
	v25 =	vperm.xlane v13, v7;
	v18 =	vunpack.i.l.bf16.f32 v28;
	v19 =	vunpack.i.u.bf16.f32 v28;
	v28 =	vld [tilespmem:s17+$0x20]  }
0x1c4: {  	s20 =	simm.s32 $0x64A0;
	[tilespmem:s18+$0xFFFFFF78] =	vst v16;
	v24 =	vmul.f32 v47, v18;
	v27 =	vmul.f32 v48, v19  }
0x1c5: {  	v61 =	vld [tilespmem:s20+$0xFFFFFFC0];
	[tilespmem:s15+$0xC0] =	vst v17;
	v18 =	vunpack.i.u.bf16.f32 v59;
	v17 =	vunpack.i.l.bf16.f32 v59;
	v20 =	vunpack.i.l.bf16.f32 v31  }
0x1c6: {  	[tilespmem:s16+$0x68] =	vst v15;
	v34 =	vmul.f32 v51, v18;
	v15 =	vmul.f32 v50, v17;
	v17 =	vunpack.i.u.bf16.f32 v31;
	v19 =	vpop (erf)  }
0x1c7: {  	v62 =	vmul.f32 v22, v20;
	v32 =	vmul.f32 v23, v17;
	[tilespmem:s18+$0xFFFFFEF0] =	vst v19  }
0x1c8: {  	v23 =	vunpack.i.u.bf16.f32 v28;
	v30 =	vperm.xlane v19, v2;
	v18 =	vpop (erf);
	[tilespmem:s15+$0xFFFFFF38] =	vst v15;
	v36 =	vperm.xlane v19, v1;
	v31 =	vld [tilespmem:s20+$0xFFFFFF80]  }
0x1c9: {  	v63 =	vunpack.i.l.bf16.f32 v28;
	v15 =	vperm.xlane v9, v7;
	v37 =	vmul.f32 v58, v23;
	[tilespmem:s18+$0x88] =	vst v18  }
0x1ca: {  	s19 =	simm.s32 $0x64A0;
	[tilespmem:s16+$0xFFFFFFF0] =	vst v60;
	v22 =	vunpack.i.u.bf16.f32 v61;
	v26 =	vmul.f32 v26, v63;
	v29 =	vperm.xlane v18, v2;
	v20 =	vpop (erf);
	v23 =	vld [tilespmem:s20+$0x40]  }
0x1cb: {  	s21 =	simm.s32 $0x8;
	s22 =	simm.s32 $0x6080;
	s23 =	simm.s32 $0x5E00;
	v38 =	vunpack.i.l.bf16.f32 v61;
	[tilespmem:s16+$0xF0] =	vst v62;
	v17 =	vperm.xlane v18, v6;
	v28 =	vperm.xlane v20, v1  }
.LBB2_7:
0x1cc: {  	s21 =	sadd.s32 $0x4, s21;
	v33 =	vmul.f32 v33, v38;
	v35 =	vmul.f32 v35, v22;
	[tilespmem:s15+$0xFFFFFF48] =	vst v34  }
0x1cd: {  	v38 =	vperm.xlane v18, v1;
	v22 =	vperm.xlane v10, v7;
	p0 =	slt.u32 s21, $0x24;
	v34 =	vunpack.i.l.bf16.f32 v31;
	v39 =	vld [tilespmem:s17+$0xFFFFFFB0];
	[tilespmem:s15+$0xFFFFFFD0] =	vst v27  }
0x1ce: {  	v27 =	vperm.xlane v9, v8;
	v9 =	vmov v16;
	v34 =	vmul.f32 v36, v34;
	[tilespmem:s18+$0xFFFFFF90] =	vst v35  }
0x1cf: {  	v16 =	vld [tilespmem:s23+$0xFFFFFFE0];
	v35 =	vunpack.i.u.bf16.f32 v23;
	v36 =	vunpack.i.l.bf16.f32 v23;
	[tilespmem:s15+$0x58] =	vst v37;
	v23 =	vperm.xlane v10, v8  }
0x1d0: {  	v40 =	vperm.xlane v20, v2;
	v37 =	vld [tilespmem:s23+$0xFFFFFFF0];
	[tilespmem:s18+$0xFFFFFF80] =	vst v33;
	v33 =	vperm.xlane v9, v3  }
0x1d1: {  	v36 =	vmul.f32 v38, v36;
	v35 =	vmul.f32 v29, v35;
	v41 =	vld [tilespmem:s20+$0xFFFFFFD0];
	[tilespmem:s15+$0x48] =	vst v26  }
0x1d2: {  	v38 =	vld [tilespmem:s22+$0x10];
	v42 =	vunpack.i.u.bf16.f32 v39;
	v26 =	vunpack.i.l.bf16.f32 v39;
	v39 =	vperm.xlane v13, v8;
	[tilespmem:s16+$0x100] =	vst v32;
	v13 =	vmovc v19;
	s16 =	smov.u32 s15;
	s15 =	smov.u32 s18  }
0x1d3: {  	v32 =	vperm.xlane v9, v4;
	v19 =	vld [tilespmem:s22+$0xFFFFFFF0];
	[tilespmem:s18+$0xFFFFFEF8] =	vst v34;
	v25 =	vmul.f32 v25, v26  }
0x1d4: {  	v29 =	vperm.xlane v9, v5;
	v26 =	vunpack.i.u.bf16.f32 v31;
	v31 =	vperm.xlane v13, v3;
	v34 =	vld [tilespmem:s23+$0x0];
	[tilespmem:s18+$0x0] =	vst v20  }
0x1d5: {  	v43 =	vperm.xlane v13, v4;
	v26 =	vmul.f32 v30, v26;
	v44 =	vld [tilespmem:s20+$0x0];
	[tilespmem:s16+$0xFFFFFFC0] =	vst v24  }
0x1d6: {  	v45 =	vperm.xlane v20, v8;
	v24 =	vld [tilespmem:s22+$0xFFFFFFE0];
	[tilespmem:s16+$0xFFFFFF58] =	vst v25;
	v25 =	vperm.xlane v11, v7;
	v11 =	vmov v20  }
0x1d7: {  	v48 =	vperm.xlane v10, v5;
	v10 =	vmovc v18;
	v46 =	vunpack.i.l.bf16.f32 v41;
	v20 =	vperm.xlane v9, v6;
	[tilespmem:s18+$0xFFFFFF08] =	vst v26;
	v47 =	vld [tilespmem:s17+$0x30]  }
0x1d8: {  	v18 =	vperm.xlane v13, v5;
	v30 =	vperm.xlane v13, v6;
	v49 =	vld [tilespmem:s20+$0xFFFFFF90];
	[tilespmem:s16+$0xB0] =	vst v21  }
0x1d9: {  	v26 =	vperm.xlane v11, v5;
	v19 =	vadd.f32 v19, v37;
	v21 =	vperm.xlane v11, v4;
	[tilespmem:s18+$0x90] =	vst v36;
	v36 =	vld [tilespmem:s17+$0x60]  }
0x1da: {  	v37 =	vld [tilespmem:s22+$0x0];
	v50 =	vunpack.i.u.bf16.f32 v44;
	v44 =	vunpack.i.l.bf16.f32 v44;
	[tilespmem:s18+$0xA0] =	vst v35;
	v35 =	vperm.xlane v10, v4  }
0x1db: {  	v16 =	vadd.f32 v24, v16;
	v24 =	vmul.f32 $2.000000030e-01, v19;
	v51 =	vld [tilespmem:s23+$0x10];
	v40 =	vmul.f32 v40, v50  }
0x1dc: {  	v33 =	vmul.f32 v33, v46;
	vm0 =	vge.f32 v19, $0.0e+00;
	v28 =	vmul.f32 v28, v44;
	v44 =	vld [tilespmem:s17+$0xFFFFFFF0]  }
0x1dd: {  	v39 =	vmul.f32 v39, v42;
	v19 =	vsel vm0, v19, v24;
	[tilespmem:s18+$0x18] =	vst v40;
	v24 =	vperm.xlane v11, v3  }
0x1de: {  	vm0 =	vge.f32 v16, $0.0e+00;
	v40 =	vunpack.i.l.bf16.f32 v49;
	v19 =	vmul.f32 $1.442695020e+00, v19;
	[tilespmem:s18+$0x8] =	vst v28  }
0x1df: {  	v28 =	vmul.f32 $2.000000030e-01, v16;
	v34 =	vadd.f32 v37, v34;
	[tilespmem:s18+$0xFFFFFFA0] =	vst v33;
	v33 =	vld [tilespmem:s20+$0x10];
	v37 =	vunpack.i.u.bf16.f32 v36  }
0x1e0: {  	v38 =	vadd.f32 v38, v51;
	(erf) = vpow2.f32 v19;
	v19 =	vunpack.i.u.bf16.f32 v41;
	[tilespmem:s16+$0xFFFFFF68] =	vst v39  }
0x1e1: {  	s18 =	sadd.s32 $0x220, s18;
	v36 =	vunpack.i.l.bf16.f32 v36;
	v16 =	vsel vm0, v16, v28;
	v28 =	vmul.f32 $2.000000030e-01, v34  }
0x1e2: {  	s20 =	sadd.s32 $0x100, s20;
	v36 =	vmul.f32 v48, v36;
	vm0 =	vge.f32 v34, $0.0e+00;
	v39 =	vmul.f32 $2.000000030e-01, v38  }
0x1e3: {  	v16 =	vmul.f32 $1.442695020e+00, v16;
	v19 =	vmul.f32 v32, v19;
	vm1 =	vge.f32 v38, $0.0e+00  }
0x1e4: {  	v28 =	vsel vm0, v34, v28;
	v32 =	vsel vm1, v38, v39;
	v34 =	vunpack.i.u.bf16.f32 v33;
	[tilespmem:s16+$0xD0] =	vst v36  }
0x1e5: {  	(erf) = vpow2.f32 v16;
	v16 =	vunpack.i.l.bf16.f32 v33;
	v33 =	vmul.f32 v12, v37;
	v12 =	vmovc v17  }
0x1e6: {  	v31 =	vmul.f32 v31, v40;
	v17 =	vunpack.i.u.bf16.f32 v49;
	[tilespmem:s15+$0xFFFFFFB0] =	vst v19;
	v19 =	vmul.f32 v24, v16;
	v24 =	vld [tilespmem:s19+$0x50]  }
0x1e7: {  	v32 =	vmul.f32 $1.442695020e+00, v32;
	v37 =	vunpack.i.u.bf16.f32 v47;
	v17 =	vmul.f32 v43, v17;
	v36 =	vld [tilespmem:s19+$0xFFFFFFE0];
	[tilespmem:s16+$0xE0] =	vst v33  }
0x1e8: {  	v38 =	vperm.xlane v11, v6;
	v21 =	vmul.f32 v21, v34;
	[tilespmem:s15+$0xFFFFFF18] =	vst v31;
	v31 =	vunpack.i.l.bf16.f32 v47  }
0x1e9: {  	v16 =	vpop (erf);
	(erf) = vpow2.f32 v32;
	[tilespmem:s15+$0xFFFFFF28] =	vst v17;
	v17 =	vunpack.i.u.bf16.f32 v44;
	v32 =	vmul.f32 v14, v37  }
0x1ea: {  	v28 =	vmul.f32 $1.442695020e+00, v28;
	v37 =	vunpack.i.l.bf16.f32 v44;
	v14 =	vmovc v45;
	v34 =	vld [tilespmem:s19+$0xFFFFFFA0];
	[tilespmem:s15+$0x38] =	vst v21;
	v21 =	vperm.xlane v10, v3  }
0x1eb: {  	v39 =	vmul.f32 v27, v17;
	v17 =	vmul.f32 v25, v31;
	v33 =	vunpack.i.l.bf16.f32 v24;
	[tilespmem:s16+$0x78] =	vst v32  }
0x1ec: {  	v24 =	vunpack.i.u.bf16.f32 v24;
	(erf) = vpow2.f32 v28;
	v21 =	vmul.f32 v21, v33;
	v28 =	vld [tilespmem:s17+$0x70];
	s17 =	smov.u32 s19;
	s19 =	smov.u32 s20  }
0x1ed: {  	v27 =	vunpack.i.u.bf16.f32 v36;
	v31 =	vunpack.i.l.bf16.f32 v36;
	v32 =	vmul.f32 v35, v24;
	[tilespmem:s15+$0x28] =	vst v19  }
0x1ee: {  	v25 =	vperm.xlane v13, v7;
	v24 =	vmul.f32 v29, v31;
	[tilespmem:s18+$0xFFFFFF78] =	vst v16;
	v19 =	vpop (erf);
	v40 =	vld [tilespmem:s17+$0x20]  }
0x1ef: {  	v33 =	vperm.xlane v16, v1;
	v27 =	vmul.f32 v20, v27;
	v41 =	vld [tilespmem:s20+$0xFFFFFFC0];
	v29 =	vunpack.i.u.bf16.f32 v34;
	[tilespmem:s15+$0xC0] =	vst v32  }
0x1f0: {  	v15 =	vmul.f32 v15, v37;
	v20 =	vunpack.i.l.bf16.f32 v34;
	v34 =	vmul.f32 v30, v29;
	[tilespmem:s16+$0x68] =	vst v17  }
0x1f1: {  	v35 =	vperm.xlane v16, v2;
	v17 =	vmul.f32 v18, v20;
	[tilespmem:s18+$0xFFFFFEF0] =	vst v19;
	v20 =	vunpack.i.u.bf16.f32 v28  }
.Ltmp2:
0x1f2: {  	v30 =	vperm.xlane v19, v2;
	v18 =	vpop (erf);
	[tilespmem:s16+$0xFFFFFFE0] =	vst v15;
	v15 =	vunpack.i.l.bf16.f32 v28;
	v32 =	vmul.f32 v23, v20;
	(pc) =	sbr.rel @p0 .LBB2_7-.Ltmp2, $4  }
0x1f3: {  	v31 =	vld [tilespmem:s20+$0xFFFFFF80];
	v29 =	vperm.xlane v18, v2;
	[tilespmem:s15+$0xFFFFFF38] =	vst v17;
	v28 =	vunpack.i.u.bf16.f32 v40;
	v42 =	vmul.f32 v22, v15  }
0x1f4: {  	v36 =	vperm.xlane v19, v1;
	v15 =	vperm.xlane v9, v7;
	v22 =	vunpack.i.u.bf16.f32 v41;
	[tilespmem:s18+$0x88] =	vst v18  }
0x1f5: {  	v17 =	vperm.xlane v18, v6;
	v40 =	vunpack.i.l.bf16.f32 v40;
	v37 =	vmul.f32 v38, v28;
	v23 =	vld [tilespmem:s20+$0x40];
	v20 =	vpop (erf);
	[tilespmem:s16+$0xF0] =	vst v42  }
0x1f6: {  	s22 =	sadd.s32 $0x40, s22;
	s23 =	sadd.s32 $0x40, s23;
	v38 =	vunpack.i.l.bf16.f32 v41;
	v26 =	vmul.f32 v26, v40;
	v28 =	vperm.xlane v20, v1;
	[tilespmem:s16+$0xFFFFFFF0] =	vst v39  }
0x1f7: {  	[tilespmem:s15+$0xFFFFFF48] =	vst v34  }
0x1f8: {  	[tilespmem:s15+$0xFFFFFFD0] =	vst v27  }
0x1f9: {  	[tilespmem:s15+$0x58] =	vst v37  }
0x1fa: {  	[tilespmem:s18+$0x0] =	vst v20  }
0x1fb: {  	[tilespmem:s16+$0x100] =	vst v32  }
0x1fc: {  	[tilespmem:s15+$0xFFFFFFC0] =	vst v24  }
0x1fd: {  	v22 =	vmul.f32 v35, v22;
	[tilespmem:s15+$0xB0] =	vst v21;
	v53 =	vld [tilespmem:s17+$0xFFFFFFB0]  }
0x1fe: {  	v52 =	vmul.f32 v33, v38;
	v54 =	vunpack.i.l.bf16.f32 v31;
	[tilespmem:s15+$0x48] =	vst v26;
	v55 =	vld [tilespmem:s20+$0x0]  }
0x1ff: {  	v57 =	vperm.xlane v18, v1;
	v59 =	vunpack.i.u.bf16.f32 v31;
	[tilespmem:s18+$0xFFFFFF90] =	vst v22;
	v27 =	vmul.f32 v36, v54  }
0x200: {  	[tilespmem:s18+$0xFFFFFF80] =	vst v52;
	v30 =	vmul.f32 v30, v59;
	v60 =	vunpack.i.l.bf16.f32 v23  }
0x201: {  	v63 =	vld [tilespmem:s17+$0x60];
	v35 =	vunpack.i.u.bf16.f32 v23;
	[tilespmem:s18+$0xFFFFFEF8] =	vst v27;
	v62 =	vmul.f32 v57, v60  }
0x202: {  	[tilespmem:s18+$0xFFFFFF08] =	vst v30;
	v23 =	vmul.f32 v29, v35;
	v56 =	vunpack.i.l.bf16.f32 v53  }
0x203: {  	v61 =	vperm.xlane v20, v2;
	v46 =	vld [tilespmem:s17+$0x30];
	v26 =	vunpack.i.l.bf16.f32 v55;
	[tilespmem:s18+$0x90] =	vst v62;
	v25 =	vmul.f32 v25, v56  }
0x204: {  	v13 =	vperm.xlane v13, v8;
	v30 =	vld [tilespmem:s20+$0xFFFFFF90];
	v34 =	vunpack.i.u.bf16.f32 v55;
	[tilespmem:s18+$0xA0] =	vst v23;
	v37 =	vmul.f32 v28, v26  }
0x205: {  	v39 =	vperm.xlane v10, v5;
	v22 =	vunpack.i.u.bf16.f32 v53;
	[tilespmem:s15+$0xFFFFFF58] =	vst v25;
	v25 =	vmul.f32 v61, v34  }
0x206: {  	v58 =	vld [tilespmem:s20+$0xFFFFFFD0];
	v42 =	vunpack.i.l.bf16.f32 v63;
	v13 =	vmul.f32 v13, v22;
	[tilespmem:s18+$0x8] =	vst v37  }
0x207: {  	v24 =	vunpack.i.u.bf16.f32 v63;
	v23 =	vmul.f32 v39, v42;
	[tilespmem:s18+$0x18] =	vst v25  }
0x208: {  	v43 =	vperm.xlane v19, v3;
	v12 =	vmul.f32 v12, v24;
	v59 =	vunpack.i.u.bf16.f32 v46;
	[tilespmem:s15+$0xFFFFFF68] =	vst v13;
	v41 =	vld [tilespmem:s20+$0x10]  }
0x209: {  	v45 =	vperm.xlane v19, v4;
	v14 =	vmul.f32 v14, v59;
	[tilespmem:s15+$0xD0] =	vst v23;
	v47 =	vunpack.i.l.bf16.f32 v30  }
0x20a: {  	v36 =	vperm.xlane v16, v3;
	[tilespmem:s15+$0xE0] =	vst v12;
	v49 =	vunpack.i.u.bf16.f32 v30;
	v50 =	vmul.f32 v43, v47  }
0x20b: {  	v40 =	vperm.xlane v16, v4;
	v51 =	vld [tilespmem:s19+$0x50];
	v38 =	vunpack.i.l.bf16.f32 v58;
	[tilespmem:s15+$0x78] =	vst v14;
	v53 =	vmul.f32 v45, v49  }
0x20c: {  	v52 =	vperm.xlane v20, v4;
	v44 =	vunpack.i.u.bf16.f32 v58;
	v26 =	vmul.f32 v36, v38;
	[tilespmem:s18+$0xFFFFFF18] =	vst v50  }
0x20d: {  	v54 =	vperm.xlane v20, v3;
	v56 =	vld [tilespmem:s17+$0xFFFFFFF0];
	v48 =	vmul.f32 v40, v44;
	[tilespmem:s18+$0xFFFFFF28] =	vst v53;
	v55 =	vunpack.i.u.bf16.f32 v41  }
0x20e: {  	v11 =	vperm.xlane v11, v7;
	[tilespmem:s18+$0xFFFFFFA0] =	vst v26;
	v60 =	vld [tilespmem:s19+$0xFFFFFFA0];
	v22 =	vunpack.i.l.bf16.f32 v41;
	v57 =	vmul.f32 v52, v55  }
0x20f: {  	v29 =	vunpack.i.l.bf16.f32 v46;
	v58 =	vperm.xlane v18, v4;
	[tilespmem:s18+$0xFFFFFFB0] =	vst v48;
	v21 =	vmul.f32 v54, v22  }
0x210: {  	v11 =	vmul.f32 v11, v29;
	v61 =	vperm.xlane v18, v3;
	v62 =	vunpack.i.u.bf16.f32 v51;
	v63 =	vld [tilespmem:s19+$0xFFFFFFE0];
	[tilespmem:s18+$0x38] =	vst v57  }
0x211: {  	v26 =	vunpack.i.l.bf16.f32 v51;
	v13 =	vmul.f32 v58, v62;
	[tilespmem:s18+$0x28] =	vst v21  }
0x212: {  	v32 =	vperm.xlane v19, v5;
	[tilespmem:s15+$0x68] =	vst v11;
	v33 =	vunpack.i.l.bf16.f32 v56;
	v30 =	vmul.f32 v61, v26;
	v31 =	vld [tilespmem:s19+$0x20]  }
0x213: {  	v34 =	vperm.xlane v19, v6;
	v15 =	vmul.f32 v15, v33;
	[tilespmem:s18+$0xC0] =	vst v13;
	v35 =	vunpack.i.l.bf16.f32 v60  }
0x214: {  	v36 =	vperm.xlane v16, v6;
	[tilespmem:s18+$0xB0] =	vst v30;
	v12 =	vunpack.i.u.bf16.f32 v60;
	v11 =	vmul.f32 v32, v35  }
0x215: {  	v42 =	vperm.xlane v16, v5;
	[tilespmem:s15+$0xFFFFFFE0] =	vst v15;
	v37 =	vld [tilespmem:s19+$0x60];
	v39 =	vunpack.i.u.bf16.f32 v63;
	v12 =	vmul.f32 v34, v12  }
0x216: {  	v38 =	vperm.xlane v20, v6;
	v43 =	vunpack.i.l.bf16.f32 v63;
	v14 =	vmul.f32 v36, v39;
	[tilespmem:s18+$0xFFFFFF38] =	vst v11  }
0x217: {  	v40 =	vperm.xlane v20, v5;
	[tilespmem:s18+$0xFFFFFF48] =	vst v12;
	v12 =	vmul.f32 v42, v43;
	v11 =	vunpack.i.u.bf16.f32 v31  }
0x218: {  	v9 =	vperm.xlane v9, v8;
	v41 =	vld [tilespmem:s17+$0x70];
	[tilespmem:s18+$0xFFFFFFD0] =	vst v14;
	v22 =	vunpack.i.l.bf16.f32 v31;
	v11 =	vmul.f32 v38, v11  }
0x219: {  	v50 =	vunpack.i.u.bf16.f32 v56;
	v45 =	vld [tilespmem:s19+$0xFFFFFFB0];
	[tilespmem:s18+$0xFFFFFFC0] =	vst v12;
	v13 =	vmul.f32 v40, v22  }
0x21a: {  	v44 =	vperm.xlane v18, v5;
	v9 =	vmul.f32 v9, v50;
	v47 =	vunpack.i.u.bf16.f32 v37;
	[tilespmem:s18+$0x58] =	vst v11  }
0x21b: {  	v46 =	vperm.xlane v10, v7;
	v11 =	vunpack.i.l.bf16.f32 v37;
	[tilespmem:s18+$0x48] =	vst v13;
	v13 =	vmul.f32 v17, v47  }
0x21c: {  	v10 =	vperm.xlane v10, v8;
	[tilespmem:s15+$0xFFFFFFF0] =	vst v9;
	v51 =	vld [tilespmem:s19+$0xFFFFFFF0];
	v11 =	vmul.f32 v44, v11  }
0x21d: {  	v53 =	vperm.xlane v19, v8;
	v15 =	vunpack.i.u.bf16.f32 v41;
	v49 =	vld [tilespmem:s19+$0x30];
	[tilespmem:s18+$0xE0] =	vst v13  }
0x21e: {  	v10 =	vmul.f32 v10, v15;
	v9 =	vunpack.i.u.bf16.f32 v45;
	[tilespmem:s18+$0xD0] =	vst v11;
	v11 =	vperm.xlane v19, v7  }
0x21f: {  	v52 =	vunpack.i.l.bf16.f32 v45;
	v9 =	vmul.f32 v53, v9;
	v54 =	vld [tilespmem:s19+$0x70]  }
0x220: {  	v57 =	vperm.xlane v16, v7;
	v48 =	vunpack.i.l.bf16.f32 v41;
	[tilespmem:s15+$0x100] =	vst v10;
	v11 =	vmul.f32 v11, v52  }
0x221: {  	v14 =	vmul.f32 v46, v48;
	v10 =	vperm.xlane v20, v7;
	[tilespmem:s18+$0xFFFFFF68] =	vst v9;
	v9 =	vunpack.i.l.bf16.f32 v51  }
0x222: {  	v55 =	vperm.xlane v20, v8;
	v9 =	vmul.f32 v57, v9;
	[tilespmem:s18+$0xFFFFFF58] =	vst v11;
	v11 =	vunpack.i.l.bf16.f32 v49  }
0x223: {  	v59 =	vperm.xlane v18, v7;
	[tilespmem:s15+$0xF0] =	vst v14;
	v56 =	vunpack.i.u.bf16.f32 v49;
	v10 =	vmul.f32 v10, v11  }
0x224: {  	[tilespmem:s18+$0xFFFFFFE0] =	vst v9;
	v58 =	vmul.f32 v55, v56;
	v11 =	vperm.xlane v16, v8;
	v60 =	vunpack.i.l.bf16.f32 v54  }
0x225: {  	v61 =	vperm.xlane v18, v8;
	v62 =	vunpack.i.u.bf16.f32 v51;
	[tilespmem:s18+$0x68] =	vst v10;
	v10 =	vmul.f32 v59, v60  }
0x226: {  	[tilespmem:s18+$0x78] =	vst v58;
	v63 =	vunpack.i.u.bf16.f32 v54;
	v11 =	vmul.f32 v11, v62  }
0x227: {  	s13 =	sadd.s32 $0x1, s13;
	v9 =	vmul.f32 v61, v63;
	[tilespmem:s18+$0xF0] =	vst v10  }
0x228: {  	p0 =	sne.s32 s13, $0x7C;
	[tilespmem:s18+$0xFFFFFFF0] =	vst v11  }
.Ltmp3:
0x229: {  	[tilespmem:s18+$0x100] =	vst v9;
	(pc) =	sbr.rel @p0 .LBB2_4-.Ltmp3, $4  }
0x22a: {  	[spmem:s2] =	stream.indirect.scatter.add.f32 [tilespmem:s30], [sflag:$0x3], $0x88, s14, s31, $0xb8;
	[tilespmem:$0x1D560] =	vst v63  }
0x22b: {  	_ =	swait.ge [sflag:s28], $0x1540  }
0x22c: {  	[sflag:s28] =	ssyncset.done $0x0  }
0x22d: {  	[sflag:s28] =	ssyncadd.s32 $0xFFFFEAC0  }
0x22e: {  	s13 =	simm.s32 $0x26E8  }
0x22f: {  	[tilespmem:s3], [sflag:$0x2] =	stream.indirect.gather [hbm4b:s4+s31], $0x10, s13, s31, $0xb8;
	[tilespmem:$0x1D560] =	vst v63  }
0x230: {  	s22 =	simm.s32 $0x4DF8  }
0x231: {  	[tilespmem:s7], [sflag:$0x2] =	stream.indirect.gather [hbm4b:s5+s31], $0x10, s22, s31, $0xb8;
	[tilespmem:$0x1D560] =	vst v63  }
0x232: {  	_ = 	snop  }
0x233: {  	[tilespmem:s8], [sflag:$0x2] =	stream.indirect.gather [hbm4b:s6+s31], $0x40, s13, s31, $0xb8;
	[tilespmem:$0x1D560] =	vst v63  }
0x234: {  	_ =	swait.ge [sflag:s10], $0x280  }
0x235: {  	[sflag:s10] =	ssyncset.done $0x0  }
0x236: {  	[sflag:s10] =	ssyncadd.s32 $0xFFFFFD80  }
0x237: {  	_ =	swait.ge [sflag:s10], $0x280  }
0x238: {  	[sflag:s10] =	ssyncset.done $0x0  }
0x239: {  	[sflag:s10] =	ssyncadd.s32 $0xFFFFFD80  }
0x23a: {  	_ =	swait.ge [sflag:s10], $0xA00  }
0x23b: {  	[sflag:s10] =	ssyncset.done $0x0  }
0x23c: {  	s23 =	simm.s32 $0x4E40;
	[sflag:s10] =	ssyncadd.s32 $0xFFFFF600  }
0x23d: {  	s14 =	simm.s32 $0x50C0;
	v9 =	vld [tilespmem:s23+$0xFFFFFFF0]  }
0x23e: {  	v10 =	vld [tilespmem:s14+$0xFFFFFFF0];
	_ =	sdelay $0x2  }
0x23f: {  	v11 =	vld [tilespmem:s23+$0xFFFFFFE0]  }
0x240: {  	v13 =	vld [tilespmem:s14+$0xFFFFFFE0]  }
0x241: {  	v12 =	vld [tilespmem:s14+$0x10];
	v9 =	vadd.f32 v10, v9  }
0x242: {  	v10 =	vld [tilespmem:s23+$0x10]  }
0x243: {  	v14 =	vmul.f32 $2.000000030e-01, v9  }
0x244: {  	vm0 =	vge.f32 v9, $0.0e+00  }
0x245: {  	v15 =	vld [tilespmem:s23+$0x0];
	v11 =	vadd.f32 v13, v11;
	v9 =	vsel vm0, v9, v14  }
0x246: {  	v13 =	vld [tilespmem:s14+$0x0];
	v9 =	vmul.f32 $1.442695020e+00, v9  }
0x247: {  	v10 =	vadd.f32 v12, v10;
	v12 =	vmul.f32 $2.000000030e-01, v11  }
0x248: {  	vm6 =	vge.f32 v11, $0.0e+00;
	(erf) = vpow2.f32 v9  }
0x249: {  	v9 =	vmul.f32 $2.000000030e-01, v10;
	v11 =	vsel vm6, v11, v12  }
0x24a: {  	vm7 =	vge.f32 v10, $0.0e+00;
	v11 =	vmul.f32 $1.442695020e+00, v11  }
0x24b: {  	s24 =	simm.s32 $0x4E80;
	v9 =	vsel vm7, v10, v9;
	v10 =	vadd.f32 v13, v15  }
0x24c: {  	s15 =	simm.s32 $0x5100;
	v23 =	vld [tilespmem:s24+$0xFFFFFFF0];
	(erf) = vpow2.f32 v11  }
0x24d: {  	v27 =	vld [tilespmem:s15+$0xFFFFFFF0];
	v9 =	vmul.f32 $1.442695020e+00, v9;
	v11 =	vmul.f32 $2.000000030e-01, v10  }
0x24e: {  	vm8 =	vge.f32 v10, $0.0e+00  }
0x24f: {  	(erf) = vpow2.f32 v9;
	v9 =	vsel vm8, v10, v11  }
0x250: {  	v9 =	vmul.f32 $1.442695020e+00, v9  }
0x251: {  	s14 =	simm.s32 $0x6D30;
	v19 =	vpop (erf)  }
0x252: {  	s16 =	simm.s32 $0x53A0;
	v23 =	vadd.f32 v27, v23;
	(erf) = vpow2.f32 v9;
	[tilespmem:s14+$0xFFFFFF78] =	vst v19  }
0x253: {  	v9 =	vld [tilespmem:s16+$0xFFFFFFC0]  }
0x254: {  	v40 =	vmul.f32 $2.000000030e-01, v23;
	v10 =	vperm.xlane v19, v2  }
0x255: {  	v12 =	vperm.xlane v19, v1;
	v25 =	vperm.xlane v19, v3;
	v14 =	vpop (erf)  }
0x256: {  	v28 =	vperm.xlane v19, v4;
	v29 =	vperm.xlane v19, v5;
	[tilespmem:s14+$0xFFFFFEF0] =	vst v14  }
0x257: {  	v20 =	vperm.xlane v14, v1;
	v32 =	vperm.xlane v14, v4;
	v11 =	vld [tilespmem:s16+$0xFFFFFF80]  }
0x258: {  	v34 =	vperm.xlane v14, v5;
	v35 =	vperm.xlane v14, v6;
	v17 =	vpop (erf);
	v13 =	vunpack.i.u.bf16.f32 v9  }
0x259: {  	v30 =	vld [tilespmem:s15+$0xFFFFFFE0];
	v60 =	vperm.xlane v14, v8;
	[tilespmem:s14+$0x88] =	vst v17;
	v10 =	vmul.f32 v10, v13  }
0x25a: {  	v15 =	vperm.xlane v17, v6;
	v16 =	vld [tilespmem:s16+$0x40];
	v9 =	vunpack.i.l.bf16.f32 v9;
	v13 =	vperm.xlane v14, v2  }
0x25b: {  	v31 =	vld [tilespmem:s24+$0x0];
	v9 =	vmul.f32 v12, v9;
	v12 =	vperm.xlane v17, v2;
	v18 =	vpop (erf);
	[tilespmem:s14+$0xFFFFFF90] =	vst v10  }
0x25c: {  	v10 =	vld [tilespmem:s24+$0xFFFFFFE0];
	v21 =	vperm.xlane v18, v1;
	v22 =	vunpack.i.l.bf16.f32 v11;
	v11 =	vunpack.i.u.bf16.f32 v11;
	[tilespmem:s14+$0x0] =	vst v18  }
0x25d: {  	[tilespmem:s14+$0xFFFFFF80] =	vst v9;
	v20 =	vmul.f32 v20, v22;
	v11 =	vmul.f32 v13, v11;
	v13 =	vld [tilespmem:s16+$0x0]  }
0x25e: {  	v9 =	vperm.xlane v17, v1;
	v26 =	vperm.xlane v18, v2;
	v24 =	vld [tilespmem:s16+$0xFFFFFFD0]  }
0x25f: {  	v37 =	vld [tilespmem:s24+$0x10];
	v36 =	vperm.xlane v18, v4;
	v22 =	vunpack.i.u.bf16.f32 v16;
	v16 =	vunpack.i.l.bf16.f32 v16;
	[tilespmem:s14+$0xFFFFFEF8] =	vst v20  }
0x260: {  	v9 =	vmul.f32 v9, v16;
	v12 =	vmul.f32 v12, v22;
	v22 =	vld [tilespmem:s15+$0x10];
	[tilespmem:s14+$0xFFFFFF08] =	vst v11  }
0x261: {  	vm9 =	vge.f32 v23, $0.0e+00;
	v20 =	vperm.xlane v14, v3;
	v16 =	vperm.xlane v18, v8;
	v33 =	vld [tilespmem:s16+$0xFFFFFF90]  }
0x262: {  	v38 =	vld [tilespmem:s15+$0x0];
	v11 =	vperm.xlane v19, v6;
	v10 =	vadd.f32 v30, v10;
	v39 =	vunpack.i.u.bf16.f32 v13  }
0x263: {  	v27 =	vunpack.i.l.bf16.f32 v24;
	v13 =	vunpack.i.l.bf16.f32 v13;
	v26 =	vmul.f32 v26, v39  }
0x264: {  	v25 =	vmul.f32 v25, v27;
	v13 =	vmul.f32 v21, v13;
	v21 =	vsel vm9, v23, v40  }
0x265: {  	v23 =	vmul.f32 $2.000000030e-01, v10;
	v21 =	vmul.f32 $1.442695020e+00, v21  }
0x266: {  	vm10 =	vge.f32 v10, $0.0e+00;
	v22 =	vadd.f32 v22, v37;
	[tilespmem:s14+$0x18] =	vst v26;
	v26 =	vunpack.i.l.bf16.f32 v33  }
0x267: {  	[tilespmem:s14+$0x8] =	vst v13;
	v13 =	vadd.f32 v38, v31;
	v10 =	vsel vm10, v10, v23;
	(erf) = vpow2.f32 v21  }
0x268: {  	v23 =	vunpack.i.u.bf16.f32 v24;
	v21 =	vld [tilespmem:s16+$0x10];
	v24 =	vmul.f32 $2.000000030e-01, v22;
	v10 =	vmul.f32 $1.442695020e+00, v10  }
0x269: {  	[tilespmem:s14+$0xA0] =	vst v12;
	vm1 =	vge.f32 v22, $0.0e+00;
	v12 =	vmul.f32 v28, v23;
	v20 =	vmul.f32 v20, v26  }
0x26a: {  	[tilespmem:s14+$0x90] =	vst v9;
	v9 =	vmul.f32 $2.000000030e-01, v13;
	vm11 =	vge.f32 v13, $0.0e+00;
	v22 =	vsel vm1, v22, v24  }
0x26b: {  	[tilespmem:s14+$0xFFFFFFA0] =	vst v25;
	(erf) = vpow2.f32 v10;
	v10 =	vunpack.i.u.bf16.f32 v33;
	v22 =	vmul.f32 $1.442695020e+00, v22  }
0x26c: {  	v23 =	vperm.xlane v18, v3;
	[tilespmem:s14+$0xFFFFFFB0] =	vst v12;
	v12 =	vld [tilespmem:s16+$0x50];
	v9 =	vsel vm11, v13, v9;
	v10 =	vmul.f32 v32, v10  }
0x26d: {  	v24 =	vld [tilespmem:s16+$0xFFFFFFE0];
	v9 =	vmul.f32 $1.442695020e+00, v9;
	v13 =	vunpack.i.u.bf16.f32 v21;
	(erf) = vpow2.f32 v22  }
0x26e: {  	[tilespmem:s14+$0xFFFFFF18] =	vst v20;
	v22 =	vperm.xlane v18, v5;
	v20 =	vunpack.i.l.bf16.f32 v21;
	v21 =	vperm.xlane v17, v4  }
0x26f: {  	s17 =	simm.s32 $0x4EC0;
	[tilespmem:s14+$0xFFFFFF28] =	vst v10;
	v13 =	vmul.f32 v36, v13;
	v10 =	vmul.f32 v23, v20  }
0x270: {  	s18 =	simm.s32 $0x5140;
	v41 =	vld [tilespmem:s17+$0xFFFFFFF0];
	(erf) = vpow2.f32 v9;
	v23 =	vperm.xlane v18, v6  }
0x271: {  	v43 =	vld [tilespmem:s18+$0xFFFFFFF0];
	v18 =	vperm.xlane v18, v7;
	v25 =	vunpack.i.l.bf16.f32 v12;
	v12 =	vunpack.i.u.bf16.f32 v12;
	[tilespmem:s14+$0x38] =	vst v13  }
0x272: {  	v20 =	vld [tilespmem:s16+$0xFFFFFFA0];
	v13 =	vperm.xlane v17, v3;
	[tilespmem:s14+$0x28] =	vst v10;
	v10 =	vunpack.i.l.bf16.f32 v24;
	v21 =	vmul.f32 v21, v12  }
0x273: {  	v12 =	vunpack.i.u.bf16.f32 v24;
	v24 =	vperm.xlane v14, v7;
	v27 =	vmul.f32 v29, v10  }
0x274: {  	v9 =	vpop (erf);
	v30 =	vmul.f32 v11, v12;
	v25 =	vmul.f32 v13, v25  }
0x275: {  	v62 =	vld [tilespmem:s17+$0x0];
	v29 =	vperm.xlane v9, v1;
	v49 =	vperm.xlane v9, v2  }
0x276: {  	v63 =	vld [tilespmem:s18+$0x0];
	v41 =	vadd.f32 v43, v41;
	v59 =	vperm.xlane v9, v3;
	v45 =	vperm.xlane v9, v4  }
0x277: {  	v26 =	vld [tilespmem:s16+$0x20];
	v47 =	vperm.xlane v9, v5;
	v48 =	vperm.xlane v9, v6;
	v10 =	vunpack.i.u.bf16.f32 v20  }
0x278: {  	s13 =	simm.s32 $0x6F50;
	v11 =	vunpack.i.l.bf16.f32 v20;
	v20 =	vperm.xlane v19, v7;
	v19 =	vperm.xlane v19, v8  }
0x279: {  	[tilespmem:s13+$0xFFFFFF78] =	vst v9;
	v13 =	vpop (erf);
	v31 =	vmul.f32 v35, v10;
	v50 =	vmul.f32 v34, v11  }
0x27a: {  	s15 =	simm.s32 $0x54A0;
	[tilespmem:s14+$0xB0] =	vst v25;
	v25 =	vmul.f32 $2.000000030e-01, v41;
	v51 =	vperm.xlane v13, v2  }
0x27b: {  	v62 =	vadd.f32 v63, v62;
	v28 =	vld [tilespmem:s15+$0xFFFFFFC0];
	[tilespmem:s13+$0xFFFFFEF0] =	vst v13;
	v55 =	vperm.xlane v13, v1;
	v35 =	vperm.xlane v13, v3  }
0x27c: {  	v32 =	vperm.xlane v13, v4;
	v10 =	vpop (erf);
	v54 =	vunpack.i.u.bf16.f32 v26;
	[tilespmem:s14+$0xFFFFFF38] =	vst v50;
	v50 =	vperm.xlane v13, v5  }
0x27d: {  	v52 =	vld [tilespmem:s15+$0xFFFFFF80];
	v26 =	vunpack.i.l.bf16.f32 v26;
	v53 =	vperm.xlane v10, v2;
	v12 =	vperm.xlane v10, v6  }
0x27e: {  	vm12 =	vge.f32 v41, $0.0e+00;
	[tilespmem:s14+$0xC0] =	vst v21;
	v33 =	vmul.f32 v23, v54;
	v40 =	vmul.f32 v22, v26  }
0x27f: {  	[tilespmem:s14+$0xFFFFFF48] =	vst v31;
	v25 =	vsel vm12, v41, v25;
	v11 =	vpop (erf);
	v22 =	vperm.xlane v17, v7;
	v34 =	vperm.xlane v10, v4  }
0x280: {  	[tilespmem:s13+$0x88] =	vst v10;
	v31 =	vld [tilespmem:s16+$0xFFFFFFB0];
	v25 =	vmul.f32 $1.442695020e+00, v25;
	v23 =	vunpack.i.l.bf16.f32 v28;
	v37 =	vperm.xlane v11, v1  }
0x281: {  	[tilespmem:s14+$0xFFFFFFD0] =	vst v30;
	v56 =	vld [tilespmem:s15+$0x40];
	v28 =	vunpack.i.u.bf16.f32 v28;
	v42 =	vperm.xlane v11, v2;
	v26 =	vmul.f32 v29, v23  }
0x282: {  	v44 =	vld [tilespmem:s17+$0xFFFFFFE0];
	[tilespmem:s13+$0x0] =	vst v11;
	v28 =	vmul.f32 v49, v28;
	v29 =	vperm.xlane v10, v1;
	v23 =	vunpack.i.l.bf16.f32 v52  }
0x283: {  	[tilespmem:s14+$0xFFFFFFC0] =	vst v27;
	v61 =	vld [tilespmem:s15+$0x0];
	(erf) = vpow2.f32 v25;
	v14 =	vunpack.i.u.bf16.f32 v52;
	v57 =	vmul.f32 v55, v23  }
0x284: {  	v46 =	vld [tilespmem:s18+$0x10];
	vm14 =	vge.f32 v62, $0.0e+00;
	[tilespmem:s13+$0xFFFFFF90] =	vst v28;
	v23 =	vperm.xlane v17, v8;
	v21 =	vmul.f32 v51, v14  }
0x285: {  	[tilespmem:s13+$0xFFFFFF80] =	vst v26;
	v52 =	vld [tilespmem:s16+$0x60];
	v26 =	vunpack.i.l.bf16.f32 v31;
	v14 =	vperm.xlane v11, v8;
	v17 =	vperm.xlane v17, v5  }
0x286: {  	[tilespmem:s14+$0x58] =	vst v33;
	v36 =	vld [tilespmem:s15+$0xFFFFFFD0];
	v51 =	vperm.xlane v13, v6;
	v31 =	vunpack.i.u.bf16.f32 v31;
	v58 =	vunpack.i.u.bf16.f32 v56  }
0x287: {  	[tilespmem:s14+$0x48] =	vst v40;
	v28 =	vunpack.i.l.bf16.f32 v56;
	v24 =	vmul.f32 v24, v26;
	v26 =	vld [tilespmem:s18+$0xFFFFFFE0];
	v31 =	vmul.f32 v60, v31  }
0x288: {  	v56 =	vld [tilespmem:s16+$0x30];
	v28 =	vmul.f32 v29, v28;
	v29 =	vmul.f32 v53, v58;
	[tilespmem:s13+$0xFFFFFEF8] =	vst v57;
	v54 =	vunpack.i.u.bf16.f32 v61  }
0x289: {  	[tilespmem:s13+$0xFFFFFF08] =	vst v21;
	v53 =	vperm.xlane v11, v4;
	v57 =	vld [tilespmem:s17+$0x10];
	v58 =	vunpack.i.l.bf16.f32 v61;
	v42 =	vmul.f32 v42, v54  }
0x28a: {  	v49 =	vld [tilespmem:s15+$0xFFFFFF90];
	v33 =	vmul.f32 v37, v58;
	v58 =	vperm.xlane v11, v6;
	[tilespmem:s13+$0x90] =	vst v28;
	v28 =	vunpack.i.l.bf16.f32 v52  }
0x28b: {  	[tilespmem:s14+$0xFFFFFF58] =	vst v24;
	v63 =	vunpack.i.u.bf16.f32 v52;
	v21 =	vunpack.i.l.bf16.f32 v36;
	v17 =	vmul.f32 v17, v28  }
0x28c: {  	[tilespmem:s13+$0xA0] =	vst v29;
	v29 =	vld [tilespmem:s16+$0xFFFFFFF0];
	v15 =	vmul.f32 v15, v63;
	v30 =	vadd.f32 v26, v44;
	v26 =	vperm.xlane v11, v5  }
0x28d: {  	[tilespmem:s13+$0x18] =	vst v42;
	v24 =	vunpack.i.u.bf16.f32 v36;
	v21 =	vmul.f32 v59, v21;
	v59 =	vperm.xlane v11, v3  }
0x28e: {  	[tilespmem:s13+$0x8] =	vst v33;
	v54 =	vadd.f32 v46, v57;
	v57 =	vunpack.i.u.bf16.f32 v56;
	vm13 =	vge.f32 v30, $0.0e+00  }
0x28f: {  	v60 =	vunpack.i.l.bf16.f32 v49;
	v61 =	vmul.f32 $2.000000030e-01, v30;
	[tilespmem:s13+$0xFFFFFFA0] =	vst v21;
	v21 =	vmul.f32 v45, v24  }
0x290: {  	[tilespmem:s14+$0xD0] =	vst v17;
	v17 =	vunpack.i.u.bf16.f32 v49;
	v16 =	vmul.f32 v16, v57;
	v55 =	vmul.f32 $2.000000030e-01, v54  }
0x291: {  	v27 =	vld [tilespmem:s15+$0x10];
	[tilespmem:s14+$0xE0] =	vst v15;
	vm15 =	vge.f32 v54, $0.0e+00;
	v17 =	vmul.f32 v32, v17;
	v15 =	vunpack.i.u.bf16.f32 v29  }
0x292: {  	[tilespmem:s14+$0xFFFFFF68] =	vst v31;
	v31 =	vld [tilespmem:s15+$0x50];
	v29 =	vunpack.i.l.bf16.f32 v29;
	v25 =	vsel vm13, v30, v61;
	v30 =	vmul.f32 $2.000000030e-01, v62  }
0x293: {  	v20 =	vmul.f32 v20, v29;
	v25 =	vmul.f32 $1.442695020e+00, v25;
	v28 =	vsel vm15, v54, v55  }
0x294: {  	[tilespmem:s13+$0xFFFFFFB0] =	vst v21;
	v24 =	vsel vm14, v62, v30;
	v30 =	vmul.f32 v35, v60;
	v21 =	vmul.f32 $1.442695020e+00, v28  }
0x295: {  	[tilespmem:s14+$0x78] =	vst v16;
	v60 =	vmul.f32 v19, v15;
	(erf) = vpow2.f32 v25  }
0x296: {  	[tilespmem:s13+$0xFFFFFF28] =	vst v17;
	v16 =	vpop (erf);
	v25 =	vunpack.i.l.bf16.f32 v27;
	v27 =	vunpack.i.u.bf16.f32 v27;
	v17 =	vmul.f32 $1.442695020e+00, v24  }
0x297: {  	v28 =	vld [tilespmem:s15+$0xFFFFFFE0];
	v24 =	vunpack.i.l.bf16.f32 v31;
	v33 =	vperm.xlane v16, v1;
	v25 =	vmul.f32 v59, v25;
	[tilespmem:s13+$0xFFFFFF18] =	vst v30  }
0x298: {  	v27 =	vmul.f32 v53, v27;
	v30 =	vunpack.i.l.bf16.f32 v56;
	(erf) = vpow2.f32 v21;
	v59 =	vld [tilespmem:s15+$0xFFFFFFA0]  }
0x299: {  	v21 =	vperm.xlane v10, v3;
	(erf) = vpow2.f32 v17;
	v17 =	vunpack.i.u.bf16.f32 v31;
	v31 =	vld [tilespmem:s16+$0x70]  }
0x29a: {  	v35 =	vperm.xlane v16, v2;
	v15 =	vmul.f32 v18, v30;
	[tilespmem:s13+$0x38] =	vst v27  }
0x29b: {  	v21 =	vmul.f32 v21, v24;
	[tilespmem:s13+$0x28] =	vst v25;
	v17 =	vmul.f32 v34, v17  }
0x29c: {  	[tilespmem:s14+$0xFFFFFFE0] =	vst v20;
	s16 =	simm.s32 $0x7170;
	v25 =	vperm.xlane v13, v7;
	v18 =	vunpack.i.l.bf16.f32 v28;
	v19 =	vunpack.i.u.bf16.f32 v28;
	v28 =	vld [tilespmem:s15+$0x20]  }
0x29d: {  	s18 =	simm.s32 $0x55A0;
	[tilespmem:s16+$0xFFFFFF78] =	vst v16;
	v24 =	vmul.f32 v47, v18;
	v27 =	vmul.f32 v48, v19  }
0x29e: {  	v61 =	vld [tilespmem:s18+$0xFFFFFFC0];
	[tilespmem:s13+$0xC0] =	vst v17;
	v18 =	vunpack.i.u.bf16.f32 v59;
	v17 =	vunpack.i.l.bf16.f32 v59;
	v20 =	vunpack.i.l.bf16.f32 v31  }
0x29f: {  	[tilespmem:s14+$0x68] =	vst v15;
	v34 =	vmul.f32 v51, v18;
	v15 =	vmul.f32 v50, v17;
	v17 =	vunpack.i.u.bf16.f32 v31;
	v19 =	vpop (erf)  }
0x2a0: {  	v62 =	vmul.f32 v22, v20;
	v32 =	vmul.f32 v23, v17;
	[tilespmem:s16+$0xFFFFFEF0] =	vst v19  }
0x2a1: {  	v23 =	vunpack.i.u.bf16.f32 v28;
	v30 =	vperm.xlane v19, v2;
	v18 =	vpop (erf);
	[tilespmem:s13+$0xFFFFFF38] =	vst v15;
	v36 =	vperm.xlane v19, v1;
	v31 =	vld [tilespmem:s18+$0xFFFFFF80]  }
0x2a2: {  	v63 =	vunpack.i.l.bf16.f32 v28;
	v15 =	vperm.xlane v9, v7;
	v37 =	vmul.f32 v58, v23;
	[tilespmem:s16+$0x88] =	vst v18  }
0x2a3: {  	s19 =	simm.s32 $0x8;
	[tilespmem:s14+$0xFFFFFFF0] =	vst v60;
	v22 =	vunpack.i.u.bf16.f32 v61;
	v26 =	vmul.f32 v26, v63;
	v29 =	vperm.xlane v18, v2;
	v20 =	vpop (erf);
	v23 =	vld [tilespmem:s18+$0x40]  }
0x2a4: {  	s20 =	simm.s32 $0x5180;
	s21 =	simm.s32 $0x4F00;
	s17 =	simm.s32 $0x55A0;
	v38 =	vunpack.i.l.bf16.f32 v61;
	[tilespmem:s14+$0xF0] =	vst v62;
	v17 =	vperm.xlane v18, v6;
	v28 =	vperm.xlane v20, v1  }
.LBB2_10:
0x2a5: {  	s19 =	sadd.s32 $0x4, s19;
	v33 =	vmul.f32 v33, v38;
	v35 =	vmul.f32 v35, v22;
	[tilespmem:s13+$0xFFFFFF48] =	vst v34  }
0x2a6: {  	v38 =	vperm.xlane v18, v1;
	v22 =	vperm.xlane v10, v7;
	p0 =	slt.u32 s19, $0x24;
	v34 =	vunpack.i.l.bf16.f32 v31;
	v39 =	vld [tilespmem:s15+$0xFFFFFFB0];
	[tilespmem:s13+$0xFFFFFFD0] =	vst v27  }
0x2a7: {  	v27 =	vperm.xlane v9, v8;
	v9 =	vmov v16;
	v34 =	vmul.f32 v36, v34;
	[tilespmem:s16+$0xFFFFFF90] =	vst v35  }
0x2a8: {  	v16 =	vld [tilespmem:s21+$0xFFFFFFE0];
	v35 =	vunpack.i.u.bf16.f32 v23;
	v36 =	vunpack.i.l.bf16.f32 v23;
	[tilespmem:s13+$0x58] =	vst v37;
	v23 =	vperm.xlane v10, v8  }
0x2a9: {  	v40 =	vperm.xlane v20, v2;
	v37 =	vld [tilespmem:s21+$0xFFFFFFF0];
	[tilespmem:s16+$0xFFFFFF80] =	vst v33;
	v33 =	vperm.xlane v9, v3  }
0x2aa: {  	v36 =	vmul.f32 v38, v36;
	v35 =	vmul.f32 v29, v35;
	v41 =	vld [tilespmem:s18+$0xFFFFFFD0];
	[tilespmem:s13+$0x48] =	vst v26  }
0x2ab: {  	v38 =	vld [tilespmem:s20+$0x10];
	v42 =	vunpack.i.u.bf16.f32 v39;
	v26 =	vunpack.i.l.bf16.f32 v39;
	v39 =	vperm.xlane v13, v8;
	[tilespmem:s14+$0x100] =	vst v32;
	v13 =	vmovc v19;
	s14 =	smov.u32 s13;
	s13 =	smov.u32 s16  }
0x2ac: {  	v32 =	vperm.xlane v9, v4;
	v19 =	vld [tilespmem:s20+$0xFFFFFFF0];
	[tilespmem:s16+$0xFFFFFEF8] =	vst v34;
	v25 =	vmul.f32 v25, v26  }
0x2ad: {  	v29 =	vperm.xlane v9, v5;
	v26 =	vunpack.i.u.bf16.f32 v31;
	v31 =	vperm.xlane v13, v3;
	v34 =	vld [tilespmem:s21+$0x0];
	[tilespmem:s16+$0x0] =	vst v20  }
0x2ae: {  	v43 =	vperm.xlane v13, v4;
	v26 =	vmul.f32 v30, v26;
	v44 =	vld [tilespmem:s18+$0x0];
	[tilespmem:s14+$0xFFFFFFC0] =	vst v24  }
0x2af: {  	v45 =	vperm.xlane v20, v8;
	v24 =	vld [tilespmem:s20+$0xFFFFFFE0];
	[tilespmem:s14+$0xFFFFFF58] =	vst v25;
	v25 =	vperm.xlane v11, v7;
	v11 =	vmov v20  }
0x2b0: {  	v48 =	vperm.xlane v10, v5;
	v10 =	vmovc v18;
	v46 =	vunpack.i.l.bf16.f32 v41;
	v20 =	vperm.xlane v9, v6;
	[tilespmem:s16+$0xFFFFFF08] =	vst v26;
	v47 =	vld [tilespmem:s15+$0x30]  }
0x2b1: {  	v18 =	vperm.xlane v13, v5;
	v30 =	vperm.xlane v13, v6;
	v49 =	vld [tilespmem:s18+$0xFFFFFF90];
	[tilespmem:s14+$0xB0] =	vst v21  }
0x2b2: {  	v26 =	vperm.xlane v11, v5;
	v19 =	vadd.f32 v19, v37;
	v21 =	vperm.xlane v11, v4;
	[tilespmem:s16+$0x90] =	vst v36;
	v36 =	vld [tilespmem:s15+$0x60]  }
0x2b3: {  	v37 =	vld [tilespmem:s20+$0x0];
	v50 =	vunpack.i.u.bf16.f32 v44;
	v44 =	vunpack.i.l.bf16.f32 v44;
	[tilespmem:s16+$0xA0] =	vst v35;
	v35 =	vperm.xlane v10, v4  }
0x2b4: {  	v16 =	vadd.f32 v24, v16;
	v24 =	vmul.f32 $2.000000030e-01, v19;
	v51 =	vld [tilespmem:s21+$0x10];
	v40 =	vmul.f32 v40, v50  }
0x2b5: {  	v33 =	vmul.f32 v33, v46;
	vm0 =	vge.f32 v19, $0.0e+00;
	v28 =	vmul.f32 v28, v44;
	v44 =	vld [tilespmem:s15+$0xFFFFFFF0]  }
0x2b6: {  	v39 =	vmul.f32 v39, v42;
	v19 =	vsel vm0, v19, v24;
	[tilespmem:s16+$0x18] =	vst v40;
	v24 =	vperm.xlane v11, v3  }
0x2b7: {  	vm0 =	vge.f32 v16, $0.0e+00;
	v40 =	vunpack.i.l.bf16.f32 v49;
	v19 =	vmul.f32 $1.442695020e+00, v19;
	[tilespmem:s16+$0x8] =	vst v28  }
0x2b8: {  	v28 =	vmul.f32 $2.000000030e-01, v16;
	v34 =	vadd.f32 v37, v34;
	[tilespmem:s16+$0xFFFFFFA0] =	vst v33;
	v33 =	vld [tilespmem:s18+$0x10];
	v37 =	vunpack.i.u.bf16.f32 v36  }
0x2b9: {  	v38 =	vadd.f32 v38, v51;
	(erf) = vpow2.f32 v19;
	v19 =	vunpack.i.u.bf16.f32 v41;
	[tilespmem:s14+$0xFFFFFF68] =	vst v39  }
0x2ba: {  	s16 =	sadd.s32 $0x220, s16;
	v36 =	vunpack.i.l.bf16.f32 v36;
	v16 =	vsel vm0, v16, v28;
	v28 =	vmul.f32 $2.000000030e-01, v34  }
0x2bb: {  	s18 =	sadd.s32 $0x100, s18;
	v36 =	vmul.f32 v48, v36;
	vm0 =	vge.f32 v34, $0.0e+00;
	v39 =	vmul.f32 $2.000000030e-01, v38  }
0x2bc: {  	v16 =	vmul.f32 $1.442695020e+00, v16;
	v19 =	vmul.f32 v32, v19;
	vm1 =	vge.f32 v38, $0.0e+00  }
0x2bd: {  	v28 =	vsel vm0, v34, v28;
	v32 =	vsel vm1, v38, v39;
	v34 =	vunpack.i.u.bf16.f32 v33;
	[tilespmem:s14+$0xD0] =	vst v36  }
0x2be: {  	(erf) = vpow2.f32 v16;
	v16 =	vunpack.i.l.bf16.f32 v33;
	v33 =	vmul.f32 v12, v37;
	v12 =	vmovc v17  }
0x2bf: {  	v31 =	vmul.f32 v31, v40;
	v17 =	vunpack.i.u.bf16.f32 v49;
	[tilespmem:s13+$0xFFFFFFB0] =	vst v19;
	v19 =	vmul.f32 v24, v16;
	v24 =	vld [tilespmem:s17+$0x50]  }
0x2c0: {  	v32 =	vmul.f32 $1.442695020e+00, v32;
	v37 =	vunpack.i.u.bf16.f32 v47;
	v17 =	vmul.f32 v43, v17;
	v36 =	vld [tilespmem:s17+$0xFFFFFFE0];
	[tilespmem:s14+$0xE0] =	vst v33  }
0x2c1: {  	v38 =	vperm.xlane v11, v6;
	v21 =	vmul.f32 v21, v34;
	[tilespmem:s13+$0xFFFFFF18] =	vst v31;
	v31 =	vunpack.i.l.bf16.f32 v47  }
0x2c2: {  	v16 =	vpop (erf);
	(erf) = vpow2.f32 v32;
	[tilespmem:s13+$0xFFFFFF28] =	vst v17;
	v17 =	vunpack.i.u.bf16.f32 v44;
	v32 =	vmul.f32 v14, v37  }
0x2c3: {  	v28 =	vmul.f32 $1.442695020e+00, v28;
	v37 =	vunpack.i.l.bf16.f32 v44;
	v14 =	vmovc v45;
	v34 =	vld [tilespmem:s17+$0xFFFFFFA0];
	[tilespmem:s13+$0x38] =	vst v21;
	v21 =	vperm.xlane v10, v3  }
0x2c4: {  	v39 =	vmul.f32 v27, v17;
	v17 =	vmul.f32 v25, v31;
	v33 =	vunpack.i.l.bf16.f32 v24;
	[tilespmem:s14+$0x78] =	vst v32  }
0x2c5: {  	v24 =	vunpack.i.u.bf16.f32 v24;
	(erf) = vpow2.f32 v28;
	v21 =	vmul.f32 v21, v33;
	v28 =	vld [tilespmem:s15+$0x70];
	s15 =	smov.u32 s17;
	s17 =	smov.u32 s18  }
0x2c6: {  	v27 =	vunpack.i.u.bf16.f32 v36;
	v31 =	vunpack.i.l.bf16.f32 v36;
	v32 =	vmul.f32 v35, v24;
	[tilespmem:s13+$0x28] =	vst v19  }
0x2c7: {  	v25 =	vperm.xlane v13, v7;
	v24 =	vmul.f32 v29, v31;
	[tilespmem:s16+$0xFFFFFF78] =	vst v16;
	v19 =	vpop (erf);
	v40 =	vld [tilespmem:s15+$0x20]  }
0x2c8: {  	v33 =	vperm.xlane v16, v1;
	v27 =	vmul.f32 v20, v27;
	v41 =	vld [tilespmem:s18+$0xFFFFFFC0];
	v29 =	vunpack.i.u.bf16.f32 v34;
	[tilespmem:s13+$0xC0] =	vst v32  }
0x2c9: {  	v15 =	vmul.f32 v15, v37;
	v20 =	vunpack.i.l.bf16.f32 v34;
	v34 =	vmul.f32 v30, v29;
	[tilespmem:s14+$0x68] =	vst v17  }
0x2ca: {  	v35 =	vperm.xlane v16, v2;
	v17 =	vmul.f32 v18, v20;
	[tilespmem:s16+$0xFFFFFEF0] =	vst v19;
	v20 =	vunpack.i.u.bf16.f32 v28  }
.Ltmp4:
0x2cb: {  	v30 =	vperm.xlane v19, v2;
	v18 =	vpop (erf);
	[tilespmem:s14+$0xFFFFFFE0] =	vst v15;
	v15 =	vunpack.i.l.bf16.f32 v28;
	v32 =	vmul.f32 v23, v20;
	(pc) =	sbr.rel @p0 .LBB2_10-.Ltmp4, $4  }
0x2cc: {  	v31 =	vld [tilespmem:s18+$0xFFFFFF80];
	v29 =	vperm.xlane v18, v2;
	[tilespmem:s13+$0xFFFFFF38] =	vst v17;
	v28 =	vunpack.i.u.bf16.f32 v40;
	v42 =	vmul.f32 v22, v15  }
0x2cd: {  	v36 =	vperm.xlane v19, v1;
	v15 =	vperm.xlane v9, v7;
	v22 =	vunpack.i.u.bf16.f32 v41;
	[tilespmem:s16+$0x88] =	vst v18  }
0x2ce: {  	v17 =	vperm.xlane v18, v6;
	v40 =	vunpack.i.l.bf16.f32 v40;
	v37 =	vmul.f32 v38, v28;
	v23 =	vld [tilespmem:s18+$0x40];
	v20 =	vpop (erf);
	[tilespmem:s14+$0xF0] =	vst v42  }
0x2cf: {  	s20 =	sadd.s32 $0x40, s20;
	s21 =	sadd.s32 $0x40, s21;
	v38 =	vunpack.i.l.bf16.f32 v41;
	v26 =	vmul.f32 v26, v40;
	v28 =	vperm.xlane v20, v1;
	[tilespmem:s14+$0xFFFFFFF0] =	vst v39  }
0x2d0: {  	[tilespmem:s13+$0xFFFFFF48] =	vst v34  }
0x2d1: {  	v22 =	vmul.f32 v35, v22;
	[tilespmem:s13+$0xFFFFFFD0] =	vst v27  }
0x2d2: {  	[tilespmem:s13+$0x58] =	vst v37  }
0x2d3: {  	[tilespmem:s16+$0xFFFFFF90] =	vst v22;
	v22 =	vld [tilespmem:s15+$0xFFFFFFB0]  }
0x2d4: {  	v27 =	vmul.f32 v33, v38;
	[tilespmem:s16+$0x0] =	vst v20  }
0x2d5: {  	[tilespmem:s13+$0x48] =	vst v26  }
0x2d6: {  	v26 =	vld [tilespmem:s18+$0x0];
	[tilespmem:s16+$0xFFFFFF80] =	vst v27;
	v27 =	vunpack.i.l.bf16.f32 v31  }
0x2d7: {  	[tilespmem:s14+$0x100] =	vst v32;
	v27 =	vmul.f32 v36, v27  }
0x2d8: {  	[tilespmem:s13+$0xFFFFFFC0] =	vst v24;
	v59 =	vunpack.i.l.bf16.f32 v22  }
0x2d9: {  	v31 =	vunpack.i.u.bf16.f32 v31;
	v60 =	vld [tilespmem:s18+$0xFFFFFFD0];
	[tilespmem:s16+$0xFFFFFEF8] =	vst v27;
	v27 =	vperm.xlane v18, v1;
	v25 =	vmul.f32 v25, v59  }
0x2da: {  	v61 =	vperm.xlane v20, v2;
	[tilespmem:s13+$0xB0] =	vst v21;
	v24 =	vunpack.i.l.bf16.f32 v23;
	v30 =	vmul.f32 v30, v31  }
0x2db: {  	v21 =	vmul.f32 v27, v24;
	v24 =	vld [tilespmem:s15+$0x60];
	[tilespmem:s13+$0xFFFFFF58] =	vst v25;
	v25 =	vunpack.i.u.bf16.f32 v26  }
0x2dc: {  	[tilespmem:s16+$0xFFFFFF08] =	vst v30;
	v26 =	vunpack.i.l.bf16.f32 v26;
	v25 =	vmul.f32 v61, v25  }
0x2dd: {  	v23 =	vunpack.i.u.bf16.f32 v23;
	v30 =	vld [tilespmem:s18+$0xFFFFFF90];
	v27 =	vperm.xlane v16, v3;
	[tilespmem:s16+$0x90] =	vst v21;
	v21 =	vmul.f32 v28, v26  }
0x2de: {  	v13 =	vperm.xlane v13, v8;
	v23 =	vmul.f32 v29, v23;
	v26 =	vunpack.i.l.bf16.f32 v60;
	[tilespmem:s16+$0x18] =	vst v25  }
0x2df: {  	v22 =	vunpack.i.u.bf16.f32 v22;
	v26 =	vmul.f32 v27, v26;
	v25 =	vperm.xlane v10, v5;
	[tilespmem:s16+$0x8] =	vst v21  }
0x2e0: {  	[tilespmem:s16+$0xA0] =	vst v23;
	v13 =	vmul.f32 v13, v22;
	v23 =	vunpack.i.l.bf16.f32 v24;
	v21 =	vperm.xlane v16, v4;
	v22 =	vld [tilespmem:s18+$0x10]  }
0x2e1: {  	v27 =	vperm.xlane v19, v3;
	[tilespmem:s16+$0xFFFFFFA0] =	vst v26;
	v26 =	vunpack.i.u.bf16.f32 v60;
	v23 =	vmul.f32 v25, v23  }
0x2e2: {  	[tilespmem:s13+$0xFFFFFF68] =	vst v13;
	v28 =	vld [tilespmem:s15+$0x30];
	v29 =	vunpack.i.l.bf16.f32 v30;
	v25 =	vperm.xlane v19, v4;
	v13 =	vmul.f32 v21, v26  }
0x2e3: {  	v21 =	vunpack.i.u.bf16.f32 v30;
	v26 =	vld [tilespmem:s17+$0x50];
	[tilespmem:s13+$0xD0] =	vst v23;
	v23 =	vmul.f32 v27, v29  }
0x2e4: {  	v24 =	vunpack.i.u.bf16.f32 v24;
	v27 =	vperm.xlane v20, v4;
	[tilespmem:s16+$0xFFFFFFB0] =	vst v13;
	v13 =	vmul.f32 v25, v21  }
0x2e5: {  	v12 =	vmul.f32 v12, v24;
	v21 =	vperm.xlane v20, v3;
	v25 =	vunpack.i.u.bf16.f32 v22;
	[tilespmem:s16+$0xFFFFFF18] =	vst v23  }
0x2e6: {  	v23 =	vld [tilespmem:s15+$0xFFFFFFF0];
	v22 =	vunpack.i.l.bf16.f32 v22;
	[tilespmem:s16+$0xFFFFFF28] =	vst v13;
	v24 =	vmul.f32 v27, v25  }
0x2e7: {  	[tilespmem:s13+$0xE0] =	vst v12;
	v13 =	vperm.xlane v18, v4;
	v21 =	vmul.f32 v21, v22;
	v22 =	vunpack.i.u.bf16.f32 v28;
	v12 =	vld [tilespmem:s17+$0xFFFFFFA0]  }
0x2e8: {  	v14 =	vmul.f32 v14, v22;
	v22 =	vperm.xlane v18, v3;
	[tilespmem:s16+$0x38] =	vst v24;
	v24 =	vunpack.i.u.bf16.f32 v26  }
0x2e9: {  	v11 =	vperm.xlane v11, v7;
	v25 =	vld [tilespmem:s17+$0xFFFFFFE0];
	v26 =	vunpack.i.l.bf16.f32 v26;
	[tilespmem:s16+$0x28] =	vst v21;
	v13 =	vmul.f32 v13, v24  }
0x2ea: {  	v21 =	vunpack.i.l.bf16.f32 v28;
	[tilespmem:s13+$0x78] =	vst v14;
	v14 =	vmul.f32 v22, v26;
	v22 =	vld [tilespmem:s17+$0x20]  }
0x2eb: {  	v24 =	vperm.xlane v19, v5;
	v11 =	vmul.f32 v11, v21;
	v26 =	vunpack.i.l.bf16.f32 v23;
	[tilespmem:s16+$0xC0] =	vst v13  }
0x2ec: {  	v13 =	vperm.xlane v19, v6;
	v21 =	vunpack.i.l.bf16.f32 v12;
	v15 =	vmul.f32 v15, v26;
	[tilespmem:s16+$0xB0] =	vst v14  }
0x2ed: {  	v14 =	vperm.xlane v16, v6;
	v12 =	vunpack.i.u.bf16.f32 v12;
	[tilespmem:s13+$0x68] =	vst v11;
	v11 =	vmul.f32 v24, v21;
	v21 =	vld [tilespmem:s17+$0x60]  }
0x2ee: {  	v26 =	vunpack.i.u.bf16.f32 v25;
	v24 =	vperm.xlane v20, v6;
	v12 =	vmul.f32 v13, v12;
	[tilespmem:s13+$0xFFFFFFE0] =	vst v15  }
0x2ef: {  	v13 =	vperm.xlane v20, v5;
	v15 =	vld [tilespmem:s15+$0x70];
	v14 =	vmul.f32 v14, v26;
	[tilespmem:s16+$0xFFFFFF38] =	vst v11;
	v11 =	vunpack.i.u.bf16.f32 v22  }
0x2f0: {  	v26 =	vperm.xlane v16, v5;
	v22 =	vunpack.i.l.bf16.f32 v22;
	v11 =	vmul.f32 v24, v11;
	[tilespmem:s16+$0xFFFFFF48] =	vst v12  }
0x2f1: {  	v12 =	vunpack.i.l.bf16.f32 v25;
	v13 =	vmul.f32 v13, v22;
	[tilespmem:s16+$0xFFFFFFD0] =	vst v14;
	v14 =	vperm.xlane v18, v5  }
0x2f2: {  	v12 =	vmul.f32 v26, v12;
	v22 =	vld [tilespmem:s17+$0xFFFFFFB0];
	[tilespmem:s16+$0x58] =	vst v11;
	v11 =	vunpack.i.l.bf16.f32 v21  }
0x2f3: {  	v24 =	vperm.xlane v10, v7;
	[tilespmem:s16+$0x48] =	vst v13;
	v13 =	vunpack.i.u.bf16.f32 v21;
	v11 =	vmul.f32 v14, v11  }
0x2f4: {  	v9 =	vperm.xlane v9, v8;
	v14 =	vunpack.i.l.bf16.f32 v15;
	[tilespmem:s16+$0xFFFFFFC0] =	vst v12;
	v12 =	vld [tilespmem:s17+$0x30];
	v13 =	vmul.f32 v17, v13  }
0x2f5: {  	v10 =	vperm.xlane v10, v8;
	v17 =	vunpack.i.u.bf16.f32 v23;
	v14 =	vmul.f32 v24, v14;
	[tilespmem:s16+$0xD0] =	vst v11  }
0x2f6: {  	v15 =	vunpack.i.u.bf16.f32 v15;
	v9 =	vmul.f32 v9, v17;
	v17 =	vld [tilespmem:s17+$0xFFFFFFF0];
	v11 =	vperm.xlane v19, v7;
	[tilespmem:s16+$0xE0] =	vst v13  }
0x2f7: {  	v10 =	vmul.f32 v10, v15;
	[tilespmem:s13+$0xF0] =	vst v14;
	v13 =	vunpack.i.l.bf16.f32 v22;
	v14 =	vperm.xlane v19, v8;
	v15 =	vld [tilespmem:s17+$0x70]  }
0x2f8: {  	v19 =	vperm.xlane v20, v8;
	[tilespmem:s13+$0xFFFFFFF0] =	vst v9;
	v9 =	vunpack.i.u.bf16.f32 v22;
	v11 =	vmul.f32 v11, v13  }
0x2f9: {  	[tilespmem:s13+$0x100] =	vst v10;
	v10 =	vperm.xlane v20, v7;
	v9 =	vmul.f32 v14, v9;
	v13 =	vunpack.i.u.bf16.f32 v12  }
0x2fa: {  	v14 =	vperm.xlane v16, v7;
	[tilespmem:s16+$0xFFFFFF58] =	vst v11;
	v11 =	vunpack.i.l.bf16.f32 v12;
	v12 =	vmul.f32 v19, v13  }
0x2fb: {  	v13 =	vperm.xlane v18, v7;
	[tilespmem:s16+$0xFFFFFF68] =	vst v9;
	v9 =	vunpack.i.l.bf16.f32 v17;
	v10 =	vmul.f32 v10, v11  }
0x2fc: {  	v11 =	vperm.xlane v16, v8;
	[tilespmem:s16+$0x78] =	vst v12;
	v9 =	vmul.f32 v14, v9;
	v12 =	vunpack.i.l.bf16.f32 v15  }
0x2fd: {  	v16 =	vunpack.i.u.bf16.f32 v17;
	v14 =	vperm.xlane v18, v8;
	[tilespmem:s16+$0x68] =	vst v10;
	v10 =	vmul.f32 v13, v12  }
0x2fe: {  	v11 =	vmul.f32 v11, v16;
	v12 =	vunpack.i.u.bf16.f32 v15;
	[tilespmem:s16+$0xFFFFFFE0] =	vst v9  }
0x2ff: {  	v9 =	vmul.f32 v14, v12;
	[tilespmem:s16+$0xF0] =	vst v10  }
0x300: {  	[tilespmem:s16+$0xFFFFFFF0] =	vst v11  }
0x301: {  	[tilespmem:s16+$0x100] =	vst v9;
	s16 =	simm.s32 $0x4DD0  }
0x302: {  	[spmem:s2] =	stream.indirect.scatter.add.f32 [tilespmem:s30], [sflag:$0x3], $0x88, s16, s31, $0xb8;
	[tilespmem:$0x1D560] =	vst v63  }
0x303: {  	_ =	swait.ge [sflag:s28], $0x1540  }
0x304: {  	[sflag:s28] =	ssyncset.done $0x0  }
0x305: {  	[sflag:s28] =	ssyncadd.s32 $0xFFFFEAC0  }
0x306: {  	_ =	swait.ge [sflag:s11], $0x280  }
0x307: {  	[sflag:s11] =	ssyncset.done $0x0  }
0x308: {  	[sflag:s11] =	ssyncadd.s32 $0xFFFFFD80  }
0x309: {  	_ =	swait.ge [sflag:s11], $0x280  }
0x30a: {  	[sflag:s11] =	ssyncset.done $0x0  }
0x30b: {  	[sflag:s11] =	ssyncadd.s32 $0xFFFFFD80  }
0x30c: {  	_ =	swait.ge [sflag:s11], $0xA00  }
0x30d: {  	[sflag:s11] =	ssyncset.done $0x0  }
0x30e: {  	s17 =	simm.s32 $0x5D40;
	[sflag:s11] =	ssyncadd.s32 $0xFFFFF600  }
0x30f: {  	s18 =	simm.s32 $0x5FC0;
	v9 =	vld [tilespmem:s17+$0xFFFFFFF0]  }
0x310: {  	v10 =	vld [tilespmem:s18+$0xFFFFFFF0];
	_ =	sdelay $0x2  }
0x311: {  	v11 =	vld [tilespmem:s17+$0xFFFFFFE0]  }
0x312: {  	v13 =	vld [tilespmem:s18+$0xFFFFFFE0]  }
0x313: {  	v12 =	vld [tilespmem:s18+$0x10];
	v9 =	vadd.f32 v10, v9  }
0x314: {  	v10 =	vld [tilespmem:s17+$0x10]  }
0x315: {  	v14 =	vmul.f32 $2.000000030e-01, v9  }
0x316: {  	vm0 =	vge.f32 v9, $0.0e+00  }
0x317: {  	v15 =	vld [tilespmem:s17+$0x0];
	v11 =	vadd.f32 v13, v11;
	v9 =	vsel vm0, v9, v14  }
0x318: {  	v13 =	vld [tilespmem:s18+$0x0];
	v9 =	vmul.f32 $1.442695020e+00, v9  }
0x319: {  	v10 =	vadd.f32 v12, v10;
	v12 =	vmul.f32 $2.000000030e-01, v11  }
0x31a: {  	vm6 =	vge.f32 v11, $0.0e+00;
	(erf) = vpow2.f32 v9  }
0x31b: {  	v9 =	vmul.f32 $2.000000030e-01, v10;
	v11 =	vsel vm6, v11, v12  }
0x31c: {  	vm7 =	vge.f32 v10, $0.0e+00;
	v11 =	vmul.f32 $1.442695020e+00, v11  }
0x31d: {  	s20 =	simm.s32 $0x5D80;
	v9 =	vsel vm7, v10, v9;
	v10 =	vadd.f32 v13, v15  }
0x31e: {  	s21 =	simm.s32 $0x6000;
	v23 =	vld [tilespmem:s20+$0xFFFFFFF0];
	(erf) = vpow2.f32 v11  }
0x31f: {  	v27 =	vld [tilespmem:s21+$0xFFFFFFF0];
	v9 =	vmul.f32 $1.442695020e+00, v9;
	v11 =	vmul.f32 $2.000000030e-01, v10  }
0x320: {  	vm8 =	vge.f32 v10, $0.0e+00  }
0x321: {  	(erf) = vpow2.f32 v9;
	v9 =	vsel vm8, v10, v11  }
0x322: {  	v9 =	vmul.f32 $1.442695020e+00, v9  }
0x323: {  	s14 =	simm.s32 $0x6D30;
	v19 =	vpop (erf)  }
0x324: {  	s19 =	simm.s32 $0x62A0;
	v23 =	vadd.f32 v27, v23;
	(erf) = vpow2.f32 v9;
	[tilespmem:s14+$0xFFFFFF78] =	vst v19  }
0x325: {  	v9 =	vld [tilespmem:s19+$0xFFFFFFC0]  }
0x326: {  	v40 =	vmul.f32 $2.000000030e-01, v23;
	v10 =	vperm.xlane v19, v2  }
0x327: {  	v12 =	vperm.xlane v19, v1;
	v25 =	vperm.xlane v19, v3;
	v14 =	vpop (erf)  }
0x328: {  	v28 =	vperm.xlane v19, v4;
	v29 =	vperm.xlane v19, v5;
	[tilespmem:s14+$0xFFFFFEF0] =	vst v14  }
0x329: {  	v20 =	vperm.xlane v14, v1;
	v62 =	vperm.xlane v14, v4;
	v11 =	vld [tilespmem:s19+$0xFFFFFF80]  }
0x32a: {  	v44 =	vperm.xlane v14, v5;
	v45 =	vperm.xlane v14, v6;
	v17 =	vpop (erf);
	v13 =	vunpack.i.u.bf16.f32 v9  }
0x32b: {  	v30 =	vld [tilespmem:s21+$0xFFFFFFE0];
	v60 =	vperm.xlane v14, v8;
	[tilespmem:s14+$0x88] =	vst v17;
	v10 =	vmul.f32 v10, v13  }
0x32c: {  	v15 =	vperm.xlane v17, v6;
	v16 =	vld [tilespmem:s19+$0x40];
	v9 =	vunpack.i.l.bf16.f32 v9;
	v13 =	vperm.xlane v14, v2  }
0x32d: {  	v31 =	vld [tilespmem:s20+$0x0];
	v9 =	vmul.f32 v12, v9;
	v12 =	vperm.xlane v17, v2;
	v18 =	vpop (erf);
	[tilespmem:s14+$0xFFFFFF90] =	vst v10  }
0x32e: {  	v10 =	vld [tilespmem:s20+$0xFFFFFFE0];
	v21 =	vperm.xlane v18, v1;
	v22 =	vunpack.i.l.bf16.f32 v11;
	v11 =	vunpack.i.u.bf16.f32 v11;
	[tilespmem:s14+$0x0] =	vst v18  }
0x32f: {  	[tilespmem:s14+$0xFFFFFF80] =	vst v9;
	v20 =	vmul.f32 v20, v22;
	v11 =	vmul.f32 v13, v11;
	v13 =	vld [tilespmem:s19+$0x0]  }
0x330: {  	v9 =	vperm.xlane v17, v1;
	v26 =	vperm.xlane v18, v2;
	v24 =	vld [tilespmem:s19+$0xFFFFFFD0]  }
0x331: {  	v47 =	vld [tilespmem:s20+$0x10];
	v46 =	vperm.xlane v18, v4;
	v22 =	vunpack.i.u.bf16.f32 v16;
	v16 =	vunpack.i.l.bf16.f32 v16;
	[tilespmem:s14+$0xFFFFFEF8] =	vst v20  }
0x332: {  	v9 =	vmul.f32 v9, v16;
	v12 =	vmul.f32 v12, v22;
	v22 =	vld [tilespmem:s21+$0x10];
	[tilespmem:s14+$0xFFFFFF08] =	vst v11  }
0x333: {  	vm9 =	vge.f32 v23, $0.0e+00;
	v20 =	vperm.xlane v14, v3;
	v16 =	vperm.xlane v18, v8;
	v63 =	vld [tilespmem:s19+$0xFFFFFF90]  }
0x334: {  	v48 =	vld [tilespmem:s21+$0x0];
	v11 =	vperm.xlane v19, v6;
	v10 =	vadd.f32 v30, v10;
	v39 =	vunpack.i.u.bf16.f32 v13  }
0x335: {  	v27 =	vunpack.i.l.bf16.f32 v24;
	v13 =	vunpack.i.l.bf16.f32 v13;
	v26 =	vmul.f32 v26, v39  }
0x336: {  	v25 =	vmul.f32 v25, v27;
	v13 =	vmul.f32 v21, v13;
	v21 =	vsel vm9, v23, v40  }
0x337: {  	v23 =	vmul.f32 $2.000000030e-01, v10;
	v21 =	vmul.f32 $1.442695020e+00, v21  }
0x338: {  	vm10 =	vge.f32 v10, $0.0e+00;
	v22 =	vadd.f32 v22, v47;
	[tilespmem:s14+$0x18] =	vst v26;
	v26 =	vunpack.i.l.bf16.f32 v63  }
0x339: {  	[tilespmem:s14+$0x8] =	vst v13;
	v13 =	vadd.f32 v48, v31;
	v10 =	vsel vm10, v10, v23;
	(erf) = vpow2.f32 v21  }
0x33a: {  	v23 =	vunpack.i.u.bf16.f32 v24;
	v24 =	vmul.f32 $2.000000030e-01, v22;
	v10 =	vmul.f32 $1.442695020e+00, v10  }
0x33b: {  	[tilespmem:s14+$0xA0] =	vst v12;
	v21 =	vld [tilespmem:s19+$0x10];
	v12 =	vmul.f32 v28, v23;
	v20 =	vmul.f32 v20, v26  }
0x33c: {  	[tilespmem:s14+$0x90] =	vst v9;
	vm1 =	vge.f32 v22, $0.0e+00;
	v23 =	vperm.xlane v18, v3;
	v9 =	vmul.f32 $2.000000030e-01, v13  }
0x33d: {  	[tilespmem:s14+$0xFFFFFFA0] =	vst v25;
	vm11 =	vge.f32 v13, $0.0e+00;
	v22 =	vsel vm1, v22, v24;
	(erf) = vpow2.f32 v10  }
0x33e: {  	v10 =	vunpack.i.u.bf16.f32 v63;
	[tilespmem:s14+$0xFFFFFFB0] =	vst v12;
	v12 =	vld [tilespmem:s19+$0x50];
	v22 =	vmul.f32 $1.442695020e+00, v22;
	v9 =	vsel vm11, v13, v9  }
0x33f: {  	v10 =	vmul.f32 v62, v10;
	v24 =	vld [tilespmem:s19+$0xFFFFFFE0];
	v9 =	vmul.f32 $1.442695020e+00, v9  }
0x340: {  	v13 =	vunpack.i.u.bf16.f32 v21;
	(erf) = vpow2.f32 v22;
	v22 =	vperm.xlane v18, v5  }
0x341: {  	[tilespmem:s14+$0xFFFFFF18] =	vst v20;
	v20 =	vunpack.i.l.bf16.f32 v21;
	v21 =	vperm.xlane v17, v4;
	v13 =	vmul.f32 v46, v13  }
0x342: {  	[tilespmem:s14+$0xFFFFFF28] =	vst v10;
	v10 =	vmul.f32 v23, v20;
	(erf) = vpow2.f32 v9  }
0x343: {  	s23 =	simm.s32 $0x5DC0;
	v23 =	vperm.xlane v18, v6;
	v18 =	vperm.xlane v18, v7;
	v25 =	vunpack.i.l.bf16.f32 v12;
	[tilespmem:s14+$0x38] =	vst v13  }
0x344: {  	v41 =	vld [tilespmem:s23+$0xFFFFFFF0];
	v12 =	vunpack.i.u.bf16.f32 v12;
	v13 =	vperm.xlane v17, v3;
	[tilespmem:s14+$0x28] =	vst v10;
	v10 =	vunpack.i.l.bf16.f32 v24  }
0x345: {  	s24 =	simm.s32 $0x6040;
	v20 =	vld [tilespmem:s19+$0xFFFFFFA0];
	v21 =	vmul.f32 v21, v12;
	v12 =	vunpack.i.u.bf16.f32 v24;
	v24 =	vperm.xlane v14, v7  }
0x346: {  	v43 =	vld [tilespmem:s24+$0xFFFFFFF0];
	v9 =	vpop (erf);
	v27 =	vmul.f32 v29, v10;
	v30 =	vmul.f32 v11, v12  }
0x347: {  	v25 =	vmul.f32 v13, v25;
	v29 =	vperm.xlane v9, v1  }
0x348: {  	v49 =	vperm.xlane v9, v2;
	v59 =	vperm.xlane v9, v3  }
0x349: {  	v47 =	vperm.xlane v9, v5;
	v48 =	vperm.xlane v9, v6  }
0x34a: {  	v26 =	vld [tilespmem:s19+$0x20];
	v10 =	vunpack.i.u.bf16.f32 v20;
	v11 =	vunpack.i.l.bf16.f32 v20;
	v20 =	vperm.xlane v19, v7  }
0x34b: {  	s13 =	simm.s32 $0x6F50;
	v41 =	vadd.f32 v43, v41;
	v63 =	vld [tilespmem:s24+$0x0];
	v19 =	vperm.xlane v19, v8;
	v31 =	vmul.f32 v45, v10  }
0x34c: {  	v62 =	vld [tilespmem:s23+$0x0];
	[tilespmem:s13+$0xFFFFFF78] =	vst v9;
	v13 =	vpop (erf);
	v50 =	vmul.f32 v44, v11;
	v45 =	vperm.xlane v9, v4  }
0x34d: {  	s15 =	simm.s32 $0x63A0;
	[tilespmem:s14+$0xB0] =	vst v25;
	v25 =	vmul.f32 $2.000000030e-01, v41;
	v51 =	vperm.xlane v13, v2  }
0x34e: {  	vm12 =	vge.f32 v41, $0.0e+00;
	v28 =	vld [tilespmem:s15+$0xFFFFFFC0];
	[tilespmem:s13+$0xFFFFFEF0] =	vst v13;
	v55 =	vperm.xlane v13, v1;
	v35 =	vperm.xlane v13, v3  }
0x34f: {  	v32 =	vperm.xlane v13, v4;
	v10 =	vpop (erf);
	v54 =	vunpack.i.u.bf16.f32 v26;
	[tilespmem:s14+$0xFFFFFF38] =	vst v50;
	v50 =	vperm.xlane v13, v5  }
0x350: {  	v52 =	vld [tilespmem:s15+$0xFFFFFF80];
	v26 =	vunpack.i.l.bf16.f32 v26;
	v53 =	vperm.xlane v10, v2;
	v12 =	vperm.xlane v10, v6  }
0x351: {  	v62 =	vadd.f32 v63, v62;
	[tilespmem:s14+$0xC0] =	vst v21;
	v33 =	vmul.f32 v23, v54;
	v40 =	vmul.f32 v22, v26  }
0x352: {  	[tilespmem:s14+$0xFFFFFF48] =	vst v31;
	v25 =	vsel vm12, v41, v25;
	v11 =	vpop (erf);
	v22 =	vperm.xlane v17, v7;
	v34 =	vperm.xlane v10, v4  }
0x353: {  	[tilespmem:s13+$0x88] =	vst v10;
	v31 =	vld [tilespmem:s19+$0xFFFFFFB0];
	v25 =	vmul.f32 $1.442695020e+00, v25;
	v23 =	vunpack.i.l.bf16.f32 v28;
	v37 =	vperm.xlane v11, v1  }
0x354: {  	[tilespmem:s14+$0xFFFFFFD0] =	vst v30;
	v56 =	vld [tilespmem:s15+$0x40];
	v28 =	vunpack.i.u.bf16.f32 v28;
	v42 =	vperm.xlane v11, v2;
	v26 =	vmul.f32 v29, v23  }
0x355: {  	v46 =	vld [tilespmem:s24+$0x10];
	[tilespmem:s13+$0x0] =	vst v11;
	v28 =	vmul.f32 v49, v28;
	v29 =	vperm.xlane v10, v1;
	v23 =	vunpack.i.l.bf16.f32 v52  }
0x356: {  	[tilespmem:s14+$0xFFFFFFC0] =	vst v27;
	v61 =	vld [tilespmem:s15+$0x0];
	(erf) = vpow2.f32 v25;
	v14 =	vunpack.i.u.bf16.f32 v52;
	v57 =	vmul.f32 v55, v23  }
0x357: {  	vm14 =	vge.f32 v62, $0.0e+00;
	v44 =	vld [tilespmem:s23+$0xFFFFFFE0];
	[tilespmem:s13+$0xFFFFFF90] =	vst v28;
	v23 =	vperm.xlane v17, v8;
	v21 =	vmul.f32 v51, v14  }
0x358: {  	[tilespmem:s13+$0xFFFFFF80] =	vst v26;
	v52 =	vld [tilespmem:s19+$0x60];
	v26 =	vunpack.i.l.bf16.f32 v31;
	v14 =	vperm.xlane v11, v8;
	v17 =	vperm.xlane v17, v5  }
0x359: {  	[tilespmem:s14+$0x58] =	vst v33;
	v36 =	vld [tilespmem:s15+$0xFFFFFFD0];
	v51 =	vperm.xlane v13, v6;
	v31 =	vunpack.i.u.bf16.f32 v31;
	v58 =	vunpack.i.u.bf16.f32 v56  }
0x35a: {  	[tilespmem:s14+$0x48] =	vst v40;
	v28 =	vunpack.i.l.bf16.f32 v56;
	v24 =	vmul.f32 v24, v26;
	v26 =	vld [tilespmem:s24+$0xFFFFFFE0];
	v31 =	vmul.f32 v60, v31  }
0x35b: {  	v56 =	vld [tilespmem:s19+$0x30];
	v28 =	vmul.f32 v29, v28;
	v29 =	vmul.f32 v53, v58;
	[tilespmem:s13+$0xFFFFFEF8] =	vst v57;
	v54 =	vunpack.i.u.bf16.f32 v61  }
0x35c: {  	[tilespmem:s13+$0xFFFFFF08] =	vst v21;
	v53 =	vperm.xlane v11, v4;
	v57 =	vld [tilespmem:s23+$0x10];
	v58 =	vunpack.i.l.bf16.f32 v61;
	v42 =	vmul.f32 v42, v54  }
0x35d: {  	v49 =	vld [tilespmem:s15+$0xFFFFFF90];
	v33 =	vmul.f32 v37, v58;
	v58 =	vperm.xlane v11, v6;
	[tilespmem:s13+$0x90] =	vst v28;
	v28 =	vunpack.i.l.bf16.f32 v52  }
0x35e: {  	[tilespmem:s14+$0xFFFFFF58] =	vst v24;
	v63 =	vunpack.i.u.bf16.f32 v52;
	v21 =	vunpack.i.l.bf16.f32 v36;
	v17 =	vmul.f32 v17, v28  }
0x35f: {  	[tilespmem:s13+$0xA0] =	vst v29;
	v29 =	vld [tilespmem:s19+$0xFFFFFFF0];
	v15 =	vmul.f32 v15, v63;
	v30 =	vadd.f32 v26, v44;
	v26 =	vperm.xlane v11, v5  }
0x360: {  	[tilespmem:s13+$0x18] =	vst v42;
	v24 =	vunpack.i.u.bf16.f32 v36;
	v21 =	vmul.f32 v59, v21;
	v59 =	vperm.xlane v11, v3  }
0x361: {  	[tilespmem:s13+$0x8] =	vst v33;
	v54 =	vadd.f32 v46, v57;
	v57 =	vunpack.i.u.bf16.f32 v56;
	vm13 =	vge.f32 v30, $0.0e+00  }
0x362: {  	v60 =	vunpack.i.l.bf16.f32 v49;
	v61 =	vmul.f32 $2.000000030e-01, v30;
	[tilespmem:s13+$0xFFFFFFA0] =	vst v21;
	v21 =	vmul.f32 v45, v24  }
0x363: {  	[tilespmem:s14+$0xD0] =	vst v17;
	v17 =	vunpack.i.u.bf16.f32 v49;
	v16 =	vmul.f32 v16, v57;
	v55 =	vmul.f32 $2.000000030e-01, v54  }
0x364: {  	v27 =	vld [tilespmem:s15+$0x10];
	[tilespmem:s14+$0xE0] =	vst v15;
	vm15 =	vge.f32 v54, $0.0e+00;
	v17 =	vmul.f32 v32, v17;
	v15 =	vunpack.i.u.bf16.f32 v29  }
0x365: {  	[tilespmem:s14+$0xFFFFFF68] =	vst v31;
	v31 =	vld [tilespmem:s15+$0x50];
	v29 =	vunpack.i.l.bf16.f32 v29;
	v25 =	vsel vm13, v30, v61;
	v30 =	vmul.f32 $2.000000030e-01, v62  }
0x366: {  	v20 =	vmul.f32 v20, v29;
	v25 =	vmul.f32 $1.442695020e+00, v25;
	v28 =	vsel vm15, v54, v55  }
0x367: {  	[tilespmem:s13+$0xFFFFFFB0] =	vst v21;
	v24 =	vsel vm14, v62, v30;
	v30 =	vmul.f32 v35, v60;
	v21 =	vmul.f32 $1.442695020e+00, v28  }
0x368: {  	[tilespmem:s14+$0x78] =	vst v16;
	v60 =	vmul.f32 v19, v15;
	(erf) = vpow2.f32 v25  }
0x369: {  	[tilespmem:s13+$0xFFFFFF28] =	vst v17;
	v16 =	vpop (erf);
	v25 =	vunpack.i.l.bf16.f32 v27;
	v27 =	vunpack.i.u.bf16.f32 v27;
	v17 =	vmul.f32 $1.442695020e+00, v24  }
0x36a: {  	v28 =	vld [tilespmem:s15+$0xFFFFFFE0];
	v24 =	vunpack.i.l.bf16.f32 v31;
	v33 =	vperm.xlane v16, v1;
	v25 =	vmul.f32 v59, v25;
	[tilespmem:s13+$0xFFFFFF18] =	vst v30  }
0x36b: {  	v27 =	vmul.f32 v53, v27;
	v30 =	vunpack.i.l.bf16.f32 v56;
	(erf) = vpow2.f32 v21;
	v59 =	vld [tilespmem:s15+$0xFFFFFFA0]  }
0x36c: {  	v21 =	vperm.xlane v10, v3;
	(erf) = vpow2.f32 v17;
	v17 =	vunpack.i.u.bf16.f32 v31;
	v31 =	vld [tilespmem:s19+$0x70]  }
0x36d: {  	v35 =	vperm.xlane v16, v2;
	v15 =	vmul.f32 v18, v30;
	[tilespmem:s13+$0x38] =	vst v27  }
0x36e: {  	v21 =	vmul.f32 v21, v24;
	[tilespmem:s13+$0x28] =	vst v25;
	v17 =	vmul.f32 v34, v17  }
0x36f: {  	s16 =	simm.s32 $0x7170;
	[tilespmem:s14+$0xFFFFFFE0] =	vst v20;
	v25 =	vperm.xlane v13, v7;
	v18 =	vunpack.i.l.bf16.f32 v28;
	v19 =	vunpack.i.u.bf16.f32 v28;
	v28 =	vld [tilespmem:s15+$0x20]  }
0x370: {  	s18 =	simm.s32 $0x64A0;
	[tilespmem:s16+$0xFFFFFF78] =	vst v16;
	v24 =	vmul.f32 v47, v18;
	v27 =	vmul.f32 v48, v19  }
0x371: {  	v61 =	vld [tilespmem:s18+$0xFFFFFFC0];
	[tilespmem:s13+$0xC0] =	vst v17;
	v18 =	vunpack.i.u.bf16.f32 v59;
	v17 =	vunpack.i.l.bf16.f32 v59;
	v20 =	vunpack.i.l.bf16.f32 v31  }
0x372: {  	[tilespmem:s14+$0x68] =	vst v15;
	v34 =	vmul.f32 v51, v18;
	v15 =	vmul.f32 v50, v17;
	v17 =	vunpack.i.u.bf16.f32 v31;
	v19 =	vpop (erf)  }
0x373: {  	v62 =	vmul.f32 v22, v20;
	v32 =	vmul.f32 v23, v17;
	[tilespmem:s16+$0xFFFFFEF0] =	vst v19  }
0x374: {  	v23 =	vunpack.i.u.bf16.f32 v28;
	v30 =	vperm.xlane v19, v2;
	v18 =	vpop (erf);
	[tilespmem:s13+$0xFFFFFF38] =	vst v15;
	v36 =	vperm.xlane v19, v1;
	v31 =	vld [tilespmem:s18+$0xFFFFFF80]  }
0x375: {  	v63 =	vunpack.i.l.bf16.f32 v28;
	v15 =	vperm.xlane v9, v7;
	v37 =	vmul.f32 v58, v23;
	[tilespmem:s16+$0x88] =	vst v18  }
0x376: {  	s17 =	simm.s32 $0x64A0;
	[tilespmem:s14+$0xFFFFFFF0] =	vst v60;
	v38 =	vunpack.i.l.bf16.f32 v61;
	v26 =	vmul.f32 v26, v63;
	v29 =	vperm.xlane v18, v2;
	v20 =	vpop (erf);
	v23 =	vld [tilespmem:s18+$0x40]  }
0x377: {  	s20 =	simm.s32 $0x6080;
	s21 =	simm.s32 $0x5E00;
	s19 =	simm.s32 $0x8;
	v22 =	vunpack.i.u.bf16.f32 v61;
	[tilespmem:s14+$0xF0] =	vst v62;
	v17 =	vperm.xlane v18, v6;
	v28 =	vperm.xlane v20, v1  }
.LBB2_12:
0x378: {  	s19 =	sadd.s32 $0x4, s19;
	v33 =	vmul.f32 v33, v38;
	v35 =	vmul.f32 v35, v22;
	[tilespmem:s13+$0xFFFFFF48] =	vst v34  }
0x379: {  	v38 =	vperm.xlane v18, v1;
	v22 =	vperm.xlane v10, v7;
	p0 =	slt.u32 s19, $0x24;
	v34 =	vunpack.i.l.bf16.f32 v31;
	v39 =	vld [tilespmem:s15+$0xFFFFFFB0];
	[tilespmem:s13+$0xFFFFFFD0] =	vst v27  }
0x37a: {  	v27 =	vperm.xlane v9, v8;
	v9 =	vmov v16;
	v34 =	vmul.f32 v36, v34;
	[tilespmem:s16+$0xFFFFFF90] =	vst v35  }
0x37b: {  	v16 =	vld [tilespmem:s21+$0xFFFFFFE0];
	v35 =	vunpack.i.u.bf16.f32 v23;
	v36 =	vunpack.i.l.bf16.f32 v23;
	[tilespmem:s13+$0x58] =	vst v37;
	v23 =	vperm.xlane v10, v8  }
0x37c: {  	v40 =	vperm.xlane v20, v2;
	v37 =	vld [tilespmem:s21+$0xFFFFFFF0];
	[tilespmem:s16+$0xFFFFFF80] =	vst v33;
	v33 =	vperm.xlane v9, v3  }
0x37d: {  	v36 =	vmul.f32 v38, v36;
	v35 =	vmul.f32 v29, v35;
	v41 =	vld [tilespmem:s18+$0xFFFFFFD0];
	[tilespmem:s13+$0x48] =	vst v26  }
0x37e: {  	v38 =	vld [tilespmem:s20+$0x10];
	v42 =	vunpack.i.u.bf16.f32 v39;
	v26 =	vunpack.i.l.bf16.f32 v39;
	v39 =	vperm.xlane v13, v8;
	[tilespmem:s14+$0x100] =	vst v32;
	v13 =	vmovc v19;
	s14 =	smov.u32 s13;
	s13 =	smov.u32 s16  }
0x37f: {  	v32 =	vperm.xlane v9, v4;
	v19 =	vld [tilespmem:s20+$0xFFFFFFF0];
	[tilespmem:s16+$0xFFFFFEF8] =	vst v34;
	v25 =	vmul.f32 v25, v26  }
0x380: {  	v29 =	vperm.xlane v9, v5;
	v26 =	vunpack.i.u.bf16.f32 v31;
	v31 =	vperm.xlane v13, v3;
	v34 =	vld [tilespmem:s21+$0x0];
	[tilespmem:s16+$0x0] =	vst v20  }
0x381: {  	v43 =	vperm.xlane v13, v4;
	v26 =	vmul.f32 v30, v26;
	v44 =	vld [tilespmem:s18+$0x0];
	[tilespmem:s14+$0xFFFFFFC0] =	vst v24  }
0x382: {  	v45 =	vperm.xlane v20, v8;
	v24 =	vld [tilespmem:s20+$0xFFFFFFE0];
	[tilespmem:s14+$0xFFFFFF58] =	vst v25;
	v25 =	vperm.xlane v11, v7;
	v11 =	vmov v20  }
0x383: {  	v48 =	vperm.xlane v10, v5;
	v10 =	vmovc v18;
	v46 =	vunpack.i.l.bf16.f32 v41;
	v20 =	vperm.xlane v9, v6;
	[tilespmem:s16+$0xFFFFFF08] =	vst v26;
	v47 =	vld [tilespmem:s15+$0x30]  }
0x384: {  	v18 =	vperm.xlane v13, v5;
	v30 =	vperm.xlane v13, v6;
	v49 =	vld [tilespmem:s18+$0xFFFFFF90];
	[tilespmem:s14+$0xB0] =	vst v21  }
0x385: {  	v26 =	vperm.xlane v11, v5;
	v19 =	vadd.f32 v19, v37;
	v21 =	vperm.xlane v11, v4;
	[tilespmem:s16+$0x90] =	vst v36;
	v36 =	vld [tilespmem:s15+$0x60]  }
0x386: {  	v37 =	vld [tilespmem:s20+$0x0];
	v50 =	vunpack.i.u.bf16.f32 v44;
	v44 =	vunpack.i.l.bf16.f32 v44;
	[tilespmem:s16+$0xA0] =	vst v35;
	v35 =	vperm.xlane v10, v4  }
0x387: {  	v16 =	vadd.f32 v24, v16;
	v24 =	vmul.f32 $2.000000030e-01, v19;
	v51 =	vld [tilespmem:s21+$0x10];
	v40 =	vmul.f32 v40, v50  }
0x388: {  	v33 =	vmul.f32 v33, v46;
	vm0 =	vge.f32 v19, $0.0e+00;
	v28 =	vmul.f32 v28, v44;
	v44 =	vld [tilespmem:s15+$0xFFFFFFF0]  }
0x389: {  	v39 =	vmul.f32 v39, v42;
	v19 =	vsel vm0, v19, v24;
	[tilespmem:s16+$0x18] =	vst v40;
	v24 =	vperm.xlane v11, v3  }
0x38a: {  	vm0 =	vge.f32 v16, $0.0e+00;
	v40 =	vunpack.i.l.bf16.f32 v49;
	v19 =	vmul.f32 $1.442695020e+00, v19;
	[tilespmem:s16+$0x8] =	vst v28  }
0x38b: {  	v28 =	vmul.f32 $2.000000030e-01, v16;
	v34 =	vadd.f32 v37, v34;
	[tilespmem:s16+$0xFFFFFFA0] =	vst v33;
	v33 =	vld [tilespmem:s18+$0x10];
	v37 =	vunpack.i.u.bf16.f32 v36  }
0x38c: {  	v38 =	vadd.f32 v38, v51;
	(erf) = vpow2.f32 v19;
	v19 =	vunpack.i.u.bf16.f32 v41;
	[tilespmem:s14+$0xFFFFFF68] =	vst v39  }
0x38d: {  	s16 =	sadd.s32 $0x220, s16;
	v36 =	vunpack.i.l.bf16.f32 v36;
	v16 =	vsel vm0, v16, v28;
	v28 =	vmul.f32 $2.000000030e-01, v34  }
0x38e: {  	s18 =	sadd.s32 $0x100, s18;
	v36 =	vmul.f32 v48, v36;
	vm0 =	vge.f32 v34, $0.0e+00;
	v39 =	vmul.f32 $2.000000030e-01, v38  }
0x38f: {  	v16 =	vmul.f32 $1.442695020e+00, v16;
	v19 =	vmul.f32 v32, v19;
	vm1 =	vge.f32 v38, $0.0e+00  }
0x390: {  	v28 =	vsel vm0, v34, v28;
	v32 =	vsel vm1, v38, v39;
	v34 =	vunpack.i.u.bf16.f32 v33;
	[tilespmem:s14+$0xD0] =	vst v36  }
0x391: {  	(erf) = vpow2.f32 v16;
	v16 =	vunpack.i.l.bf16.f32 v33;
	v33 =	vmul.f32 v12, v37;
	v12 =	vmovc v17  }
0x392: {  	v31 =	vmul.f32 v31, v40;
	v17 =	vunpack.i.u.bf16.f32 v49;
	[tilespmem:s13+$0xFFFFFFB0] =	vst v19;
	v19 =	vmul.f32 v24, v16;
	v24 =	vld [tilespmem:s17+$0x50]  }
0x393: {  	v32 =	vmul.f32 $1.442695020e+00, v32;
	v37 =	vunpack.i.u.bf16.f32 v47;
	v17 =	vmul.f32 v43, v17;
	v36 =	vld [tilespmem:s17+$0xFFFFFFE0];
	[tilespmem:s14+$0xE0] =	vst v33  }
0x394: {  	v38 =	vperm.xlane v11, v6;
	v21 =	vmul.f32 v21, v34;
	[tilespmem:s13+$0xFFFFFF18] =	vst v31;
	v31 =	vunpack.i.l.bf16.f32 v47  }
0x395: {  	v16 =	vpop (erf);
	(erf) = vpow2.f32 v32;
	[tilespmem:s13+$0xFFFFFF28] =	vst v17;
	v17 =	vunpack.i.u.bf16.f32 v44;
	v32 =	vmul.f32 v14, v37  }
0x396: {  	v28 =	vmul.f32 $1.442695020e+00, v28;
	v37 =	vunpack.i.l.bf16.f32 v44;
	v14 =	vmovc v45;
	v34 =	vld [tilespmem:s17+$0xFFFFFFA0];
	[tilespmem:s13+$0x38] =	vst v21;
	v21 =	vperm.xlane v10, v3  }
0x397: {  	v39 =	vmul.f32 v27, v17;
	v17 =	vmul.f32 v25, v31;
	v33 =	vunpack.i.l.bf16.f32 v24;
	[tilespmem:s14+$0x78] =	vst v32  }
0x398: {  	v24 =	vunpack.i.u.bf16.f32 v24;
	(erf) = vpow2.f32 v28;
	v21 =	vmul.f32 v21, v33;
	v28 =	vld [tilespmem:s15+$0x70];
	s15 =	smov.u32 s17;
	s17 =	smov.u32 s18  }
0x399: {  	v27 =	vunpack.i.u.bf16.f32 v36;
	v31 =	vunpack.i.l.bf16.f32 v36;
	v32 =	vmul.f32 v35, v24;
	[tilespmem:s13+$0x28] =	vst v19  }
0x39a: {  	v25 =	vperm.xlane v13, v7;
	v24 =	vmul.f32 v29, v31;
	[tilespmem:s16+$0xFFFFFF78] =	vst v16;
	v19 =	vpop (erf);
	v40 =	vld [tilespmem:s15+$0x20]  }
0x39b: {  	v33 =	vperm.xlane v16, v1;
	v27 =	vmul.f32 v20, v27;
	v41 =	vld [tilespmem:s18+$0xFFFFFFC0];
	v29 =	vunpack.i.u.bf16.f32 v34;
	[tilespmem:s13+$0xC0] =	vst v32  }
0x39c: {  	v15 =	vmul.f32 v15, v37;
	v20 =	vunpack.i.l.bf16.f32 v34;
	v34 =	vmul.f32 v30, v29;
	[tilespmem:s14+$0x68] =	vst v17  }
0x39d: {  	v35 =	vperm.xlane v16, v2;
	v17 =	vmul.f32 v18, v20;
	[tilespmem:s16+$0xFFFFFEF0] =	vst v19;
	v20 =	vunpack.i.u.bf16.f32 v28  }
.Ltmp5:
0x39e: {  	v30 =	vperm.xlane v19, v2;
	v18 =	vpop (erf);
	[tilespmem:s14+$0xFFFFFFE0] =	vst v15;
	v15 =	vunpack.i.l.bf16.f32 v28;
	v32 =	vmul.f32 v23, v20;
	(pc) =	sbr.rel @p0 .LBB2_12-.Ltmp5, $4  }
0x39f: {  	v31 =	vld [tilespmem:s18+$0xFFFFFF80];
	v29 =	vperm.xlane v18, v2;
	[tilespmem:s13+$0xFFFFFF38] =	vst v17;
	v28 =	vunpack.i.u.bf16.f32 v40;
	v42 =	vmul.f32 v22, v15  }
0x3a0: {  	v36 =	vperm.xlane v19, v1;
	v15 =	vperm.xlane v9, v7;
	v22 =	vunpack.i.u.bf16.f32 v41;
	[tilespmem:s16+$0x88] =	vst v18  }
0x3a1: {  	v17 =	vperm.xlane v18, v6;
	v40 =	vunpack.i.l.bf16.f32 v40;
	v37 =	vmul.f32 v38, v28;
	v23 =	vld [tilespmem:s18+$0x40];
	v20 =	vpop (erf);
	[tilespmem:s14+$0xF0] =	vst v42  }
0x3a2: {  	s20 =	sadd.s32 $0x40, s20;
	s21 =	sadd.s32 $0x40, s21;
	v38 =	vunpack.i.l.bf16.f32 v41;
	v26 =	vmul.f32 v26, v40;
	v28 =	vperm.xlane v20, v1;
	[tilespmem:s14+$0xFFFFFFF0] =	vst v39  }
0x3a3: {  	[tilespmem:s13+$0xFFFFFF48] =	vst v34  }
0x3a4: {  	[tilespmem:s13+$0xFFFFFFD0] =	vst v27  }
0x3a5: {  	[tilespmem:s13+$0x58] =	vst v37  }
0x3a6: {  	[tilespmem:s16+$0x0] =	vst v20  }
0x3a7: {  	[tilespmem:s14+$0x100] =	vst v32  }
0x3a8: {  	[tilespmem:s13+$0xFFFFFFC0] =	vst v24  }
0x3a9: {  	v22 =	vmul.f32 v35, v22;
	[tilespmem:s13+$0xB0] =	vst v21;
	v53 =	vld [tilespmem:s15+$0xFFFFFFB0]  }
0x3aa: {  	v52 =	vmul.f32 v33, v38;
	v54 =	vunpack.i.l.bf16.f32 v31;
	[tilespmem:s13+$0x48] =	vst v26;
	v55 =	vld [tilespmem:s18+$0x0]  }
0x3ab: {  	v57 =	vperm.xlane v18, v1;
	v59 =	vunpack.i.u.bf16.f32 v31;
	[tilespmem:s16+$0xFFFFFF90] =	vst v22;
	v27 =	vmul.f32 v36, v54  }
0x3ac: {  	[tilespmem:s16+$0xFFFFFF80] =	vst v52;
	v30 =	vmul.f32 v30, v59;
	v60 =	vunpack.i.l.bf16.f32 v23  }
0x3ad: {  	v63 =	vld [tilespmem:s15+$0x60];
	v35 =	vunpack.i.u.bf16.f32 v23;
	[tilespmem:s16+$0xFFFFFEF8] =	vst v27;
	v62 =	vmul.f32 v57, v60  }
0x3ae: {  	[tilespmem:s16+$0xFFFFFF08] =	vst v30;
	v23 =	vmul.f32 v29, v35;
	v56 =	vunpack.i.l.bf16.f32 v53  }
0x3af: {  	v61 =	vperm.xlane v20, v2;
	v46 =	vld [tilespmem:s15+$0x30];
	v26 =	vunpack.i.l.bf16.f32 v55;
	[tilespmem:s16+$0x90] =	vst v62;
	v25 =	vmul.f32 v25, v56  }
0x3b0: {  	v13 =	vperm.xlane v13, v8;
	v30 =	vld [tilespmem:s18+$0xFFFFFF90];
	v34 =	vunpack.i.u.bf16.f32 v55;
	[tilespmem:s16+$0xA0] =	vst v23;
	v37 =	vmul.f32 v28, v26  }
0x3b1: {  	v39 =	vperm.xlane v10, v5;
	v22 =	vunpack.i.u.bf16.f32 v53;
	[tilespmem:s13+$0xFFFFFF58] =	vst v25;
	v25 =	vmul.f32 v61, v34  }
0x3b2: {  	v58 =	vld [tilespmem:s18+$0xFFFFFFD0];
	v42 =	vunpack.i.l.bf16.f32 v63;
	v13 =	vmul.f32 v13, v22;
	[tilespmem:s16+$0x8] =	vst v37  }
0x3b3: {  	v24 =	vunpack.i.u.bf16.f32 v63;
	v23 =	vmul.f32 v39, v42;
	[tilespmem:s16+$0x18] =	vst v25  }
0x3b4: {  	v43 =	vperm.xlane v19, v3;
	v12 =	vmul.f32 v12, v24;
	v59 =	vunpack.i.u.bf16.f32 v46;
	[tilespmem:s13+$0xFFFFFF68] =	vst v13;
	v41 =	vld [tilespmem:s18+$0x10]  }
0x3b5: {  	v45 =	vperm.xlane v19, v4;
	v14 =	vmul.f32 v14, v59;
	[tilespmem:s13+$0xD0] =	vst v23;
	v47 =	vunpack.i.l.bf16.f32 v30  }
0x3b6: {  	v36 =	vperm.xlane v16, v3;
	[tilespmem:s13+$0xE0] =	vst v12;
	v49 =	vunpack.i.u.bf16.f32 v30;
	v50 =	vmul.f32 v43, v47  }
0x3b7: {  	v40 =	vperm.xlane v16, v4;
	v51 =	vld [tilespmem:s17+$0x50];
	v38 =	vunpack.i.l.bf16.f32 v58;
	[tilespmem:s13+$0x78] =	vst v14;
	v53 =	vmul.f32 v45, v49  }
0x3b8: {  	v52 =	vperm.xlane v20, v4;
	v44 =	vunpack.i.u.bf16.f32 v58;
	v26 =	vmul.f32 v36, v38;
	[tilespmem:s16+$0xFFFFFF18] =	vst v50  }
0x3b9: {  	v54 =	vperm.xlane v20, v3;
	v56 =	vld [tilespmem:s15+$0xFFFFFFF0];
	v48 =	vmul.f32 v40, v44;
	[tilespmem:s16+$0xFFFFFF28] =	vst v53;
	v55 =	vunpack.i.u.bf16.f32 v41  }
0x3ba: {  	v11 =	vperm.xlane v11, v7;
	[tilespmem:s16+$0xFFFFFFA0] =	vst v26;
	v60 =	vld [tilespmem:s17+$0xFFFFFFA0];
	v22 =	vunpack.i.l.bf16.f32 v41;
	v57 =	vmul.f32 v52, v55  }
0x3bb: {  	v29 =	vunpack.i.l.bf16.f32 v46;
	v58 =	vperm.xlane v18, v4;
	[tilespmem:s16+$0xFFFFFFB0] =	vst v48;
	v21 =	vmul.f32 v54, v22  }
0x3bc: {  	v11 =	vmul.f32 v11, v29;
	v61 =	vperm.xlane v18, v3;
	v62 =	vunpack.i.u.bf16.f32 v51;
	v63 =	vld [tilespmem:s17+$0xFFFFFFE0];
	[tilespmem:s16+$0x38] =	vst v57  }
0x3bd: {  	v26 =	vunpack.i.l.bf16.f32 v51;
	v13 =	vmul.f32 v58, v62;
	[tilespmem:s16+$0x28] =	vst v21  }
0x3be: {  	v32 =	vperm.xlane v19, v5;
	[tilespmem:s13+$0x68] =	vst v11;
	v33 =	vunpack.i.l.bf16.f32 v56;
	v30 =	vmul.f32 v61, v26;
	v31 =	vld [tilespmem:s17+$0x20]  }
0x3bf: {  	v34 =	vperm.xlane v19, v6;
	v15 =	vmul.f32 v15, v33;
	[tilespmem:s16+$0xC0] =	vst v13;
	v35 =	vunpack.i.l.bf16.f32 v60  }
0x3c0: {  	v36 =	vperm.xlane v16, v6;
	[tilespmem:s16+$0xB0] =	vst v30;
	v12 =	vunpack.i.u.bf16.f32 v60;
	v11 =	vmul.f32 v32, v35  }
0x3c1: {  	v42 =	vperm.xlane v16, v5;
	[tilespmem:s13+$0xFFFFFFE0] =	vst v15;
	v37 =	vld [tilespmem:s17+$0x60];
	v39 =	vunpack.i.u.bf16.f32 v63;
	v12 =	vmul.f32 v34, v12  }
0x3c2: {  	v38 =	vperm.xlane v20, v6;
	v43 =	vunpack.i.l.bf16.f32 v63;
	v14 =	vmul.f32 v36, v39;
	[tilespmem:s16+$0xFFFFFF38] =	vst v11  }
0x3c3: {  	v40 =	vperm.xlane v20, v5;
	[tilespmem:s16+$0xFFFFFF48] =	vst v12;
	v12 =	vmul.f32 v42, v43;
	v11 =	vunpack.i.u.bf16.f32 v31  }
0x3c4: {  	v9 =	vperm.xlane v9, v8;
	v41 =	vld [tilespmem:s15+$0x70];
	[tilespmem:s16+$0xFFFFFFD0] =	vst v14;
	v22 =	vunpack.i.l.bf16.f32 v31;
	v11 =	vmul.f32 v38, v11  }
0x3c5: {  	v50 =	vunpack.i.u.bf16.f32 v56;
	v45 =	vld [tilespmem:s17+$0xFFFFFFB0];
	[tilespmem:s16+$0xFFFFFFC0] =	vst v12;
	v13 =	vmul.f32 v40, v22  }
0x3c6: {  	v44 =	vperm.xlane v18, v5;
	v9 =	vmul.f32 v9, v50;
	v47 =	vunpack.i.u.bf16.f32 v37;
	[tilespmem:s16+$0x58] =	vst v11  }
0x3c7: {  	v46 =	vperm.xlane v10, v7;
	v11 =	vunpack.i.l.bf16.f32 v37;
	[tilespmem:s16+$0x48] =	vst v13;
	v13 =	vmul.f32 v17, v47  }
0x3c8: {  	v10 =	vperm.xlane v10, v8;
	[tilespmem:s13+$0xFFFFFFF0] =	vst v9;
	v51 =	vld [tilespmem:s17+$0xFFFFFFF0];
	v11 =	vmul.f32 v44, v11  }
0x3c9: {  	v53 =	vperm.xlane v19, v8;
	v15 =	vunpack.i.u.bf16.f32 v41;
	v49 =	vld [tilespmem:s17+$0x30];
	[tilespmem:s16+$0xE0] =	vst v13  }
0x3ca: {  	v10 =	vmul.f32 v10, v15;
	v9 =	vunpack.i.u.bf16.f32 v45;
	[tilespmem:s16+$0xD0] =	vst v11;
	v11 =	vperm.xlane v19, v7  }
0x3cb: {  	v52 =	vunpack.i.l.bf16.f32 v45;
	v9 =	vmul.f32 v53, v9;
	v54 =	vld [tilespmem:s17+$0x70]  }
0x3cc: {  	v57 =	vperm.xlane v16, v7;
	v48 =	vunpack.i.l.bf16.f32 v41;
	[tilespmem:s13+$0x100] =	vst v10;
	v11 =	vmul.f32 v11, v52  }
0x3cd: {  	v14 =	vmul.f32 v46, v48;
	v10 =	vperm.xlane v20, v7;
	[tilespmem:s16+$0xFFFFFF68] =	vst v9;
	v9 =	vunpack.i.l.bf16.f32 v51  }
0x3ce: {  	v55 =	vperm.xlane v20, v8;
	v9 =	vmul.f32 v57, v9;
	[tilespmem:s16+$0xFFFFFF58] =	vst v11;
	v11 =	vunpack.i.l.bf16.f32 v49  }
0x3cf: {  	v59 =	vperm.xlane v18, v7;
	[tilespmem:s13+$0xF0] =	vst v14;
	v56 =	vunpack.i.u.bf16.f32 v49;
	v10 =	vmul.f32 v10, v11  }
0x3d0: {  	[tilespmem:s16+$0xFFFFFFE0] =	vst v9;
	v58 =	vmul.f32 v55, v56;
	v11 =	vperm.xlane v16, v8;
	v60 =	vunpack.i.l.bf16.f32 v54  }
0x3d1: {  	v61 =	vperm.xlane v18, v8;
	v62 =	vunpack.i.u.bf16.f32 v51;
	[tilespmem:s16+$0x68] =	vst v10;
	v10 =	vmul.f32 v59, v60  }
0x3d2: {  	[tilespmem:s16+$0x78] =	vst v58;
	v63 =	vunpack.i.u.bf16.f32 v54;
	v11 =	vmul.f32 v11, v62  }
0x3d3: {  	v9 =	vmul.f32 v61, v63;
	[tilespmem:s16+$0xF0] =	vst v10  }
0x3d4: {  	[tilespmem:s16+$0xFFFFFFF0] =	vst v11  }
0x3d5: {  	[tilespmem:s16+$0x100] =	vst v9  }
0x3d6: {  	[spmem:s2] =	stream.indirect.scatter.add.f32 [tilespmem:s30], [sflag:$0x3], $0x88, s22, s31, $0xb8;
	[tilespmem:$0x1D560] =	vst v63  }
0x3d7: {  	s23 =	stileid.u32;
	_ =	swait.ge [sflag:s28], $0x1540  }
0x3d8: {  	s24 =	sshrl.u32 s9, $0x3;
	s12 =	sadd.s32 $0x1, s12;
	[sflag:s28] =	ssyncset.done $0x0  }
0x3d9: {  	p0 =	sne.s32 s12, s26;
	s13 =	sshll.u32 s23, $0x6;
	[sflag:s28] =	ssyncadd.s32 $0xFFFFEAC0  }
.Ltmp6:
0x3da: {  	s13 =	sor.u32 $0x1C03, s13;
	[bflag:$0x0] =	sbarrier.arrive $0xFFFF;
	(pc) =	sbr.rel @p0 .LBB2_1-.Ltmp6, $4  }
0x3db: {  	[hbm:s25], [sflag:s13] =	dma.local [spmem:s24], $0x2A80  }
0x3dc: {  	_ =	swait.ge [sflag:s28], $0x2A80  }
0x3dd: {  	[sflag:s28] =	ssyncset.done $0x0  }
0x3de: {  	s15 =	simm.s32 $0x2710;
	[sflag:s28] =	ssyncadd.s32 $0xFFFFD580  }
0x3df: {  	_ =	sfence.sel $0x180000  }
0x3e0: {  	[bflag:$0x0] =	sbarrier.arrive $0xFFFF  }
0x3e1: {  	_ =	strace $0x90000047  }
0x3e2: {  	s0 =	stileid.u32;
	[bflag:$0x2] =	sbarrier.arrive $0xFFFF  }
0x3e3: {  	p0 =	sne.s32 s0, $0x0;
	s0 =	rddreg [dreg:$0x2]  }
0x3e4: {  	s0 =	sadd.s32 @!p0 $0x100000, s0  }
0x3e5: {  	[sflag:s0] =	ssyncadd.tile.s32 @!p0 $0x1;
	_ =	shalt  }
.Lfunc_end2:
_tile_overlayer_lowered:
.L_overlay_start_2:
0x3e6: {  	(tag) =	ssettag $0x2  }
0x3e7: {  	s0 =	rddreg [dreg:$0x0];
	s2 =	stileid.u32  }
0x3e8: {  	s1 =	rddreg [dreg:$0x1];
	p0 =	sne.s32 s2, $0x0  }
0x3e9: {  	s3 =	rddreg [dreg:$0x2];
	[bflag:$0x3] =	sbarrier.arrive $0xFFFF;
	s2 =	simm.s32 @!p0 $0x1C03  }
0x3ea: {  	[timem:s3], [sflag:s2] =	dma.local @!p0 [hbm:s0], s1  }
0x3eb: {  	s0 =	simm.s32 @!p0 $0x3  }
0x3ec: {  	_ =	swait.ge @!p0 [sflag:s0], s1  }
0x3ed: {  	s1 =	ssub.s32 @!p0 $0x0, s1;
	[sflag:s0] =	ssyncset.done @!p0 $0x0  }
0x3ee: {  	[sflag:s0] =	ssyncadd.s32 @!p0 s1  }
0x3ef: {  	[bflag:$0x3] =	sbarrier.arrive $0xFFFF  }
0x3f0: {  	_ =	shalt  }

</sc_bundles>
